<compile_context>
chip_gen: v7x
topology: tpu7x:2x2x1
jax: 0.10.2.dev20260603
libtpu: 0.0.44.dev20260713+nightly
codegen_flags: <defaults>
</compile_context>

<pallas_src>
import functools

import jax
import jax.numpy as jnp
from jax import lax
from jax.experimental import pallas as pl
from jax.experimental.pallas import tpu as pltpu
from jax.experimental.pallas import tpu_sc as plsc

_B = 16
_NH = 1024
_D = 128
_E = 262144
_NC = 2
_NS = 16
_LN = 16
_GB = _B // 4

_EW = _E // _NS
_ROWS = _EW // 128
_GW = _NH * _NH
_HGW = _GW // 2
_NP = _GB * 2 // _NC
_SW = _HGW // _NS
_ZCH = 16384
_PAD = _HGW


def _make_scatter(gbase):
    def _body(start_hbm, end_hbm, a_hbm,
              start_v, end_v, idx_v, pk_v, zf_v, ones_v, smem_s,
              esem, zsem, ssem, csem):
        cid = lax.axis_index("c")
        sid = lax.axis_index("s")
        ebase = sid * _EW

        e1 = pltpu.async_copy(start_hbm.at[pl.ds(ebase, _EW)], start_v, esem)
        e2 = pltpu.async_copy(end_hbm.at[pl.ds(ebase, _EW)], end_v, esem)

        with jax.named_scope("zfill"):
            @plsc.parallel_loop(0, _ZCH, _LN, unroll=8)
            def _zfill(i):
                zf_v[pl.ds(i, _LN)] = jnp.zeros((_LN,), jnp.float32)
            for k in range(128 // _LN):
                ones_v[pl.ds(k * _LN, _LN)] = jnp.ones((_LN,), jnp.float32)

        e1.wait()
        e2.wait()

        with jax.named_scope("pack"):
            @plsc.parallel_loop(0, _EW, _LN, unroll=8)
            def _pk(i):
                s = start_v[pl.ds(i, _LN)]
                e = end_v[pl.ds(i, _LN)]
                ge = lax.shift_right_logical(s, 10)
                local = lax.shift_left(jnp.bitwise_and(s, 1023), 10) \
                    + jnp.bitwise_and(e, 1023)
                pk_v[pl.ds(i, _LN)] = jnp.bitwise_or(lax.shift_left(ge, 20),
                                                     local)

        dummy = _PAD + sid * _LN + lax.iota(jnp.int32, _LN)

        for p in range(_NP):
            g = gbase + cid * (_NP // 2) + (p // 2)
            half = p % 2
            key = g * 2 + half

            with jax.named_scope("copy_wait"):
                if p > 0:
                    pltpu.make_async_copy(
                        smem_s.at[pl.ds(sid * _SW, _SW)],
                        a_hbm.at[pl.ds(0, _SW)], csem).wait()

            with jax.named_scope("zero_fire"):
                zh = [pltpu.async_copy(
                          zf_v,
                          smem_s.at[pl.ds(sid * _SW + j * _ZCH, _ZCH)], zsem)
                      for j in range(_SW // _ZCH)]

            with jax.named_scope("idx_compute"):
                @plsc.parallel_loop(0, _EW, _LN, unroll=8)
                def _ib(i):
                    pk = pk_v[pl.ds(i, _LN)]
                    mine = lax.shift_right_logical(pk, 19) == key
                    local = jnp.bitwise_and(pk, _HGW - 1)
                    idx_v[lax.div(i, 128), pl.ds(lax.rem(i, 128), _LN)] = \
                        jnp.where(mine, local, dummy)

            with jax.named_scope("zero_drain"):
                for h in zh:
                    h.wait()
            plsc.subcore_barrier()

            with jax.named_scope("scatter"):
                @plsc.parallel_loop(0, _ROWS, 1, unroll=8)
                def _sb(j):
                    pltpu.async_copy(ones_v, smem_s.at[idx_v.at[j]], ssem)
                pltpu.make_async_copy(a_hbm.at[pl.ds(0, _ZCH)], zf_v,
                                      ssem).wait()
            plsc.subcore_barrier()

            with jax.named_scope("copy_out"):
                pltpu.async_copy(
                    smem_s.at[pl.ds(sid * _SW, _SW)],
                    a_hbm.at[pl.ds((g - gbase) * _GW + half * _HGW
                                   + sid * _SW, _SW)], csem)

        with jax.named_scope("final_wait"):
            pltpu.make_async_copy(
                smem_s.at[pl.ds(sid * _SW, _SW)],
                a_hbm.at[pl.ds(0, _SW)], csem).wait()

    return functools.partial(
        pl.kernel,
        out_type=jax.ShapeDtypeStruct((_GB * _NH * _NH,), jnp.float32),
        mesh=plsc.VectorSubcoreMesh(core_axis_name="c", subcore_axis_name="s"),
        scratch_types=[
            pltpu.VMEM((_EW,), jnp.int32),
            pltpu.VMEM((_EW,), jnp.int32),
            pltpu.VMEM((_ROWS, 128), jnp.int32),
            pltpu.VMEM((_EW,), jnp.int32),
            pltpu.VMEM((_ZCH,), jnp.float32),
            pltpu.VMEM((128,), jnp.float32),
            pltpu.VMEM_SHARED((_HGW + 512,), jnp.float32),
            pltpu.SemaphoreType.DMA,
            pltpu.SemaphoreType.DMA,
            pltpu.SemaphoreType.DMA,
            pltpu.SemaphoreType.DMA,
        ],
    )(_body)


_scatter_chunks = [_make_scatter(gb) for gb in range(0, _B, _GB)]


def _tc_pool_body(a_ref, x_ref, w_ref, bias_ref, out_ref):
    bi = pl.program_id(0)
    y = jnp.dot(a_ref[...], x_ref[...], preferred_element_type=jnp.float32)
    z = jnp.dot(y, w_ref[...], preferred_element_type=jnp.float32) \
        + bias_ref[...]
    out_ref[pl.ds(bi, 1), :] = jnp.max(z, axis=0, keepdims=True)


def _tc_pool_mlp_body(a_ref, x_ref, w_ref, bias_ref, p0_ref, p1_ref, p2_ref,
                      w1_ref, b1_ref, w2_ref, b2_ref, w3_ref, b3_ref,
                      out_ref, pool_scr):
    bi = pl.program_id(0)
    y = jnp.dot(a_ref[...], x_ref[...], preferred_element_type=jnp.float32)
    z = jnp.dot(y, w_ref[...], preferred_element_type=jnp.float32) \
        + bias_ref[...]
    pool_scr[pl.ds(bi, 1), :] = jnp.max(z, axis=0, keepdims=True)

    @pl.when(bi == _GB - 1)
    def _mlp():
        p = jnp.concatenate([p0_ref[...], p1_ref[...], p2_ref[...],
                             pool_scr[...]], axis=0)
        h = jnp.tanh(jnp.dot(p, w1_ref[...], preferred_element_type=jnp.float32)
                     + b1_ref[...])
        h = jnp.tanh(jnp.dot(h, w2_ref[...], preferred_element_type=jnp.float32)
                     + b2_ref[...])
        out_ref[...] = (jnp.dot(h, w3_ref[...],
                                preferred_element_type=jnp.float32)
                        + b3_ref[...])


_W2D = pl.BlockSpec((_D, _D), lambda b: (0, 0))
_B2D = pl.BlockSpec((1, _D), lambda b: (0, 0))

_gcn_pool = pl.pallas_call(
    _tc_pool_body,
    grid=(_GB,),
    in_specs=[
        pl.BlockSpec((None, _NH, _NH), lambda b: (b, 0, 0)),
        pl.BlockSpec((None, _NH, _D), lambda b: (b, 0, 0)),
        _W2D, _B2D,
    ],
    out_specs=pl.BlockSpec((_GB, _D), lambda b: (0, 0)),
    out_shape=jax.ShapeDtypeStruct((_GB, _D), jnp.float32),
)

_gcn_pool_mlp = pl.pallas_call(
    _tc_pool_mlp_body,
    grid=(_GB,),
    in_specs=[
        pl.BlockSpec((None, _NH, _NH), lambda b: (b, 0, 0)),
        pl.BlockSpec((None, _NH, _D), lambda b: (b, 0, 0)),
        _W2D, _B2D,
        pl.BlockSpec((_GB, _D), lambda b: (0, 0)),
        pl.BlockSpec((_GB, _D), lambda b: (0, 0)),
        pl.BlockSpec((_GB, _D), lambda b: (0, 0)),
        _W2D, _B2D, _W2D, _B2D, _W2D, _B2D,
    ],
    out_specs=pl.BlockSpec((_B, _D), lambda b: (0, 0)),
    out_shape=jax.ShapeDtypeStruct((_B, _D), jnp.float32),
    scratch_shapes=[pltpu.VMEM((_GB, _D), jnp.float32)],
)


def kernel(x, edge_index, batch, batch_size, W, b, W1, b1, W2, b2, W3, b3):
    N, d = x.shape
    start = edge_index[0]
    end = edge_index[1]
    nodes = x.reshape(_B, _NH, d)
    bias2 = b.reshape(1, _D)
    w3p = jnp.pad(W3, ((0, 0), (0, _D - W3.shape[1])))
    b3p = jnp.pad(b3, (0, _D - b3.shape[0])).reshape(1, _D)
    a_chunks = [sc(start, end).reshape(_GB, _NH, _NH)
                for sc in _scatter_chunks]
    pools = [_gcn_pool(a_chunks[i], nodes[i * _GB:(i + 1) * _GB], W, bias2)
             for i in range(3)]
    out_full = _gcn_pool_mlp(a_chunks[3], nodes[3 * _GB:], W, bias2,
                             pools[0], pools[1], pools[2],
                             W1, b1.reshape(1, _D), W2, b2.reshape(1, _D),
                             w3p, b3p)
    return out_full[:, :1]

# --- scband reference (transcript-rebuilt; emitter-appended) ---
"""Pipeline reference for scband-graph-conv-pooling-29892972380764 (READ-ONLY COPY).

The authoritative reference and input builder live on the scoring server;
editing this copy changes nothing except your own understanding.
"""

import jax, jax.numpy as jnp
import numpy as np

B = 16
N_HITS = 1024
D_IN = 128
D_OUT = 128
E = 262144


def setup_inputs(seed: int = 0) -> dict:
    key = jax.random.key(seed)
    ks = jax.random.split(key, 12)
    N = B * N_HITS
    x = jax.random.normal(ks[0], (N, D_IN), dtype=jnp.float32)
    # edges constrained within the same graph so local indices are in-range,
    # mirroring batch[i] = i // n_hits semantics of the original pipeline
    g = jax.random.randint(ks[1], (E,), 0, B)
    src_loc = jax.random.randint(ks[2], (E,), 0, N_HITS)
    dst_loc = jax.random.randint(ks[3], (E,), 0, N_HITS)
    edge_index = jnp.stack([g * N_HITS + src_loc, g * N_HITS + dst_loc]).astype(jnp.int32)
    batch = (jnp.arange(N) // N_HITS).astype(jnp.int32)
    # GraphConv params
    W = jax.random.normal(ks[4], (D_IN, D_OUT), dtype=jnp.float32) * 0.05
    b = jax.random.normal(ks[5], (D_OUT,), dtype=jnp.float32) * 0.05
    # outputnet MLP: Linear(h,h)+Tanh, Linear(h,h)+Tanh, Linear(h,1)
    W1 = jax.random.normal(ks[6], (D_OUT, D_OUT), dtype=jnp.float32) * 0.05
    b1 = jax.random.normal(ks[7], (D_OUT,), dtype=jnp.float32) * 0.05
    W2 = jax.random.normal(ks[8], (D_OUT, D_OUT), dtype=jnp.float32) * 0.05
    b2 = jax.random.normal(ks[9], (D_OUT,), dtype=jnp.float32) * 0.05
    W3 = jax.random.normal(ks[10], (D_OUT, 1), dtype=jnp.float32) * 0.05
    b3 = jax.random.normal(ks[11], (1,), dtype=jnp.float32) * 0.05
    return {"x": x, "edge_index": edge_index, "batch": batch, "batch_size": B,
            "W": W, "b": b, "W1": W1, "b1": b1, "W2": W2, "b2": b2, "W3": W3, "b3": b3}


def reference(x, edge_index, batch, batch_size, W, b, W1, b1, W2, b2, W3, b3):
    N, d = x.shape
    batch_size_s = B
    n_hits_s = N // batch_size_s
    nodes = x.reshape(batch_size_s, n_hits_s, d)
    start = edge_index[0]
    end = edge_index[1]
    bidx = batch[start]
    n_hits = N // batch_size
    # dense adjacency materialization via scatter-overwrite (A[...] = 1)
    A = jnp.zeros((batch_size_s, n_hits_s, n_hits_s), dtype=jnp.float32)
    A = A.at[bidx, start - n_hits * bidx, end - n_hits * bidx].set(1.0)
    # GraphConv: y = (A @ x) @ W + bias  (add_self=False, no dropout, no normalize)
    y = jnp.matmul(A, nodes)
    y = jnp.matmul(y, W) + b
    # agg='max': torch.max(nodes, dim=1)[0] -> max values over node axis
    pooled = jnp.max(y, axis=1)
    # outputnet MLP with Tanh hidden activations
    h = jnp.tanh(pooled @ W1 + b1)
    h = jnp.tanh(h @ W2 + b2)
    out = h @ W3 + b3
    return out

if __name__ == "__main__":
    import jax
    _d = setup_inputs()
    print(jax.jit(kernel)(*tuple(_d.values())))

</pallas_src>

<mosaic_0001>
#map = affine_map<(d0, d1) -> (0)>
module attributes {stable_mosaic.version = 14 : i64} {
  func.func @_body(%arg0: i32, %arg1: i32, %arg2: memref<262144xi32, #tpu.memory_space<hbm>>, %arg3: memref<262144xi32, #tpu.memory_space<hbm>>, %arg4: memref<4194304xf32, #tpu.memory_space<hbm>>, %arg5: memref<16384xi32, #tpu.memory_space<vmem>>, %arg6: memref<16384xi32, #tpu.memory_space<vmem>>, %arg7: memref<128x128xi32, #tpu.memory_space<vmem>>, %arg8: memref<16384xi32, #tpu.memory_space<vmem>>, %arg9: memref<16384xf32, #tpu.memory_space<vmem>>, %arg10: memref<128xf32, #tpu.memory_space<vmem>>, %arg11: memref<524800xf32, #tpu.memory_space<vmem_shared>>, %arg12: memref<!tpu.dma_semaphore, #tpu.memory_space<semaphore_mem>>, %arg13: memref<!tpu.dma_semaphore, #tpu.memory_space<semaphore_mem>>, %arg14: memref<!tpu.dma_semaphore, #tpu.memory_space<semaphore_mem>>, %arg15: memref<!tpu.dma_semaphore, #tpu.memory_space<semaphore_mem>>) attributes {dimension_semantics = [#tpu.dimension_semantics<core_parallel>, #tpu.dimension_semantics<subcore_parallel>], iteration_bounds = array<i64: 2, 16>, scalar_prefetch = 0 : i64, scratch_operands = 11 : i64, tpu.core_type = #tpu.core_type<sc_vector_subcore>, window_params = [{transform_indices = #map}, {transform_indices = #map}, {transform_indices = #map}]} {
    %mul3A = arith.constant 16384 : i32
    %mul3A_0 = arith.muli %arg1, %mul3A : i32
    %dma_start3A = tpu.memref_slice %arg2[%mul3A_0] : memref<262144xi32, #tpu.memory_space<hbm>> -> memref<16384xi32, #tpu.memory_space<hbm>>
    %dma_start3A_1 = tpu.memref_slice %arg2[%mul3A_0] : memref<262144xi32, #tpu.memory_space<hbm>> -> memref<16384xi32, #tpu.memory_space<hbm>>
    tpu.enqueue_dma source(%dma_start3A_1 : memref<16384xi32, #tpu.memory_space<hbm>>) target(%arg5 : memref<16384xi32, #tpu.memory_space<vmem>>) target_semaphore(%arg12 : memref<!tpu.dma_semaphore, #tpu.memory_space<semaphore_mem>>)
    %dma_start3A_2 = tpu.memref_slice %arg3[%mul3A_0] : memref<262144xi32, #tpu.memory_space<hbm>> -> memref<16384xi32, #tpu.memory_space<hbm>>
    %dma_start3A_3 = tpu.memref_slice %arg3[%mul3A_0] : memref<262144xi32, #tpu.memory_space<hbm>> -> memref<16384xi32, #tpu.memory_space<hbm>>
    tpu.enqueue_dma source(%dma_start3A_3 : memref<16384xi32, #tpu.memory_space<hbm>>) target(%arg6 : memref<16384xi32, #tpu.memory_space<vmem>>) target_semaphore(%arg12 : memref<!tpu.dma_semaphore, #tpu.memory_space<semaphore_mem>>)
    %parallel_loop3A = arith.constant 0 : i32
    %parallel_loop3A_4 = arith.constant 16384 : i32
    %parallel_loop3A_5 = arith.constant 16 : i32
    "tpu.trace_start"() <{level = 10 : i32, message = "zfill"}> : () -> ()
    scf.for %parallel_loop3A_285 = %parallel_loop3A to %parallel_loop3A_4 step %parallel_loop3A_5  : i32 {
      %parallel_loop3A_286 = arith.constant 0.000000e+00 : f32
      %parallel_loop3A_287 = vector.broadcast %parallel_loop3A_286 : f32 to vector<16xf32>
      %parallel_loop3A_288 = arith.index_cast %parallel_loop3A_285 : i32 to index
      %parallel_loop3A_289 = tpu.vector_load %arg9[%parallel_loop3A_288] {strides = array<i32>} : memref<16384xf32, #tpu.memory_space<vmem>>, vector<16xf32>,
      %parallel_loop3A_290 = vector.shape_cast %parallel_loop3A_289 : vector<16xf32> to vector<16xf32>
      %parallel_loop3A_291 = vector.shape_cast %parallel_loop3A_287 : vector<16xf32> to vector<16xf32>
      tpu.vector_store %arg9[%parallel_loop3A_288], %parallel_loop3A_291 {strides = array<i32>} : memref<16384xf32, #tpu.memory_space<vmem>>, vector<16xf32>,
    } {sc.loop_unroll_factor = 8 : i64, sc.parallel_access}
    %broadcast_in_dim3A = arith.constant 1.000000e+00 : f32
    %broadcast_in_dim3A_6 = vector.broadcast %broadcast_in_dim3A : f32 to vector<16xf32>
    %swap3A = arith.constant 0 : index
    %swap3A_7 = tpu.vector_load %arg10[%swap3A] {strides = array<i32>} : memref<128xf32, #tpu.memory_space<vmem>>, vector<16xf32>,
    %swap3A_8 = vector.shape_cast %swap3A_7 : vector<16xf32> to vector<16xf32>
    %swap3A_9 = vector.shape_cast %broadcast_in_dim3A_6 : vector<16xf32> to vector<16xf32>
    tpu.vector_store %arg10[%swap3A], %swap3A_9 {strides = array<i32>} : memref<128xf32, #tpu.memory_space<vmem>>, vector<16xf32>,
    %broadcast_in_dim3A_10 = arith.constant 1.000000e+00 : f32
    %broadcast_in_dim3A_11 = vector.broadcast %broadcast_in_dim3A_10 : f32 to vector<16xf32>
    %swap3A_12 = arith.constant 16 : index
    %swap3A_13 = tpu.vector_load %arg10[%swap3A_12] {strides = array<i32>} : memref<128xf32, #tpu.memory_space<vmem>>, vector<16xf32>,
    %swap3A_14 = vector.shape_cast %swap3A_13 : vector<16xf32> to vector<16xf32>
    %swap3A_15 = vector.shape_cast %broadcast_in_dim3A_11 : vector<16xf32> to vector<16xf32>
    tpu.vector_store %arg10[%swap3A_12], %swap3A_15 {strides = array<i32>} : memref<128xf32, #tpu.memory_space<vmem>>, vector<16xf32>,
    %broadcast_in_dim3A_16 = arith.constant 1.000000e+00 : f32
    %broadcast_in_dim3A_17 = vector.broadcast %broadcast_in_dim3A_16 : f32 to vector<16xf32>
    %swap3A_18 = arith.constant 32 : index
    %swap3A_19 = tpu.vector_load %arg10[%swap3A_18] {strides = array<i32>} : memref<128xf32, #tpu.memory_space<vmem>>, vector<16xf32>,
    %swap3A_20 = vector.shape_cast %swap3A_19 : vector<16xf32> to vector<16xf32>
    %swap3A_21 = vector.shape_cast %broadcast_in_dim3A_17 : vector<16xf32> to vector<16xf32>
    tpu.vector_store %arg10[%swap3A_18], %swap3A_21 {strides = array<i32>} : memref<128xf32, #tpu.memory_space<vmem>>, vector<16xf32>,
    %broadcast_in_dim3A_22 = arith.constant 1.000000e+00 : f32
    %broadcast_in_dim3A_23 = vector.broadcast %broadcast_in_dim3A_22 : f32 to vector<16xf32>
    %swap3A_24 = arith.constant 48 : index
    %swap3A_25 = tpu.vector_load %arg10[%swap3A_24] {strides = array<i32>} : memref<128xf32, #tpu.memory_space<vmem>>, vector<16xf32>,
    %swap3A_26 = vector.shape_cast %swap3A_25 : vector<16xf32> to vector<16xf32>
    %swap3A_27 = vector.shape_cast %broadcast_in_dim3A_23 : vector<16xf32> to vector<16xf32>
    tpu.vector_store %arg10[%swap3A_24], %swap3A_27 {strides = array<i32>} : memref<128xf32, #tpu.memory_space<vmem>>, vector<16xf32>,
    %broadcast_in_dim3A_28 = arith.constant 1.000000e+00 : f32
    %broadcast_in_dim3A_29 = vector.broadcast %broadcast_in_dim3A_28 : f32 to vector<16xf32>
    %swap3A_30 = arith.constant 64 : index
    %swap3A_31 = tpu.vector_load %arg10[%swap3A_30] {strides = array<i32>} : memref<128xf32, #tpu.memory_space<vmem>>, vector<16xf32>,
    %swap3A_32 = vector.shape_cast %swap3A_31 : vector<16xf32> to vector<16xf32>
    %swap3A_33 = vector.shape_cast %broadcast_in_dim3A_29 : vector<16xf32> to vector<16xf32>
    tpu.vector_store %arg10[%swap3A_30], %swap3A_33 {strides = array<i32>} : memref<128xf32, #tpu.memory_space<vmem>>, vector<16xf32>,
    %broadcast_in_dim3A_34 = arith.constant 1.000000e+00 : f32
    %broadcast_in_dim3A_35 = vector.broadcast %broadcast_in_dim3A_34 : f32 to vector<16xf32>
    %swap3A_36 = arith.constant 80 : index
    %swap3A_37 = tpu.vector_load %arg10[%swap3A_36] {strides = array<i32>} : memref<128xf32, #tpu.memory_space<vmem>>, vector<16xf32>,
    %swap3A_38 = vector.shape_cast %swap3A_37 : vector<16xf32> to vector<16xf32>
    %swap3A_39 = vector.shape_cast %broadcast_in_dim3A_35 : vector<16xf32> to vector<16xf32>
    tpu.vector_store %arg10[%swap3A_36], %swap3A_39 {strides = array<i32>} : memref<128xf32, #tpu.memory_space<vmem>>, vector<16xf32>,
    %broadcast_in_dim3A_40 = arith.constant 1.000000e+00 : f32
    %broadcast_in_dim3A_41 = vector.broadcast %broadcast_in_dim3A_40 : f32 to vector<16xf32>
    %swap3A_42 = arith.constant 96 : index
    %swap3A_43 = tpu.vector_load %arg10[%swap3A_42] {strides = array<i32>} : memref<128xf32, #tpu.memory_space<vmem>>, vector<16xf32>,
    %swap3A_44 = vector.shape_cast %swap3A_43 : vector<16xf32> to vector<16xf32>
    %swap3A_45 = vector.shape_cast %broadcast_in_dim3A_41 : vector<16xf32> to vector<16xf32>
    tpu.vector_store %arg10[%swap3A_42], %swap3A_45 {strides = array<i32>} : memref<128xf32, #tpu.memory_space<vmem>>, vector<16xf32>,
    %broadcast_in_dim3A_46 = arith.constant 1.000000e+00 : f32
    %broadcast_in_dim3A_47 = vector.broadcast %broadcast_in_dim3A_46 : f32 to vector<16xf32>
    %swap3A_48 = arith.constant 112 : index
    %swap3A_49 = tpu.vector_load %arg10[%swap3A_48] {strides = array<i32>} : memref<128xf32, #tpu.memory_space<vmem>>, vector<16xf32>,
    %swap3A_50 = vector.shape_cast %swap3A_49 : vector<16xf32> to vector<16xf32>
    %swap3A_51 = vector.shape_cast %broadcast_in_dim3A_47 : vector<16xf32> to vector<16xf32>
    tpu.vector_store %arg10[%swap3A_48], %swap3A_51 {strides = array<i32>} : memref<128xf32, #tpu.memory_space<vmem>>, vector<16xf32>,
    "tpu.trace_stop"() : () -> ()
    %dma_wait3A = tpu.memref_slice %arg2[%mul3A_0] : memref<262144xi32, #tpu.memory_space<hbm>> -> memref<16384xi32, #tpu.memory_space<hbm>>
    %dma_wait3A_52 = tpu.memref_slice %arg2[%mul3A_0] : memref<262144xi32, #tpu.memory_space<hbm>> -> memref<16384xi32, #tpu.memory_space<hbm>>
    tpu.wait_dma2 semaphore(%arg12 : memref<!tpu.dma_semaphore, #tpu.memory_space<semaphore_mem>>) src(%dma_wait3A_52 : memref<16384xi32, #tpu.memory_space<hbm>>) dst(%arg5 : memref<16384xi32, #tpu.memory_space<vmem>>)
    %dma_wait3A_53 = tpu.memref_slice %arg3[%mul3A_0] : memref<262144xi32, #tpu.memory_space<hbm>> -> memref<16384xi32, #tpu.memory_space<hbm>>
    %dma_wait3A_54 = tpu.memref_slice %arg3[%mul3A_0] : memref<262144xi32, #tpu.memory_space<hbm>> -> memref<16384xi32, #tpu.memory_space<hbm>>
    tpu.wait_dma2 semaphore(%arg12 : memref<!tpu.dma_semaphore, #tpu.memory_space<semaphore_mem>>) src(%dma_wait3A_54 : memref<16384xi32, #tpu.memory_space<hbm>>) dst(%arg6 : memref<16384xi32, #tpu.memory_space<vmem>>)
    %parallel_loop3A_55 = arith.constant 0 : i32
    %parallel_loop3A_56 = arith.constant 16384 : i32
    %parallel_loop3A_57 = arith.constant 16 : i32
    "tpu.trace_start"() <{level = 10 : i32, message = "pack"}> : () -> ()
    scf.for %parallel_loop3A_285 = %parallel_loop3A_55 to %parallel_loop3A_56 step %parallel_loop3A_57  : i32 {
      %parallel_loop3A_286 = arith.index_cast %parallel_loop3A_285 : i32 to index
      %parallel_loop3A_287 = tpu.vector_load %arg5[%parallel_loop3A_286] {strides = array<i32>} : memref<16384xi32, #tpu.memory_space<vmem>>, vector<16xi32>,
      %parallel_loop3A_288 = vector.shape_cast %parallel_loop3A_287 : vector<16xi32> to vector<16xi32>
      %parallel_loop3A_289 = arith.index_cast %parallel_loop3A_285 : i32 to index
      %parallel_loop3A_290 = tpu.vector_load %arg6[%parallel_loop3A_289] {strides = array<i32>} : memref<16384xi32, #tpu.memory_space<vmem>>, vector<16xi32>,
      %parallel_loop3A_291 = vector.shape_cast %parallel_loop3A_290 : vector<16xi32> to vector<16xi32>
      %parallel_loop3A_292 = arith.constant 10 : i32
      %parallel_loop3A_293 = vector.broadcast %parallel_loop3A_292 : i32 to vector<16xi32>
      %parallel_loop3A_294 = arith.shrui %parallel_loop3A_288, %parallel_loop3A_293 : vector<16xi32>
      %parallel_loop3A_295 = arith.constant 1023 : i32
      %parallel_loop3A_296 = vector.broadcast %parallel_loop3A_295 : i32 to vector<16xi32>
      %parallel_loop3A_297 = arith.andi %parallel_loop3A_288, %parallel_loop3A_296 : vector<16xi32>
      %parallel_loop3A_298 = arith.constant 10 : i32
      %parallel_loop3A_299 = vector.broadcast %parallel_loop3A_298 : i32 to vector<16xi32>
      %parallel_loop3A_300 = arith.shli %parallel_loop3A_297, %parallel_loop3A_299 : vector<16xi32>
      %parallel_loop3A_301 = arith.constant 1023 : i32
      %parallel_loop3A_302 = vector.broadcast %parallel_loop3A_301 : i32 to vector<16xi32>
      %parallel_loop3A_303 = arith.andi %parallel_loop3A_291, %parallel_loop3A_302 : vector<16xi32>
      %parallel_loop3A_304 = arith.addi %parallel_loop3A_300, %parallel_loop3A_303 : vector<16xi32>
      %parallel_loop3A_305 = arith.constant 20 : i32
      %parallel_loop3A_306 = vector.broadcast %parallel_loop3A_305 : i32 to vector<16xi32>
      %parallel_loop3A_307 = arith.shli %parallel_loop3A_294, %parallel_loop3A_306 : vector<16xi32>
      %parallel_loop3A_308 = arith.ori %parallel_loop3A_307, %parallel_loop3A_304 : vector<16xi32>
      %parallel_loop3A_309 = arith.index_cast %parallel_loop3A_285 : i32 to index
      %parallel_loop3A_310 = tpu.vector_load %arg8[%parallel_loop3A_309] {strides = array<i32>} : memref<16384xi32, #tpu.memory_space<vmem>>, vector<16xi32>,
      %parallel_loop3A_311 = vector.shape_cast %parallel_loop3A_310 : vector<16xi32> to vector<16xi32>
      %parallel_loop3A_312 = vector.shape_cast %parallel_loop3A_308 : vector<16xi32> to vector<16xi32>
      tpu.vector_store %arg8[%parallel_loop3A_309], %parallel_loop3A_312 {strides = array<i32>} : memref<16384xi32, #tpu.memory_space<vmem>>, vector<16xi32>,
    } {sc.loop_unroll_factor = 8 : i64, sc.parallel_access}
    "tpu.trace_stop"() : () -> ()
    %mul3A_58 = arith.constant 16 : i32
    %mul3A_59 = arith.muli %arg1, %mul3A_58 : i32
    %add3A = arith.constant 524288 : i32
    %add3A_60 = arith.addi %add3A, %mul3A_59 : i32
    %iota3A = tpu.iota {dimensions = array<i32: 0>} : vector<16xi32>
    %add3A_61 = vector.broadcast %add3A_60 : i32 to vector<16xi32>
    %add3A_62 = arith.addi %add3A_61, %iota3A : vector<16xi32>
    %mul3A_63 = arith.constant 2 : i32
    %mul3A_64 = arith.muli %arg0, %mul3A_63 : i32
    %add3A_65 = arith.constant 8 : i32
    %add3A_66 = arith.addi %add3A_65, %mul3A_64 : i32
    %add3A_67 = arith.constant 0 : i32
    %add3A_68 = arith.addi %add3A_66, %add3A_67 : i32
    %mul3A_69 = arith.constant 2 : i32
    %mul3A_70 = arith.muli %add3A_68, %mul3A_69 : i32
    %add3A_71 = arith.constant 0 : i32
    %add3A_72 = arith.addi %mul3A_70, %add3A_71 : i32
    "tpu.trace_start"() <{level = 10 : i32, message = "zero_fire"}> : () -> ()
    %mul3A_73 = arith.constant 32768 : i32
    %mul3A_74 = arith.muli %arg1, %mul3A_73 : i32
    %add3A_75 = arith.constant 0 : i32
    %add3A_76 = arith.addi %mul3A_74, %add3A_75 : i32
    %dma_start3A_77 = tpu.memref_slice %arg11[%add3A_76] : memref<524800xf32, #tpu.memory_space<vmem_shared>> -> memref<16384xf32, #tpu.memory_space<vmem_shared>>
    %dma_start3A_78 = tpu.memref_slice %arg11[%add3A_76] : memref<524800xf32, #tpu.memory_space<vmem_shared>> -> memref<16384xf32, #tpu.memory_space<vmem_shared>>
    tpu.enqueue_dma source(%arg9 : memref<16384xf32, #tpu.memory_space<vmem>>) target(%dma_start3A_78 : memref<16384xf32, #tpu.memory_space<vmem_shared>>) target_semaphore(%arg13 : memref<!tpu.dma_semaphore, #tpu.memory_space<semaphore_mem>>)
    %mul3A_79 = arith.constant 32768 : i32
    %mul3A_80 = arith.muli %arg1, %mul3A_79 : i32
    %add3A_81 = arith.constant 16384 : i32
    %add3A_82 = arith.addi %mul3A_80, %add3A_81 : i32
    %dma_start3A_83 = tpu.memref_slice %arg11[%add3A_82] : memref<524800xf32, #tpu.memory_space<vmem_shared>> -> memref<16384xf32, #tpu.memory_space<vmem_shared>>
    %dma_start3A_84 = tpu.memref_slice %arg11[%add3A_82] : memref<524800xf32, #tpu.memory_space<vmem_shared>> -> memref<16384xf32, #tpu.memory_space<vmem_shared>>
    tpu.enqueue_dma source(%arg9 : memref<16384xf32, #tpu.memory_space<vmem>>) target(%dma_start3A_84 : memref<16384xf32, #tpu.memory_space<vmem_shared>>) target_semaphore(%arg13 : memref<!tpu.dma_semaphore, #tpu.memory_space<semaphore_mem>>)
    %parallel_loop3A_85 = arith.constant 0 : i32
    %parallel_loop3A_86 = arith.constant 16384 : i32
    %parallel_loop3A_87 = arith.constant 16 : i32
    "tpu.trace_stop"() : () -> ()
    "tpu.trace_start"() <{level = 10 : i32, message = "idx_compute"}> : () -> ()
    scf.for %parallel_loop3A_285 = %parallel_loop3A_85 to %parallel_loop3A_86 step %parallel_loop3A_87  : i32 {
      %parallel_loop3A_286 = arith.index_cast %parallel_loop3A_285 : i32 to index
      %parallel_loop3A_287 = tpu.vector_load %arg8[%parallel_loop3A_286] {strides = array<i32>} : memref<16384xi32, #tpu.memory_space<vmem>>, vector<16xi32>,
      %parallel_loop3A_288 = vector.shape_cast %parallel_loop3A_287 : vector<16xi32> to vector<16xi32>
      %parallel_loop3A_289 = arith.constant 19 : i32
      %parallel_loop3A_290 = vector.broadcast %parallel_loop3A_289 : i32 to vector<16xi32>
      %parallel_loop3A_291 = arith.shrui %parallel_loop3A_288, %parallel_loop3A_290 : vector<16xi32>
      %parallel_loop3A_292 = vector.broadcast %add3A_72 : i32 to vector<16xi32>
      %parallel_loop3A_293 = arith.cmpi eq, %parallel_loop3A_291, %parallel_loop3A_292 : vector<16xi32>
      %parallel_loop3A_294 = arith.constant 524287 : i32
      %parallel_loop3A_295 = vector.broadcast %parallel_loop3A_294 : i32 to vector<16xi32>
      %parallel_loop3A_296 = arith.andi %parallel_loop3A_288, %parallel_loop3A_295 : vector<16xi32>
      %parallel_loop3A_297 = arith.select %parallel_loop3A_293, %parallel_loop3A_296, %add3A_62 : vector<16xi1>, vector<16xi32>
      %parallel_loop3A_298 = arith.constant 128 : i32
      %parallel_loop3A_299 = arith.divsi %parallel_loop3A_285, %parallel_loop3A_298 : i32
      %parallel_loop3A_300 = arith.constant 128 : i32
      %parallel_loop3A_301 = arith.remsi %parallel_loop3A_285, %parallel_loop3A_300 : i32
      %parallel_loop3A_302 = arith.index_cast %parallel_loop3A_299 : i32 to index
      %parallel_loop3A_303 = arith.index_cast %parallel_loop3A_301 : i32 to index
      %parallel_loop3A_304 = tpu.vector_load %arg7[%parallel_loop3A_302, %parallel_loop3A_303] {strides = array<i32>} : memref<128x128xi32, #tpu.memory_space<vmem>>, vector<1x16xi32>,
      %parallel_loop3A_305 = vector.shape_cast %parallel_loop3A_304 : vector<1x16xi32> to vector<16xi32>
      %parallel_loop3A_306 = vector.shape_cast %parallel_loop3A_297 : vector<16xi32> to vector<1x16xi32>
      tpu.vector_store %arg7[%parallel_loop3A_302, %parallel_loop3A_303], %parallel_loop3A_306 {strides = array<i32>} : memref<128x128xi32, #tpu.memory_space<vmem>>, vector<1x16xi32>,
    } {sc.loop_unroll_factor = 8 : i64, sc.parallel_access}
    "tpu.trace_stop"() : () -> ()
    "tpu.trace_start"() <{level = 10 : i32, message = "zero_drain"}> : () -> ()
    %dma_wait3A_88 = tpu.memref_slice %arg11[%add3A_76] : memref<524800xf32, #tpu.memory_space<vmem_shared>> -> memref<16384xf32, #tpu.memory_space<vmem_shared>>
    %dma_wait3A_89 = tpu.memref_slice %arg11[%add3A_76] : memref<524800xf32, #tpu.memory_space<vmem_shared>> -> memref<16384xf32, #tpu.memory_space<vmem_shared>>
    tpu.wait_dma2 semaphore(%arg13 : memref<!tpu.dma_semaphore, #tpu.memory_space<semaphore_mem>>) src(%arg9 : memref<16384xf32, #tpu.memory_space<vmem>>) dst(%dma_wait3A_89 : memref<16384xf32, #tpu.memory_space<vmem_shared>>)
    %dma_wait3A_90 = tpu.memref_slice %arg11[%add3A_82] : memref<524800xf32, #tpu.memory_space<vmem_shared>> -> memref<16384xf32, #tpu.memory_space<vmem_shared>>
    %dma_wait3A_91 = tpu.memref_slice %arg11[%add3A_82] : memref<524800xf32, #tpu.memory_space<vmem_shared>> -> memref<16384xf32, #tpu.memory_space<vmem_shared>>
    tpu.wait_dma2 semaphore(%arg13 : memref<!tpu.dma_semaphore, #tpu.memory_space<semaphore_mem>>) src(%arg9 : memref<16384xf32, #tpu.memory_space<vmem>>) dst(%dma_wait3A_91 : memref<16384xf32, #tpu.memory_space<vmem_shared>>)
    "tpu.trace_stop"() : () -> ()
    %barrier3A = arith.constant 0 : index
    tpu.barrier barrier_id(%barrier3A)
    %parallel_loop3A_92 = arith.constant 0 : i32
    %parallel_loop3A_93 = arith.constant 128 : i32
    %parallel_loop3A_94 = arith.constant 1 : i32
    "tpu.trace_start"() <{level = 10 : i32, message = "scatter"}> : () -> ()
    scf.for %parallel_loop3A_285 = %parallel_loop3A_92 to %parallel_loop3A_93 step %parallel_loop3A_94  : i32 {
      %parallel_loop3A_286 = arith.constant 0 : i32
      %parallel_loop3A_287 = tpu.memref_slice %arg7[%parallel_loop3A_285, %parallel_loop3A_286] : memref<128x128xi32, #tpu.memory_space<vmem>> -> memref<1x128xi32, #tpu.memory_space<vmem>>
      %parallel_loop3A_288 = tpu.memref_squeeze %parallel_loop3A_287 : memref<1x128xi32, #tpu.memory_space<vmem>> -> memref<128xi32, #tpu.memory_space<vmem>>
      %parallel_loop3A_289 = arith.constant 0 : i32
      %parallel_loop3A_290 = tpu.memref_slice %arg11[%parallel_loop3A_289] : memref<524800xf32, #tpu.memory_space<vmem_shared>> -> memref<524800xf32, #tpu.memory_space<vmem_shared>>
      tpu.enqueue_indirect_dma source(%arg10 : memref<128xf32, #tpu.memory_space<vmem>>) target(%parallel_loop3A_290 : memref<524800xf32, #tpu.memory_space<vmem_shared>>) offsets(%parallel_loop3A_288 : memref<128xi32, #tpu.memory_space<vmem>>) semaphore(%arg14 : memref<!tpu.dma_semaphore, #tpu.memory_space<semaphore_mem>>)
    } {sc.loop_unroll_factor = 8 : i64, sc.parallel_access}
    %dma_wait3A_95 = arith.constant 0 : i32
    %dma_wait3A_96 = tpu.memref_slice %arg4[%dma_wait3A_95] : memref<4194304xf32, #tpu.memory_space<hbm>> -> memref<16384xf32, #tpu.memory_space<hbm>>
    %dma_wait3A_97 = arith.constant 0 : i32
    %dma_wait3A_98 = tpu.memref_slice %arg4[%dma_wait3A_97] : memref<4194304xf32, #tpu.memory_space<hbm>> -> memref<16384xf32, #tpu.memory_space<hbm>>
    tpu.wait_dma2 semaphore(%arg14 : memref<!tpu.dma_semaphore, #tpu.memory_space<semaphore_mem>>) src(%dma_wait3A_98 : memref<16384xf32, #tpu.memory_space<hbm>>) dst(%arg9 : memref<16384xf32, #tpu.memory_space<vmem>>)
    "tpu.trace_stop"() : () -> ()
    %barrier3A_99 = arith.constant 0 : index
    tpu.barrier barrier_id(%barrier3A_99)
    "tpu.trace_start"() <{level = 10 : i32, message = "copy_out"}> : () -> ()
    %mul3A_100 = arith.constant 32768 : i32
    %mul3A_101 = arith.muli %arg1, %mul3A_100 : i32
    %sub3A = arith.constant 8 : i32
    %sub3A_102 = arith.subi %add3A_68, %sub3A : i32
    %mul3A_103 = arith.constant 1048576 : i32
    %mul3A_104 = arith.muli %sub3A_102, %mul3A_103 : i32
    %add3A_105 = arith.constant 0 : i32
    %add3A_106 = arith.addi %mul3A_104, %add3A_105 : i32
    %mul3A_107 = arith.constant 32768 : i32
    %mul3A_108 = arith.muli %arg1, %mul3A_107 : i32
    %add3A_109 = arith.addi %add3A_106, %mul3A_108 : i32
    %dma_start3A_110 = tpu.memref_slice %arg4[%add3A_109] : memref<4194304xf32, #tpu.memory_space<hbm>> -> memref<32768xf32, #tpu.memory_space<hbm>>
    %dma_start3A_111 = tpu.memref_slice %arg11[%mul3A_101] : memref<524800xf32, #tpu.memory_space<vmem_shared>> -> memref<32768xf32, #tpu.memory_space<vmem_shared>>
    tpu.enqueue_dma source(%dma_start3A_111 : memref<32768xf32, #tpu.memory_space<vmem_shared>>) target(%dma_start3A_110 : memref<32768xf32, #tpu.memory_space<hbm>>) target_semaphore(%arg15 : memref<!tpu.dma_semaphore, #tpu.memory_space<semaphore_mem>>)
    "tpu.trace_stop"() : () -> ()
    %mul3A_112 = arith.constant 2 : i32
    %mul3A_113 = arith.muli %arg0, %mul3A_112 : i32
    %add3A_114 = arith.constant 8 : i32
    %add3A_115 = arith.addi %add3A_114, %mul3A_113 : i32
    %add3A_116 = arith.constant 0 : i32
    %add3A_117 = arith.addi %add3A_115, %add3A_116 : i32
    %mul3A_118 = arith.constant 2 : i32
    %mul3A_119 = arith.muli %add3A_117, %mul3A_118 : i32
    %add3A_120 = arith.constant 1 : i32
    %add3A_121 = arith.addi %mul3A_119, %add3A_120 : i32
    "tpu.trace_start"() <{level = 10 : i32, message = "copy_wait"}> : () -> ()
    %mul3A_122 = arith.constant 32768 : i32
    %mul3A_123 = arith.muli %arg1, %mul3A_122 : i32
    %dma_wait3A_124 = arith.constant 0 : i32
    %dma_wait3A_125 = tpu.memref_slice %arg4[%dma_wait3A_124] : memref<4194304xf32, #tpu.memory_space<hbm>> -> memref<32768xf32, #tpu.memory_space<hbm>>
    %dma_wait3A_126 = tpu.memref_slice %arg11[%mul3A_123] : memref<524800xf32, #tpu.memory_space<vmem_shared>> -> memref<32768xf32, #tpu.memory_space<vmem_shared>>
    tpu.wait_dma2 semaphore(%arg15 : memref<!tpu.dma_semaphore, #tpu.memory_space<semaphore_mem>>) src(%dma_wait3A_126 : memref<32768xf32, #tpu.memory_space<vmem_shared>>) dst(%dma_wait3A_125 : memref<32768xf32, #tpu.memory_space<hbm>>)
    "tpu.trace_stop"() : () -> ()
    "tpu.trace_start"() <{level = 10 : i32, message = "zero_fire"}> : () -> ()
    %mul3A_127 = arith.constant 32768 : i32
    %mul3A_128 = arith.muli %arg1, %mul3A_127 : i32
    %add3A_129 = arith.constant 0 : i32
    %add3A_130 = arith.addi %mul3A_128, %add3A_129 : i32
    %dma_start3A_131 = tpu.memref_slice %arg11[%add3A_130] : memref<524800xf32, #tpu.memory_space<vmem_shared>> -> memref<16384xf32, #tpu.memory_space<vmem_shared>>
    %dma_start3A_132 = tpu.memref_slice %arg11[%add3A_130] : memref<524800xf32, #tpu.memory_space<vmem_shared>> -> memref<16384xf32, #tpu.memory_space<vmem_shared>>
    tpu.enqueue_dma source(%arg9 : memref<16384xf32, #tpu.memory_space<vmem>>) target(%dma_start3A_132 : memref<16384xf32, #tpu.memory_space<vmem_shared>>) target_semaphore(%arg13 : memref<!tpu.dma_semaphore, #tpu.memory_space<semaphore_mem>>)
    %mul3A_133 = arith.constant 32768 : i32
    %mul3A_134 = arith.muli %arg1, %mul3A_133 : i32
    %add3A_135 = arith.constant 16384 : i32
    %add3A_136 = arith.addi %mul3A_134, %add3A_135 : i32
    %dma_start3A_137 = tpu.memref_slice %arg11[%add3A_136] : memref<524800xf32, #tpu.memory_space<vmem_shared>> -> memref<16384xf32, #tpu.memory_space<vmem_shared>>
    %dma_start3A_138 = tpu.memref_slice %arg11[%add3A_136] : memref<524800xf32, #tpu.memory_space<vmem_shared>> -> memref<16384xf32, #tpu.memory_space<vmem_shared>>
    tpu.enqueue_dma source(%arg9 : memref<16384xf32, #tpu.memory_space<vmem>>) target(%dma_start3A_138 : memref<16384xf32, #tpu.memory_space<vmem_shared>>) target_semaphore(%arg13 : memref<!tpu.dma_semaphore, #tpu.memory_space<semaphore_mem>>)
    %parallel_loop3A_139 = arith.constant 0 : i32
    %parallel_loop3A_140 = arith.constant 16384 : i32
    %parallel_loop3A_141 = arith.constant 16 : i32
    "tpu.trace_stop"() : () -> ()
    "tpu.trace_start"() <{level = 10 : i32, message = "idx_compute"}> : () -> ()
    scf.for %parallel_loop3A_285 = %parallel_loop3A_139 to %parallel_loop3A_140 step %parallel_loop3A_141  : i32 {
      %parallel_loop3A_286 = arith.index_cast %parallel_loop3A_285 : i32 to index
      %parallel_loop3A_287 = tpu.vector_load %arg8[%parallel_loop3A_286] {strides = array<i32>} : memref<16384xi32, #tpu.memory_space<vmem>>, vector<16xi32>,
      %parallel_loop3A_288 = vector.shape_cast %parallel_loop3A_287 : vector<16xi32> to vector<16xi32>
      %parallel_loop3A_289 = arith.constant 19 : i32
      %parallel_loop3A_290 = vector.broadcast %parallel_loop3A_289 : i32 to vector<16xi32>
      %parallel_loop3A_291 = arith.shrui %parallel_loop3A_288, %parallel_loop3A_290 : vector<16xi32>
      %parallel_loop3A_292 = vector.broadcast %add3A_121 : i32 to vector<16xi32>
      %parallel_loop3A_293 = arith.cmpi eq, %parallel_loop3A_291, %parallel_loop3A_292 : vector<16xi32>
      %parallel_loop3A_294 = arith.constant 524287 : i32
      %parallel_loop3A_295 = vector.broadcast %parallel_loop3A_294 : i32 to vector<16xi32>
      %parallel_loop3A_296 = arith.andi %parallel_loop3A_288, %parallel_loop3A_295 : vector<16xi32>
      %parallel_loop3A_297 = arith.select %parallel_loop3A_293, %parallel_loop3A_296, %add3A_62 : vector<16xi1>, vector<16xi32>
      %parallel_loop3A_298 = arith.constant 128 : i32
      %parallel_loop3A_299 = arith.divsi %parallel_loop3A_285, %parallel_loop3A_298 : i32
      %parallel_loop3A_300 = arith.constant 128 : i32
      %parallel_loop3A_301 = arith.remsi %parallel_loop3A_285, %parallel_loop3A_300 : i32
      %parallel_loop3A_302 = arith.index_cast %parallel_loop3A_299 : i32 to index
      %parallel_loop3A_303 = arith.index_cast %parallel_loop3A_301 : i32 to index
      %parallel_loop3A_304 = tpu.vector_load %arg7[%parallel_loop3A_302, %parallel_loop3A_303] {strides = array<i32>} : memref<128x128xi32, #tpu.memory_space<vmem>>, vector<1x16xi32>,
      %parallel_loop3A_305 = vector.shape_cast %parallel_loop3A_304 : vector<1x16xi32> to vector<16xi32>
      %parallel_loop3A_306 = vector.shape_cast %parallel_loop3A_297 : vector<16xi32> to vector<1x16xi32>
      tpu.vector_store %arg7[%parallel_loop3A_302, %parallel_loop3A_303], %parallel_loop3A_306 {strides = array<i32>} : memref<128x128xi32, #tpu.memory_space<vmem>>, vector<1x16xi32>,
    } {sc.loop_unroll_factor = 8 : i64, sc.parallel_access}
    "tpu.trace_stop"() : () -> ()
    "tpu.trace_start"() <{level = 10 : i32, message = "zero_drain"}> : () -> ()
    %dma_wait3A_142 = tpu.memref_slice %arg11[%add3A_130] : memref<524800xf32, #tpu.memory_space<vmem_shared>> -> memref<16384xf32, #tpu.memory_space<vmem_shared>>
    %dma_wait3A_143 = tpu.memref_slice %arg11[%add3A_130] : memref<524800xf32, #tpu.memory_space<vmem_shared>> -> memref<16384xf32, #tpu.memory_space<vmem_shared>>
    tpu.wait_dma2 semaphore(%arg13 : memref<!tpu.dma_semaphore, #tpu.memory_space<semaphore_mem>>) src(%arg9 : memref<16384xf32, #tpu.memory_space<vmem>>) dst(%dma_wait3A_143 : memref<16384xf32, #tpu.memory_space<vmem_shared>>)
    %dma_wait3A_144 = tpu.memref_slice %arg11[%add3A_136] : memref<524800xf32, #tpu.memory_space<vmem_shared>> -> memref<16384xf32, #tpu.memory_space<vmem_shared>>
    %dma_wait3A_145 = tpu.memref_slice %arg11[%add3A_136] : memref<524800xf32, #tpu.memory_space<vmem_shared>> -> memref<16384xf32, #tpu.memory_space<vmem_shared>>
    tpu.wait_dma2 semaphore(%arg13 : memref<!tpu.dma_semaphore, #tpu.memory_space<semaphore_mem>>) src(%arg9 : memref<16384xf32, #tpu.memory_space<vmem>>) dst(%dma_wait3A_145 : memref<16384xf32, #tpu.memory_space<vmem_shared>>)
    "tpu.trace_stop"() : () -> ()
    %barrier3A_146 = arith.constant 0 : index
    tpu.barrier barrier_id(%barrier3A_146)
    %parallel_loop3A_147 = arith.constant 0 : i32
    %parallel_loop3A_148 = arith.constant 128 : i32
    %parallel_loop3A_149 = arith.constant 1 : i32
    "tpu.trace_start"() <{level = 10 : i32, message = "scatter"}> : () -> ()
    scf.for %parallel_loop3A_285 = %parallel_loop3A_147 to %parallel_loop3A_148 step %parallel_loop3A_149  : i32 {
      %parallel_loop3A_286 = arith.constant 0 : i32
      %parallel_loop3A_287 = tpu.memref_slice %arg7[%parallel_loop3A_285, %parallel_loop3A_286] : memref<128x128xi32, #tpu.memory_space<vmem>> -> memref<1x128xi32, #tpu.memory_space<vmem>>
      %parallel_loop3A_288 = tpu.memref_squeeze %parallel_loop3A_287 : memref<1x128xi32, #tpu.memory_space<vmem>> -> memref<128xi32, #tpu.memory_space<vmem>>
      %parallel_loop3A_289 = arith.constant 0 : i32
      %parallel_loop3A_290 = tpu.memref_slice %arg11[%parallel_loop3A_289] : memref<524800xf32, #tpu.memory_space<vmem_shared>> -> memref<524800xf32, #tpu.memory_space<vmem_shared>>
      tpu.enqueue_indirect_dma source(%arg10 : memref<128xf32, #tpu.memory_space<vmem>>) target(%parallel_loop3A_290 : memref<524800xf32, #tpu.memory_space<vmem_shared>>) offsets(%parallel_loop3A_288 : memref<128xi32, #tpu.memory_space<vmem>>) semaphore(%arg14 : memref<!tpu.dma_semaphore, #tpu.memory_space<semaphore_mem>>)
    } {sc.loop_unroll_factor = 8 : i64, sc.parallel_access}
    %dma_wait3A_150 = arith.constant 0 : i32
    %dma_wait3A_151 = tpu.memref_slice %arg4[%dma_wait3A_150] : memref<4194304xf32, #tpu.memory_space<hbm>> -> memref<16384xf32, #tpu.memory_space<hbm>>
    %dma_wait3A_152 = arith.constant 0 : i32
    %dma_wait3A_153 = tpu.memref_slice %arg4[%dma_wait3A_152] : memref<4194304xf32, #tpu.memory_space<hbm>> -> memref<16384xf32, #tpu.memory_space<hbm>>
    tpu.wait_dma2 semaphore(%arg14 : memref<!tpu.dma_semaphore, #tpu.memory_space<semaphore_mem>>) src(%dma_wait3A_153 : memref<16384xf32, #tpu.memory_space<hbm>>) dst(%arg9 : memref<16384xf32, #tpu.memory_space<vmem>>)
    "tpu.trace_stop"() : () -> ()
    %barrier3A_154 = arith.constant 0 : index
    tpu.barrier barrier_id(%barrier3A_154)
    "tpu.trace_start"() <{level = 10 : i32, message = "copy_out"}> : () -> ()
    %mul3A_155 = arith.constant 32768 : i32
    %mul3A_156 = arith.muli %arg1, %mul3A_155 : i32
    %sub3A_157 = arith.constant 8 : i32
    %sub3A_158 = arith.subi %add3A_117, %sub3A_157 : i32
    %mul3A_159 = arith.constant 1048576 : i32
    %mul3A_160 = arith.muli %sub3A_158, %mul3A_159 : i32
    %add3A_161 = arith.constant 524288 : i32
    %add3A_162 = arith.addi %mul3A_160, %add3A_161 : i32
    %mul3A_163 = arith.constant 32768 : i32
    %mul3A_164 = arith.muli %arg1, %mul3A_163 : i32
    %add3A_165 = arith.addi %add3A_162, %mul3A_164 : i32
    %dma_start3A_166 = tpu.memref_slice %arg4[%add3A_165] : memref<4194304xf32, #tpu.memory_space<hbm>> -> memref<32768xf32, #tpu.memory_space<hbm>>
    %dma_start3A_167 = tpu.memref_slice %arg11[%mul3A_156] : memref<524800xf32, #tpu.memory_space<vmem_shared>> -> memref<32768xf32, #tpu.memory_space<vmem_shared>>
    tpu.enqueue_dma source(%dma_start3A_167 : memref<32768xf32, #tpu.memory_space<vmem_shared>>) target(%dma_start3A_166 : memref<32768xf32, #tpu.memory_space<hbm>>) target_semaphore(%arg15 : memref<!tpu.dma_semaphore, #tpu.memory_space<semaphore_mem>>)
    "tpu.trace_stop"() : () -> ()
    %mul3A_168 = arith.constant 2 : i32
    %mul3A_169 = arith.muli %arg0, %mul3A_168 : i32
    %add3A_170 = arith.constant 8 : i32
    %add3A_171 = arith.addi %add3A_170, %mul3A_169 : i32
    %add3A_172 = arith.constant 1 : i32
    %add3A_173 = arith.addi %add3A_171, %add3A_172 : i32
    %mul3A_174 = arith.constant 2 : i32
    %mul3A_175 = arith.muli %add3A_173, %mul3A_174 : i32
    %add3A_176 = arith.constant 0 : i32
    %add3A_177 = arith.addi %mul3A_175, %add3A_176 : i32
    "tpu.trace_start"() <{level = 10 : i32, message = "copy_wait"}> : () -> ()
    %mul3A_178 = arith.constant 32768 : i32
    %mul3A_179 = arith.muli %arg1, %mul3A_178 : i32
    %dma_wait3A_180 = arith.constant 0 : i32
    %dma_wait3A_181 = tpu.memref_slice %arg4[%dma_wait3A_180] : memref<4194304xf32, #tpu.memory_space<hbm>> -> memref<32768xf32, #tpu.memory_space<hbm>>
    %dma_wait3A_182 = tpu.memref_slice %arg11[%mul3A_179] : memref<524800xf32, #tpu.memory_space<vmem_shared>> -> memref<32768xf32, #tpu.memory_space<vmem_shared>>
    tpu.wait_dma2 semaphore(%arg15 : memref<!tpu.dma_semaphore, #tpu.memory_space<semaphore_mem>>) src(%dma_wait3A_182 : memref<32768xf32, #tpu.memory_space<vmem_shared>>) dst(%dma_wait3A_181 : memref<32768xf32, #tpu.memory_space<hbm>>)
    "tpu.trace_stop"() : () -> ()
    "tpu.trace_start"() <{level = 10 : i32, message = "zero_fire"}> : () -> ()
    %mul3A_183 = arith.constant 32768 : i32
    %mul3A_184 = arith.muli %arg1, %mul3A_183 : i32
    %add3A_185 = arith.constant 0 : i32
    %add3A_186 = arith.addi %mul3A_184, %add3A_185 : i32
    %dma_start3A_187 = tpu.memref_slice %arg11[%add3A_186] : memref<524800xf32, #tpu.memory_space<vmem_shared>> -> memref<16384xf32, #tpu.memory_space<vmem_shared>>
    %dma_start3A_188 = tpu.memref_slice %arg11[%add3A_186] : memref<524800xf32, #tpu.memory_space<vmem_shared>> -> memref<16384xf32, #tpu.memory_space<vmem_shared>>
    tpu.enqueue_dma source(%arg9 : memref<16384xf32, #tpu.memory_space<vmem>>) target(%dma_start3A_188 : memref<16384xf32, #tpu.memory_space<vmem_shared>>) target_semaphore(%arg13 : memref<!tpu.dma_semaphore, #tpu.memory_space<semaphore_mem>>)
    %mul3A_189 = arith.constant 32768 : i32
    %mul3A_190 = arith.muli %arg1, %mul3A_189 : i32
    %add3A_191 = arith.constant 16384 : i32
    %add3A_192 = arith.addi %mul3A_190, %add3A_191 : i32
    %dma_start3A_193 = tpu.memref_slice %arg11[%add3A_192] : memref<524800xf32, #tpu.memory_space<vmem_shared>> -> memref<16384xf32, #tpu.memory_space<vmem_shared>>
    %dma_start3A_194 = tpu.memref_slice %arg11[%add3A_192] : memref<524800xf32, #tpu.memory_space<vmem_shared>> -> memref<16384xf32, #tpu.memory_space<vmem_shared>>
    tpu.enqueue_dma source(%arg9 : memref<16384xf32, #tpu.memory_space<vmem>>) target(%dma_start3A_194 : memref<16384xf32, #tpu.memory_space<vmem_shared>>) target_semaphore(%arg13 : memref<!tpu.dma_semaphore, #tpu.memory_space<semaphore_mem>>)
    %parallel_loop3A_195 = arith.constant 0 : i32
    %parallel_loop3A_196 = arith.constant 16384 : i32
    %parallel_loop3A_197 = arith.constant 16 : i32
    "tpu.trace_stop"() : () -> ()
    "tpu.trace_start"() <{level = 10 : i32, message = "idx_compute"}> : () -> ()
    scf.for %parallel_loop3A_285 = %parallel_loop3A_195 to %parallel_loop3A_196 step %parallel_loop3A_197  : i32 {
      %parallel_loop3A_286 = arith.index_cast %parallel_loop3A_285 : i32 to index
      %parallel_loop3A_287 = tpu.vector_load %arg8[%parallel_loop3A_286] {strides = array<i32>} : memref<16384xi32, #tpu.memory_space<vmem>>, vector<16xi32>,
      %parallel_loop3A_288 = vector.shape_cast %parallel_loop3A_287 : vector<16xi32> to vector<16xi32>
      %parallel_loop3A_289 = arith.constant 19 : i32
      %parallel_loop3A_290 = vector.broadcast %parallel_loop3A_289 : i32 to vector<16xi32>
      %parallel_loop3A_291 = arith.shrui %parallel_loop3A_288, %parallel_loop3A_290 : vector<16xi32>
      %parallel_loop3A_292 = vector.broadcast %add3A_177 : i32 to vector<16xi32>
      %parallel_loop3A_293 = arith.cmpi eq, %parallel_loop3A_291, %parallel_loop3A_292 : vector<16xi32>
      %parallel_loop3A_294 = arith.constant 524287 : i32
      %parallel_loop3A_295 = vector.broadcast %parallel_loop3A_294 : i32 to vector<16xi32>
      %parallel_loop3A_296 = arith.andi %parallel_loop3A_288, %parallel_loop3A_295 : vector<16xi32>
      %parallel_loop3A_297 = arith.select %parallel_loop3A_293, %parallel_loop3A_296, %add3A_62 : vector<16xi1>, vector<16xi32>
      %parallel_loop3A_298 = arith.constant 128 : i32
      %parallel_loop3A_299 = arith.divsi %parallel_loop3A_285, %parallel_loop3A_298 : i32
      %parallel_loop3A_300 = arith.constant 128 : i32
      %parallel_loop3A_301 = arith.remsi %parallel_loop3A_285, %parallel_loop3A_300 : i32
      %parallel_loop3A_302 = arith.index_cast %parallel_loop3A_299 : i32 to index
      %parallel_loop3A_303 = arith.index_cast %parallel_loop3A_301 : i32 to index
      %parallel_loop3A_304 = tpu.vector_load %arg7[%parallel_loop3A_302, %parallel_loop3A_303] {strides = array<i32>} : memref<128x128xi32, #tpu.memory_space<vmem>>, vector<1x16xi32>,
      %parallel_loop3A_305 = vector.shape_cast %parallel_loop3A_304 : vector<1x16xi32> to vector<16xi32>
      %parallel_loop3A_306 = vector.shape_cast %parallel_loop3A_297 : vector<16xi32> to vector<1x16xi32>
      tpu.vector_store %arg7[%parallel_loop3A_302, %parallel_loop3A_303], %parallel_loop3A_306 {strides = array<i32>} : memref<128x128xi32, #tpu.memory_space<vmem>>, vector<1x16xi32>,
    } {sc.loop_unroll_factor = 8 : i64, sc.parallel_access}
    "tpu.trace_stop"() : () -> ()
    "tpu.trace_start"() <{level = 10 : i32, message = "zero_drain"}> : () -> ()
    %dma_wait3A_198 = tpu.memref_slice %arg11[%add3A_186] : memref<524800xf32, #tpu.memory_space<vmem_shared>> -> memref<16384xf32, #tpu.memory_space<vmem_shared>>
    %dma_wait3A_199 = tpu.memref_slice %arg11[%add3A_186] : memref<524800xf32, #tpu.memory_space<vmem_shared>> -> memref<16384xf32, #tpu.memory_space<vmem_shared>>
    tpu.wait_dma2 semaphore(%arg13 : memref<!tpu.dma_semaphore, #tpu.memory_space<semaphore_mem>>) src(%arg9 : memref<16384xf32, #tpu.memory_space<vmem>>) dst(%dma_wait3A_199 : memref<16384xf32, #tpu.memory_space<vmem_shared>>)
    %dma_wait3A_200 = tpu.memref_slice %arg11[%add3A_192] : memref<524800xf32, #tpu.memory_space<vmem_shared>> -> memref<16384xf32, #tpu.memory_space<vmem_shared>>
    %dma_wait3A_201 = tpu.memref_slice %arg11[%add3A_192] : memref<524800xf32, #tpu.memory_space<vmem_shared>> -> memref<16384xf32, #tpu.memory_space<vmem_shared>>
    tpu.wait_dma2 semaphore(%arg13 : memref<!tpu.dma_semaphore, #tpu.memory_space<semaphore_mem>>) src(%arg9 : memref<16384xf32, #tpu.memory_space<vmem>>) dst(%dma_wait3A_201 : memref<16384xf32, #tpu.memory_space<vmem_shared>>)
    "tpu.trace_stop"() : () -> ()
    %barrier3A_202 = arith.constant 0 : index
    tpu.barrier barrier_id(%barrier3A_202)
    %parallel_loop3A_203 = arith.constant 0 : i32
    %parallel_loop3A_204 = arith.constant 128 : i32
    %parallel_loop3A_205 = arith.constant 1 : i32
    "tpu.trace_start"() <{level = 10 : i32, message = "scatter"}> : () -> ()
    scf.for %parallel_loop3A_285 = %parallel_loop3A_203 to %parallel_loop3A_204 step %parallel_loop3A_205  : i32 {
      %parallel_loop3A_286 = arith.constant 0 : i32
      %parallel_loop3A_287 = tpu.memref_slice %arg7[%parallel_loop3A_285, %parallel_loop3A_286] : memref<128x128xi32, #tpu.memory_space<vmem>> -> memref<1x128xi32, #tpu.memory_space<vmem>>
      %parallel_loop3A_288 = tpu.memref_squeeze %parallel_loop3A_287 : memref<1x128xi32, #tpu.memory_space<vmem>> -> memref<128xi32, #tpu.memory_space<vmem>>
      %parallel_loop3A_289 = arith.constant 0 : i32
      %parallel_loop3A_290 = tpu.memref_slice %arg11[%parallel_loop3A_289] : memref<524800xf32, #tpu.memory_space<vmem_shared>> -> memref<524800xf32, #tpu.memory_space<vmem_shared>>
      tpu.enqueue_indirect_dma source(%arg10 : memref<128xf32, #tpu.memory_space<vmem>>) target(%parallel_loop3A_290 : memref<524800xf32, #tpu.memory_space<vmem_shared>>) offsets(%parallel_loop3A_288 : memref<128xi32, #tpu.memory_space<vmem>>) semaphore(%arg14 : memref<!tpu.dma_semaphore, #tpu.memory_space<semaphore_mem>>)
    } {sc.loop_unroll_factor = 8 : i64, sc.parallel_access}
    %dma_wait3A_206 = arith.constant 0 : i32
    %dma_wait3A_207 = tpu.memref_slice %arg4[%dma_wait3A_206] : memref<4194304xf32, #tpu.memory_space<hbm>> -> memref<16384xf32, #tpu.memory_space<hbm>>
    %dma_wait3A_208 = arith.constant 0 : i32
    %dma_wait3A_209 = tpu.memref_slice %arg4[%dma_wait3A_208] : memref<4194304xf32, #tpu.memory_space<hbm>> -> memref<16384xf32, #tpu.memory_space<hbm>>
    tpu.wait_dma2 semaphore(%arg14 : memref<!tpu.dma_semaphore, #tpu.memory_space<semaphore_mem>>) src(%dma_wait3A_209 : memref<16384xf32, #tpu.memory_space<hbm>>) dst(%arg9 : memref<16384xf32, #tpu.memory_space<vmem>>)
    "tpu.trace_stop"() : () -> ()
    %barrier3A_210 = arith.constant 0 : index
    tpu.barrier barrier_id(%barrier3A_210)
    "tpu.trace_start"() <{level = 10 : i32, message = "copy_out"}> : () -> ()
    %mul3A_211 = arith.constant 32768 : i32
    %mul3A_212 = arith.muli %arg1, %mul3A_211 : i32
    %sub3A_213 = arith.constant 8 : i32
    %sub3A_214 = arith.subi %add3A_173, %sub3A_213 : i32
    %mul3A_215 = arith.constant 1048576 : i32
    %mul3A_216 = arith.muli %sub3A_214, %mul3A_215 : i32
    %add3A_217 = arith.constant 0 : i32
    %add3A_218 = arith.addi %mul3A_216, %add3A_217 : i32
    %mul3A_219 = arith.constant 32768 : i32
    %mul3A_220 = arith.muli %arg1, %mul3A_219 : i32
    %add3A_221 = arith.addi %add3A_218, %mul3A_220 : i32
    %dma_start3A_222 = tpu.memref_slice %arg4[%add3A_221] : memref<4194304xf32, #tpu.memory_space<hbm>> -> memref<32768xf32, #tpu.memory_space<hbm>>
    %dma_start3A_223 = tpu.memref_slice %arg11[%mul3A_212] : memref<524800xf32, #tpu.memory_space<vmem_shared>> -> memref<32768xf32, #tpu.memory_space<vmem_shared>>
    tpu.enqueue_dma source(%dma_start3A_223 : memref<32768xf32, #tpu.memory_space<vmem_shared>>) target(%dma_start3A_222 : memref<32768xf32, #tpu.memory_space<hbm>>) target_semaphore(%arg15 : memref<!tpu.dma_semaphore, #tpu.memory_space<semaphore_mem>>)
    "tpu.trace_stop"() : () -> ()
    %mul3A_224 = arith.constant 2 : i32
    %mul3A_225 = arith.muli %arg0, %mul3A_224 : i32
    %add3A_226 = arith.constant 8 : i32
    %add3A_227 = arith.addi %add3A_226, %mul3A_225 : i32
    %add3A_228 = arith.constant 1 : i32
    %add3A_229 = arith.addi %add3A_227, %add3A_228 : i32
    %mul3A_230 = arith.constant 2 : i32
    %mul3A_231 = arith.muli %add3A_229, %mul3A_230 : i32
    %add3A_232 = arith.constant 1 : i32
    %add3A_233 = arith.addi %mul3A_231, %add3A_232 : i32
    "tpu.trace_start"() <{level = 10 : i32, message = "copy_wait"}> : () -> ()
    %mul3A_234 = arith.constant 32768 : i32
    %mul3A_235 = arith.muli %arg1, %mul3A_234 : i32
    %dma_wait3A_236 = arith.constant 0 : i32
    %dma_wait3A_237 = tpu.memref_slice %arg4[%dma_wait3A_236] : memref<4194304xf32, #tpu.memory_space<hbm>> -> memref<32768xf32, #tpu.memory_space<hbm>>
    %dma_wait3A_238 = tpu.memref_slice %arg11[%mul3A_235] : memref<524800xf32, #tpu.memory_space<vmem_shared>> -> memref<32768xf32, #tpu.memory_space<vmem_shared>>
    tpu.wait_dma2 semaphore(%arg15 : memref<!tpu.dma_semaphore, #tpu.memory_space<semaphore_mem>>) src(%dma_wait3A_238 : memref<32768xf32, #tpu.memory_space<vmem_shared>>) dst(%dma_wait3A_237 : memref<32768xf32, #tpu.memory_space<hbm>>)
    "tpu.trace_stop"() : () -> ()
    "tpu.trace_start"() <{level = 10 : i32, message = "zero_fire"}> : () -> ()
    %mul3A_239 = arith.constant 32768 : i32
    %mul3A_240 = arith.muli %arg1, %mul3A_239 : i32
    %add3A_241 = arith.constant 0 : i32
    %add3A_242 = arith.addi %mul3A_240, %add3A_241 : i32
    %dma_start3A_243 = tpu.memref_slice %arg11[%add3A_242] : memref<524800xf32, #tpu.memory_space<vmem_shared>> -> memref<16384xf32, #tpu.memory_space<vmem_shared>>
    %dma_start3A_244 = tpu.memref_slice %arg11[%add3A_242] : memref<524800xf32, #tpu.memory_space<vmem_shared>> -> memref<16384xf32, #tpu.memory_space<vmem_shared>>
    tpu.enqueue_dma source(%arg9 : memref<16384xf32, #tpu.memory_space<vmem>>) target(%dma_start3A_244 : memref<16384xf32, #tpu.memory_space<vmem_shared>>) target_semaphore(%arg13 : memref<!tpu.dma_semaphore, #tpu.memory_space<semaphore_mem>>)
    %mul3A_245 = arith.constant 32768 : i32
    %mul3A_246 = arith.muli %arg1, %mul3A_245 : i32
    %add3A_247 = arith.constant 16384 : i32
    %add3A_248 = arith.addi %mul3A_246, %add3A_247 : i32
    %dma_start3A_249 = tpu.memref_slice %arg11[%add3A_248] : memref<524800xf32, #tpu.memory_space<vmem_shared>> -> memref<16384xf32, #tpu.memory_space<vmem_shared>>
    %dma_start3A_250 = tpu.memref_slice %arg11[%add3A_248] : memref<524800xf32, #tpu.memory_space<vmem_shared>> -> memref<16384xf32, #tpu.memory_space<vmem_shared>>
    tpu.enqueue_dma source(%arg9 : memref<16384xf32, #tpu.memory_space<vmem>>) target(%dma_start3A_250 : memref<16384xf32, #tpu.memory_space<vmem_shared>>) target_semaphore(%arg13 : memref<!tpu.dma_semaphore, #tpu.memory_space<semaphore_mem>>)
    %parallel_loop3A_251 = arith.constant 0 : i32
    %parallel_loop3A_252 = arith.constant 16384 : i32
    %parallel_loop3A_253 = arith.constant 16 : i32
    "tpu.trace_stop"() : () -> ()
    "tpu.trace_start"() <{level = 10 : i32, message = "idx_compute"}> : () -> ()
    scf.for %parallel_loop3A_285 = %parallel_loop3A_251 to %parallel_loop3A_252 step %parallel_loop3A_253  : i32 {
      %parallel_loop3A_286 = arith.index_cast %parallel_loop3A_285 : i32 to index
      %parallel_loop3A_287 = tpu.vector_load %arg8[%parallel_loop3A_286] {strides = array<i32>} : memref<16384xi32, #tpu.memory_space<vmem>>, vector<16xi32>,
      %parallel_loop3A_288 = vector.shape_cast %parallel_loop3A_287 : vector<16xi32> to vector<16xi32>
      %parallel_loop3A_289 = arith.constant 19 : i32
      %parallel_loop3A_290 = vector.broadcast %parallel_loop3A_289 : i32 to vector<16xi32>
      %parallel_loop3A_291 = arith.shrui %parallel_loop3A_288, %parallel_loop3A_290 : vector<16xi32>
      %parallel_loop3A_292 = vector.broadcast %add3A_233 : i32 to vector<16xi32>
      %parallel_loop3A_293 = arith.cmpi eq, %parallel_loop3A_291, %parallel_loop3A_292 : vector<16xi32>
      %parallel_loop3A_294 = arith.constant 524287 : i32
      %parallel_loop3A_295 = vector.broadcast %parallel_loop3A_294 : i32 to vector<16xi32>
      %parallel_loop3A_296 = arith.andi %parallel_loop3A_288, %parallel_loop3A_295 : vector<16xi32>
      %parallel_loop3A_297 = arith.select %parallel_loop3A_293, %parallel_loop3A_296, %add3A_62 : vector<16xi1>, vector<16xi32>
      %parallel_loop3A_298 = arith.constant 128 : i32
      %parallel_loop3A_299 = arith.divsi %parallel_loop3A_285, %parallel_loop3A_298 : i32
      %parallel_loop3A_300 = arith.constant 128 : i32
      %parallel_loop3A_301 = arith.remsi %parallel_loop3A_285, %parallel_loop3A_300 : i32
      %parallel_loop3A_302 = arith.index_cast %parallel_loop3A_299 : i32 to index
      %parallel_loop3A_303 = arith.index_cast %parallel_loop3A_301 : i32 to index
      %parallel_loop3A_304 = tpu.vector_load %arg7[%parallel_loop3A_302, %parallel_loop3A_303] {strides = array<i32>} : memref<128x128xi32, #tpu.memory_space<vmem>>, vector<1x16xi32>,
      %parallel_loop3A_305 = vector.shape_cast %parallel_loop3A_304 : vector<1x16xi32> to vector<16xi32>
      %parallel_loop3A_306 = vector.shape_cast %parallel_loop3A_297 : vector<16xi32> to vector<1x16xi32>
      tpu.vector_store %arg7[%parallel_loop3A_302, %parallel_loop3A_303], %parallel_loop3A_306 {strides = array<i32>} : memref<128x128xi32, #tpu.memory_space<vmem>>, vector<1x16xi32>,
    } {sc.loop_unroll_factor = 8 : i64, sc.parallel_access}
    "tpu.trace_stop"() : () -> ()
    "tpu.trace_start"() <{level = 10 : i32, message = "zero_drain"}> : () -> ()
    %dma_wait3A_254 = tpu.memref_slice %arg11[%add3A_242] : memref<524800xf32, #tpu.memory_space<vmem_shared>> -> memref<16384xf32, #tpu.memory_space<vmem_shared>>
    %dma_wait3A_255 = tpu.memref_slice %arg11[%add3A_242] : memref<524800xf32, #tpu.memory_space<vmem_shared>> -> memref<16384xf32, #tpu.memory_space<vmem_shared>>
    tpu.wait_dma2 semaphore(%arg13 : memref<!tpu.dma_semaphore, #tpu.memory_space<semaphore_mem>>) src(%arg9 : memref<16384xf32, #tpu.memory_space<vmem>>) dst(%dma_wait3A_255 : memref<16384xf32, #tpu.memory_space<vmem_shared>>)
    %dma_wait3A_256 = tpu.memref_slice %arg11[%add3A_248] : memref<524800xf32, #tpu.memory_space<vmem_shared>> -> memref<16384xf32, #tpu.memory_space<vmem_shared>>
    %dma_wait3A_257 = tpu.memref_slice %arg11[%add3A_248] : memref<524800xf32, #tpu.memory_space<vmem_shared>> -> memref<16384xf32, #tpu.memory_space<vmem_shared>>
    tpu.wait_dma2 semaphore(%arg13 : memref<!tpu.dma_semaphore, #tpu.memory_space<semaphore_mem>>) src(%arg9 : memref<16384xf32, #tpu.memory_space<vmem>>) dst(%dma_wait3A_257 : memref<16384xf32, #tpu.memory_space<vmem_shared>>)
    "tpu.trace_stop"() : () -> ()
    %barrier3A_258 = arith.constant 0 : index
    tpu.barrier barrier_id(%barrier3A_258)
    %parallel_loop3A_259 = arith.constant 0 : i32
    %parallel_loop3A_260 = arith.constant 128 : i32
    %parallel_loop3A_261 = arith.constant 1 : i32
    "tpu.trace_start"() <{level = 10 : i32, message = "scatter"}> : () -> ()
    scf.for %parallel_loop3A_285 = %parallel_loop3A_259 to %parallel_loop3A_260 step %parallel_loop3A_261  : i32 {
      %parallel_loop3A_286 = arith.constant 0 : i32
      %parallel_loop3A_287 = tpu.memref_slice %arg7[%parallel_loop3A_285, %parallel_loop3A_286] : memref<128x128xi32, #tpu.memory_space<vmem>> -> memref<1x128xi32, #tpu.memory_space<vmem>>
      %parallel_loop3A_288 = tpu.memref_squeeze %parallel_loop3A_287 : memref<1x128xi32, #tpu.memory_space<vmem>> -> memref<128xi32, #tpu.memory_space<vmem>>
      %parallel_loop3A_289 = arith.constant 0 : i32
      %parallel_loop3A_290 = tpu.memref_slice %arg11[%parallel_loop3A_289] : memref<524800xf32, #tpu.memory_space<vmem_shared>> -> memref<524800xf32, #tpu.memory_space<vmem_shared>>
      tpu.enqueue_indirect_dma source(%arg10 : memref<128xf32, #tpu.memory_space<vmem>>) target(%parallel_loop3A_290 : memref<524800xf32, #tpu.memory_space<vmem_shared>>) offsets(%parallel_loop3A_288 : memref<128xi32, #tpu.memory_space<vmem>>) semaphore(%arg14 : memref<!tpu.dma_semaphore, #tpu.memory_space<semaphore_mem>>)
    } {sc.loop_unroll_factor = 8 : i64, sc.parallel_access}
    %dma_wait3A_262 = arith.constant 0 : i32
    %dma_wait3A_263 = tpu.memref_slice %arg4[%dma_wait3A_262] : memref<4194304xf32, #tpu.memory_space<hbm>> -> memref<16384xf32, #tpu.memory_space<hbm>>
    %dma_wait3A_264 = arith.constant 0 : i32
    %dma_wait3A_265 = tpu.memref_slice %arg4[%dma_wait3A_264] : memref<4194304xf32, #tpu.memory_space<hbm>> -> memref<16384xf32, #tpu.memory_space<hbm>>
    tpu.wait_dma2 semaphore(%arg14 : memref<!tpu.dma_semaphore, #tpu.memory_space<semaphore_mem>>) src(%dma_wait3A_265 : memref<16384xf32, #tpu.memory_space<hbm>>) dst(%arg9 : memref<16384xf32, #tpu.memory_space<vmem>>)
    "tpu.trace_stop"() : () -> ()
    %barrier3A_266 = arith.constant 0 : index
    tpu.barrier barrier_id(%barrier3A_266)
    "tpu.trace_start"() <{level = 10 : i32, message = "copy_out"}> : () -> ()
    %mul3A_267 = arith.constant 32768 : i32
    %mul3A_268 = arith.muli %arg1, %mul3A_267 : i32
    %sub3A_269 = arith.constant 8 : i32
    %sub3A_270 = arith.subi %add3A_229, %sub3A_269 : i32
    %mul3A_271 = arith.constant 1048576 : i32
    %mul3A_272 = arith.muli %sub3A_270, %mul3A_271 : i32
    %add3A_273 = arith.constant 524288 : i32
    %add3A_274 = arith.addi %mul3A_272, %add3A_273 : i32
    %mul3A_275 = arith.constant 32768 : i32
    %mul3A_276 = arith.muli %arg1, %mul3A_275 : i32
    %add3A_277 = arith.addi %add3A_274, %mul3A_276 : i32
    %dma_start3A_278 = tpu.memref_slice %arg4[%add3A_277] : memref<4194304xf32, #tpu.memory_space<hbm>> -> memref<32768xf32, #tpu.memory_space<hbm>>
    %dma_start3A_279 = tpu.memref_slice %arg11[%mul3A_268] : memref<524800xf32, #tpu.memory_space<vmem_shared>> -> memref<32768xf32, #tpu.memory_space<vmem_shared>>
    tpu.enqueue_dma source(%dma_start3A_279 : memref<32768xf32, #tpu.memory_space<vmem_shared>>) target(%dma_start3A_278 : memref<32768xf32, #tpu.memory_space<hbm>>) target_semaphore(%arg15 : memref<!tpu.dma_semaphore, #tpu.memory_space<semaphore_mem>>)
    "tpu.trace_stop"() : () -> ()
    "tpu.trace_start"() <{level = 10 : i32, message = "final_wait"}> : () -> ()
    %mul3A_280 = arith.constant 32768 : i32
    %mul3A_281 = arith.muli %arg1, %mul3A_280 : i32
    %dma_wait3A_282 = arith.constant 0 : i32
    %dma_wait3A_283 = tpu.memref_slice %arg4[%dma_wait3A_282] : memref<4194304xf32, #tpu.memory_space<hbm>> -> memref<32768xf32, #tpu.memory_space<hbm>>
    %dma_wait3A_284 = tpu.memref_slice %arg11[%mul3A_281] : memref<524800xf32, #tpu.memory_space<vmem_shared>> -> memref<32768xf32, #tpu.memory_space<vmem_shared>>
    tpu.wait_dma2 semaphore(%arg15 : memref<!tpu.dma_semaphore, #tpu.memory_space<semaphore_mem>>) src(%dma_wait3A_284 : memref<32768xf32, #tpu.memory_space<vmem_shared>>) dst(%dma_wait3A_283 : memref<32768xf32, #tpu.memory_space<hbm>>)
    "tpu.trace_stop"() : () -> ()
    return
  }
}

#map = affine_map<(d0, d1) -> (0)>
module attributes {stable_mosaic.version = 14 : i64} {
  func.func @_body(%arg0: i32, %arg1: i32, %arg2: memref<262144xi32, #tpu.memory_space<hbm>>, %arg3: memref<262144xi32, #tpu.memory_space<hbm>>, %arg4: memref<4194304xf32, #tpu.memory_space<hbm>>, %arg5: memref<16384xi32, #tpu.memory_space<vmem>>, %arg6: memref<16384xi32, #tpu.memory_space<vmem>>, %arg7: memref<128x128xi32, #tpu.memory_space<vmem>>, %arg8: memref<16384xi32, #tpu.memory_space<vmem>>, %arg9: memref<16384xf32, #tpu.memory_space<vmem>>, %arg10: memref<128xf32, #tpu.memory_space<vmem>>, %arg11: memref<524800xf32, #tpu.memory_space<vmem_shared>>, %arg12: memref<!tpu.dma_semaphore, #tpu.memory_space<semaphore_mem>>, %arg13: memref<!tpu.dma_semaphore, #tpu.memory_space<semaphore_mem>>, %arg14: memref<!tpu.dma_semaphore, #tpu.memory_space<semaphore_mem>>, %arg15: memref<!tpu.dma_semaphore, #tpu.memory_space<semaphore_mem>>) attributes {dimension_semantics = [#tpu.dimension_semantics<core_parallel>, #tpu.dimension_semantics<subcore_parallel>], iteration_bounds = array<i64: 2, 16>, scalar_prefetch = 0 : i64, scratch_operands = 11 : i64, tpu.core_type = #tpu.core_type<sc_vector_subcore>, window_params = [{transform_indices = #map}, {transform_indices = #map}, {transform_indices = #map}]} {
    %mul3A = arith.constant 16384 : i32
    %mul3A_0 = arith.muli %arg1, %mul3A : i32
    %dma_start3A = tpu.memref_slice %arg2[%mul3A_0] : memref<262144xi32, #tpu.memory_space<hbm>> -> memref<16384xi32, #tpu.memory_space<hbm>>
    %dma_start3A_1 = tpu.memref_slice %arg2[%mul3A_0] : memref<262144xi32, #tpu.memory_space<hbm>> -> memref<16384xi32, #tpu.memory_space<hbm>>
    tpu.enqueue_dma source(%dma_start3A_1 : memref<16384xi32, #tpu.memory_space<hbm>>) target(%arg5 : memref<16384xi32, #tpu.memory_space<vmem>>) target_semaphore(%arg12 : memref<!tpu.dma_semaphore, #tpu.memory_space<semaphore_mem>>)
    %dma_start3A_2 = tpu.memref_slice %arg3[%mul3A_0] : memref<262144xi32, #tpu.memory_space<hbm>> -> memref<16384xi32, #tpu.memory_space<hbm>>
    %dma_start3A_3 = tpu.memref_slice %arg3[%mul3A_0] : memref<262144xi32, #tpu.memory_space<hbm>> -> memref<16384xi32, #tpu.memory_space<hbm>>
    tpu.enqueue_dma source(%dma_start3A_3 : memref<16384xi32, #tpu.memory_space<hbm>>) target(%arg6 : memref<16384xi32, #tpu.memory_space<vmem>>) target_semaphore(%arg12 : memref<!tpu.dma_semaphore, #tpu.memory_space<semaphore_mem>>)
    %parallel_loop3A = arith.constant 0 : i32
    %parallel_loop3A_4 = arith.constant 16384 : i32
    %parallel_loop3A_5 = arith.constant 16 : i32
    "tpu.trace_start"() <{level = 10 : i32, message = "zfill"}> : () -> ()
    scf.for %parallel_loop3A_285 = %parallel_loop3A to %parallel_loop3A_4 step %parallel_loop3A_5  : i32 {
      %parallel_loop3A_286 = arith.constant 0.000000e+00 : f32
      %parallel_loop3A_287 = vector.broadcast %parallel_loop3A_286 : f32 to vector<16xf32>
      %parallel_loop3A_288 = arith.index_cast %parallel_loop3A_285 : i32 to index
      %parallel_loop3A_289 = tpu.vector_load %arg9[%parallel_loop3A_288] {strides = array<i32>} : memref<16384xf32, #tpu.memory_space<vmem>>, vector<16xf32>,
      %parallel_loop3A_290 = vector.shape_cast %parallel_loop3A_289 : vector<16xf32> to vector<16xf32>
      %parallel_loop3A_291 = vector.shape_cast %parallel_loop3A_287 : vector<16xf32> to vector<16xf32>
      tpu.vector_store %arg9[%parallel_loop3A_288], %parallel_loop3A_291 {strides = array<i32>} : memref<16384xf32, #tpu.memory_space<vmem>>, vector<16xf32>,
    } {sc.loop_unroll_factor = 8 : i64, sc.parallel_access}
    %broadcast_in_dim3A = arith.constant 1.000000e+00 : f32
    %broadcast_in_dim3A_6 = vector.broadcast %broadcast_in_dim3A : f32 to vector<16xf32>
    %swap3A = arith.constant 0 : index
    %swap3A_7 = tpu.vector_load %arg10[%swap3A] {strides = array<i32>} : memref<128xf32, #tpu.memory_space<vmem>>, vector<16xf32>,
    %swap3A_8 = vector.shape_cast %swap3A_7 : vector<16xf32> to vector<16xf32>
    %swap3A_9 = vector.shape_cast %broadcast_in_dim3A_6 : vector<16xf32> to vector<16xf32>
    tpu.vector_store %arg10[%swap3A], %swap3A_9 {strides = array<i32>} : memref<128xf32, #tpu.memory_space<vmem>>, vector<16xf32>,
    %broadcast_in_dim3A_10 = arith.constant 1.000000e+00 : f32
    %broadcast_in_dim3A_11 = vector.broadcast %broadcast_in_dim3A_10 : f32 to vector<16xf32>
    %swap3A_12 = arith.constant 16 : index
    %swap3A_13 = tpu.vector_load %arg10[%swap3A_12] {strides = array<i32>} : memref<128xf32, #tpu.memory_space<vmem>>, vector<16xf32>,
    %swap3A_14 = vector.shape_cast %swap3A_13 : vector<16xf32> to vector<16xf32>
    %swap3A_15 = vector.shape_cast %broadcast_in_dim3A_11 : vector<16xf32> to vector<16xf32>
    tpu.vector_store %arg10[%swap3A_12], %swap3A_15 {strides = array<i32>} : memref<128xf32, #tpu.memory_space<vmem>>, vector<16xf32>,
    %broadcast_in_dim3A_16 = arith.constant 1.000000e+00 : f32
    %broadcast_in_dim3A_17 = vector.broadcast %broadcast_in_dim3A_16 : f32 to vector<16xf32>
    %swap3A_18 = arith.constant 32 : index
    %swap3A_19 = tpu.vector_load %arg10[%swap3A_18] {strides = array<i32>} : memref<128xf32, #tpu.memory_space<vmem>>, vector<16xf32>,
    %swap3A_20 = vector.shape_cast %swap3A_19 : vector<16xf32> to vector<16xf32>
    %swap3A_21 = vector.shape_cast %broadcast_in_dim3A_17 : vector<16xf32> to vector<16xf32>
    tpu.vector_store %arg10[%swap3A_18], %swap3A_21 {strides = array<i32>} : memref<128xf32, #tpu.memory_space<vmem>>, vector<16xf32>,
    %broadcast_in_dim3A_22 = arith.constant 1.000000e+00 : f32
    %broadcast_in_dim3A_23 = vector.broadcast %broadcast_in_dim3A_22 : f32 to vector<16xf32>
    %swap3A_24 = arith.constant 48 : index
    %swap3A_25 = tpu.vector_load %arg10[%swap3A_24] {strides = array<i32>} : memref<128xf32, #tpu.memory_space<vmem>>, vector<16xf32>,
    %swap3A_26 = vector.shape_cast %swap3A_25 : vector<16xf32> to vector<16xf32>
    %swap3A_27 = vector.shape_cast %broadcast_in_dim3A_23 : vector<16xf32> to vector<16xf32>
    tpu.vector_store %arg10[%swap3A_24], %swap3A_27 {strides = array<i32>} : memref<128xf32, #tpu.memory_space<vmem>>, vector<16xf32>,
    %broadcast_in_dim3A_28 = arith.constant 1.000000e+00 : f32
    %broadcast_in_dim3A_29 = vector.broadcast %broadcast_in_dim3A_28 : f32 to vector<16xf32>
    %swap3A_30 = arith.constant 64 : index
    %swap3A_31 = tpu.vector_load %arg10[%swap3A_30] {strides = array<i32>} : memref<128xf32, #tpu.memory_space<vmem>>, vector<16xf32>,
    %swap3A_32 = vector.shape_cast %swap3A_31 : vector<16xf32> to vector<16xf32>
    %swap3A_33 = vector.shape_cast %broadcast_in_dim3A_29 : vector<16xf32> to vector<16xf32>
    tpu.vector_store %arg10[%swap3A_30], %swap3A_33 {strides = array<i32>} : memref<128xf32, #tpu.memory_space<vmem>>, vector<16xf32>,
    %broadcast_in_dim3A_34 = arith.constant 1.000000e+00 : f32
    %broadcast_in_dim3A_35 = vector.broadcast %broadcast_in_dim3A_34 : f32 to vector<16xf32>
    %swap3A_36 = arith.constant 80 : index
    %swap3A_37 = tpu.vector_load %arg10[%swap3A_36] {strides = array<i32>} : memref<128xf32, #tpu.memory_space<vmem>>, vector<16xf32>,
    %swap3A_38 = vector.shape_cast %swap3A_37 : vector<16xf32> to vector<16xf32>
    %swap3A_39 = vector.shape_cast %broadcast_in_dim3A_35 : vector<16xf32> to vector<16xf32>
    tpu.vector_store %arg10[%swap3A_36], %swap3A_39 {strides = array<i32>} : memref<128xf32, #tpu.memory_space<vmem>>, vector<16xf32>,
    %broadcast_in_dim3A_40 = arith.constant 1.000000e+00 : f32
    %broadcast_in_dim3A_41 = vector.broadcast %broadcast_in_dim3A_40 : f32 to vector<16xf32>
    %swap3A_42 = arith.constant 96 : index
    %swap3A_43 = tpu.vector_load %arg10[%swap3A_42] {strides = array<i32>} : memref<128xf32, #tpu.memory_space<vmem>>, vector<16xf32>,
    %swap3A_44 = vector.shape_cast %swap3A_43 : vector<16xf32> to vector<16xf32>
    %swap3A_45 = vector.shape_cast %broadcast_in_dim3A_41 : vector<16xf32> to vector<16xf32>
    tpu.vector_store %arg10[%swap3A_42], %swap3A_45 {strides = array<i32>} : memref<128xf32, #tpu.memory_space<vmem>>, vector<16xf32>,
    %broadcast_in_dim3A_46 = arith.constant 1.000000e+00 : f32
    %broadcast_in_dim3A_47 = vector.broadcast %broadcast_in_dim3A_46 : f32 to vector<16xf32>
    %swap3A_48 = arith.constant 112 : index
    %swap3A_49 = tpu.vector_load %arg10[%swap3A_48] {strides = array<i32>} : memref<128xf32, #tpu.memory_space<vmem>>, vector<16xf32>,
    %swap3A_50 = vector.shape_cast %swap3A_49 : vector<16xf32> to vector<16xf32>
    %swap3A_51 = vector.shape_cast %broadcast_in_dim3A_47 : vector<16xf32> to vector<16xf32>
    tpu.vector_store %arg10[%swap3A_48], %swap3A_51 {strides = array<i32>} : memref<128xf32, #tpu.memory_space<vmem>>, vector<16xf32>,
    "tpu.trace_stop"() : () -> ()
    %dma_wait3A = tpu.memref_slice %arg2[%mul3A_0] : memref<262144xi32, #tpu.memory_space<hbm>> -> memref<16384xi32, #tpu.memory_space<hbm>>
    %dma_wait3A_52 = tpu.memref_slice %arg2[%mul3A_0] : memref<262144xi32, #tpu.memory_space<hbm>> -> memref<16384xi32, #tpu.memory_space<hbm>>
    tpu.wait_dma2 semaphore(%arg12 : memref<!tpu.dma_semaphore, #tpu.memory_space<semaphore_mem>>) src(%dma_wait3A_52 : memref<16384xi32, #tpu.memory_space<hbm>>) dst(%arg5 : memref<16384xi32, #tpu.memory_space<vmem>>)
    %dma_wait3A_53 = tpu.memref_slice %arg3[%mul3A_0] : memref<262144xi32, #tpu.memory_space<hbm>> -> memref<16384xi32, #tpu.memory_space<hbm>>
    %dma_wait3A_54 = tpu.memref_slice %arg3[%mul3A_0] : memref<262144xi32, #tpu.memory_space<hbm>> -> memref<16384xi32, #tpu.memory_space<hbm>>
    tpu.wait_dma2 semaphore(%arg12 : memref<!tpu.dma_semaphore, #tpu.memory_space<semaphore_mem>>) src(%dma_wait3A_54 : memref<16384xi32, #tpu.memory_space<hbm>>) dst(%arg6 : memref<16384xi32, #tpu.memory_space<vmem>>)
    %parallel_loop3A_55 = arith.constant 0 : i32
    %parallel_loop3A_56 = arith.constant 16384 : i32
    %parallel_loop3A_57 = arith.constant 16 : i32
    "tpu.trace_start"() <{level = 10 : i32, message = "pack"}> : () -> ()
    scf.for %parallel_loop3A_285 = %parallel_loop3A_55 to %parallel_loop3A_56 step %parallel_loop3A_57  : i32 {
      %parallel_loop3A_286 = arith.index_cast %parallel_loop3A_285 : i32 to index
      %parallel_loop3A_287 = tpu.vector_load %arg5[%parallel_loop3A_286] {strides = array<i32>} : memref<16384xi32, #tpu.memory_space<vmem>>, vector<16xi32>,
      %parallel_loop3A_288 = vector.shape_cast %parallel_loop3A_287 : vector<16xi32> to vector<16xi32>
      %parallel_loop3A_289 = arith.index_cast %parallel_loop3A_285 : i32 to index
      %parallel_loop3A_290 = tpu.vector_load %arg6[%parallel_loop3A_289] {strides = array<i32>} : memref<16384xi32, #tpu.memory_space<vmem>>, vector<16xi32>,
      %parallel_loop3A_291 = vector.shape_cast %parallel_loop3A_290 : vector<16xi32> to vector<16xi32>
      %parallel_loop3A_292 = arith.constant 10 : i32
      %parallel_loop3A_293 = vector.broadcast %parallel_loop3A_292 : i32 to vector<16xi32>
      %parallel_loop3A_294 = arith.shrui %parallel_loop3A_288, %parallel_loop3A_293 : vector<16xi32>
      %parallel_loop3A_295 = arith.constant 1023 : i32
      %parallel_loop3A_296 = vector.broadcast %parallel_loop3A_295 : i32 to vector<16xi32>
      %parallel_loop3A_297 = arith.andi %parallel_loop3A_288, %parallel_loop3A_296 : vector<16xi32>
      %parallel_loop3A_298 = arith.constant 10 : i32
      %parallel_loop3A_299 = vector.broadcast %parallel_loop3A_298 : i32 to vector<16xi32>
      %parallel_loop3A_300 = arith.shli %parallel_loop3A_297, %parallel_loop3A_299 : vector<16xi32>
      %parallel_loop3A_301 = arith.constant 1023 : i32
      %parallel_loop3A_302 = vector.broadcast %parallel_loop3A_301 : i32 to vector<16xi32>
      %parallel_loop3A_303 = arith.andi %parallel_loop3A_291, %parallel_loop3A_302 : vector<16xi32>
      %parallel_loop3A_304 = arith.addi %parallel_loop3A_300, %parallel_loop3A_303 : vector<16xi32>
      %parallel_loop3A_305 = arith.constant 20 : i32
      %parallel_loop3A_306 = vector.broadcast %parallel_loop3A_305 : i32 to vector<16xi32>
      %parallel_loop3A_307 = arith.shli %parallel_loop3A_294, %parallel_loop3A_306 : vector<16xi32>
      %parallel_loop3A_308 = arith.ori %parallel_loop3A_307, %parallel_loop3A_304 : vector<16xi32>
      %parallel_loop3A_309 = arith.index_cast %parallel_loop3A_285 : i32 to index
      %parallel_loop3A_310 = tpu.vector_load %arg8[%parallel_loop3A_309] {strides = array<i32>} : memref<16384xi32, #tpu.memory_space<vmem>>, vector<16xi32>,
      %parallel_loop3A_311 = vector.shape_cast %parallel_loop3A_310 : vector<16xi32> to vector<16xi32>
      %parallel_loop3A_312 = vector.shape_cast %parallel_loop3A_308 : vector<16xi32> to vector<16xi32>
      tpu.vector_store %arg8[%parallel_loop3A_309], %parallel_loop3A_312 {strides = array<i32>} : memref<16384xi32, #tpu.memory_space<vmem>>, vector<16xi32>,
    } {sc.loop_unroll_factor = 8 : i64, sc.parallel_access}
    "tpu.trace_stop"() : () -> ()
    %mul3A_58 = arith.constant 16 : i32
    %mul3A_59 = arith.muli %arg1, %mul3A_58 : i32
    %add3A = arith.constant 524288 : i32
    %add3A_60 = arith.addi %add3A, %mul3A_59 : i32
    %iota3A = tpu.iota {dimensions = array<i32: 0>} : vector<16xi32>
    %add3A_61 = vector.broadcast %add3A_60 : i32 to vector<16xi32>
    %add3A_62 = arith.addi %add3A_61, %iota3A : vector<16xi32>
    %mul3A_63 = arith.constant 2 : i32
    %mul3A_64 = arith.muli %arg0, %mul3A_63 : i32
    %add3A_65 = arith.constant 4 : i32
    %add3A_66 = arith.addi %add3A_65, %mul3A_64 : i32
    %add3A_67 = arith.constant 0 : i32
    %add3A_68 = arith.addi %add3A_66, %add3A_67 : i32
    %mul3A_69 = arith.constant 2 : i32
    %mul3A_70 = arith.muli %add3A_68, %mul3A_69 : i32
    %add3A_71 = arith.constant 0 : i32
    %add3A_72 = arith.addi %mul3A_70, %add3A_71 : i32
    "tpu.trace_start"() <{level = 10 : i32, message = "zero_fire"}> : () -> ()
    %mul3A_73 = arith.constant 32768 : i32
    %mul3A_74 = arith.muli %arg1, %mul3A_73 : i32
    %add3A_75 = arith.constant 0 : i32
    %add3A_76 = arith.addi %mul3A_74, %add3A_75 : i32
    %dma_start3A_77 = tpu.memref_slice %arg11[%add3A_76] : memref<524800xf32, #tpu.memory_space<vmem_shared>> -> memref<16384xf32, #tpu.memory_space<vmem_shared>>
    %dma_start3A_78 = tpu.memref_slice %arg11[%add3A_76] : memref<524800xf32, #tpu.memory_space<vmem_shared>> -> memref<16384xf32, #tpu.memory_space<vmem_shared>>
    tpu.enqueue_dma source(%arg9 : memref<16384xf32, #tpu.memory_space<vmem>>) target(%dma_start3A_78 : memref<16384xf32, #tpu.memory_space<vmem_shared>>) target_semaphore(%arg13 : memref<!tpu.dma_semaphore, #tpu.memory_space<semaphore_mem>>)
    %mul3A_79 = arith.constant 32768 : i32
    %mul3A_80 = arith.muli %arg1, %mul3A_79 : i32
    %add3A_81 = arith.constant 16384 : i32
    %add3A_82 = arith.addi %mul3A_80, %add3A_81 : i32
    %dma_start3A_83 = tpu.memref_slice %arg11[%add3A_82] : memref<524800xf32, #tpu.memory_space<vmem_shared>> -> memref<16384xf32, #tpu.memory_space<vmem_shared>>
    %dma_start3A_84 = tpu.memref_slice %arg11[%add3A_82] : memref<524800xf32, #tpu.memory_space<vmem_shared>> -> memref<16384xf32, #tpu.memory_space<vmem_shared>>
    tpu.enqueue_dma source(%arg9 : memref<16384xf32, #tpu.memory_space<vmem>>) target(%dma_start3A_84 : memref<16384xf32, #tpu.memory_space<vmem_shared>>) target_semaphore(%arg13 : memref<!tpu.dma_semaphore, #tpu.memory_space<semaphore_mem>>)
    %parallel_loop3A_85 = arith.constant 0 : i32
    %parallel_loop3A_86 = arith.constant 16384 : i32
    %parallel_loop3A_87 = arith.constant 16 : i32
    "tpu.trace_stop"() : () -> ()
    "tpu.trace_start"() <{level = 10 : i32, message = "idx_compute"}> : () -> ()
    scf.for %parallel_loop3A_285 = %parallel_loop3A_85 to %parallel_loop3A_86 step %parallel_loop3A_87  : i32 {
      %parallel_loop3A_286 = arith.index_cast %parallel_loop3A_285 : i32 to index
      %parallel_loop3A_287 = tpu.vector_load %arg8[%parallel_loop3A_286] {strides = array<i32>} : memref<16384xi32, #tpu.memory_space<vmem>>, vector<16xi32>,
      %parallel_loop3A_288 = vector.shape_cast %parallel_loop3A_287 : vector<16xi32> to vector<16xi32>
      %parallel_loop3A_289 = arith.constant 19 : i32
      %parallel_loop3A_290 = vector.broadcast %parallel_loop3A_289 : i32 to vector<16xi32>
      %parallel_loop3A_291 = arith.shrui %parallel_loop3A_288, %parallel_loop3A_290 : vector<16xi32>
      %parallel_loop3A_292 = vector.broadcast %add3A_72 : i32 to vector<16xi32>
      %parallel_loop3A_293 = arith.cmpi eq, %parallel_loop3A_291, %parallel_loop3A_292 : vector<16xi32>
      %parallel_loop3A_294 = arith.constant 524287 : i32
      %parallel_loop3A_295 = vector.broadcast %parallel_loop3A_294 : i32 to vector<16xi32>
      %parallel_loop3A_296 = arith.andi %parallel_loop3A_288, %parallel_loop3A_295 : vector<16xi32>
      %parallel_loop3A_297 = arith.select %parallel_loop3A_293, %parallel_loop3A_296, %add3A_62 : vector<16xi1>, vector<16xi32>
      %parallel_loop3A_298 = arith.constant 128 : i32
      %parallel_loop3A_299 = arith.divsi %parallel_loop3A_285, %parallel_loop3A_298 : i32
      %parallel_loop3A_300 = arith.constant 128 : i32
      %parallel_loop3A_301 = arith.remsi %parallel_loop3A_285, %parallel_loop3A_300 : i32
      %parallel_loop3A_302 = arith.index_cast %parallel_loop3A_299 : i32 to index
      %parallel_loop3A_303 = arith.index_cast %parallel_loop3A_301 : i32 to index
      %parallel_loop3A_304 = tpu.vector_load %arg7[%parallel_loop3A_302, %parallel_loop3A_303] {strides = array<i32>} : memref<128x128xi32, #tpu.memory_space<vmem>>, vector<1x16xi32>,
      %parallel_loop3A_305 = vector.shape_cast %parallel_loop3A_304 : vector<1x16xi32> to vector<16xi32>
      %parallel_loop3A_306 = vector.shape_cast %parallel_loop3A_297 : vector<16xi32> to vector<1x16xi32>
      tpu.vector_store %arg7[%parallel_loop3A_302, %parallel_loop3A_303], %parallel_loop3A_306 {strides = array<i32>} : memref<128x128xi32, #tpu.memory_space<vmem>>, vector<1x16xi32>,
    } {sc.loop_unroll_factor = 8 : i64, sc.parallel_access}
    "tpu.trace_stop"() : () -> ()
    "tpu.trace_start"() <{level = 10 : i32, message = "zero_drain"}> : () -> ()
    %dma_wait3A_88 = tpu.memref_slice %arg11[%add3A_76] : memref<524800xf32, #tpu.memory_space<vmem_shared>> -> memref<16384xf32, #tpu.memory_space<vmem_shared>>
    %dma_wait3A_89 = tpu.memref_slice %arg11[%add3A_76] : memref<524800xf32, #tpu.memory_space<vmem_shared>> -> memref<16384xf32, #tpu.memory_space<vmem_shared>>
    tpu.wait_dma2 semaphore(%arg13 : memref<!tpu.dma_semaphore, #tpu.memory_space<semaphore_mem>>) src(%arg9 : memref<16384xf32, #tpu.memory_space<vmem>>) dst(%dma_wait3A_89 : memref<16384xf32, #tpu.memory_space<vmem_shared>>)
    %dma_wait3A_90 = tpu.memref_slice %arg11[%add3A_82] : memref<524800xf32, #tpu.memory_space<vmem_shared>> -> memref<16384xf32, #tpu.memory_space<vmem_shared>>
    %dma_wait3A_91 = tpu.memref_slice %arg11[%add3A_82] : memref<524800xf32, #tpu.memory_space<vmem_shared>> -> memref<16384xf32, #tpu.memory_space<vmem_shared>>
    tpu.wait_dma2 semaphore(%arg13 : memref<!tpu.dma_semaphore, #tpu.memory_space<semaphore_mem>>) src(%arg9 : memref<16384xf32, #tpu.memory_space<vmem>>) dst(%dma_wait3A_91 : memref<16384xf32, #tpu.memory_space<vmem_shared>>)
    "tpu.trace_stop"() : () -> ()
    %barrier3A = arith.constant 0 : index
    tpu.barrier barrier_id(%barrier3A)
    %parallel_loop3A_92 = arith.constant 0 : i32
    %parallel_loop3A_93 = arith.constant 128 : i32
    %parallel_loop3A_94 = arith.constant 1 : i32
    "tpu.trace_start"() <{level = 10 : i32, message = "scatter"}> : () -> ()
    scf.for %parallel_loop3A_285 = %parallel_loop3A_92 to %parallel_loop3A_93 step %parallel_loop3A_94  : i32 {
      %parallel_loop3A_286 = arith.constant 0 : i32
      %parallel_loop3A_287 = tpu.memref_slice %arg7[%parallel_loop3A_285, %parallel_loop3A_286] : memref<128x128xi32, #tpu.memory_space<vmem>> -> memref<1x128xi32, #tpu.memory_space<vmem>>
      %parallel_loop3A_288 = tpu.memref_squeeze %parallel_loop3A_287 : memref<1x128xi32, #tpu.memory_space<vmem>> -> memref<128xi32, #tpu.memory_space<vmem>>
      %parallel_loop3A_289 = arith.constant 0 : i32
      %parallel_loop3A_290 = tpu.memref_slice %arg11[%parallel_loop3A_289] : memref<524800xf32, #tpu.memory_space<vmem_shared>> -> memref<524800xf32, #tpu.memory_space<vmem_shared>>
      tpu.enqueue_indirect_dma source(%arg10 : memref<128xf32, #tpu.memory_space<vmem>>) target(%parallel_loop3A_290 : memref<524800xf32, #tpu.memory_space<vmem_shared>>) offsets(%parallel_loop3A_288 : memref<128xi32, #tpu.memory_space<vmem>>) semaphore(%arg14 : memref<!tpu.dma_semaphore, #tpu.memory_space<semaphore_mem>>)
    } {sc.loop_unroll_factor = 8 : i64, sc.parallel_access}
    %dma_wait3A_95 = arith.constant 0 : i32
    %dma_wait3A_96 = tpu.memref_slice %arg4[%dma_wait3A_95] : memref<4194304xf32, #tpu.memory_space<hbm>> -> memref<16384xf32, #tpu.memory_space<hbm>>
    %dma_wait3A_97 = arith.constant 0 : i32
    %dma_wait3A_98 = tpu.memref_slice %arg4[%dma_wait3A_97] : memref<4194304xf32, #tpu.memory_space<hbm>> -> memref<16384xf32, #tpu.memory_space<hbm>>
    tpu.wait_dma2 semaphore(%arg14 : memref<!tpu.dma_semaphore, #tpu.memory_space<semaphore_mem>>) src(%dma_wait3A_98 : memref<16384xf32, #tpu.memory_space<hbm>>) dst(%arg9 : memref<16384xf32, #tpu.memory_space<vmem>>)
    "tpu.trace_stop"() : () -> ()
    %barrier3A_99 = arith.constant 0 : index
    tpu.barrier barrier_id(%barrier3A_99)
    "tpu.trace_start"() <{level = 10 : i32, message = "copy_out"}> : () -> ()
    %mul3A_100 = arith.constant 32768 : i32
    %mul3A_101 = arith.muli %arg1, %mul3A_100 : i32
    %sub3A = arith.constant 4 : i32
    %sub3A_102 = arith.subi %add3A_68, %sub3A : i32
    %mul3A_103 = arith.constant 1048576 : i32
    %mul3A_104 = arith.muli %sub3A_102, %mul3A_103 : i32
    %add3A_105 = arith.constant 0 : i32
    %add3A_106 = arith.addi %mul3A_104, %add3A_105 : i32
    %mul3A_107 = arith.constant 32768 : i32
    %mul3A_108 = arith.muli %arg1, %mul3A_107 : i32
    %add3A_109 = arith.addi %add3A_106, %mul3A_108 : i32
    %dma_start3A_110 = tpu.memref_slice %arg4[%add3A_109] : memref<4194304xf32, #tpu.memory_space<hbm>> -> memref<32768xf32, #tpu.memory_space<hbm>>
    %dma_start3A_111 = tpu.memref_slice %arg11[%mul3A_101] : memref<524800xf32, #tpu.memory_space<vmem_shared>> -> memref<32768xf32, #tpu.memory_space<vmem_shared>>
    tpu.enqueue_dma source(%dma_start3A_111 : memref<32768xf32, #tpu.memory_space<vmem_shared>>) target(%dma_start3A_110 : memref<32768xf32, #tpu.memory_space<hbm>>) target_semaphore(%arg15 : memref<!tpu.dma_semaphore, #tpu.memory_space<semaphore_mem>>)
    "tpu.trace_stop"() : () -> ()
    %mul3A_112 = arith.constant 2 : i32
    %mul3A_113 = arith.muli %arg0, %mul3A_112 : i32
    %add3A_114 = arith.constant 4 : i32
    %add3A_115 = arith.addi %add3A_114, %mul3A_113 : i32
    %add3A_116 = arith.constant 0 : i32
    %add3A_117 = arith.addi %add3A_115, %add3A_116 : i32
    %mul3A_118 = arith.constant 2 : i32
    %mul3A_119 = arith.muli %add3A_117, %mul3A_118 : i32
    %add3A_120 = arith.constant 1 : i32
    %add3A_121 = arith.addi %mul3A_119, %add3A_120 : i32
    "tpu.trace_start"() <{level = 10 : i32, message = "copy_wait"}> : () -> ()
    %mul3A_122 = arith.constant 32768 : i32
    %mul3A_123 = arith.muli %arg1, %mul3A_122 : i32
    %dma_wait3A_124 = arith.constant 0 : i32
    %dma_wait3A_125 = tpu.memref_slice %arg4[%dma_wait3A_124] : memref<4194304xf32, #tpu.memory_space<hbm>> -> memref<32768xf32, #tpu.memory_space<hbm>>
    %dma_wait3A_126 = tpu.memref_slice %arg11[%mul3A_123] : memref<524800xf32, #tpu.memory_space<vmem_shared>> -> memref<32768xf32, #tpu.memory_space<vmem_shared>>
    tpu.wait_dma2 semaphore(%arg15 : memref<!tpu.dma_semaphore, #tpu.memory_space<semaphore_mem>>) src(%dma_wait3A_126 : memref<32768xf32, #tpu.memory_space<vmem_shared>>) dst(%dma_wait3A_125 : memref<32768xf32, #tpu.memory_space<hbm>>)
    "tpu.trace_stop"() : () -> ()
    "tpu.trace_start"() <{level = 10 : i32, message = "zero_fire"}> : () -> ()
    %mul3A_127 = arith.constant 32768 : i32
    %mul3A_128 = arith.muli %arg1, %mul3A_127 : i32
    %add3A_129 = arith.constant 0 : i32
    %add3A_130 = arith.addi %mul3A_128, %add3A_129 : i32
    %dma_start3A_131 = tpu.memref_slice %arg11[%add3A_130] : memref<524800xf32, #tpu.memory_space<vmem_shared>> -> memref<16384xf32, #tpu.memory_space<vmem_shared>>
    %dma_start3A_132 = tpu.memref_slice %arg11[%add3A_130] : memref<524800xf32, #tpu.memory_space<vmem_shared>> -> memref<16384xf32, #tpu.memory_space<vmem_shared>>
    tpu.enqueue_dma source(%arg9 : memref<16384xf32, #tpu.memory_space<vmem>>) target(%dma_start3A_132 : memref<16384xf32, #tpu.memory_space<vmem_shared>>) target_semaphore(%arg13 : memref<!tpu.dma_semaphore, #tpu.memory_space<semaphore_mem>>)
    %mul3A_133 = arith.constant 32768 : i32
    %mul3A_134 = arith.muli %arg1, %mul3A_133 : i32
    %add3A_135 = arith.constant 16384 : i32
    %add3A_136 = arith.addi %mul3A_134, %add3A_135 : i32
    %dma_start3A_137 = tpu.memref_slice %arg11[%add3A_136] : memref<524800xf32, #tpu.memory_space<vmem_shared>> -> memref<16384xf32, #tpu.memory_space<vmem_shared>>
    %dma_start3A_138 = tpu.memref_slice %arg11[%add3A_136] : memref<524800xf32, #tpu.memory_space<vmem_shared>> -> memref<16384xf32, #tpu.memory_space<vmem_shared>>
    tpu.enqueue_dma source(%arg9 : memref<16384xf32, #tpu.memory_space<vmem>>) target(%dma_start3A_138 : memref<16384xf32, #tpu.memory_space<vmem_shared>>) target_semaphore(%arg13 : memref<!tpu.dma_semaphore, #tpu.memory_space<semaphore_mem>>)
    %parallel_loop3A_139 = arith.constant 0 : i32
    %parallel_loop3A_140 = arith.constant 16384 : i32
    %parallel_loop3A_141 = arith.constant 16 : i32
    "tpu.trace_stop"() : () -> ()
    "tpu.trace_start"() <{level = 10 : i32, message = "idx_compute"}> : () -> ()
    scf.for %parallel_loop3A_285 = %parallel_loop3A_139 to %parallel_loop3A_140 step %parallel_loop3A_141  : i32 {
      %parallel_loop3A_286 = arith.index_cast %parallel_loop3A_285 : i32 to index
      %parallel_loop3A_287 = tpu.vector_load %arg8[%parallel_loop3A_286] {strides = array<i32>} : memref<16384xi32, #tpu.memory_space<vmem>>, vector<16xi32>,
      %parallel_loop3A_288 = vector.shape_cast %parallel_loop3A_287 : vector<16xi32> to vector<16xi32>
      %parallel_loop3A_289 = arith.constant 19 : i32
      %parallel_loop3A_290 = vector.broadcast %parallel_loop3A_289 : i32 to vector<16xi32>
      %parallel_loop3A_291 = arith.shrui %parallel_loop3A_288, %parallel_loop3A_290 : vector<16xi32>
      %parallel_loop3A_292 = vector.broadcast %add3A_121 : i32 to vector<16xi32>
      %parallel_loop3A_293 = arith.cmpi eq, %parallel_loop3A_291, %parallel_loop3A_292 : vector<16xi32>
      %parallel_loop3A_294 = arith.constant 524287 : i32
      %parallel_loop3A_295 = vector.broadcast %parallel_loop3A_294 : i32 to vector<16xi32>
      %parallel_loop3A_296 = arith.andi %parallel_loop3A_288, %parallel_loop3A_295 : vector<16xi32>
      %parallel_loop3A_297 = arith.select %parallel_loop3A_293, %parallel_loop3A_296, %add3A_62 : vector<16xi1>, vector<16xi32>
      %parallel_loop3A_298 = arith.constant 128 : i32
      %parallel_loop3A_299 = arith.divsi %parallel_loop3A_285, %parallel_loop3A_298 : i32
      %parallel_loop3A_300 = arith.constant 128 : i32
      %parallel_loop3A_301 = arith.remsi %parallel_loop3A_285, %parallel_loop3A_300 : i32
      %parallel_loop3A_302 = arith.index_cast %parallel_loop3A_299 : i32 to index
      %parallel_loop3A_303 = arith.index_cast %parallel_loop3A_301 : i32 to index
      %parallel_loop3A_304 = tpu.vector_load %arg7[%parallel_loop3A_302, %parallel_loop3A_303] {strides = array<i32>} : memref<128x128xi32, #tpu.memory_space<vmem>>, vector<1x16xi32>,
      %parallel_loop3A_305 = vector.shape_cast %parallel_loop3A_304 : vector<1x16xi32> to vector<16xi32>
      %parallel_loop3A_306 = vector.shape_cast %parallel_loop3A_297 : vector<16xi32> to vector<1x16xi32>
      tpu.vector_store %arg7[%parallel_loop3A_302, %parallel_loop3A_303], %parallel_loop3A_306 {strides = array<i32>} : memref<128x128xi32, #tpu.memory_space<vmem>>, vector<1x16xi32>,
    } {sc.loop_unroll_factor = 8 : i64, sc.parallel_access}
    "tpu.trace_stop"() : () -> ()
    "tpu.trace_start"() <{level = 10 : i32, message = "zero_drain"}> : () -> ()
    %dma_wait3A_142 = tpu.memref_slice %arg11[%add3A_130] : memref<524800xf32, #tpu.memory_space<vmem_shared>> -> memref<16384xf32, #tpu.memory_space<vmem_shared>>
    %dma_wait3A_143 = tpu.memref_slice %arg11[%add3A_130] : memref<524800xf32, #tpu.memory_space<vmem_shared>> -> memref<16384xf32, #tpu.memory_space<vmem_shared>>
    tpu.wait_dma2 semaphore(%arg13 : memref<!tpu.dma_semaphore, #tpu.memory_space<semaphore_mem>>) src(%arg9 : memref<16384xf32, #tpu.memory_space<vmem>>) dst(%dma_wait3A_143 : memref<16384xf32, #tpu.memory_space<vmem_shared>>)
    %dma_wait3A_144 = tpu.memref_slice %arg11[%add3A_136] : memref<524800xf32, #tpu.memory_space<vmem_shared>> -> memref<16384xf32, #tpu.memory_space<vmem_shared>>
    %dma_wait3A_145 = tpu.memref_slice %arg11[%add3A_136] : memref<524800xf32, #tpu.memory_space<vmem_shared>> -> memref<16384xf32, #tpu.memory_space<vmem_shared>>
    tpu.wait_dma2 semaphore(%arg13 : memref<!tpu.dma_semaphore, #tpu.memory_space<semaphore_mem>>) src(%arg9 : memref<16384xf32, #tpu.memory_space<vmem>>) dst(%dma_wait3A_145 : memref<16384xf32, #tpu.memory_space<vmem_shared>>)
    "tpu.trace_stop"() : () -> ()
    %barrier3A_146 = arith.constant 0 : index
    tpu.barrier barrier_id(%barrier3A_146)
    %parallel_loop3A_147 = arith.constant 0 : i32
    %parallel_loop3A_148 = arith.constant 128 : i32
    %parallel_loop3A_149 = arith.constant 1 : i32
    "tpu.trace_start"() <{level = 10 : i32, message = "scatter"}> : () -> ()
    scf.for %parallel_loop3A_285 = %parallel_loop3A_147 to %parallel_loop3A_148 step %parallel_loop3A_149  : i32 {
      %parallel_loop3A_286 = arith.constant 0 : i32
      %parallel_loop3A_287 = tpu.memref_slice %arg7[%parallel_loop3A_285, %parallel_loop3A_286] : memref<128x128xi32, #tpu.memory_space<vmem>> -> memref<1x128xi32, #tpu.memory_space<vmem>>
      %parallel_loop3A_288 = tpu.memref_squeeze %parallel_loop3A_287 : memref<1x128xi32, #tpu.memory_space<vmem>> -> memref<128xi32, #tpu.memory_space<vmem>>
      %parallel_loop3A_289 = arith.constant 0 : i32
      %parallel_loop3A_290 = tpu.memref_slice %arg11[%parallel_loop3A_289] : memref<524800xf32, #tpu.memory_space<vmem_shared>> -> memref<524800xf32, #tpu.memory_space<vmem_shared>>
      tpu.enqueue_indirect_dma source(%arg10 : memref<128xf32, #tpu.memory_space<vmem>>) target(%parallel_loop3A_290 : memref<524800xf32, #tpu.memory_space<vmem_shared>>) offsets(%parallel_loop3A_288 : memref<128xi32, #tpu.memory_space<vmem>>) semaphore(%arg14 : memref<!tpu.dma_semaphore, #tpu.memory_space<semaphore_mem>>)
    } {sc.loop_unroll_factor = 8 : i64, sc.parallel_access}
    %dma_wait3A_150 = arith.constant 0 : i32
    %dma_wait3A_151 = tpu.memref_slice %arg4[%dma_wait3A_150] : memref<4194304xf32, #tpu.memory_space<hbm>> -> memref<16384xf32, #tpu.memory_space<hbm>>
    %dma_wait3A_152 = arith.constant 0 : i32
    %dma_wait3A_153 = tpu.memref_slice %arg4[%dma_wait3A_152] : memref<4194304xf32, #tpu.memory_space<hbm>> -> memref<16384xf32, #tpu.memory_space<hbm>>
    tpu.wait_dma2 semaphore(%arg14 : memref<!tpu.dma_semaphore, #tpu.memory_space<semaphore_mem>>) src(%dma_wait3A_153 : memref<16384xf32, #tpu.memory_space<hbm>>) dst(%arg9 : memref<16384xf32, #tpu.memory_space<vmem>>)
    "tpu.trace_stop"() : () -> ()
    %barrier3A_154 = arith.constant 0 : index
    tpu.barrier barrier_id(%barrier3A_154)
    "tpu.trace_start"() <{level = 10 : i32, message = "copy_out"}> : () -> ()
    %mul3A_155 = arith.constant 32768 : i32
    %mul3A_156 = arith.muli %arg1, %mul3A_155 : i32
    %sub3A_157 = arith.constant 4 : i32
    %sub3A_158 = arith.subi %add3A_117, %sub3A_157 : i32
    %mul3A_159 = arith.constant 1048576 : i32
    %mul3A_160 = arith.muli %sub3A_158, %mul3A_159 : i32
    %add3A_161 = arith.constant 524288 : i32
    %add3A_162 = arith.addi %mul3A_160, %add3A_161 : i32
    %mul3A_163 = arith.constant 32768 : i32
    %mul3A_164 = arith.muli %arg1, %mul3A_163 : i32
    %add3A_165 = arith.addi %add3A_162, %mul3A_164 : i32
    %dma_start3A_166 = tpu.memref_slice %arg4[%add3A_165] : memref<4194304xf32, #tpu.memory_space<hbm>> -> memref<32768xf32, #tpu.memory_space<hbm>>
    %dma_start3A_167 = tpu.memref_slice %arg11[%mul3A_156] : memref<524800xf32, #tpu.memory_space<vmem_shared>> -> memref<32768xf32, #tpu.memory_space<vmem_shared>>
    tpu.enqueue_dma source(%dma_start3A_167 : memref<32768xf32, #tpu.memory_space<vmem_shared>>) target(%dma_start3A_166 : memref<32768xf32, #tpu.memory_space<hbm>>) target_semaphore(%arg15 : memref<!tpu.dma_semaphore, #tpu.memory_space<semaphore_mem>>)
    "tpu.trace_stop"() : () -> ()
    %mul3A_168 = arith.constant 2 : i32
    %mul3A_169 = arith.muli %arg0, %mul3A_168 : i32
    %add3A_170 = arith.constant 4 : i32
    %add3A_171 = arith.addi %add3A_170, %mul3A_169 : i32
    %add3A_172 = arith.constant 1 : i32
    %add3A_173 = arith.addi %add3A_171, %add3A_172 : i32
    %mul3A_174 = arith.constant 2 : i32
    %mul3A_175 = arith.muli %add3A_173, %mul3A_174 : i32
    %add3A_176 = arith.constant 0 : i32
    %add3A_177 = arith.addi %mul3A_175, %add3A_176 : i32
    "tpu.trace_start"() <{level = 10 : i32, message = "copy_wait"}> : () -> ()
    %mul3A_178 = arith.constant 32768 : i32
    %mul3A_179 = arith.muli %arg1, %mul3A_178 : i32
    %dma_wait3A_180 = arith.constant 0 : i32
    %dma_wait3A_181 = tpu.memref_slice %arg4[%dma_wait3A_180] : memref<4194304xf32, #tpu.memory_space<hbm>> -> memref<32768xf32, #tpu.memory_space<hbm>>
    %dma_wait3A_182 = tpu.memref_slice %arg11[%mul3A_179] : memref<524800xf32, #tpu.memory_space<vmem_shared>> -> memref<32768xf32, #tpu.memory_space<vmem_shared>>
    tpu.wait_dma2 semaphore(%arg15 : memref<!tpu.dma_semaphore, #tpu.memory_space<semaphore_mem>>) src(%dma_wait3A_182 : memref<32768xf32, #tpu.memory_space<vmem_shared>>) dst(%dma_wait3A_181 : memref<32768xf32, #tpu.memory_space<hbm>>)
    "tpu.trace_stop"() : () -> ()
    "tpu.trace_start"() <{level = 10 : i32, message = "zero_fire"}> : () -> ()
    %mul3A_183 = arith.constant 32768 : i32
    %mul3A_184 = arith.muli %arg1, %mul3A_183 : i32
    %add3A_185 = arith.constant 0 : i32
    %add3A_186 = arith.addi %mul3A_184, %add3A_185 : i32
    %dma_start3A_187 = tpu.memref_slice %arg11[%add3A_186] : memref<524800xf32, #tpu.memory_space<vmem_shared>> -> memref<16384xf32, #tpu.memory_space<vmem_shared>>
    %dma_start3A_188 = tpu.memref_slice %arg11[%add3A_186] : memref<524800xf32, #tpu.memory_space<vmem_shared>> -> memref<16384xf32, #tpu.memory_space<vmem_shared>>
    tpu.enqueue_dma source(%arg9 : memref<16384xf32, #tpu.memory_space<vmem>>) target(%dma_start3A_188 : memref<16384xf32, #tpu.memory_space<vmem_shared>>) target_semaphore(%arg13 : memref<!tpu.dma_semaphore, #tpu.memory_space<semaphore_mem>>)
    %mul3A_189 = arith.constant 32768 : i32
    %mul3A_190 = arith.muli %arg1, %mul3A_189 : i32
    %add3A_191 = arith.constant 16384 : i32
    %add3A_192 = arith.addi %mul3A_190, %add3A_191 : i32
    %dma_start3A_193 = tpu.memref_slice %arg11[%add3A_192] : memref<524800xf32, #tpu.memory_space<vmem_shared>> -> memref<16384xf32, #tpu.memory_space<vmem_shared>>
    %dma_start3A_194 = tpu.memref_slice %arg11[%add3A_192] : memref<524800xf32, #tpu.memory_space<vmem_shared>> -> memref<16384xf32, #tpu.memory_space<vmem_shared>>
    tpu.enqueue_dma source(%arg9 : memref<16384xf32, #tpu.memory_space<vmem>>) target(%dma_start3A_194 : memref<16384xf32, #tpu.memory_space<vmem_shared>>) target_semaphore(%arg13 : memref<!tpu.dma_semaphore, #tpu.memory_space<semaphore_mem>>)
    %parallel_loop3A_195 = arith.constant 0 : i32
    %parallel_loop3A_196 = arith.constant 16384 : i32
    %parallel_loop3A_197 = arith.constant 16 : i32
    "tpu.trace_stop"() : () -> ()
    "tpu.trace_start"() <{level = 10 : i32, message = "idx_compute"}> : () -> ()
    scf.for %parallel_loop3A_285 = %parallel_loop3A_195 to %parallel_loop3A_196 step %parallel_loop3A_197  : i32 {
      %parallel_loop3A_286 = arith.index_cast %parallel_loop3A_285 : i32 to index
      %parallel_loop3A_287 = tpu.vector_load %arg8[%parallel_loop3A_286] {strides = array<i32>} : memref<16384xi32, #tpu.memory_space<vmem>>, vector<16xi32>,
      %parallel_loop3A_288 = vector.shape_cast %parallel_loop3A_287 : vector<16xi32> to vector<16xi32>
      %parallel_loop3A_289 = arith.constant 19 : i32
      %parallel_loop3A_290 = vector.broadcast %parallel_loop3A_289 : i32 to vector<16xi32>
      %parallel_loop3A_291 = arith.shrui %parallel_loop3A_288, %parallel_loop3A_290 : vector<16xi32>
      %parallel_loop3A_292 = vector.broadcast %add3A_177 : i32 to vector<16xi32>
      %parallel_loop3A_293 = arith.cmpi eq, %parallel_loop3A_291, %parallel_loop3A_292 : vector<16xi32>
      %parallel_loop3A_294 = arith.constant 524287 : i32
      %parallel_loop3A_295 = vector.broadcast %parallel_loop3A_294 : i32 to vector<16xi32>
      %parallel_loop3A_296 = arith.andi %parallel_loop3A_288, %parallel_loop3A_295 : vector<16xi32>
      %parallel_loop3A_297 = arith.select %parallel_loop3A_293, %parallel_loop3A_296, %add3A_62 : vector<16xi1>, vector<16xi32>
      %parallel_loop3A_298 = arith.constant 128 : i32
      %parallel_loop3A_299 = arith.divsi %parallel_loop3A_285, %parallel_loop3A_298 : i32
      %parallel_loop3A_300 = arith.constant 128 : i32
      %parallel_loop3A_301 = arith.remsi %parallel_loop3A_285, %parallel_loop3A_300 : i32
      %parallel_loop3A_302 = arith.index_cast %parallel_loop3A_299 : i32 to index
      %parallel_loop3A_303 = arith.index_cast %parallel_loop3A_301 : i32 to index
      %parallel_loop3A_304 = tpu.vector_load %arg7[%parallel_loop3A_302, %parallel_loop3A_303] {strides = array<i32>} : memref<128x128xi32, #tpu.memory_space<vmem>>, vector<1x16xi32>,
      %parallel_loop3A_305 = vector.shape_cast %parallel_loop3A_304 : vector<1x16xi32> to vector<16xi32>
      %parallel_loop3A_306 = vector.shape_cast %parallel_loop3A_297 : vector<16xi32> to vector<1x16xi32>
      tpu.vector_store %arg7[%parallel_loop3A_302, %parallel_loop3A_303], %parallel_loop3A_306 {strides = array<i32>} : memref<128x128xi32, #tpu.memory_space<vmem>>, vector<1x16xi32>,
    } {sc.loop_unroll_factor = 8 : i64, sc.parallel_access}
    "tpu.trace_stop"() : () -> ()
    "tpu.trace_start"() <{level = 10 : i32, message = "zero_drain"}> : () -> ()
    %dma_wait3A_198 = tpu.memref_slice %arg11[%add3A_186] : memref<524800xf32, #tpu.memory_space<vmem_shared>> -> memref<16384xf32, #tpu.memory_space<vmem_shared>>
    %dma_wait3A_199 = tpu.memref_slice %arg11[%add3A_186] : memref<524800xf32, #tpu.memory_space<vmem_shared>> -> memref<16384xf32, #tpu.memory_space<vmem_shared>>
    tpu.wait_dma2 semaphore(%arg13 : memref<!tpu.dma_semaphore, #tpu.memory_space<semaphore_mem>>) src(%arg9 : memref<16384xf32, #tpu.memory_space<vmem>>) dst(%dma_wait3A_199 : memref<16384xf32, #tpu.memory_space<vmem_shared>>)
    %dma_wait3A_200 = tpu.memref_slice %arg11[%add3A_192] : memref<524800xf32, #tpu.memory_space<vmem_shared>> -> memref<16384xf32, #tpu.memory_space<vmem_shared>>
    %dma_wait3A_201 = tpu.memref_slice %arg11[%add3A_192] : memref<524800xf32, #tpu.memory_space<vmem_shared>> -> memref<16384xf32, #tpu.memory_space<vmem_shared>>
    tpu.wait_dma2 semaphore(%arg13 : memref<!tpu.dma_semaphore, #tpu.memory_space<semaphore_mem>>) src(%arg9 : memref<16384xf32, #tpu.memory_space<vmem>>) dst(%dma_wait3A_201 : memref<16384xf32, #tpu.memory_space<vmem_shared>>)
    "tpu.trace_stop"() : () -> ()
    %barrier3A_202 = arith.constant 0 : index
    tpu.barrier barrier_id(%barrier3A_202)
    %parallel_loop3A_203 = arith.constant 0 : i32
    %parallel_loop3A_204 = arith.constant 128 : i32
    %parallel_loop3A_205 = arith.constant 1 : i32
    "tpu.trace_start"() <{level = 10 : i32, message = "scatter"}> : () -> ()
    scf.for %parallel_loop3A_285 = %parallel_loop3A_203 to %parallel_loop3A_204 step %parallel_loop3A_205  : i32 {
      %parallel_loop3A_286 = arith.constant 0 : i32
      %parallel_loop3A_287 = tpu.memref_slice %arg7[%parallel_loop3A_285, %parallel_loop3A_286] : memref<128x128xi32, #tpu.memory_space<vmem>> -> memref<1x128xi32, #tpu.memory_space<vmem>>
      %parallel_loop3A_288 = tpu.memref_squeeze %parallel_loop3A_287 : memref<1x128xi32, #tpu.memory_space<vmem>> -> memref<128xi32, #tpu.memory_space<vmem>>
      %parallel_loop3A_289 = arith.constant 0 : i32
      %parallel_loop3A_290 = tpu.memref_slice %arg11[%parallel_loop3A_289] : memref<524800xf32, #tpu.memory_space<vmem_shared>> -> memref<524800xf32, #tpu.memory_space<vmem_shared>>
      tpu.enqueue_indirect_dma source(%arg10 : memref<128xf32, #tpu.memory_space<vmem>>) target(%parallel_loop3A_290 : memref<524800xf32, #tpu.memory_space<vmem_shared>>) offsets(%parallel_loop3A_288 : memref<128xi32, #tpu.memory_space<vmem>>) semaphore(%arg14 : memref<!tpu.dma_semaphore, #tpu.memory_space<semaphore_mem>>)
    } {sc.loop_unroll_factor = 8 : i64, sc.parallel_access}
    %dma_wait3A_206 = arith.constant 0 : i32
    %dma_wait3A_207 = tpu.memref_slice %arg4[%dma_wait3A_206] : memref<4194304xf32, #tpu.memory_space<hbm>> -> memref<16384xf32, #tpu.memory_space<hbm>>
    %dma_wait3A_208 = arith.constant 0 : i32
    %dma_wait3A_209 = tpu.memref_slice %arg4[%dma_wait3A_208] : memref<4194304xf32, #tpu.memory_space<hbm>> -> memref<16384xf32, #tpu.memory_space<hbm>>
    tpu.wait_dma2 semaphore(%arg14 : memref<!tpu.dma_semaphore, #tpu.memory_space<semaphore_mem>>) src(%dma_wait3A_209 : memref<16384xf32, #tpu.memory_space<hbm>>) dst(%arg9 : memref<16384xf32, #tpu.memory_space<vmem>>)
    "tpu.trace_stop"() : () -> ()
    %barrier3A_210 = arith.constant 0 : index
    tpu.barrier barrier_id(%barrier3A_210)
    "tpu.trace_start"() <{level = 10 : i32, message = "copy_out"}> : () -> ()
    %mul3A_211 = arith.constant 32768 : i32
    %mul3A_212 = arith.muli %arg1, %mul3A_211 : i32
    %sub3A_213 = arith.constant 4 : i32
    %sub3A_214 = arith.subi %add3A_173, %sub3A_213 : i32
    %mul3A_215 = arith.constant 1048576 : i32
    %mul3A_216 = arith.muli %sub3A_214, %mul3A_215 : i32
    %add3A_217 = arith.constant 0 : i32
    %add3A_218 = arith.addi %mul3A_216, %add3A_217 : i32
    %mul3A_219 = arith.constant 32768 : i32
    %mul3A_220 = arith.muli %arg1, %mul3A_219 : i32
    %add3A_221 = arith.addi %add3A_218, %mul3A_220 : i32
    %dma_start3A_222 = tpu.memref_slice %arg4[%add3A_221] : memref<4194304xf32, #tpu.memory_space<hbm>> -> memref<32768xf32, #tpu.memory_space<hbm>>
    %dma_start3A_223 = tpu.memref_slice %arg11[%mul3A_212] : memref<524800xf32, #tpu.memory_space<vmem_shared>> -> memref<32768xf32, #tpu.memory_space<vmem_shared>>
    tpu.enqueue_dma source(%dma_start3A_223 : memref<32768xf32, #tpu.memory_space<vmem_shared>>) target(%dma_start3A_222 : memref<32768xf32, #tpu.memory_space<hbm>>) target_semaphore(%arg15 : memref<!tpu.dma_semaphore, #tpu.memory_space<semaphore_mem>>)
    "tpu.trace_stop"() : () -> ()
    %mul3A_224 = arith.constant 2 : i32
    %mul3A_225 = arith.muli %arg0, %mul3A_224 : i32
    %add3A_226 = arith.constant 4 : i32
    %add3A_227 = arith.addi %add3A_226, %mul3A_225 : i32
    %add3A_228 = arith.constant 1 : i32
    %add3A_229 = arith.addi %add3A_227, %add3A_228 : i32
    %mul3A_230 = arith.constant 2 : i32
    %mul3A_231 = arith.muli %add3A_229, %mul3A_230 : i32
    %add3A_232 = arith.constant 1 : i32
    %add3A_233 = arith.addi %mul3A_231, %add3A_232 : i32
    "tpu.trace_start"() <{level = 10 : i32, message = "copy_wait"}> : () -> ()
    %mul3A_234 = arith.constant 32768 : i32
    %mul3A_235 = arith.muli %arg1, %mul3A_234 : i32
    %dma_wait3A_236 = arith.constant 0 : i32
    %dma_wait3A_237 = tpu.memref_slice %arg4[%dma_wait3A_236] : memref<4194304xf32, #tpu.memory_space<hbm>> -> memref<32768xf32, #tpu.memory_space<hbm>>
    %dma_wait3A_238 = tpu.memref_slice %arg11[%mul3A_235] : memref<524800xf32, #tpu.memory_space<vmem_shared>> -> memref<32768xf32, #tpu.memory_space<vmem_shared>>
    tpu.wait_dma2 semaphore(%arg15 : memref<!tpu.dma_semaphore, #tpu.memory_space<semaphore_mem>>) src(%dma_wait3A_238 : memref<32768xf32, #tpu.memory_space<vmem_shared>>) dst(%dma_wait3A_237 : memref<32768xf32, #tpu.memory_space<hbm>>)
    "tpu.trace_stop"() : () -> ()
    "tpu.trace_start"() <{level = 10 : i32, message = "zero_fire"}> : () -> ()
    %mul3A_239 = arith.constant 32768 : i32
    %mul3A_240 = arith.muli %arg1, %mul3A_239 : i32
    %add3A_241 = arith.constant 0 : i32
    %add3A_242 = arith.addi %mul3A_240, %add3A_241 : i32
    %dma_start3A_243 = tpu.memref_slice %arg11[%add3A_242] : memref<524800xf32, #tpu.memory_space<vmem_shared>> -> memref<16384xf32, #tpu.memory_space<vmem_shared>>
    %dma_start3A_244 = tpu.memref_slice %arg11[%add3A_242] : memref<524800xf32, #tpu.memory_space<vmem_shared>> -> memref<16384xf32, #tpu.memory_space<vmem_shared>>
    tpu.enqueue_dma source(%arg9 : memref<16384xf32, #tpu.memory_space<vmem>>) target(%dma_start3A_244 : memref<16384xf32, #tpu.memory_space<vmem_shared>>) target_semaphore(%arg13 : memref<!tpu.dma_semaphore, #tpu.memory_space<semaphore_mem>>)
    %mul3A_245 = arith.constant 32768 : i32
    %mul3A_246 = arith.muli %arg1, %mul3A_245 : i32
    %add3A_247 = arith.constant 16384 : i32
    %add3A_248 = arith.addi %mul3A_246, %add3A_247 : i32
    %dma_start3A_249 = tpu.memref_slice %arg11[%add3A_248] : memref<524800xf32, #tpu.memory_space<vmem_shared>> -> memref<16384xf32, #tpu.memory_space<vmem_shared>>
    %dma_start3A_250 = tpu.memref_slice %arg11[%add3A_248] : memref<524800xf32, #tpu.memory_space<vmem_shared>> -> memref<16384xf32, #tpu.memory_space<vmem_shared>>
    tpu.enqueue_dma source(%arg9 : memref<16384xf32, #tpu.memory_space<vmem>>) target(%dma_start3A_250 : memref<16384xf32, #tpu.memory_space<vmem_shared>>) target_semaphore(%arg13 : memref<!tpu.dma_semaphore, #tpu.memory_space<semaphore_mem>>)
    %parallel_loop3A_251 = arith.constant 0 : i32
    %parallel_loop3A_252 = arith.constant 16384 : i32
    %parallel_loop3A_253 = arith.constant 16 : i32
    "tpu.trace_stop"() : () -> ()
    "tpu.trace_start"() <{level = 10 : i32, message = "idx_compute"}> : () -> ()
    scf.for %parallel_loop3A_285 = %parallel_loop3A_251 to %parallel_loop3A_252 step %parallel_loop3A_253  : i32 {
      %parallel_loop3A_286 = arith.index_cast %parallel_loop3A_285 : i32 to index
      %parallel_loop3A_287 = tpu.vector_load %arg8[%parallel_loop3A_286] {strides = array<i32>} : memref<16384xi32, #tpu.memory_space<vmem>>, vector<16xi32>,
      %parallel_loop3A_288 = vector.shape_cast %parallel_loop3A_287 : vector<16xi32> to vector<16xi32>
      %parallel_loop3A_289 = arith.constant 19 : i32
      %parallel_loop3A_290 = vector.broadcast %parallel_loop3A_289 : i32 to vector<16xi32>
      %parallel_loop3A_291 = arith.shrui %parallel_loop3A_288, %parallel_loop3A_290 : vector<16xi32>
      %parallel_loop3A_292 = vector.broadcast %add3A_233 : i32 to vector<16xi32>
      %parallel_loop3A_293 = arith.cmpi eq, %parallel_loop3A_291, %parallel_loop3A_292 : vector<16xi32>
      %parallel_loop3A_294 = arith.constant 524287 : i32
      %parallel_loop3A_295 = vector.broadcast %parallel_loop3A_294 : i32 to vector<16xi32>
      %parallel_loop3A_296 = arith.andi %parallel_loop3A_288, %parallel_loop3A_295 : vector<16xi32>
      %parallel_loop3A_297 = arith.select %parallel_loop3A_293, %parallel_loop3A_296, %add3A_62 : vector<16xi1>, vector<16xi32>
      %parallel_loop3A_298 = arith.constant 128 : i32
      %parallel_loop3A_299 = arith.divsi %parallel_loop3A_285, %parallel_loop3A_298 : i32
      %parallel_loop3A_300 = arith.constant 128 : i32
      %parallel_loop3A_301 = arith.remsi %parallel_loop3A_285, %parallel_loop3A_300 : i32
      %parallel_loop3A_302 = arith.index_cast %parallel_loop3A_299 : i32 to index
      %parallel_loop3A_303 = arith.index_cast %parallel_loop3A_301 : i32 to index
      %parallel_loop3A_304 = tpu.vector_load %arg7[%parallel_loop3A_302, %parallel_loop3A_303] {strides = array<i32>} : memref<128x128xi32, #tpu.memory_space<vmem>>, vector<1x16xi32>,
      %parallel_loop3A_305 = vector.shape_cast %parallel_loop3A_304 : vector<1x16xi32> to vector<16xi32>
      %parallel_loop3A_306 = vector.shape_cast %parallel_loop3A_297 : vector<16xi32> to vector<1x16xi32>
      tpu.vector_store %arg7[%parallel_loop3A_302, %parallel_loop3A_303], %parallel_loop3A_306 {strides = array<i32>} : memref<128x128xi32, #tpu.memory_space<vmem>>, vector<1x16xi32>,
    } {sc.loop_unroll_factor = 8 : i64, sc.parallel_access}
    "tpu.trace_stop"() : () -> ()
    "tpu.trace_start"() <{level = 10 : i32, message = "zero_drain"}> : () -> ()
    %dma_wait3A_254 = tpu.memref_slice %arg11[%add3A_242] : memref<524800xf32, #tpu.memory_space<vmem_shared>> -> memref<16384xf32, #tpu.memory_space<vmem_shared>>
    %dma_wait3A_255 = tpu.memref_slice %arg11[%add3A_242] : memref<524800xf32, #tpu.memory_space<vmem_shared>> -> memref<16384xf32, #tpu.memory_space<vmem_shared>>
    tpu.wait_dma2 semaphore(%arg13 : memref<!tpu.dma_semaphore, #tpu.memory_space<semaphore_mem>>) src(%arg9 : memref<16384xf32, #tpu.memory_space<vmem>>) dst(%dma_wait3A_255 : memref<16384xf32, #tpu.memory_space<vmem_shared>>)
    %dma_wait3A_256 = tpu.memref_slice %arg11[%add3A_248] : memref<524800xf32, #tpu.memory_space<vmem_shared>> -> memref<16384xf32, #tpu.memory_space<vmem_shared>>
    %dma_wait3A_257 = tpu.memref_slice %arg11[%add3A_248] : memref<524800xf32, #tpu.memory_space<vmem_shared>> -> memref<16384xf32, #tpu.memory_space<vmem_shared>>
    tpu.wait_dma2 semaphore(%arg13 : memref<!tpu.dma_semaphore, #tpu.memory_space<semaphore_mem>>) src(%arg9 : memref<16384xf32, #tpu.memory_space<vmem>>) dst(%dma_wait3A_257 : memref<16384xf32, #tpu.memory_space<vmem_shared>>)
    "tpu.trace_stop"() : () -> ()
    %barrier3A_258 = arith.constant 0 : index
    tpu.barrier barrier_id(%barrier3A_258)
    %parallel_loop3A_259 = arith.constant 0 : i32
    %parallel_loop3A_260 = arith.constant 128 : i32
    %parallel_loop3A_261 = arith.constant 1 : i32
    "tpu.trace_start"() <{level = 10 : i32, message = "scatter"}> : () -> ()
    scf.for %parallel_loop3A_285 = %parallel_loop3A_259 to %parallel_loop3A_260 step %parallel_loop3A_261  : i32 {
      %parallel_loop3A_286 = arith.constant 0 : i32
      %parallel_loop3A_287 = tpu.memref_slice %arg7[%parallel_loop3A_285, %parallel_loop3A_286] : memref<128x128xi32, #tpu.memory_space<vmem>> -> memref<1x128xi32, #tpu.memory_space<vmem>>
      %parallel_loop3A_288 = tpu.memref_squeeze %parallel_loop3A_287 : memref<1x128xi32, #tpu.memory_space<vmem>> -> memref<128xi32, #tpu.memory_space<vmem>>
      %parallel_loop3A_289 = arith.constant 0 : i32
      %parallel_loop3A_290 = tpu.memref_slice %arg11[%parallel_loop3A_289] : memref<524800xf32, #tpu.memory_space<vmem_shared>> -> memref<524800xf32, #tpu.memory_space<vmem_shared>>
      tpu.enqueue_indirect_dma source(%arg10 : memref<128xf32, #tpu.memory_space<vmem>>) target(%parallel_loop3A_290 : memref<524800xf32, #tpu.memory_space<vmem_shared>>) offsets(%parallel_loop3A_288 : memref<128xi32, #tpu.memory_space<vmem>>) semaphore(%arg14 : memref<!tpu.dma_semaphore, #tpu.memory_space<semaphore_mem>>)
    } {sc.loop_unroll_factor = 8 : i64, sc.parallel_access}
    %dma_wait3A_262 = arith.constant 0 : i32
    %dma_wait3A_263 = tpu.memref_slice %arg4[%dma_wait3A_262] : memref<4194304xf32, #tpu.memory_space<hbm>> -> memref<16384xf32, #tpu.memory_space<hbm>>
    %dma_wait3A_264 = arith.constant 0 : i32
    %dma_wait3A_265 = tpu.memref_slice %arg4[%dma_wait3A_264] : memref<4194304xf32, #tpu.memory_space<hbm>> -> memref<16384xf32, #tpu.memory_space<hbm>>
    tpu.wait_dma2 semaphore(%arg14 : memref<!tpu.dma_semaphore, #tpu.memory_space<semaphore_mem>>) src(%dma_wait3A_265 : memref<16384xf32, #tpu.memory_space<hbm>>) dst(%arg9 : memref<16384xf32, #tpu.memory_space<vmem>>)
    "tpu.trace_stop"() : () -> ()
    %barrier3A_266 = arith.constant 0 : index
    tpu.barrier barrier_id(%barrier3A_266)
    "tpu.trace_start"() <{level = 10 : i32, message = "copy_out"}> : () -> ()
    %mul3A_267 = arith.constant 32768 : i32
    %mul3A_268 = arith.muli %arg1, %mul3A_267 : i32
    %sub3A_269 = arith.constant 4 : i32
    %sub3A_270 = arith.subi %add3A_229, %sub3A_269 : i32
    %mul3A_271 = arith.constant 1048576 : i32
    %mul3A_272 = arith.muli %sub3A_270, %mul3A_271 : i32
    %add3A_273 = arith.constant 524288 : i32
    %add3A_274 = arith.addi %mul3A_272, %add3A_273 : i32
    %mul3A_275 = arith.constant 32768 : i32
    %mul3A_276 = arith.muli %arg1, %mul3A_275 : i32
    %add3A_277 = arith.addi %add3A_274, %mul3A_276 : i32
    %dma_start3A_278 = tpu.memref_slice %arg4[%add3A_277] : memref<4194304xf32, #tpu.memory_space<hbm>> -> memref<32768xf32, #tpu.memory_space<hbm>>
    %dma_start3A_279 = tpu.memref_slice %arg11[%mul3A_268] : memref<524800xf32, #tpu.memory_space<vmem_shared>> -> memref<32768xf32, #tpu.memory_space<vmem_shared>>
    tpu.enqueue_dma source(%dma_start3A_279 : memref<32768xf32, #tpu.memory_space<vmem_shared>>) target(%dma_start3A_278 : memref<32768xf32, #tpu.memory_space<hbm>>) target_semaphore(%arg15 : memref<!tpu.dma_semaphore, #tpu.memory_space<semaphore_mem>>)
    "tpu.trace_stop"() : () -> ()
    "tpu.trace_start"() <{level = 10 : i32, message = "final_wait"}> : () -> ()
    %mul3A_280 = arith.constant 32768 : i32
    %mul3A_281 = arith.muli %arg1, %mul3A_280 : i32
    %dma_wait3A_282 = arith.constant 0 : i32
    %dma_wait3A_283 = tpu.memref_slice %arg4[%dma_wait3A_282] : memref<4194304xf32, #tpu.memory_space<hbm>> -> memref<32768xf32, #tpu.memory_space<hbm>>
    %dma_wait3A_284 = tpu.memref_slice %arg11[%mul3A_281] : memref<524800xf32, #tpu.memory_space<vmem_shared>> -> memref<32768xf32, #tpu.memory_space<vmem_shared>>
    tpu.wait_dma2 semaphore(%arg15 : memref<!tpu.dma_semaphore, #tpu.memory_space<semaphore_mem>>) src(%dma_wait3A_284 : memref<32768xf32, #tpu.memory_space<vmem_shared>>) dst(%dma_wait3A_283 : memref<32768xf32, #tpu.memory_space<hbm>>)
    "tpu.trace_stop"() : () -> ()
    return
  }
}

#map = affine_map<(d0, d1) -> (0)>
module attributes {stable_mosaic.version = 14 : i64} {
  func.func @_body(%arg0: i32, %arg1: i32, %arg2: memref<262144xi32, #tpu.memory_space<hbm>>, %arg3: memref<262144xi32, #tpu.memory_space<hbm>>, %arg4: memref<4194304xf32, #tpu.memory_space<hbm>>, %arg5: memref<16384xi32, #tpu.memory_space<vmem>>, %arg6: memref<16384xi32, #tpu.memory_space<vmem>>, %arg7: memref<128x128xi32, #tpu.memory_space<vmem>>, %arg8: memref<16384xi32, #tpu.memory_space<vmem>>, %arg9: memref<16384xf32, #tpu.memory_space<vmem>>, %arg10: memref<128xf32, #tpu.memory_space<vmem>>, %arg11: memref<524800xf32, #tpu.memory_space<vmem_shared>>, %arg12: memref<!tpu.dma_semaphore, #tpu.memory_space<semaphore_mem>>, %arg13: memref<!tpu.dma_semaphore, #tpu.memory_space<semaphore_mem>>, %arg14: memref<!tpu.dma_semaphore, #tpu.memory_space<semaphore_mem>>, %arg15: memref<!tpu.dma_semaphore, #tpu.memory_space<semaphore_mem>>) attributes {dimension_semantics = [#tpu.dimension_semantics<core_parallel>, #tpu.dimension_semantics<subcore_parallel>], iteration_bounds = array<i64: 2, 16>, scalar_prefetch = 0 : i64, scratch_operands = 11 : i64, tpu.core_type = #tpu.core_type<sc_vector_subcore>, window_params = [{transform_indices = #map}, {transform_indices = #map}, {transform_indices = #map}]} {
    %mul3A = arith.constant 16384 : i32
    %mul3A_0 = arith.muli %arg1, %mul3A : i32
    %dma_start3A = tpu.memref_slice %arg2[%mul3A_0] : memref<262144xi32, #tpu.memory_space<hbm>> -> memref<16384xi32, #tpu.memory_space<hbm>>
    %dma_start3A_1 = tpu.memref_slice %arg2[%mul3A_0] : memref<262144xi32, #tpu.memory_space<hbm>> -> memref<16384xi32, #tpu.memory_space<hbm>>
    tpu.enqueue_dma source(%dma_start3A_1 : memref<16384xi32, #tpu.memory_space<hbm>>) target(%arg5 : memref<16384xi32, #tpu.memory_space<vmem>>) target_semaphore(%arg12 : memref<!tpu.dma_semaphore, #tpu.memory_space<semaphore_mem>>)
    %dma_start3A_2 = tpu.memref_slice %arg3[%mul3A_0] : memref<262144xi32, #tpu.memory_space<hbm>> -> memref<16384xi32, #tpu.memory_space<hbm>>
    %dma_start3A_3 = tpu.memref_slice %arg3[%mul3A_0] : memref<262144xi32, #tpu.memory_space<hbm>> -> memref<16384xi32, #tpu.memory_space<hbm>>
    tpu.enqueue_dma source(%dma_start3A_3 : memref<16384xi32, #tpu.memory_space<hbm>>) target(%arg6 : memref<16384xi32, #tpu.memory_space<vmem>>) target_semaphore(%arg12 : memref<!tpu.dma_semaphore, #tpu.memory_space<semaphore_mem>>)
    %parallel_loop3A = arith.constant 0 : i32
    %parallel_loop3A_4 = arith.constant 16384 : i32
    %parallel_loop3A_5 = arith.constant 16 : i32
    "tpu.trace_start"() <{level = 10 : i32, message = "zfill"}> : () -> ()
    scf.for %parallel_loop3A_285 = %parallel_loop3A to %parallel_loop3A_4 step %parallel_loop3A_5  : i32 {
      %parallel_loop3A_286 = arith.constant 0.000000e+00 : f32
      %parallel_loop3A_287 = vector.broadcast %parallel_loop3A_286 : f32 to vector<16xf32>
      %parallel_loop3A_288 = arith.index_cast %parallel_loop3A_285 : i32 to index
      %parallel_loop3A_289 = tpu.vector_load %arg9[%parallel_loop3A_288] {strides = array<i32>} : memref<16384xf32, #tpu.memory_space<vmem>>, vector<16xf32>,
      %parallel_loop3A_290 = vector.shape_cast %parallel_loop3A_289 : vector<16xf32> to vector<16xf32>
      %parallel_loop3A_291 = vector.shape_cast %parallel_loop3A_287 : vector<16xf32> to vector<16xf32>
      tpu.vector_store %arg9[%parallel_loop3A_288], %parallel_loop3A_291 {strides = array<i32>} : memref<16384xf32, #tpu.memory_space<vmem>>, vector<16xf32>,
    } {sc.loop_unroll_factor = 8 : i64, sc.parallel_access}
    %broadcast_in_dim3A = arith.constant 1.000000e+00 : f32
    %broadcast_in_dim3A_6 = vector.broadcast %broadcast_in_dim3A : f32 to vector<16xf32>
    %swap3A = arith.constant 0 : index
    %swap3A_7 = tpu.vector_load %arg10[%swap3A] {strides = array<i32>} : memref<128xf32, #tpu.memory_space<vmem>>, vector<16xf32>,
    %swap3A_8 = vector.shape_cast %swap3A_7 : vector<16xf32> to vector<16xf32>
    %swap3A_9 = vector.shape_cast %broadcast_in_dim3A_6 : vector<16xf32> to vector<16xf32>
    tpu.vector_store %arg10[%swap3A], %swap3A_9 {strides = array<i32>} : memref<128xf32, #tpu.memory_space<vmem>>, vector<16xf32>,
    %broadcast_in_dim3A_10 = arith.constant 1.000000e+00 : f32
    %broadcast_in_dim3A_11 = vector.broadcast %broadcast_in_dim3A_10 : f32 to vector<16xf32>
    %swap3A_12 = arith.constant 16 : index
    %swap3A_13 = tpu.vector_load %arg10[%swap3A_12] {strides = array<i32>} : memref<128xf32, #tpu.memory_space<vmem>>, vector<16xf32>,
    %swap3A_14 = vector.shape_cast %swap3A_13 : vector<16xf32> to vector<16xf32>
    %swap3A_15 = vector.shape_cast %broadcast_in_dim3A_11 : vector<16xf32> to vector<16xf32>
    tpu.vector_store %arg10[%swap3A_12], %swap3A_15 {strides = array<i32>} : memref<128xf32, #tpu.memory_space<vmem>>, vector<16xf32>,
    %broadcast_in_dim3A_16 = arith.constant 1.000000e+00 : f32
    %broadcast_in_dim3A_17 = vector.broadcast %broadcast_in_dim3A_16 : f32 to vector<16xf32>
    %swap3A_18 = arith.constant 32 : index
    %swap3A_19 = tpu.vector_load %arg10[%swap3A_18] {strides = array<i32>} : memref<128xf32, #tpu.memory_space<vmem>>, vector<16xf32>,
    %swap3A_20 = vector.shape_cast %swap3A_19 : vector<16xf32> to vector<16xf32>
    %swap3A_21 = vector.shape_cast %broadcast_in_dim3A_17 : vector<16xf32> to vector<16xf32>
    tpu.vector_store %arg10[%swap3A_18], %swap3A_21 {strides = array<i32>} : memref<128xf32, #tpu.memory_space<vmem>>, vector<16xf32>,
    %broadcast_in_dim3A_22 = arith.constant 1.000000e+00 : f32
    %broadcast_in_dim3A_23 = vector.broadcast %broadcast_in_dim3A_22 : f32 to vector<16xf32>
    %swap3A_24 = arith.constant 48 : index
    %swap3A_25 = tpu.vector_load %arg10[%swap3A_24] {strides = array<i32>} : memref<128xf32, #tpu.memory_space<vmem>>, vector<16xf32>,
    %swap3A_26 = vector.shape_cast %swap3A_25 : vector<16xf32> to vector<16xf32>
    %swap3A_27 = vector.shape_cast %broadcast_in_dim3A_23 : vector<16xf32> to vector<16xf32>
    tpu.vector_store %arg10[%swap3A_24], %swap3A_27 {strides = array<i32>} : memref<128xf32, #tpu.memory_space<vmem>>, vector<16xf32>,
    %broadcast_in_dim3A_28 = arith.constant 1.000000e+00 : f32
    %broadcast_in_dim3A_29 = vector.broadcast %broadcast_in_dim3A_28 : f32 to vector<16xf32>
    %swap3A_30 = arith.constant 64 : index
    %swap3A_31 = tpu.vector_load %arg10[%swap3A_30] {strides = array<i32>} : memref<128xf32, #tpu.memory_space<vmem>>, vector<16xf32>,
    %swap3A_32 = vector.shape_cast %swap3A_31 : vector<16xf32> to vector<16xf32>
    %swap3A_33 = vector.shape_cast %broadcast_in_dim3A_29 : vector<16xf32> to vector<16xf32>
    tpu.vector_store %arg10[%swap3A_30], %swap3A_33 {strides = array<i32>} : memref<128xf32, #tpu.memory_space<vmem>>, vector<16xf32>,
    %broadcast_in_dim3A_34 = arith.constant 1.000000e+00 : f32
    %broadcast_in_dim3A_35 = vector.broadcast %broadcast_in_dim3A_34 : f32 to vector<16xf32>
    %swap3A_36 = arith.constant 80 : index
    %swap3A_37 = tpu.vector_load %arg10[%swap3A_36] {strides = array<i32>} : memref<128xf32, #tpu.memory_space<vmem>>, vector<16xf32>,
    %swap3A_38 = vector.shape_cast %swap3A_37 : vector<16xf32> to vector<16xf32>
    %swap3A_39 = vector.shape_cast %broadcast_in_dim3A_35 : vector<16xf32> to vector<16xf32>
    tpu.vector_store %arg10[%swap3A_36], %swap3A_39 {strides = array<i32>} : memref<128xf32, #tpu.memory_space<vmem>>, vector<16xf32>,
    %broadcast_in_dim3A_40 = arith.constant 1.000000e+00 : f32
    %broadcast_in_dim3A_41 = vector.broadcast %broadcast_in_dim3A_40 : f32 to vector<16xf32>
    %swap3A_42 = arith.constant 96 : index
    %swap3A_43 = tpu.vector_load %arg10[%swap3A_42] {strides = array<i32>} : memref<128xf32, #tpu.memory_space<vmem>>, vector<16xf32>,
    %swap3A_44 = vector.shape_cast %swap3A_43 : vector<16xf32> to vector<16xf32>
    %swap3A_45 = vector.shape_cast %broadcast_in_dim3A_41 : vector<16xf32> to vector<16xf32>
    tpu.vector_store %arg10[%swap3A_42], %swap3A_45 {strides = array<i32>} : memref<128xf32, #tpu.memory_space<vmem>>, vector<16xf32>,
    %broadcast_in_dim3A_46 = arith.constant 1.000000e+00 : f32
    %broadcast_in_dim3A_47 = vector.broadcast %broadcast_in_dim3A_46 : f32 to vector<16xf32>
    %swap3A_48 = arith.constant 112 : index
    %swap3A_49 = tpu.vector_load %arg10[%swap3A_48] {strides = array<i32>} : memref<128xf32, #tpu.memory_space<vmem>>, vector<16xf32>,
    %swap3A_50 = vector.shape_cast %swap3A_49 : vector<16xf32> to vector<16xf32>
    %swap3A_51 = vector.shape_cast %broadcast_in_dim3A_47 : vector<16xf32> to vector<16xf32>
    tpu.vector_store %arg10[%swap3A_48], %swap3A_51 {strides = array<i32>} : memref<128xf32, #tpu.memory_space<vmem>>, vector<16xf32>,
    "tpu.trace_stop"() : () -> ()
    %dma_wait3A = tpu.memref_slice %arg2[%mul3A_0] : memref<262144xi32, #tpu.memory_space<hbm>> -> memref<16384xi32, #tpu.memory_space<hbm>>
    %dma_wait3A_52 = tpu.memref_slice %arg2[%mul3A_0] : memref<262144xi32, #tpu.memory_space<hbm>> -> memref<16384xi32, #tpu.memory_space<hbm>>
    tpu.wait_dma2 semaphore(%arg12 : memref<!tpu.dma_semaphore, #tpu.memory_space<semaphore_mem>>) src(%dma_wait3A_52 : memref<16384xi32, #tpu.memory_space<hbm>>) dst(%arg5 : memref<16384xi32, #tpu.memory_space<vmem>>)
    %dma_wait3A_53 = tpu.memref_slice %arg3[%mul3A_0] : memref<262144xi32, #tpu.memory_space<hbm>> -> memref<16384xi32, #tpu.memory_space<hbm>>
    %dma_wait3A_54 = tpu.memref_slice %arg3[%mul3A_0] : memref<262144xi32, #tpu.memory_space<hbm>> -> memref<16384xi32, #tpu.memory_space<hbm>>
    tpu.wait_dma2 semaphore(%arg12 : memref<!tpu.dma_semaphore, #tpu.memory_space<semaphore_mem>>) src(%dma_wait3A_54 : memref<16384xi32, #tpu.memory_space<hbm>>) dst(%arg6 : memref<16384xi32, #tpu.memory_space<vmem>>)
    %parallel_loop3A_55 = arith.constant 0 : i32
    %parallel_loop3A_56 = arith.constant 16384 : i32
    %parallel_loop3A_57 = arith.constant 16 : i32
    "tpu.trace_start"() <{level = 10 : i32, message = "pack"}> : () -> ()
    scf.for %parallel_loop3A_285 = %parallel_loop3A_55 to %parallel_loop3A_56 step %parallel_loop3A_57  : i32 {
      %parallel_loop3A_286 = arith.index_cast %parallel_loop3A_285 : i32 to index
      %parallel_loop3A_287 = tpu.vector_load %arg5[%parallel_loop3A_286] {strides = array<i32>} : memref<16384xi32, #tpu.memory_space<vmem>>, vector<16xi32>,
      %parallel_loop3A_288 = vector.shape_cast %parallel_loop3A_287 : vector<16xi32> to vector<16xi32>
      %parallel_loop3A_289 = arith.index_cast %parallel_loop3A_285 : i32 to index
      %parallel_loop3A_290 = tpu.vector_load %arg6[%parallel_loop3A_289] {strides = array<i32>} : memref<16384xi32, #tpu.memory_space<vmem>>, vector<16xi32>,
      %parallel_loop3A_291 = vector.shape_cast %parallel_loop3A_290 : vector<16xi32> to vector<16xi32>
      %parallel_loop3A_292 = arith.constant 10 : i32
      %parallel_loop3A_293 = vector.broadcast %parallel_loop3A_292 : i32 to vector<16xi32>
      %parallel_loop3A_294 = arith.shrui %parallel_loop3A_288, %parallel_loop3A_293 : vector<16xi32>
      %parallel_loop3A_295 = arith.constant 1023 : i32
      %parallel_loop3A_296 = vector.broadcast %parallel_loop3A_295 : i32 to vector<16xi32>
      %parallel_loop3A_297 = arith.andi %parallel_loop3A_288, %parallel_loop3A_296 : vector<16xi32>
      %parallel_loop3A_298 = arith.constant 10 : i32
      %parallel_loop3A_299 = vector.broadcast %parallel_loop3A_298 : i32 to vector<16xi32>
      %parallel_loop3A_300 = arith.shli %parallel_loop3A_297, %parallel_loop3A_299 : vector<16xi32>
      %parallel_loop3A_301 = arith.constant 1023 : i32
      %parallel_loop3A_302 = vector.broadcast %parallel_loop3A_301 : i32 to vector<16xi32>
      %parallel_loop3A_303 = arith.andi %parallel_loop3A_291, %parallel_loop3A_302 : vector<16xi32>
      %parallel_loop3A_304 = arith.addi %parallel_loop3A_300, %parallel_loop3A_303 : vector<16xi32>
      %parallel_loop3A_305 = arith.constant 20 : i32
      %parallel_loop3A_306 = vector.broadcast %parallel_loop3A_305 : i32 to vector<16xi32>
      %parallel_loop3A_307 = arith.shli %parallel_loop3A_294, %parallel_loop3A_306 : vector<16xi32>
      %parallel_loop3A_308 = arith.ori %parallel_loop3A_307, %parallel_loop3A_304 : vector<16xi32>
      %parallel_loop3A_309 = arith.index_cast %parallel_loop3A_285 : i32 to index
      %parallel_loop3A_310 = tpu.vector_load %arg8[%parallel_loop3A_309] {strides = array<i32>} : memref<16384xi32, #tpu.memory_space<vmem>>, vector<16xi32>,
      %parallel_loop3A_311 = vector.shape_cast %parallel_loop3A_310 : vector<16xi32> to vector<16xi32>
      %parallel_loop3A_312 = vector.shape_cast %parallel_loop3A_308 : vector<16xi32> to vector<16xi32>
      tpu.vector_store %arg8[%parallel_loop3A_309], %parallel_loop3A_312 {strides = array<i32>} : memref<16384xi32, #tpu.memory_space<vmem>>, vector<16xi32>,
    } {sc.loop_unroll_factor = 8 : i64, sc.parallel_access}
    "tpu.trace_stop"() : () -> ()
    %mul3A_58 = arith.constant 16 : i32
    %mul3A_59 = arith.muli %arg1, %mul3A_58 : i32
    %add3A = arith.constant 524288 : i32
    %add3A_60 = arith.addi %add3A, %mul3A_59 : i32
    %iota3A = tpu.iota {dimensions = array<i32: 0>} : vector<16xi32>
    %add3A_61 = vector.broadcast %add3A_60 : i32 to vector<16xi32>
    %add3A_62 = arith.addi %add3A_61, %iota3A : vector<16xi32>
    %mul3A_63 = arith.constant 2 : i32
    %mul3A_64 = arith.muli %arg0, %mul3A_63 : i32
    %add3A_65 = arith.constant 12 : i32
    %add3A_66 = arith.addi %add3A_65, %mul3A_64 : i32
    %add3A_67 = arith.constant 0 : i32
    %add3A_68 = arith.addi %add3A_66, %add3A_67 : i32
    %mul3A_69 = arith.constant 2 : i32
    %mul3A_70 = arith.muli %add3A_68, %mul3A_69 : i32
    %add3A_71 = arith.constant 0 : i32
    %add3A_72 = arith.addi %mul3A_70, %add3A_71 : i32
    "tpu.trace_start"() <{level = 10 : i32, message = "zero_fire"}> : () -> ()
    %mul3A_73 = arith.constant 32768 : i32
    %mul3A_74 = arith.muli %arg1, %mul3A_73 : i32
    %add3A_75 = arith.constant 0 : i32
    %add3A_76 = arith.addi %mul3A_74, %add3A_75 : i32
    %dma_start3A_77 = tpu.memref_slice %arg11[%add3A_76] : memref<524800xf32, #tpu.memory_space<vmem_shared>> -> memref<16384xf32, #tpu.memory_space<vmem_shared>>
    %dma_start3A_78 = tpu.memref_slice %arg11[%add3A_76] : memref<524800xf32, #tpu.memory_space<vmem_shared>> -> memref<16384xf32, #tpu.memory_space<vmem_shared>>
    tpu.enqueue_dma source(%arg9 : memref<16384xf32, #tpu.memory_space<vmem>>) target(%dma_start3A_78 : memref<16384xf32, #tpu.memory_space<vmem_shared>>) target_semaphore(%arg13 : memref<!tpu.dma_semaphore, #tpu.memory_space<semaphore_mem>>)
    %mul3A_79 = arith.constant 32768 : i32
    %mul3A_80 = arith.muli %arg1, %mul3A_79 : i32
    %add3A_81 = arith.constant 16384 : i32
    %add3A_82 = arith.addi %mul3A_80, %add3A_81 : i32
    %dma_start3A_83 = tpu.memref_slice %arg11[%add3A_82] : memref<524800xf32, #tpu.memory_space<vmem_shared>> -> memref<16384xf32, #tpu.memory_space<vmem_shared>>
    %dma_start3A_84 = tpu.memref_slice %arg11[%add3A_82] : memref<524800xf32, #tpu.memory_space<vmem_shared>> -> memref<16384xf32, #tpu.memory_space<vmem_shared>>
    tpu.enqueue_dma source(%arg9 : memref<16384xf32, #tpu.memory_space<vmem>>) target(%dma_start3A_84 : memref<16384xf32, #tpu.memory_space<vmem_shared>>) target_semaphore(%arg13 : memref<!tpu.dma_semaphore, #tpu.memory_space<semaphore_mem>>)
    %parallel_loop3A_85 = arith.constant 0 : i32
    %parallel_loop3A_86 = arith.constant 16384 : i32
    %parallel_loop3A_87 = arith.constant 16 : i32
    "tpu.trace_stop"() : () -> ()
    "tpu.trace_start"() <{level = 10 : i32, message = "idx_compute"}> : () -> ()
    scf.for %parallel_loop3A_285 = %parallel_loop3A_85 to %parallel_loop3A_86 step %parallel_loop3A_87  : i32 {
      %parallel_loop3A_286 = arith.index_cast %parallel_loop3A_285 : i32 to index
      %parallel_loop3A_287 = tpu.vector_load %arg8[%parallel_loop3A_286] {strides = array<i32>} : memref<16384xi32, #tpu.memory_space<vmem>>, vector<16xi32>,
      %parallel_loop3A_288 = vector.shape_cast %parallel_loop3A_287 : vector<16xi32> to vector<16xi32>
      %parallel_loop3A_289 = arith.constant 19 : i32
      %parallel_loop3A_290 = vector.broadcast %parallel_loop3A_289 : i32 to vector<16xi32>
      %parallel_loop3A_291 = arith.shrui %parallel_loop3A_288, %parallel_loop3A_290 : vector<16xi32>
      %parallel_loop3A_292 = vector.broadcast %add3A_72 : i32 to vector<16xi32>
      %parallel_loop3A_293 = arith.cmpi eq, %parallel_loop3A_291, %parallel_loop3A_292 : vector<16xi32>
      %parallel_loop3A_294 = arith.constant 524287 : i32
      %parallel_loop3A_295 = vector.broadcast %parallel_loop3A_294 : i32 to vector<16xi32>
      %parallel_loop3A_296 = arith.andi %parallel_loop3A_288, %parallel_loop3A_295 : vector<16xi32>
      %parallel_loop3A_297 = arith.select %parallel_loop3A_293, %parallel_loop3A_296, %add3A_62 : vector<16xi1>, vector<16xi32>
      %parallel_loop3A_298 = arith.constant 128 : i32
      %parallel_loop3A_299 = arith.divsi %parallel_loop3A_285, %parallel_loop3A_298 : i32
      %parallel_loop3A_300 = arith.constant 128 : i32
      %parallel_loop3A_301 = arith.remsi %parallel_loop3A_285, %parallel_loop3A_300 : i32
      %parallel_loop3A_302 = arith.index_cast %parallel_loop3A_299 : i32 to index
      %parallel_loop3A_303 = arith.index_cast %parallel_loop3A_301 : i32 to index
      %parallel_loop3A_304 = tpu.vector_load %arg7[%parallel_loop3A_302, %parallel_loop3A_303] {strides = array<i32>} : memref<128x128xi32, #tpu.memory_space<vmem>>, vector<1x16xi32>,
      %parallel_loop3A_305 = vector.shape_cast %parallel_loop3A_304 : vector<1x16xi32> to vector<16xi32>
      %parallel_loop3A_306 = vector.shape_cast %parallel_loop3A_297 : vector<16xi32> to vector<1x16xi32>
      tpu.vector_store %arg7[%parallel_loop3A_302, %parallel_loop3A_303], %parallel_loop3A_306 {strides = array<i32>} : memref<128x128xi32, #tpu.memory_space<vmem>>, vector<1x16xi32>,
    } {sc.loop_unroll_factor = 8 : i64, sc.parallel_access}
    "tpu.trace_stop"() : () -> ()
    "tpu.trace_start"() <{level = 10 : i32, message = "zero_drain"}> : () -> ()
    %dma_wait3A_88 = tpu.memref_slice %arg11[%add3A_76] : memref<524800xf32, #tpu.memory_space<vmem_shared>> -> memref<16384xf32, #tpu.memory_space<vmem_shared>>
    %dma_wait3A_89 = tpu.memref_slice %arg11[%add3A_76] : memref<524800xf32, #tpu.memory_space<vmem_shared>> -> memref<16384xf32, #tpu.memory_space<vmem_shared>>
    tpu.wait_dma2 semaphore(%arg13 : memref<!tpu.dma_semaphore, #tpu.memory_space<semaphore_mem>>) src(%arg9 : memref<16384xf32, #tpu.memory_space<vmem>>) dst(%dma_wait3A_89 : memref<16384xf32, #tpu.memory_space<vmem_shared>>)
    %dma_wait3A_90 = tpu.memref_slice %arg11[%add3A_82] : memref<524800xf32, #tpu.memory_space<vmem_shared>> -> memref<16384xf32, #tpu.memory_space<vmem_shared>>
    %dma_wait3A_91 = tpu.memref_slice %arg11[%add3A_82] : memref<524800xf32, #tpu.memory_space<vmem_shared>> -> memref<16384xf32, #tpu.memory_space<vmem_shared>>
    tpu.wait_dma2 semaphore(%arg13 : memref<!tpu.dma_semaphore, #tpu.memory_space<semaphore_mem>>) src(%arg9 : memref<16384xf32, #tpu.memory_space<vmem>>) dst(%dma_wait3A_91 : memref<16384xf32, #tpu.memory_space<vmem_shared>>)
    "tpu.trace_stop"() : () -> ()
    %barrier3A = arith.constant 0 : index
    tpu.barrier barrier_id(%barrier3A)
    %parallel_loop3A_92 = arith.constant 0 : i32
    %parallel_loop3A_93 = arith.constant 128 : i32
    %parallel_loop3A_94 = arith.constant 1 : i32
    "tpu.trace_start"() <{level = 10 : i32, message = "scatter"}> : () -> ()
    scf.for %parallel_loop3A_285 = %parallel_loop3A_92 to %parallel_loop3A_93 step %parallel_loop3A_94  : i32 {
      %parallel_loop3A_286 = arith.constant 0 : i32
      %parallel_loop3A_287 = tpu.memref_slice %arg7[%parallel_loop3A_285, %parallel_loop3A_286] : memref<128x128xi32, #tpu.memory_space<vmem>> -> memref<1x128xi32, #tpu.memory_space<vmem>>
      %parallel_loop3A_288 = tpu.memref_squeeze %parallel_loop3A_287 : memref<1x128xi32, #tpu.memory_space<vmem>> -> memref<128xi32, #tpu.memory_space<vmem>>
      %parallel_loop3A_289 = arith.constant 0 : i32
      %parallel_loop3A_290 = tpu.memref_slice %arg11[%parallel_loop3A_289] : memref<524800xf32, #tpu.memory_space<vmem_shared>> -> memref<524800xf32, #tpu.memory_space<vmem_shared>>
      tpu.enqueue_indirect_dma source(%arg10 : memref<128xf32, #tpu.memory_space<vmem>>) target(%parallel_loop3A_290 : memref<524800xf32, #tpu.memory_space<vmem_shared>>) offsets(%parallel_loop3A_288 : memref<128xi32, #tpu.memory_space<vmem>>) semaphore(%arg14 : memref<!tpu.dma_semaphore, #tpu.memory_space<semaphore_mem>>)
    } {sc.loop_unroll_factor = 8 : i64, sc.parallel_access}
    %dma_wait3A_95 = arith.constant 0 : i32
    %dma_wait3A_96 = tpu.memref_slice %arg4[%dma_wait3A_95] : memref<4194304xf32, #tpu.memory_space<hbm>> -> memref<16384xf32, #tpu.memory_space<hbm>>
    %dma_wait3A_97 = arith.constant 0 : i32
    %dma_wait3A_98 = tpu.memref_slice %arg4[%dma_wait3A_97] : memref<4194304xf32, #tpu.memory_space<hbm>> -> memref<16384xf32, #tpu.memory_space<hbm>>
    tpu.wait_dma2 semaphore(%arg14 : memref<!tpu.dma_semaphore, #tpu.memory_space<semaphore_mem>>) src(%dma_wait3A_98 : memref<16384xf32, #tpu.memory_space<hbm>>) dst(%arg9 : memref<16384xf32, #tpu.memory_space<vmem>>)
    "tpu.trace_stop"() : () -> ()
    %barrier3A_99 = arith.constant 0 : index
    tpu.barrier barrier_id(%barrier3A_99)
    "tpu.trace_start"() <{level = 10 : i32, message = "copy_out"}> : () -> ()
    %mul3A_100 = arith.constant 32768 : i32
    %mul3A_101 = arith.muli %arg1, %mul3A_100 : i32
    %sub3A = arith.constant 12 : i32
    %sub3A_102 = arith.subi %add3A_68, %sub3A : i32
    %mul3A_103 = arith.constant 1048576 : i32
    %mul3A_104 = arith.muli %sub3A_102, %mul3A_103 : i32
    %add3A_105 = arith.constant 0 : i32
    %add3A_106 = arith.addi %mul3A_104, %add3A_105 : i32
    %mul3A_107 = arith.constant 32768 : i32
    %mul3A_108 = arith.muli %arg1, %mul3A_107 : i32
    %add3A_109 = arith.addi %add3A_106, %mul3A_108 : i32
    %dma_start3A_110 = tpu.memref_slice %arg4[%add3A_109] : memref<4194304xf32, #tpu.memory_space<hbm>> -> memref<32768xf32, #tpu.memory_space<hbm>>
    %dma_start3A_111 = tpu.memref_slice %arg11[%mul3A_101] : memref<524800xf32, #tpu.memory_space<vmem_shared>> -> memref<32768xf32, #tpu.memory_space<vmem_shared>>
    tpu.enqueue_dma source(%dma_start3A_111 : memref<32768xf32, #tpu.memory_space<vmem_shared>>) target(%dma_start3A_110 : memref<32768xf32, #tpu.memory_space<hbm>>) target_semaphore(%arg15 : memref<!tpu.dma_semaphore, #tpu.memory_space<semaphore_mem>>)
    "tpu.trace_stop"() : () -> ()
    %mul3A_112 = arith.constant 2 : i32
    %mul3A_113 = arith.muli %arg0, %mul3A_112 : i32
    %add3A_114 = arith.constant 12 : i32
    %add3A_115 = arith.addi %add3A_114, %mul3A_113 : i32
    %add3A_116 = arith.constant 0 : i32
    %add3A_117 = arith.addi %add3A_115, %add3A_116 : i32
    %mul3A_118 = arith.constant 2 : i32
    %mul3A_119 = arith.muli %add3A_117, %mul3A_118 : i32
    %add3A_120 = arith.constant 1 : i32
    %add3A_121 = arith.addi %mul3A_119, %add3A_120 : i32
    "tpu.trace_start"() <{level = 10 : i32, message = "copy_wait"}> : () -> ()
    %mul3A_122 = arith.constant 32768 : i32
    %mul3A_123 = arith.muli %arg1, %mul3A_122 : i32
    %dma_wait3A_124 = arith.constant 0 : i32
    %dma_wait3A_125 = tpu.memref_slice %arg4[%dma_wait3A_124] : memref<4194304xf32, #tpu.memory_space<hbm>> -> memref<32768xf32, #tpu.memory_space<hbm>>
    %dma_wait3A_126 = tpu.memref_slice %arg11[%mul3A_123] : memref<524800xf32, #tpu.memory_space<vmem_shared>> -> memref<32768xf32, #tpu.memory_space<vmem_shared>>
    tpu.wait_dma2 semaphore(%arg15 : memref<!tpu.dma_semaphore, #tpu.memory_space<semaphore_mem>>) src(%dma_wait3A_126 : memref<32768xf32, #tpu.memory_space<vmem_shared>>) dst(%dma_wait3A_125 : memref<32768xf32, #tpu.memory_space<hbm>>)
    "tpu.trace_stop"() : () -> ()
    "tpu.trace_start"() <{level = 10 : i32, message = "zero_fire"}> : () -> ()
    %mul3A_127 = arith.constant 32768 : i32
    %mul3A_128 = arith.muli %arg1, %mul3A_127 : i32
    %add3A_129 = arith.constant 0 : i32
    %add3A_130 = arith.addi %mul3A_128, %add3A_129 : i32
    %dma_start3A_131 = tpu.memref_slice %arg11[%add3A_130] : memref<524800xf32, #tpu.memory_space<vmem_shared>> -> memref<16384xf32, #tpu.memory_space<vmem_shared>>
    %dma_start3A_132 = tpu.memref_slice %arg11[%add3A_130] : memref<524800xf32, #tpu.memory_space<vmem_shared>> -> memref<16384xf32, #tpu.memory_space<vmem_shared>>
    tpu.enqueue_dma source(%arg9 : memref<16384xf32, #tpu.memory_space<vmem>>) target(%dma_start3A_132 : memref<16384xf32, #tpu.memory_space<vmem_shared>>) target_semaphore(%arg13 : memref<!tpu.dma_semaphore, #tpu.memory_space<semaphore_mem>>)
    %mul3A_133 = arith.constant 32768 : i32
    %mul3A_134 = arith.muli %arg1, %mul3A_133 : i32
    %add3A_135 = arith.constant 16384 : i32
    %add3A_136 = arith.addi %mul3A_134, %add3A_135 : i32
    %dma_start3A_137 = tpu.memref_slice %arg11[%add3A_136] : memref<524800xf32, #tpu.memory_space<vmem_shared>> -> memref<16384xf32, #tpu.memory_space<vmem_shared>>
    %dma_start3A_138 = tpu.memref_slice %arg11[%add3A_136] : memref<524800xf32, #tpu.memory_space<vmem_shared>> -> memref<16384xf32, #tpu.memory_space<vmem_shared>>
    tpu.enqueue_dma source(%arg9 : memref<16384xf32, #tpu.memory_space<vmem>>) target(%dma_start3A_138 : memref<16384xf32, #tpu.memory_space<vmem_shared>>) target_semaphore(%arg13 : memref<!tpu.dma_semaphore, #tpu.memory_space<semaphore_mem>>)
    %parallel_loop3A_139 = arith.constant 0 : i32
    %parallel_loop3A_140 = arith.constant 16384 : i32
    %parallel_loop3A_141 = arith.constant 16 : i32
    "tpu.trace_stop"() : () -> ()
    "tpu.trace_start"() <{level = 10 : i32, message = "idx_compute"}> : () -> ()
    scf.for %parallel_loop3A_285 = %parallel_loop3A_139 to %parallel_loop3A_140 step %parallel_loop3A_141  : i32 {
      %parallel_loop3A_286 = arith.index_cast %parallel_loop3A_285 : i32 to index
      %parallel_loop3A_287 = tpu.vector_load %arg8[%parallel_loop3A_286] {strides = array<i32>} : memref<16384xi32, #tpu.memory_space<vmem>>, vector<16xi32>,
      %parallel_loop3A_288 = vector.shape_cast %parallel_loop3A_287 : vector<16xi32> to vector<16xi32>
      %parallel_loop3A_289 = arith.constant 19 : i32
      %parallel_loop3A_290 = vector.broadcast %parallel_loop3A_289 : i32 to vector<16xi32>
      %parallel_loop3A_291 = arith.shrui %parallel_loop3A_288, %parallel_loop3A_290 : vector<16xi32>
      %parallel_loop3A_292 = vector.broadcast %add3A_121 : i32 to vector<16xi32>
      %parallel_loop3A_293 = arith.cmpi eq, %parallel_loop3A_291, %parallel_loop3A_292 : vector<16xi32>
      %parallel_loop3A_294 = arith.constant 524287 : i32
      %parallel_loop3A_295 = vector.broadcast %parallel_loop3A_294 : i32 to vector<16xi32>
      %parallel_loop3A_296 = arith.andi %parallel_loop3A_288, %parallel_loop3A_295 : vector<16xi32>
      %parallel_loop3A_297 = arith.select %parallel_loop3A_293, %parallel_loop3A_296, %add3A_62 : vector<16xi1>, vector<16xi32>
      %parallel_loop3A_298 = arith.constant 128 : i32
      %parallel_loop3A_299 = arith.divsi %parallel_loop3A_285, %parallel_loop3A_298 : i32
      %parallel_loop3A_300 = arith.constant 128 : i32
      %parallel_loop3A_301 = arith.remsi %parallel_loop3A_285, %parallel_loop3A_300 : i32
      %parallel_loop3A_302 = arith.index_cast %parallel_loop3A_299 : i32 to index
      %parallel_loop3A_303 = arith.index_cast %parallel_loop3A_301 : i32 to index
      %parallel_loop3A_304 = tpu.vector_load %arg7[%parallel_loop3A_302, %parallel_loop3A_303] {strides = array<i32>} : memref<128x128xi32, #tpu.memory_space<vmem>>, vector<1x16xi32>,
      %parallel_loop3A_305 = vector.shape_cast %parallel_loop3A_304 : vector<1x16xi32> to vector<16xi32>
      %parallel_loop3A_306 = vector.shape_cast %parallel_loop3A_297 : vector<16xi32> to vector<1x16xi32>
      tpu.vector_store %arg7[%parallel_loop3A_302, %parallel_loop3A_303], %parallel_loop3A_306 {strides = array<i32>} : memref<128x128xi32, #tpu.memory_space<vmem>>, vector<1x16xi32>,
    } {sc.loop_unroll_factor = 8 : i64, sc.parallel_access}
    "tpu.trace_stop"() : () -> ()
    "tpu.trace_start"() <{level = 10 : i32, message = "zero_drain"}> : () -> ()
    %dma_wait3A_142 = tpu.memref_slice %arg11[%add3A_130] : memref<524800xf32, #tpu.memory_space<vmem_shared>> -> memref<16384xf32, #tpu.memory_space<vmem_shared>>
    %dma_wait3A_143 = tpu.memref_slice %arg11[%add3A_130] : memref<524800xf32, #tpu.memory_space<vmem_shared>> -> memref<16384xf32, #tpu.memory_space<vmem_shared>>
    tpu.wait_dma2 semaphore(%arg13 : memref<!tpu.dma_semaphore, #tpu.memory_space<semaphore_mem>>) src(%arg9 : memref<16384xf32, #tpu.memory_space<vmem>>) dst(%dma_wait3A_143 : memref<16384xf32, #tpu.memory_space<vmem_shared>>)
    %dma_wait3A_144 = tpu.memref_slice %arg11[%add3A_136] : memref<524800xf32, #tpu.memory_space<vmem_shared>> -> memref<16384xf32, #tpu.memory_space<vmem_shared>>
    %dma_wait3A_145 = tpu.memref_slice %arg11[%add3A_136] : memref<524800xf32, #tpu.memory_space<vmem_shared>> -> memref<16384xf32, #tpu.memory_space<vmem_shared>>
    tpu.wait_dma2 semaphore(%arg13 : memref<!tpu.dma_semaphore, #tpu.memory_space<semaphore_mem>>) src(%arg9 : memref<16384xf32, #tpu.memory_space<vmem>>) dst(%dma_wait3A_145 : memref<16384xf32, #tpu.memory_space<vmem_shared>>)
    "tpu.trace_stop"() : () -> ()
    %barrier3A_146 = arith.constant 0 : index
    tpu.barrier barrier_id(%barrier3A_146)
    %parallel_loop3A_147 = arith.constant 0 : i32
    %parallel_loop3A_148 = arith.constant 128 : i32
    %parallel_loop3A_149 = arith.constant 1 : i32
    "tpu.trace_start"() <{level = 10 : i32, message = "scatter"}> : () -> ()
    scf.for %parallel_loop3A_285 = %parallel_loop3A_147 to %parallel_loop3A_148 step %parallel_loop3A_149  : i32 {
      %parallel_loop3A_286 = arith.constant 0 : i32
      %parallel_loop3A_287 = tpu.memref_slice %arg7[%parallel_loop3A_285, %parallel_loop3A_286] : memref<128x128xi32, #tpu.memory_space<vmem>> -> memref<1x128xi32, #tpu.memory_space<vmem>>
      %parallel_loop3A_288 = tpu.memref_squeeze %parallel_loop3A_287 : memref<1x128xi32, #tpu.memory_space<vmem>> -> memref<128xi32, #tpu.memory_space<vmem>>
      %parallel_loop3A_289 = arith.constant 0 : i32
      %parallel_loop3A_290 = tpu.memref_slice %arg11[%parallel_loop3A_289] : memref<524800xf32, #tpu.memory_space<vmem_shared>> -> memref<524800xf32, #tpu.memory_space<vmem_shared>>
      tpu.enqueue_indirect_dma source(%arg10 : memref<128xf32, #tpu.memory_space<vmem>>) target(%parallel_loop3A_290 : memref<524800xf32, #tpu.memory_space<vmem_shared>>) offsets(%parallel_loop3A_288 : memref<128xi32, #tpu.memory_space<vmem>>) semaphore(%arg14 : memref<!tpu.dma_semaphore, #tpu.memory_space<semaphore_mem>>)
    } {sc.loop_unroll_factor = 8 : i64, sc.parallel_access}
    %dma_wait3A_150 = arith.constant 0 : i32
    %dma_wait3A_151 = tpu.memref_slice %arg4[%dma_wait3A_150] : memref<4194304xf32, #tpu.memory_space<hbm>> -> memref<16384xf32, #tpu.memory_space<hbm>>
    %dma_wait3A_152 = arith.constant 0 : i32
    %dma_wait3A_153 = tpu.memref_slice %arg4[%dma_wait3A_152] : memref<4194304xf32, #tpu.memory_space<hbm>> -> memref<16384xf32, #tpu.memory_space<hbm>>
    tpu.wait_dma2 semaphore(%arg14 : memref<!tpu.dma_semaphore, #tpu.memory_space<semaphore_mem>>) src(%dma_wait3A_153 : memref<16384xf32, #tpu.memory_space<hbm>>) dst(%arg9 : memref<16384xf32, #tpu.memory_space<vmem>>)
    "tpu.trace_stop"() : () -> ()
    %barrier3A_154 = arith.constant 0 : index
    tpu.barrier barrier_id(%barrier3A_154)
    "tpu.trace_start"() <{level = 10 : i32, message = "copy_out"}> : () -> ()
    %mul3A_155 = arith.constant 32768 : i32
    %mul3A_156 = arith.muli %arg1, %mul3A_155 : i32
    %sub3A_157 = arith.constant 12 : i32
    %sub3A_158 = arith.subi %add3A_117, %sub3A_157 : i32
    %mul3A_159 = arith.constant 1048576 : i32
    %mul3A_160 = arith.muli %sub3A_158, %mul3A_159 : i32
    %add3A_161 = arith.constant 524288 : i32
    %add3A_162 = arith.addi %mul3A_160, %add3A_161 : i32
    %mul3A_163 = arith.constant 32768 : i32
    %mul3A_164 = arith.muli %arg1, %mul3A_163 : i32
    %add3A_165 = arith.addi %add3A_162, %mul3A_164 : i32
    %dma_start3A_166 = tpu.memref_slice %arg4[%add3A_165] : memref<4194304xf32, #tpu.memory_space<hbm>> -> memref<32768xf32, #tpu.memory_space<hbm>>
    %dma_start3A_167 = tpu.memref_slice %arg11[%mul3A_156] : memref<524800xf32, #tpu.memory_space<vmem_shared>> -> memref<32768xf32, #tpu.memory_space<vmem_shared>>
    tpu.enqueue_dma source(%dma_start3A_167 : memref<32768xf32, #tpu.memory_space<vmem_shared>>) target(%dma_start3A_166 : memref<32768xf32, #tpu.memory_space<hbm>>) target_semaphore(%arg15 : memref<!tpu.dma_semaphore, #tpu.memory_space<semaphore_mem>>)
    "tpu.trace_stop"() : () -> ()
    %mul3A_168 = arith.constant 2 : i32
    %mul3A_169 = arith.muli %arg0, %mul3A_168 : i32
    %add3A_170 = arith.constant 12 : i32
    %add3A_171 = arith.addi %add3A_170, %mul3A_169 : i32
    %add3A_172 = arith.constant 1 : i32
    %add3A_173 = arith.addi %add3A_171, %add3A_172 : i32
    %mul3A_174 = arith.constant 2 : i32
    %mul3A_175 = arith.muli %add3A_173, %mul3A_174 : i32
    %add3A_176 = arith.constant 0 : i32
    %add3A_177 = arith.addi %mul3A_175, %add3A_176 : i32
    "tpu.trace_start"() <{level = 10 : i32, message = "copy_wait"}> : () -> ()
    %mul3A_178 = arith.constant 32768 : i32
    %mul3A_179 = arith.muli %arg1, %mul3A_178 : i32
    %dma_wait3A_180 = arith.constant 0 : i32
    %dma_wait3A_181 = tpu.memref_slice %arg4[%dma_wait3A_180] : memref<4194304xf32, #tpu.memory_space<hbm>> -> memref<32768xf32, #tpu.memory_space<hbm>>
    %dma_wait3A_182 = tpu.memref_slice %arg11[%mul3A_179] : memref<524800xf32, #tpu.memory_space<vmem_shared>> -> memref<32768xf32, #tpu.memory_space<vmem_shared>>
    tpu.wait_dma2 semaphore(%arg15 : memref<!tpu.dma_semaphore, #tpu.memory_space<semaphore_mem>>) src(%dma_wait3A_182 : memref<32768xf32, #tpu.memory_space<vmem_shared>>) dst(%dma_wait3A_181 : memref<32768xf32, #tpu.memory_space<hbm>>)
    "tpu.trace_stop"() : () -> ()
    "tpu.trace_start"() <{level = 10 : i32, message = "zero_fire"}> : () -> ()
    %mul3A_183 = arith.constant 32768 : i32
    %mul3A_184 = arith.muli %arg1, %mul3A_183 : i32
    %add3A_185 = arith.constant 0 : i32
    %add3A_186 = arith.addi %mul3A_184, %add3A_185 : i32
    %dma_start3A_187 = tpu.memref_slice %arg11[%add3A_186] : memref<524800xf32, #tpu.memory_space<vmem_shared>> -> memref<16384xf32, #tpu.memory_space<vmem_shared>>
    %dma_start3A_188 = tpu.memref_slice %arg11[%add3A_186] : memref<524800xf32, #tpu.memory_space<vmem_shared>> -> memref<16384xf32, #tpu.memory_space<vmem_shared>>
    tpu.enqueue_dma source(%arg9 : memref<16384xf32, #tpu.memory_space<vmem>>) target(%dma_start3A_188 : memref<16384xf32, #tpu.memory_space<vmem_shared>>) target_semaphore(%arg13 : memref<!tpu.dma_semaphore, #tpu.memory_space<semaphore_mem>>)
    %mul3A_189 = arith.constant 32768 : i32
    %mul3A_190 = arith.muli %arg1, %mul3A_189 : i32
    %add3A_191 = arith.constant 16384 : i32
    %add3A_192 = arith.addi %mul3A_190, %add3A_191 : i32
    %dma_start3A_193 = tpu.memref_slice %arg11[%add3A_192] : memref<524800xf32, #tpu.memory_space<vmem_shared>> -> memref<16384xf32, #tpu.memory_space<vmem_shared>>
    %dma_start3A_194 = tpu.memref_slice %arg11[%add3A_192] : memref<524800xf32, #tpu.memory_space<vmem_shared>> -> memref<16384xf32, #tpu.memory_space<vmem_shared>>
    tpu.enqueue_dma source(%arg9 : memref<16384xf32, #tpu.memory_space<vmem>>) target(%dma_start3A_194 : memref<16384xf32, #tpu.memory_space<vmem_shared>>) target_semaphore(%arg13 : memref<!tpu.dma_semaphore, #tpu.memory_space<semaphore_mem>>)
    %parallel_loop3A_195 = arith.constant 0 : i32
    %parallel_loop3A_196 = arith.constant 16384 : i32
    %parallel_loop3A_197 = arith.constant 16 : i32
    "tpu.trace_stop"() : () -> ()
    "tpu.trace_start"() <{level = 10 : i32, message = "idx_compute"}> : () -> ()
    scf.for %parallel_loop3A_285 = %parallel_loop3A_195 to %parallel_loop3A_196 step %parallel_loop3A_197  : i32 {
      %parallel_loop3A_286 = arith.index_cast %parallel_loop3A_285 : i32 to index
      %parallel_loop3A_287 = tpu.vector_load %arg8[%parallel_loop3A_286] {strides = array<i32>} : memref<16384xi32, #tpu.memory_space<vmem>>, vector<16xi32>,
      %parallel_loop3A_288 = vector.shape_cast %parallel_loop3A_287 : vector<16xi32> to vector<16xi32>
      %parallel_loop3A_289 = arith.constant 19 : i32
      %parallel_loop3A_290 = vector.broadcast %parallel_loop3A_289 : i32 to vector<16xi32>
      %parallel_loop3A_291 = arith.shrui %parallel_loop3A_288, %parallel_loop3A_290 : vector<16xi32>
      %parallel_loop3A_292 = vector.broadcast %add3A_177 : i32 to vector<16xi32>
      %parallel_loop3A_293 = arith.cmpi eq, %parallel_loop3A_291, %parallel_loop3A_292 : vector<16xi32>
      %parallel_loop3A_294 = arith.constant 524287 : i32
      %parallel_loop3A_295 = vector.broadcast %parallel_loop3A_294 : i32 to vector<16xi32>
      %parallel_loop3A_296 = arith.andi %parallel_loop3A_288, %parallel_loop3A_295 : vector<16xi32>
      %parallel_loop3A_297 = arith.select %parallel_loop3A_293, %parallel_loop3A_296, %add3A_62 : vector<16xi1>, vector<16xi32>
      %parallel_loop3A_298 = arith.constant 128 : i32
      %parallel_loop3A_299 = arith.divsi %parallel_loop3A_285, %parallel_loop3A_298 : i32
      %parallel_loop3A_300 = arith.constant 128 : i32
      %parallel_loop3A_301 = arith.remsi %parallel_loop3A_285, %parallel_loop3A_300 : i32
      %parallel_loop3A_302 = arith.index_cast %parallel_loop3A_299 : i32 to index
      %parallel_loop3A_303 = arith.index_cast %parallel_loop3A_301 : i32 to index
      %parallel_loop3A_304 = tpu.vector_load %arg7[%parallel_loop3A_302, %parallel_loop3A_303] {strides = array<i32>} : memref<128x128xi32, #tpu.memory_space<vmem>>, vector<1x16xi32>,
      %parallel_loop3A_305 = vector.shape_cast %parallel_loop3A_304 : vector<1x16xi32> to vector<16xi32>
      %parallel_loop3A_306 = vector.shape_cast %parallel_loop3A_297 : vector<16xi32> to vector<1x16xi32>
      tpu.vector_store %arg7[%parallel_loop3A_302, %parallel_loop3A_303], %parallel_loop3A_306 {strides = array<i32>} : memref<128x128xi32, #tpu.memory_space<vmem>>, vector<1x16xi32>,
    } {sc.loop_unroll_factor = 8 : i64, sc.parallel_access}
    "tpu.trace_stop"() : () -> ()
    "tpu.trace_start"() <{level = 10 : i32, message = "zero_drain"}> : () -> ()
    %dma_wait3A_198 = tpu.memref_slice %arg11[%add3A_186] : memref<524800xf32, #tpu.memory_space<vmem_shared>> -> memref<16384xf32, #tpu.memory_space<vmem_shared>>
    %dma_wait3A_199 = tpu.memref_slice %arg11[%add3A_186] : memref<524800xf32, #tpu.memory_space<vmem_shared>> -> memref<16384xf32, #tpu.memory_space<vmem_shared>>
    tpu.wait_dma2 semaphore(%arg13 : memref<!tpu.dma_semaphore, #tpu.memory_space<semaphore_mem>>) src(%arg9 : memref<16384xf32, #tpu.memory_space<vmem>>) dst(%dma_wait3A_199 : memref<16384xf32, #tpu.memory_space<vmem_shared>>)
    %dma_wait3A_200 = tpu.memref_slice %arg11[%add3A_192] : memref<524800xf32, #tpu.memory_space<vmem_shared>> -> memref<16384xf32, #tpu.memory_space<vmem_shared>>
    %dma_wait3A_201 = tpu.memref_slice %arg11[%add3A_192] : memref<524800xf32, #tpu.memory_space<vmem_shared>> -> memref<16384xf32, #tpu.memory_space<vmem_shared>>
    tpu.wait_dma2 semaphore(%arg13 : memref<!tpu.dma_semaphore, #tpu.memory_space<semaphore_mem>>) src(%arg9 : memref<16384xf32, #tpu.memory_space<vmem>>) dst(%dma_wait3A_201 : memref<16384xf32, #tpu.memory_space<vmem_shared>>)
    "tpu.trace_stop"() : () -> ()
    %barrier3A_202 = arith.constant 0 : index
    tpu.barrier barrier_id(%barrier3A_202)
    %parallel_loop3A_203 = arith.constant 0 : i32
    %parallel_loop3A_204 = arith.constant 128 : i32
    %parallel_loop3A_205 = arith.constant 1 : i32
    "tpu.trace_start"() <{level = 10 : i32, message = "scatter"}> : () -> ()
    scf.for %parallel_loop3A_285 = %parallel_loop3A_203 to %parallel_loop3A_204 step %parallel_loop3A_205  : i32 {
      %parallel_loop3A_286 = arith.constant 0 : i32
      %parallel_loop3A_287 = tpu.memref_slice %arg7[%parallel_loop3A_285, %parallel_loop3A_286] : memref<128x128xi32, #tpu.memory_space<vmem>> -> memref<1x128xi32, #tpu.memory_space<vmem>>
      %parallel_loop3A_288 = tpu.memref_squeeze %parallel_loop3A_287 : memref<1x128xi32, #tpu.memory_space<vmem>> -> memref<128xi32, #tpu.memory_space<vmem>>
      %parallel_loop3A_289 = arith.constant 0 : i32
      %parallel_loop3A_290 = tpu.memref_slice %arg11[%parallel_loop3A_289] : memref<524800xf32, #tpu.memory_space<vmem_shared>> -> memref<524800xf32, #tpu.memory_space<vmem_shared>>
      tpu.enqueue_indirect_dma source(%arg10 : memref<128xf32, #tpu.memory_space<vmem>>) target(%parallel_loop3A_290 : memref<524800xf32, #tpu.memory_space<vmem_shared>>) offsets(%parallel_loop3A_288 : memref<128xi32, #tpu.memory_space<vmem>>) semaphore(%arg14 : memref<!tpu.dma_semaphore, #tpu.memory_space<semaphore_mem>>)
    } {sc.loop_unroll_factor = 8 : i64, sc.parallel_access}
    %dma_wait3A_206 = arith.constant 0 : i32
    %dma_wait3A_207 = tpu.memref_slice %arg4[%dma_wait3A_206] : memref<4194304xf32, #tpu.memory_space<hbm>> -> memref<16384xf32, #tpu.memory_space<hbm>>
    %dma_wait3A_208 = arith.constant 0 : i32
    %dma_wait3A_209 = tpu.memref_slice %arg4[%dma_wait3A_208] : memref<4194304xf32, #tpu.memory_space<hbm>> -> memref<16384xf32, #tpu.memory_space<hbm>>
    tpu.wait_dma2 semaphore(%arg14 : memref<!tpu.dma_semaphore, #tpu.memory_space<semaphore_mem>>) src(%dma_wait3A_209 : memref<16384xf32, #tpu.memory_space<hbm>>) dst(%arg9 : memref<16384xf32, #tpu.memory_space<vmem>>)
    "tpu.trace_stop"() : () -> ()
    %barrier3A_210 = arith.constant 0 : index
    tpu.barrier barrier_id(%barrier3A_210)
    "tpu.trace_start"() <{level = 10 : i32, message = "copy_out"}> : () -> ()
    %mul3A_211 = arith.constant 32768 : i32
    %mul3A_212 = arith.muli %arg1, %mul3A_211 : i32
    %sub3A_213 = arith.constant 12 : i32
    %sub3A_214 = arith.subi %add3A_173, %sub3A_213 : i32
    %mul3A_215 = arith.constant 1048576 : i32
    %mul3A_216 = arith.muli %sub3A_214, %mul3A_215 : i32
    %add3A_217 = arith.constant 0 : i32
    %add3A_218 = arith.addi %mul3A_216, %add3A_217 : i32
    %mul3A_219 = arith.constant 32768 : i32
    %mul3A_220 = arith.muli %arg1, %mul3A_219 : i32
    %add3A_221 = arith.addi %add3A_218, %mul3A_220 : i32
    %dma_start3A_222 = tpu.memref_slice %arg4[%add3A_221] : memref<4194304xf32, #tpu.memory_space<hbm>> -> memref<32768xf32, #tpu.memory_space<hbm>>
    %dma_start3A_223 = tpu.memref_slice %arg11[%mul3A_212] : memref<524800xf32, #tpu.memory_space<vmem_shared>> -> memref<32768xf32, #tpu.memory_space<vmem_shared>>
    tpu.enqueue_dma source(%dma_start3A_223 : memref<32768xf32, #tpu.memory_space<vmem_shared>>) target(%dma_start3A_222 : memref<32768xf32, #tpu.memory_space<hbm>>) target_semaphore(%arg15 : memref<!tpu.dma_semaphore, #tpu.memory_space<semaphore_mem>>)
    "tpu.trace_stop"() : () -> ()
    %mul3A_224 = arith.constant 2 : i32
    %mul3A_225 = arith.muli %arg0, %mul3A_224 : i32
    %add3A_226 = arith.constant 12 : i32
    %add3A_227 = arith.addi %add3A_226, %mul3A_225 : i32
    %add3A_228 = arith.constant 1 : i32
    %add3A_229 = arith.addi %add3A_227, %add3A_228 : i32
    %mul3A_230 = arith.constant 2 : i32
    %mul3A_231 = arith.muli %add3A_229, %mul3A_230 : i32
    %add3A_232 = arith.constant 1 : i32
    %add3A_233 = arith.addi %mul3A_231, %add3A_232 : i32
    "tpu.trace_start"() <{level = 10 : i32, message = "copy_wait"}> : () -> ()
    %mul3A_234 = arith.constant 32768 : i32
    %mul3A_235 = arith.muli %arg1, %mul3A_234 : i32
    %dma_wait3A_236 = arith.constant 0 : i32
    %dma_wait3A_237 = tpu.memref_slice %arg4[%dma_wait3A_236] : memref<4194304xf32, #tpu.memory_space<hbm>> -> memref<32768xf32, #tpu.memory_space<hbm>>
    %dma_wait3A_238 = tpu.memref_slice %arg11[%mul3A_235] : memref<524800xf32, #tpu.memory_space<vmem_shared>> -> memref<32768xf32, #tpu.memory_space<vmem_shared>>
    tpu.wait_dma2 semaphore(%arg15 : memref<!tpu.dma_semaphore, #tpu.memory_space<semaphore_mem>>) src(%dma_wait3A_238 : memref<32768xf32, #tpu.memory_space<vmem_shared>>) dst(%dma_wait3A_237 : memref<32768xf32, #tpu.memory_space<hbm>>)
    "tpu.trace_stop"() : () -> ()
    "tpu.trace_start"() <{level = 10 : i32, message = "zero_fire"}> : () -> ()
    %mul3A_239 = arith.constant 32768 : i32
    %mul3A_240 = arith.muli %arg1, %mul3A_239 : i32
    %add3A_241 = arith.constant 0 : i32
    %add3A_242 = arith.addi %mul3A_240, %add3A_241 : i32
    %dma_start3A_243 = tpu.memref_slice %arg11[%add3A_242] : memref<524800xf32, #tpu.memory_space<vmem_shared>> -> memref<16384xf32, #tpu.memory_space<vmem_shared>>
    %dma_start3A_244 = tpu.memref_slice %arg11[%add3A_242] : memref<524800xf32, #tpu.memory_space<vmem_shared>> -> memref<16384xf32, #tpu.memory_space<vmem_shared>>
    tpu.enqueue_dma source(%arg9 : memref<16384xf32, #tpu.memory_space<vmem>>) target(%dma_start3A_244 : memref<16384xf32, #tpu.memory_space<vmem_shared>>) target_semaphore(%arg13 : memref<!tpu.dma_semaphore, #tpu.memory_space<semaphore_mem>>)
    %mul3A_245 = arith.constant 32768 : i32
    %mul3A_246 = arith.muli %arg1, %mul3A_245 : i32
    %add3A_247 = arith.constant 16384 : i32
    %add3A_248 = arith.addi %mul3A_246, %add3A_247 : i32
    %dma_start3A_249 = tpu.memref_slice %arg11[%add3A_248] : memref<524800xf32, #tpu.memory_space<vmem_shared>> -> memref<16384xf32, #tpu.memory_space<vmem_shared>>
    %dma_start3A_250 = tpu.memref_slice %arg11[%add3A_248] : memref<524800xf32, #tpu.memory_space<vmem_shared>> -> memref<16384xf32, #tpu.memory_space<vmem_shared>>
    tpu.enqueue_dma source(%arg9 : memref<16384xf32, #tpu.memory_space<vmem>>) target(%dma_start3A_250 : memref<16384xf32, #tpu.memory_space<vmem_shared>>) target_semaphore(%arg13 : memref<!tpu.dma_semaphore, #tpu.memory_space<semaphore_mem>>)
    %parallel_loop3A_251 = arith.constant 0 : i32
    %parallel_loop3A_252 = arith.constant 16384 : i32
    %parallel_loop3A_253 = arith.constant 16 : i32
    "tpu.trace_stop"() : () -> ()
    "tpu.trace_start"() <{level = 10 : i32, message = "idx_compute"}> : () -> ()
    scf.for %parallel_loop3A_285 = %parallel_loop3A_251 to %parallel_loop3A_252 step %parallel_loop3A_253  : i32 {
      %parallel_loop3A_286 = arith.index_cast %parallel_loop3A_285 : i32 to index
      %parallel_loop3A_287 = tpu.vector_load %arg8[%parallel_loop3A_286] {strides = array<i32>} : memref<16384xi32, #tpu.memory_space<vmem>>, vector<16xi32>,
      %parallel_loop3A_288 = vector.shape_cast %parallel_loop3A_287 : vector<16xi32> to vector<16xi32>
      %parallel_loop3A_289 = arith.constant 19 : i32
      %parallel_loop3A_290 = vector.broadcast %parallel_loop3A_289 : i32 to vector<16xi32>
      %parallel_loop3A_291 = arith.shrui %parallel_loop3A_288, %parallel_loop3A_290 : vector<16xi32>
      %parallel_loop3A_292 = vector.broadcast %add3A_233 : i32 to vector<16xi32>
      %parallel_loop3A_293 = arith.cmpi eq, %parallel_loop3A_291, %parallel_loop3A_292 : vector<16xi32>
      %parallel_loop3A_294 = arith.constant 524287 : i32
      %parallel_loop3A_295 = vector.broadcast %parallel_loop3A_294 : i32 to vector<16xi32>
      %parallel_loop3A_296 = arith.andi %parallel_loop3A_288, %parallel_loop3A_295 : vector<16xi32>
      %parallel_loop3A_297 = arith.select %parallel_loop3A_293, %parallel_loop3A_296, %add3A_62 : vector<16xi1>, vector<16xi32>
      %parallel_loop3A_298 = arith.constant 128 : i32
      %parallel_loop3A_299 = arith.divsi %parallel_loop3A_285, %parallel_loop3A_298 : i32
      %parallel_loop3A_300 = arith.constant 128 : i32
      %parallel_loop3A_301 = arith.remsi %parallel_loop3A_285, %parallel_loop3A_300 : i32
      %parallel_loop3A_302 = arith.index_cast %parallel_loop3A_299 : i32 to index
      %parallel_loop3A_303 = arith.index_cast %parallel_loop3A_301 : i32 to index
      %parallel_loop3A_304 = tpu.vector_load %arg7[%parallel_loop3A_302, %parallel_loop3A_303] {strides = array<i32>} : memref<128x128xi32, #tpu.memory_space<vmem>>, vector<1x16xi32>,
      %parallel_loop3A_305 = vector.shape_cast %parallel_loop3A_304 : vector<1x16xi32> to vector<16xi32>
      %parallel_loop3A_306 = vector.shape_cast %parallel_loop3A_297 : vector<16xi32> to vector<1x16xi32>
      tpu.vector_store %arg7[%parallel_loop3A_302, %parallel_loop3A_303], %parallel_loop3A_306 {strides = array<i32>} : memref<128x128xi32, #tpu.memory_space<vmem>>, vector<1x16xi32>,
    } {sc.loop_unroll_factor = 8 : i64, sc.parallel_access}
    "tpu.trace_stop"() : () -> ()
    "tpu.trace_start"() <{level = 10 : i32, message = "zero_drain"}> : () -> ()
    %dma_wait3A_254 = tpu.memref_slice %arg11[%add3A_242] : memref<524800xf32, #tpu.memory_space<vmem_shared>> -> memref<16384xf32, #tpu.memory_space<vmem_shared>>
    %dma_wait3A_255 = tpu.memref_slice %arg11[%add3A_242] : memref<524800xf32, #tpu.memory_space<vmem_shared>> -> memref<16384xf32, #tpu.memory_space<vmem_shared>>
    tpu.wait_dma2 semaphore(%arg13 : memref<!tpu.dma_semaphore, #tpu.memory_space<semaphore_mem>>) src(%arg9 : memref<16384xf32, #tpu.memory_space<vmem>>) dst(%dma_wait3A_255 : memref<16384xf32, #tpu.memory_space<vmem_shared>>)
    %dma_wait3A_256 = tpu.memref_slice %arg11[%add3A_248] : memref<524800xf32, #tpu.memory_space<vmem_shared>> -> memref<16384xf32, #tpu.memory_space<vmem_shared>>
    %dma_wait3A_257 = tpu.memref_slice %arg11[%add3A_248] : memref<524800xf32, #tpu.memory_space<vmem_shared>> -> memref<16384xf32, #tpu.memory_space<vmem_shared>>
    tpu.wait_dma2 semaphore(%arg13 : memref<!tpu.dma_semaphore, #tpu.memory_space<semaphore_mem>>) src(%arg9 : memref<16384xf32, #tpu.memory_space<vmem>>) dst(%dma_wait3A_257 : memref<16384xf32, #tpu.memory_space<vmem_shared>>)
    "tpu.trace_stop"() : () -> ()
    %barrier3A_258 = arith.constant 0 : index
    tpu.barrier barrier_id(%barrier3A_258)
    %parallel_loop3A_259 = arith.constant 0 : i32
    %parallel_loop3A_260 = arith.constant 128 : i32
    %parallel_loop3A_261 = arith.constant 1 : i32
    "tpu.trace_start"() <{level = 10 : i32, message = "scatter"}> : () -> ()
    scf.for %parallel_loop3A_285 = %parallel_loop3A_259 to %parallel_loop3A_260 step %parallel_loop3A_261  : i32 {
      %parallel_loop3A_286 = arith.constant 0 : i32
      %parallel_loop3A_287 = tpu.memref_slice %arg7[%parallel_loop3A_285, %parallel_loop3A_286] : memref<128x128xi32, #tpu.memory_space<vmem>> -> memref<1x128xi32, #tpu.memory_space<vmem>>
      %parallel_loop3A_288 = tpu.memref_squeeze %parallel_loop3A_287 : memref<1x128xi32, #tpu.memory_space<vmem>> -> memref<128xi32, #tpu.memory_space<vmem>>
      %parallel_loop3A_289 = arith.constant 0 : i32
      %parallel_loop3A_290 = tpu.memref_slice %arg11[%parallel_loop3A_289] : memref<524800xf32, #tpu.memory_space<vmem_shared>> -> memref<524800xf32, #tpu.memory_space<vmem_shared>>
      tpu.enqueue_indirect_dma source(%arg10 : memref<128xf32, #tpu.memory_space<vmem>>) target(%parallel_loop3A_290 : memref<524800xf32, #tpu.memory_space<vmem_shared>>) offsets(%parallel_loop3A_288 : memref<128xi32, #tpu.memory_space<vmem>>) semaphore(%arg14 : memref<!tpu.dma_semaphore, #tpu.memory_space<semaphore_mem>>)
    } {sc.loop_unroll_factor = 8 : i64, sc.parallel_access}
    %dma_wait3A_262 = arith.constant 0 : i32
    %dma_wait3A_263 = tpu.memref_slice %arg4[%dma_wait3A_262] : memref<4194304xf32, #tpu.memory_space<hbm>> -> memref<16384xf32, #tpu.memory_space<hbm>>
    %dma_wait3A_264 = arith.constant 0 : i32
    %dma_wait3A_265 = tpu.memref_slice %arg4[%dma_wait3A_264] : memref<4194304xf32, #tpu.memory_space<hbm>> -> memref<16384xf32, #tpu.memory_space<hbm>>
    tpu.wait_dma2 semaphore(%arg14 : memref<!tpu.dma_semaphore, #tpu.memory_space<semaphore_mem>>) src(%dma_wait3A_265 : memref<16384xf32, #tpu.memory_space<hbm>>) dst(%arg9 : memref<16384xf32, #tpu.memory_space<vmem>>)
    "tpu.trace_stop"() : () -> ()
    %barrier3A_266 = arith.constant 0 : index
    tpu.barrier barrier_id(%barrier3A_266)
    "tpu.trace_start"() <{level = 10 : i32, message = "copy_out"}> : () -> ()
    %mul3A_267 = arith.constant 32768 : i32
    %mul3A_268 = arith.muli %arg1, %mul3A_267 : i32
    %sub3A_269 = arith.constant 12 : i32
    %sub3A_270 = arith.subi %add3A_229, %sub3A_269 : i32
    %mul3A_271 = arith.constant 1048576 : i32
    %mul3A_272 = arith.muli %sub3A_270, %mul3A_271 : i32
    %add3A_273 = arith.constant 524288 : i32
    %add3A_274 = arith.addi %mul3A_272, %add3A_273 : i32
    %mul3A_275 = arith.constant 32768 : i32
    %mul3A_276 = arith.muli %arg1, %mul3A_275 : i32
    %add3A_277 = arith.addi %add3A_274, %mul3A_276 : i32
    %dma_start3A_278 = tpu.memref_slice %arg4[%add3A_277] : memref<4194304xf32, #tpu.memory_space<hbm>> -> memref<32768xf32, #tpu.memory_space<hbm>>
    %dma_start3A_279 = tpu.memref_slice %arg11[%mul3A_268] : memref<524800xf32, #tpu.memory_space<vmem_shared>> -> memref<32768xf32, #tpu.memory_space<vmem_shared>>
    tpu.enqueue_dma source(%dma_start3A_279 : memref<32768xf32, #tpu.memory_space<vmem_shared>>) target(%dma_start3A_278 : memref<32768xf32, #tpu.memory_space<hbm>>) target_semaphore(%arg15 : memref<!tpu.dma_semaphore, #tpu.memory_space<semaphore_mem>>)
    "tpu.trace_stop"() : () -> ()
    "tpu.trace_start"() <{level = 10 : i32, message = "final_wait"}> : () -> ()
    %mul3A_280 = arith.constant 32768 : i32
    %mul3A_281 = arith.muli %arg1, %mul3A_280 : i32
    %dma_wait3A_282 = arith.constant 0 : i32
    %dma_wait3A_283 = tpu.memref_slice %arg4[%dma_wait3A_282] : memref<4194304xf32, #tpu.memory_space<hbm>> -> memref<32768xf32, #tpu.memory_space<hbm>>
    %dma_wait3A_284 = tpu.memref_slice %arg11[%mul3A_281] : memref<524800xf32, #tpu.memory_space<vmem_shared>> -> memref<32768xf32, #tpu.memory_space<vmem_shared>>
    tpu.wait_dma2 semaphore(%arg15 : memref<!tpu.dma_semaphore, #tpu.memory_space<semaphore_mem>>) src(%dma_wait3A_284 : memref<32768xf32, #tpu.memory_space<vmem_shared>>) dst(%dma_wait3A_283 : memref<32768xf32, #tpu.memory_space<hbm>>)
    "tpu.trace_stop"() : () -> ()
    return
  }
}

#map = affine_map<(d0, d1) -> (0)>
module attributes {stable_mosaic.version = 14 : i64} {
  func.func @_body(%arg0: i32, %arg1: i32, %arg2: memref<262144xi32, #tpu.memory_space<hbm>>, %arg3: memref<262144xi32, #tpu.memory_space<hbm>>, %arg4: memref<4194304xf32, #tpu.memory_space<hbm>>, %arg5: memref<16384xi32, #tpu.memory_space<vmem>>, %arg6: memref<16384xi32, #tpu.memory_space<vmem>>, %arg7: memref<128x128xi32, #tpu.memory_space<vmem>>, %arg8: memref<16384xi32, #tpu.memory_space<vmem>>, %arg9: memref<16384xf32, #tpu.memory_space<vmem>>, %arg10: memref<128xf32, #tpu.memory_space<vmem>>, %arg11: memref<524800xf32, #tpu.memory_space<vmem_shared>>, %arg12: memref<!tpu.dma_semaphore, #tpu.memory_space<semaphore_mem>>, %arg13: memref<!tpu.dma_semaphore, #tpu.memory_space<semaphore_mem>>, %arg14: memref<!tpu.dma_semaphore, #tpu.memory_space<semaphore_mem>>, %arg15: memref<!tpu.dma_semaphore, #tpu.memory_space<semaphore_mem>>) attributes {dimension_semantics = [#tpu.dimension_semantics<core_parallel>, #tpu.dimension_semantics<subcore_parallel>], iteration_bounds = array<i64: 2, 16>, scalar_prefetch = 0 : i64, scratch_operands = 11 : i64, tpu.core_type = #tpu.core_type<sc_vector_subcore>, window_params = [{transform_indices = #map}, {transform_indices = #map}, {transform_indices = #map}]} {
    %mul3A = arith.constant 16384 : i32
    %mul3A_0 = arith.muli %arg1, %mul3A : i32
    %dma_start3A = tpu.memref_slice %arg2[%mul3A_0] : memref<262144xi32, #tpu.memory_space<hbm>> -> memref<16384xi32, #tpu.memory_space<hbm>>
    %dma_start3A_1 = tpu.memref_slice %arg2[%mul3A_0] : memref<262144xi32, #tpu.memory_space<hbm>> -> memref<16384xi32, #tpu.memory_space<hbm>>
    tpu.enqueue_dma source(%dma_start3A_1 : memref<16384xi32, #tpu.memory_space<hbm>>) target(%arg5 : memref<16384xi32, #tpu.memory_space<vmem>>) target_semaphore(%arg12 : memref<!tpu.dma_semaphore, #tpu.memory_space<semaphore_mem>>)
    %dma_start3A_2 = tpu.memref_slice %arg3[%mul3A_0] : memref<262144xi32, #tpu.memory_space<hbm>> -> memref<16384xi32, #tpu.memory_space<hbm>>
    %dma_start3A_3 = tpu.memref_slice %arg3[%mul3A_0] : memref<262144xi32, #tpu.memory_space<hbm>> -> memref<16384xi32, #tpu.memory_space<hbm>>
    tpu.enqueue_dma source(%dma_start3A_3 : memref<16384xi32, #tpu.memory_space<hbm>>) target(%arg6 : memref<16384xi32, #tpu.memory_space<vmem>>) target_semaphore(%arg12 : memref<!tpu.dma_semaphore, #tpu.memory_space<semaphore_mem>>)
    %parallel_loop3A = arith.constant 0 : i32
    %parallel_loop3A_4 = arith.constant 16384 : i32
    %parallel_loop3A_5 = arith.constant 16 : i32
    "tpu.trace_start"() <{level = 10 : i32, message = "zfill"}> : () -> ()
    scf.for %parallel_loop3A_285 = %parallel_loop3A to %parallel_loop3A_4 step %parallel_loop3A_5  : i32 {
      %parallel_loop3A_286 = arith.constant 0.000000e+00 : f32
      %parallel_loop3A_287 = vector.broadcast %parallel_loop3A_286 : f32 to vector<16xf32>
      %parallel_loop3A_288 = arith.index_cast %parallel_loop3A_285 : i32 to index
      %parallel_loop3A_289 = tpu.vector_load %arg9[%parallel_loop3A_288] {strides = array<i32>} : memref<16384xf32, #tpu.memory_space<vmem>>, vector<16xf32>,
      %parallel_loop3A_290 = vector.shape_cast %parallel_loop3A_289 : vector<16xf32> to vector<16xf32>
      %parallel_loop3A_291 = vector.shape_cast %parallel_loop3A_287 : vector<16xf32> to vector<16xf32>
      tpu.vector_store %arg9[%parallel_loop3A_288], %parallel_loop3A_291 {strides = array<i32>} : memref<16384xf32, #tpu.memory_space<vmem>>, vector<16xf32>,
    } {sc.loop_unroll_factor = 8 : i64, sc.parallel_access}
    %broadcast_in_dim3A = arith.constant 1.000000e+00 : f32
    %broadcast_in_dim3A_6 = vector.broadcast %broadcast_in_dim3A : f32 to vector<16xf32>
    %swap3A = arith.constant 0 : index
    %swap3A_7 = tpu.vector_load %arg10[%swap3A] {strides = array<i32>} : memref<128xf32, #tpu.memory_space<vmem>>, vector<16xf32>,
    %swap3A_8 = vector.shape_cast %swap3A_7 : vector<16xf32> to vector<16xf32>
    %swap3A_9 = vector.shape_cast %broadcast_in_dim3A_6 : vector<16xf32> to vector<16xf32>
    tpu.vector_store %arg10[%swap3A], %swap3A_9 {strides = array<i32>} : memref<128xf32, #tpu.memory_space<vmem>>, vector<16xf32>,
    %broadcast_in_dim3A_10 = arith.constant 1.000000e+00 : f32
    %broadcast_in_dim3A_11 = vector.broadcast %broadcast_in_dim3A_10 : f32 to vector<16xf32>
    %swap3A_12 = arith.constant 16 : index
    %swap3A_13 = tpu.vector_load %arg10[%swap3A_12] {strides = array<i32>} : memref<128xf32, #tpu.memory_space<vmem>>, vector<16xf32>,
    %swap3A_14 = vector.shape_cast %swap3A_13 : vector<16xf32> to vector<16xf32>
    %swap3A_15 = vector.shape_cast %broadcast_in_dim3A_11 : vector<16xf32> to vector<16xf32>
    tpu.vector_store %arg10[%swap3A_12], %swap3A_15 {strides = array<i32>} : memref<128xf32, #tpu.memory_space<vmem>>, vector<16xf32>,
    %broadcast_in_dim3A_16 = arith.constant 1.000000e+00 : f32
    %broadcast_in_dim3A_17 = vector.broadcast %broadcast_in_dim3A_16 : f32 to vector<16xf32>
    %swap3A_18 = arith.constant 32 : index
    %swap3A_19 = tpu.vector_load %arg10[%swap3A_18] {strides = array<i32>} : memref<128xf32, #tpu.memory_space<vmem>>, vector<16xf32>,
    %swap3A_20 = vector.shape_cast %swap3A_19 : vector<16xf32> to vector<16xf32>
    %swap3A_21 = vector.shape_cast %broadcast_in_dim3A_17 : vector<16xf32> to vector<16xf32>
    tpu.vector_store %arg10[%swap3A_18], %swap3A_21 {strides = array<i32>} : memref<128xf32, #tpu.memory_space<vmem>>, vector<16xf32>,
    %broadcast_in_dim3A_22 = arith.constant 1.000000e+00 : f32
    %broadcast_in_dim3A_23 = vector.broadcast %broadcast_in_dim3A_22 : f32 to vector<16xf32>
    %swap3A_24 = arith.constant 48 : index
    %swap3A_25 = tpu.vector_load %arg10[%swap3A_24] {strides = array<i32>} : memref<128xf32, #tpu.memory_space<vmem>>, vector<16xf32>,
    %swap3A_26 = vector.shape_cast %swap3A_25 : vector<16xf32> to vector<16xf32>
    %swap3A_27 = vector.shape_cast %broadcast_in_dim3A_23 : vector<16xf32> to vector<16xf32>
    tpu.vector_store %arg10[%swap3A_24], %swap3A_27 {strides = array<i32>} : memref<128xf32, #tpu.memory_space<vmem>>, vector<16xf32>,
    %broadcast_in_dim3A_28 = arith.constant 1.000000e+00 : f32
    %broadcast_in_dim3A_29 = vector.broadcast %broadcast_in_dim3A_28 : f32 to vector<16xf32>
    %swap3A_30 = arith.constant 64 : index
    %swap3A_31 = tpu.vector_load %arg10[%swap3A_30] {strides = array<i32>} : memref<128xf32, #tpu.memory_space<vmem>>, vector<16xf32>,
    %swap3A_32 = vector.shape_cast %swap3A_31 : vector<16xf32> to vector<16xf32>
    %swap3A_33 = vector.shape_cast %broadcast_in_dim3A_29 : vector<16xf32> to vector<16xf32>
    tpu.vector_store %arg10[%swap3A_30], %swap3A_33 {strides = array<i32>} : memref<128xf32, #tpu.memory_space<vmem>>, vector<16xf32>,
    %broadcast_in_dim3A_34 = arith.constant 1.000000e+00 : f32
    %broadcast_in_dim3A_35 = vector.broadcast %broadcast_in_dim3A_34 : f32 to vector<16xf32>
    %swap3A_36 = arith.constant 80 : index
    %swap3A_37 = tpu.vector_load %arg10[%swap3A_36] {strides = array<i32>} : memref<128xf32, #tpu.memory_space<vmem>>, vector<16xf32>,
    %swap3A_38 = vector.shape_cast %swap3A_37 : vector<16xf32> to vector<16xf32>
    %swap3A_39 = vector.shape_cast %broadcast_in_dim3A_35 : vector<16xf32> to vector<16xf32>
    tpu.vector_store %arg10[%swap3A_36], %swap3A_39 {strides = array<i32>} : memref<128xf32, #tpu.memory_space<vmem>>, vector<16xf32>,
    %broadcast_in_dim3A_40 = arith.constant 1.000000e+00 : f32
    %broadcast_in_dim3A_41 = vector.broadcast %broadcast_in_dim3A_40 : f32 to vector<16xf32>
    %swap3A_42 = arith.constant 96 : index
    %swap3A_43 = tpu.vector_load %arg10[%swap3A_42] {strides = array<i32>} : memref<128xf32, #tpu.memory_space<vmem>>, vector<16xf32>,
    %swap3A_44 = vector.shape_cast %swap3A_43 : vector<16xf32> to vector<16xf32>
    %swap3A_45 = vector.shape_cast %broadcast_in_dim3A_41 : vector<16xf32> to vector<16xf32>
    tpu.vector_store %arg10[%swap3A_42], %swap3A_45 {strides = array<i32>} : memref<128xf32, #tpu.memory_space<vmem>>, vector<16xf32>,
    %broadcast_in_dim3A_46 = arith.constant 1.000000e+00 : f32
    %broadcast_in_dim3A_47 = vector.broadcast %broadcast_in_dim3A_46 : f32 to vector<16xf32>
    %swap3A_48 = arith.constant 112 : index
    %swap3A_49 = tpu.vector_load %arg10[%swap3A_48] {strides = array<i32>} : memref<128xf32, #tpu.memory_space<vmem>>, vector<16xf32>,
    %swap3A_50 = vector.shape_cast %swap3A_49 : vector<16xf32> to vector<16xf32>
    %swap3A_51 = vector.shape_cast %broadcast_in_dim3A_47 : vector<16xf32> to vector<16xf32>
    tpu.vector_store %arg10[%swap3A_48], %swap3A_51 {strides = array<i32>} : memref<128xf32, #tpu.memory_space<vmem>>, vector<16xf32>,
    "tpu.trace_stop"() : () -> ()
    %dma_wait3A = tpu.memref_slice %arg2[%mul3A_0] : memref<262144xi32, #tpu.memory_space<hbm>> -> memref<16384xi32, #tpu.memory_space<hbm>>
    %dma_wait3A_52 = tpu.memref_slice %arg2[%mul3A_0] : memref<262144xi32, #tpu.memory_space<hbm>> -> memref<16384xi32, #tpu.memory_space<hbm>>
    tpu.wait_dma2 semaphore(%arg12 : memref<!tpu.dma_semaphore, #tpu.memory_space<semaphore_mem>>) src(%dma_wait3A_52 : memref<16384xi32, #tpu.memory_space<hbm>>) dst(%arg5 : memref<16384xi32, #tpu.memory_space<vmem>>)
    %dma_wait3A_53 = tpu.memref_slice %arg3[%mul3A_0] : memref<262144xi32, #tpu.memory_space<hbm>> -> memref<16384xi32, #tpu.memory_space<hbm>>
    %dma_wait3A_54 = tpu.memref_slice %arg3[%mul3A_0] : memref<262144xi32, #tpu.memory_space<hbm>> -> memref<16384xi32, #tpu.memory_space<hbm>>
    tpu.wait_dma2 semaphore(%arg12 : memref<!tpu.dma_semaphore, #tpu.memory_space<semaphore_mem>>) src(%dma_wait3A_54 : memref<16384xi32, #tpu.memory_space<hbm>>) dst(%arg6 : memref<16384xi32, #tpu.memory_space<vmem>>)
    %parallel_loop3A_55 = arith.constant 0 : i32
    %parallel_loop3A_56 = arith.constant 16384 : i32
    %parallel_loop3A_57 = arith.constant 16 : i32
    "tpu.trace_start"() <{level = 10 : i32, message = "pack"}> : () -> ()
    scf.for %parallel_loop3A_285 = %parallel_loop3A_55 to %parallel_loop3A_56 step %parallel_loop3A_57  : i32 {
      %parallel_loop3A_286 = arith.index_cast %parallel_loop3A_285 : i32 to index
      %parallel_loop3A_287 = tpu.vector_load %arg5[%parallel_loop3A_286] {strides = array<i32>} : memref<16384xi32, #tpu.memory_space<vmem>>, vector<16xi32>,
      %parallel_loop3A_288 = vector.shape_cast %parallel_loop3A_287 : vector<16xi32> to vector<16xi32>
      %parallel_loop3A_289 = arith.index_cast %parallel_loop3A_285 : i32 to index
      %parallel_loop3A_290 = tpu.vector_load %arg6[%parallel_loop3A_289] {strides = array<i32>} : memref<16384xi32, #tpu.memory_space<vmem>>, vector<16xi32>,
      %parallel_loop3A_291 = vector.shape_cast %parallel_loop3A_290 : vector<16xi32> to vector<16xi32>
      %parallel_loop3A_292 = arith.constant 10 : i32
      %parallel_loop3A_293 = vector.broadcast %parallel_loop3A_292 : i32 to vector<16xi32>
      %parallel_loop3A_294 = arith.shrui %parallel_loop3A_288, %parallel_loop3A_293 : vector<16xi32>
      %parallel_loop3A_295 = arith.constant 1023 : i32
      %parallel_loop3A_296 = vector.broadcast %parallel_loop3A_295 : i32 to vector<16xi32>
      %parallel_loop3A_297 = arith.andi %parallel_loop3A_288, %parallel_loop3A_296 : vector<16xi32>
      %parallel_loop3A_298 = arith.constant 10 : i32
      %parallel_loop3A_299 = vector.broadcast %parallel_loop3A_298 : i32 to vector<16xi32>
      %parallel_loop3A_300 = arith.shli %parallel_loop3A_297, %parallel_loop3A_299 : vector<16xi32>
      %parallel_loop3A_301 = arith.constant 1023 : i32
      %parallel_loop3A_302 = vector.broadcast %parallel_loop3A_301 : i32 to vector<16xi32>
      %parallel_loop3A_303 = arith.andi %parallel_loop3A_291, %parallel_loop3A_302 : vector<16xi32>
      %parallel_loop3A_304 = arith.addi %parallel_loop3A_300, %parallel_loop3A_303 : vector<16xi32>
      %parallel_loop3A_305 = arith.constant 20 : i32
      %parallel_loop3A_306 = vector.broadcast %parallel_loop3A_305 : i32 to vector<16xi32>
      %parallel_loop3A_307 = arith.shli %parallel_loop3A_294, %parallel_loop3A_306 : vector<16xi32>
      %parallel_loop3A_308 = arith.ori %parallel_loop3A_307, %parallel_loop3A_304 : vector<16xi32>
      %parallel_loop3A_309 = arith.index_cast %parallel_loop3A_285 : i32 to index
      %parallel_loop3A_310 = tpu.vector_load %arg8[%parallel_loop3A_309] {strides = array<i32>} : memref<16384xi32, #tpu.memory_space<vmem>>, vector<16xi32>,
      %parallel_loop3A_311 = vector.shape_cast %parallel_loop3A_310 : vector<16xi32> to vector<16xi32>
      %parallel_loop3A_312 = vector.shape_cast %parallel_loop3A_308 : vector<16xi32> to vector<16xi32>
      tpu.vector_store %arg8[%parallel_loop3A_309], %parallel_loop3A_312 {strides = array<i32>} : memref<16384xi32, #tpu.memory_space<vmem>>, vector<16xi32>,
    } {sc.loop_unroll_factor = 8 : i64, sc.parallel_access}
    "tpu.trace_stop"() : () -> ()
    %mul3A_58 = arith.constant 16 : i32
    %mul3A_59 = arith.muli %arg1, %mul3A_58 : i32
    %add3A = arith.constant 524288 : i32
    %add3A_60 = arith.addi %add3A, %mul3A_59 : i32
    %iota3A = tpu.iota {dimensions = array<i32: 0>} : vector<16xi32>
    %add3A_61 = vector.broadcast %add3A_60 : i32 to vector<16xi32>
    %add3A_62 = arith.addi %add3A_61, %iota3A : vector<16xi32>
    %mul3A_63 = arith.constant 2 : i32
    %mul3A_64 = arith.muli %arg0, %mul3A_63 : i32
    %add3A_65 = arith.constant 0 : i32
    %add3A_66 = arith.addi %add3A_65, %mul3A_64 : i32
    %add3A_67 = arith.constant 0 : i32
    %add3A_68 = arith.addi %add3A_66, %add3A_67 : i32
    %mul3A_69 = arith.constant 2 : i32
    %mul3A_70 = arith.muli %add3A_68, %mul3A_69 : i32
    %add3A_71 = arith.constant 0 : i32
    %add3A_72 = arith.addi %mul3A_70, %add3A_71 : i32
    "tpu.trace_start"() <{level = 10 : i32, message = "zero_fire"}> : () -> ()
    %mul3A_73 = arith.constant 32768 : i32
    %mul3A_74 = arith.muli %arg1, %mul3A_73 : i32
    %add3A_75 = arith.constant 0 : i32
    %add3A_76 = arith.addi %mul3A_74, %add3A_75 : i32
    %dma_start3A_77 = tpu.memref_slice %arg11[%add3A_76] : memref<524800xf32, #tpu.memory_space<vmem_shared>> -> memref<16384xf32, #tpu.memory_space<vmem_shared>>
    %dma_start3A_78 = tpu.memref_slice %arg11[%add3A_76] : memref<524800xf32, #tpu.memory_space<vmem_shared>> -> memref<16384xf32, #tpu.memory_space<vmem_shared>>
    tpu.enqueue_dma source(%arg9 : memref<16384xf32, #tpu.memory_space<vmem>>) target(%dma_start3A_78 : memref<16384xf32, #tpu.memory_space<vmem_shared>>) target_semaphore(%arg13 : memref<!tpu.dma_semaphore, #tpu.memory_space<semaphore_mem>>)
    %mul3A_79 = arith.constant 32768 : i32
    %mul3A_80 = arith.muli %arg1, %mul3A_79 : i32
    %add3A_81 = arith.constant 16384 : i32
    %add3A_82 = arith.addi %mul3A_80, %add3A_81 : i32
    %dma_start3A_83 = tpu.memref_slice %arg11[%add3A_82] : memref<524800xf32, #tpu.memory_space<vmem_shared>> -> memref<16384xf32, #tpu.memory_space<vmem_shared>>
    %dma_start3A_84 = tpu.memref_slice %arg11[%add3A_82] : memref<524800xf32, #tpu.memory_space<vmem_shared>> -> memref<16384xf32, #tpu.memory_space<vmem_shared>>
    tpu.enqueue_dma source(%arg9 : memref<16384xf32, #tpu.memory_space<vmem>>) target(%dma_start3A_84 : memref<16384xf32, #tpu.memory_space<vmem_shared>>) target_semaphore(%arg13 : memref<!tpu.dma_semaphore, #tpu.memory_space<semaphore_mem>>)
    %parallel_loop3A_85 = arith.constant 0 : i32
    %parallel_loop3A_86 = arith.constant 16384 : i32
    %parallel_loop3A_87 = arith.constant 16 : i32
    "tpu.trace_stop"() : () -> ()
    "tpu.trace_start"() <{level = 10 : i32, message = "idx_compute"}> : () -> ()
    scf.for %parallel_loop3A_285 = %parallel_loop3A_85 to %parallel_loop3A_86 step %parallel_loop3A_87  : i32 {
      %parallel_loop3A_286 = arith.index_cast %parallel_loop3A_285 : i32 to index
      %parallel_loop3A_287 = tpu.vector_load %arg8[%parallel_loop3A_286] {strides = array<i32>} : memref<16384xi32, #tpu.memory_space<vmem>>, vector<16xi32>,
      %parallel_loop3A_288 = vector.shape_cast %parallel_loop3A_287 : vector<16xi32> to vector<16xi32>
      %parallel_loop3A_289 = arith.constant 19 : i32
      %parallel_loop3A_290 = vector.broadcast %parallel_loop3A_289 : i32 to vector<16xi32>
      %parallel_loop3A_291 = arith.shrui %parallel_loop3A_288, %parallel_loop3A_290 : vector<16xi32>
      %parallel_loop3A_292 = vector.broadcast %add3A_72 : i32 to vector<16xi32>
      %parallel_loop3A_293 = arith.cmpi eq, %parallel_loop3A_291, %parallel_loop3A_292 : vector<16xi32>
      %parallel_loop3A_294 = arith.constant 524287 : i32
      %parallel_loop3A_295 = vector.broadcast %parallel_loop3A_294 : i32 to vector<16xi32>
      %parallel_loop3A_296 = arith.andi %parallel_loop3A_288, %parallel_loop3A_295 : vector<16xi32>
      %parallel_loop3A_297 = arith.select %parallel_loop3A_293, %parallel_loop3A_296, %add3A_62 : vector<16xi1>, vector<16xi32>
      %parallel_loop3A_298 = arith.constant 128 : i32
      %parallel_loop3A_299 = arith.divsi %parallel_loop3A_285, %parallel_loop3A_298 : i32
      %parallel_loop3A_300 = arith.constant 128 : i32
      %parallel_loop3A_301 = arith.remsi %parallel_loop3A_285, %parallel_loop3A_300 : i32
      %parallel_loop3A_302 = arith.index_cast %parallel_loop3A_299 : i32 to index
      %parallel_loop3A_303 = arith.index_cast %parallel_loop3A_301 : i32 to index
      %parallel_loop3A_304 = tpu.vector_load %arg7[%parallel_loop3A_302, %parallel_loop3A_303] {strides = array<i32>} : memref<128x128xi32, #tpu.memory_space<vmem>>, vector<1x16xi32>,
      %parallel_loop3A_305 = vector.shape_cast %parallel_loop3A_304 : vector<1x16xi32> to vector<16xi32>
      %parallel_loop3A_306 = vector.shape_cast %parallel_loop3A_297 : vector<16xi32> to vector<1x16xi32>
      tpu.vector_store %arg7[%parallel_loop3A_302, %parallel_loop3A_303], %parallel_loop3A_306 {strides = array<i32>} : memref<128x128xi32, #tpu.memory_space<vmem>>, vector<1x16xi32>,
    } {sc.loop_unroll_factor = 8 : i64, sc.parallel_access}
    "tpu.trace_stop"() : () -> ()
    "tpu.trace_start"() <{level = 10 : i32, message = "zero_drain"}> : () -> ()
    %dma_wait3A_88 = tpu.memref_slice %arg11[%add3A_76] : memref<524800xf32, #tpu.memory_space<vmem_shared>> -> memref<16384xf32, #tpu.memory_space<vmem_shared>>
    %dma_wait3A_89 = tpu.memref_slice %arg11[%add3A_76] : memref<524800xf32, #tpu.memory_space<vmem_shared>> -> memref<16384xf32, #tpu.memory_space<vmem_shared>>
    tpu.wait_dma2 semaphore(%arg13 : memref<!tpu.dma_semaphore, #tpu.memory_space<semaphore_mem>>) src(%arg9 : memref<16384xf32, #tpu.memory_space<vmem>>) dst(%dma_wait3A_89 : memref<16384xf32, #tpu.memory_space<vmem_shared>>)
    %dma_wait3A_90 = tpu.memref_slice %arg11[%add3A_82] : memref<524800xf32, #tpu.memory_space<vmem_shared>> -> memref<16384xf32, #tpu.memory_space<vmem_shared>>
    %dma_wait3A_91 = tpu.memref_slice %arg11[%add3A_82] : memref<524800xf32, #tpu.memory_space<vmem_shared>> -> memref<16384xf32, #tpu.memory_space<vmem_shared>>
    tpu.wait_dma2 semaphore(%arg13 : memref<!tpu.dma_semaphore, #tpu.memory_space<semaphore_mem>>) src(%arg9 : memref<16384xf32, #tpu.memory_space<vmem>>) dst(%dma_wait3A_91 : memref<16384xf32, #tpu.memory_space<vmem_shared>>)
    "tpu.trace_stop"() : () -> ()
    %barrier3A = arith.constant 0 : index
    tpu.barrier barrier_id(%barrier3A)
    %parallel_loop3A_92 = arith.constant 0 : i32
    %parallel_loop3A_93 = arith.constant 128 : i32
    %parallel_loop3A_94 = arith.constant 1 : i32
    "tpu.trace_start"() <{level = 10 : i32, message = "scatter"}> : () -> ()
    scf.for %parallel_loop3A_285 = %parallel_loop3A_92 to %parallel_loop3A_93 step %parallel_loop3A_94  : i32 {
      %parallel_loop3A_286 = arith.constant 0 : i32
      %parallel_loop3A_287 = tpu.memref_slice %arg7[%parallel_loop3A_285, %parallel_loop3A_286] : memref<128x128xi32, #tpu.memory_space<vmem>> -> memref<1x128xi32, #tpu.memory_space<vmem>>
      %parallel_loop3A_288 = tpu.memref_squeeze %parallel_loop3A_287 : memref<1x128xi32, #tpu.memory_space<vmem>> -> memref<128xi32, #tpu.memory_space<vmem>>
      %parallel_loop3A_289 = arith.constant 0 : i32
      %parallel_loop3A_290 = tpu.memref_slice %arg11[%parallel_loop3A_289] : memref<524800xf32, #tpu.memory_space<vmem_shared>> -> memref<524800xf32, #tpu.memory_space<vmem_shared>>
      tpu.enqueue_indirect_dma source(%arg10 : memref<128xf32, #tpu.memory_space<vmem>>) target(%parallel_loop3A_290 : memref<524800xf32, #tpu.memory_space<vmem_shared>>) offsets(%parallel_loop3A_288 : memref<128xi32, #tpu.memory_space<vmem>>) semaphore(%arg14 : memref<!tpu.dma_semaphore, #tpu.memory_space<semaphore_mem>>)
    } {sc.loop_unroll_factor = 8 : i64, sc.parallel_access}
    %dma_wait3A_95 = arith.constant 0 : i32
    %dma_wait3A_96 = tpu.memref_slice %arg4[%dma_wait3A_95] : memref<4194304xf32, #tpu.memory_space<hbm>> -> memref<16384xf32, #tpu.memory_space<hbm>>
    %dma_wait3A_97 = arith.constant 0 : i32
    %dma_wait3A_98 = tpu.memref_slice %arg4[%dma_wait3A_97] : memref<4194304xf32, #tpu.memory_space<hbm>> -> memref<16384xf32, #tpu.memory_space<hbm>>
    tpu.wait_dma2 semaphore(%arg14 : memref<!tpu.dma_semaphore, #tpu.memory_space<semaphore_mem>>) src(%dma_wait3A_98 : memref<16384xf32, #tpu.memory_space<hbm>>) dst(%arg9 : memref<16384xf32, #tpu.memory_space<vmem>>)
    "tpu.trace_stop"() : () -> ()
    %barrier3A_99 = arith.constant 0 : index
    tpu.barrier barrier_id(%barrier3A_99)
    "tpu.trace_start"() <{level = 10 : i32, message = "copy_out"}> : () -> ()
    %mul3A_100 = arith.constant 32768 : i32
    %mul3A_101 = arith.muli %arg1, %mul3A_100 : i32
    %sub3A = arith.constant 0 : i32
    %sub3A_102 = arith.subi %add3A_68, %sub3A : i32
    %mul3A_103 = arith.constant 1048576 : i32
    %mul3A_104 = arith.muli %sub3A_102, %mul3A_103 : i32
    %add3A_105 = arith.constant 0 : i32
    %add3A_106 = arith.addi %mul3A_104, %add3A_105 : i32
    %mul3A_107 = arith.constant 32768 : i32
    %mul3A_108 = arith.muli %arg1, %mul3A_107 : i32
    %add3A_109 = arith.addi %add3A_106, %mul3A_108 : i32
    %dma_start3A_110 = tpu.memref_slice %arg4[%add3A_109] : memref<4194304xf32, #tpu.memory_space<hbm>> -> memref<32768xf32, #tpu.memory_space<hbm>>
    %dma_start3A_111 = tpu.memref_slice %arg11[%mul3A_101] : memref<524800xf32, #tpu.memory_space<vmem_shared>> -> memref<32768xf32, #tpu.memory_space<vmem_shared>>
    tpu.enqueue_dma source(%dma_start3A_111 : memref<32768xf32, #tpu.memory_space<vmem_shared>>) target(%dma_start3A_110 : memref<32768xf32, #tpu.memory_space<hbm>>) target_semaphore(%arg15 : memref<!tpu.dma_semaphore, #tpu.memory_space<semaphore_mem>>)
    "tpu.trace_stop"() : () -> ()
    %mul3A_112 = arith.constant 2 : i32
    %mul3A_113 = arith.muli %arg0, %mul3A_112 : i32
    %add3A_114 = arith.constant 0 : i32
    %add3A_115 = arith.addi %add3A_114, %mul3A_113 : i32
    %add3A_116 = arith.constant 0 : i32
    %add3A_117 = arith.addi %add3A_115, %add3A_116 : i32
    %mul3A_118 = arith.constant 2 : i32
    %mul3A_119 = arith.muli %add3A_117, %mul3A_118 : i32
    %add3A_120 = arith.constant 1 : i32
    %add3A_121 = arith.addi %mul3A_119, %add3A_120 : i32
    "tpu.trace_start"() <{level = 10 : i32, message = "copy_wait"}> : () -> ()
    %mul3A_122 = arith.constant 32768 : i32
    %mul3A_123 = arith.muli %arg1, %mul3A_122 : i32
    %dma_wait3A_124 = arith.constant 0 : i32
    %dma_wait3A_125 = tpu.memref_slice %arg4[%dma_wait3A_124] : memref<4194304xf32, #tpu.memory_space<hbm>> -> memref<32768xf32, #tpu.memory_space<hbm>>
    %dma_wait3A_126 = tpu.memref_slice %arg11[%mul3A_123] : memref<524800xf32, #tpu.memory_space<vmem_shared>> -> memref<32768xf32, #tpu.memory_space<vmem_shared>>
    tpu.wait_dma2 semaphore(%arg15 : memref<!tpu.dma_semaphore, #tpu.memory_space<semaphore_mem>>) src(%dma_wait3A_126 : memref<32768xf32, #tpu.memory_space<vmem_shared>>) dst(%dma_wait3A_125 : memref<32768xf32, #tpu.memory_space<hbm>>)
    "tpu.trace_stop"() : () -> ()
    "tpu.trace_start"() <{level = 10 : i32, message = "zero_fire"}> : () -> ()
    %mul3A_127 = arith.constant 32768 : i32
    %mul3A_128 = arith.muli %arg1, %mul3A_127 : i32
    %add3A_129 = arith.constant 0 : i32
    %add3A_130 = arith.addi %mul3A_128, %add3A_129 : i32
    %dma_start3A_131 = tpu.memref_slice %arg11[%add3A_130] : memref<524800xf32, #tpu.memory_space<vmem_shared>> -> memref<16384xf32, #tpu.memory_space<vmem_shared>>
    %dma_start3A_132 = tpu.memref_slice %arg11[%add3A_130] : memref<524800xf32, #tpu.memory_space<vmem_shared>> -> memref<16384xf32, #tpu.memory_space<vmem_shared>>
    tpu.enqueue_dma source(%arg9 : memref<16384xf32, #tpu.memory_space<vmem>>) target(%dma_start3A_132 : memref<16384xf32, #tpu.memory_space<vmem_shared>>) target_semaphore(%arg13 : memref<!tpu.dma_semaphore, #tpu.memory_space<semaphore_mem>>)
    %mul3A_133 = arith.constant 32768 : i32
    %mul3A_134 = arith.muli %arg1, %mul3A_133 : i32
    %add3A_135 = arith.constant 16384 : i32
    %add3A_136 = arith.addi %mul3A_134, %add3A_135 : i32
    %dma_start3A_137 = tpu.memref_slice %arg11[%add3A_136] : memref<524800xf32, #tpu.memory_space<vmem_shared>> -> memref<16384xf32, #tpu.memory_space<vmem_shared>>
    %dma_start3A_138 = tpu.memref_slice %arg11[%add3A_136] : memref<524800xf32, #tpu.memory_space<vmem_shared>> -> memref<16384xf32, #tpu.memory_space<vmem_shared>>
    tpu.enqueue_dma source(%arg9 : memref<16384xf32, #tpu.memory_space<vmem>>) target(%dma_start3A_138 : memref<16384xf32, #tpu.memory_space<vmem_shared>>) target_semaphore(%arg13 : memref<!tpu.dma_semaphore, #tpu.memory_space<semaphore_mem>>)
    %parallel_loop3A_139 = arith.constant 0 : i32
    %parallel_loop3A_140 = arith.constant 16384 : i32
    %parallel_loop3A_141 = arith.constant 16 : i32
    "tpu.trace_stop"() : () -> ()
    "tpu.trace_start"() <{level = 10 : i32, message = "idx_compute"}> : () -> ()
    scf.for %parallel_loop3A_285 = %parallel_loop3A_139 to %parallel_loop3A_140 step %parallel_loop3A_141  : i32 {
      %parallel_loop3A_286 = arith.index_cast %parallel_loop3A_285 : i32 to index
      %parallel_loop3A_287 = tpu.vector_load %arg8[%parallel_loop3A_286] {strides = array<i32>} : memref<16384xi32, #tpu.memory_space<vmem>>, vector<16xi32>,
      %parallel_loop3A_288 = vector.shape_cast %parallel_loop3A_287 : vector<16xi32> to vector<16xi32>
      %parallel_loop3A_289 = arith.constant 19 : i32
      %parallel_loop3A_290 = vector.broadcast %parallel_loop3A_289 : i32 to vector<16xi32>
      %parallel_loop3A_291 = arith.shrui %parallel_loop3A_288, %parallel_loop3A_290 : vector<16xi32>
      %parallel_loop3A_292 = vector.broadcast %add3A_121 : i32 to vector<16xi32>
      %parallel_loop3A_293 = arith.cmpi eq, %parallel_loop3A_291, %parallel_loop3A_292 : vector<16xi32>
      %parallel_loop3A_294 = arith.constant 524287 : i32
      %parallel_loop3A_295 = vector.broadcast %parallel_loop3A_294 : i32 to vector<16xi32>
      %parallel_loop3A_296 = arith.andi %parallel_loop3A_288, %parallel_loop3A_295 : vector<16xi32>
      %parallel_loop3A_297 = arith.select %parallel_loop3A_293, %parallel_loop3A_296, %add3A_62 : vector<16xi1>, vector<16xi32>
      %parallel_loop3A_298 = arith.constant 128 : i32
      %parallel_loop3A_299 = arith.divsi %parallel_loop3A_285, %parallel_loop3A_298 : i32
      %parallel_loop3A_300 = arith.constant 128 : i32
      %parallel_loop3A_301 = arith.remsi %parallel_loop3A_285, %parallel_loop3A_300 : i32
      %parallel_loop3A_302 = arith.index_cast %parallel_loop3A_299 : i32 to index
      %parallel_loop3A_303 = arith.index_cast %parallel_loop3A_301 : i32 to index
      %parallel_loop3A_304 = tpu.vector_load %arg7[%parallel_loop3A_302, %parallel_loop3A_303] {strides = array<i32>} : memref<128x128xi32, #tpu.memory_space<vmem>>, vector<1x16xi32>,
      %parallel_loop3A_305 = vector.shape_cast %parallel_loop3A_304 : vector<1x16xi32> to vector<16xi32>
      %parallel_loop3A_306 = vector.shape_cast %parallel_loop3A_297 : vector<16xi32> to vector<1x16xi32>
      tpu.vector_store %arg7[%parallel_loop3A_302, %parallel_loop3A_303], %parallel_loop3A_306 {strides = array<i32>} : memref<128x128xi32, #tpu.memory_space<vmem>>, vector<1x16xi32>,
    } {sc.loop_unroll_factor = 8 : i64, sc.parallel_access}
    "tpu.trace_stop"() : () -> ()
    "tpu.trace_start"() <{level = 10 : i32, message = "zero_drain"}> : () -> ()
    %dma_wait3A_142 = tpu.memref_slice %arg11[%add3A_130] : memref<524800xf32, #tpu.memory_space<vmem_shared>> -> memref<16384xf32, #tpu.memory_space<vmem_shared>>
    %dma_wait3A_143 = tpu.memref_slice %arg11[%add3A_130] : memref<524800xf32, #tpu.memory_space<vmem_shared>> -> memref<16384xf32, #tpu.memory_space<vmem_shared>>
    tpu.wait_dma2 semaphore(%arg13 : memref<!tpu.dma_semaphore, #tpu.memory_space<semaphore_mem>>) src(%arg9 : memref<16384xf32, #tpu.memory_space<vmem>>) dst(%dma_wait3A_143 : memref<16384xf32, #tpu.memory_space<vmem_shared>>)
    %dma_wait3A_144 = tpu.memref_slice %arg11[%add3A_136] : memref<524800xf32, #tpu.memory_space<vmem_shared>> -> memref<16384xf32, #tpu.memory_space<vmem_shared>>
    %dma_wait3A_145 = tpu.memref_slice %arg11[%add3A_136] : memref<524800xf32, #tpu.memory_space<vmem_shared>> -> memref<16384xf32, #tpu.memory_space<vmem_shared>>
    tpu.wait_dma2 semaphore(%arg13 : memref<!tpu.dma_semaphore, #tpu.memory_space<semaphore_mem>>) src(%arg9 : memref<16384xf32, #tpu.memory_space<vmem>>) dst(%dma_wait3A_145 : memref<16384xf32, #tpu.memory_space<vmem_shared>>)
    "tpu.trace_stop"() : () -> ()
    %barrier3A_146 = arith.constant 0 : index
    tpu.barrier barrier_id(%barrier3A_146)
    %parallel_loop3A_147 = arith.constant 0 : i32
    %parallel_loop3A_148 = arith.constant 128 : i32
    %parallel_loop3A_149 = arith.constant 1 : i32
    "tpu.trace_start"() <{level = 10 : i32, message = "scatter"}> : () -> ()
    scf.for %parallel_loop3A_285 = %parallel_loop3A_147 to %parallel_loop3A_148 step %parallel_loop3A_149  : i32 {
      %parallel_loop3A_286 = arith.constant 0 : i32
      %parallel_loop3A_287 = tpu.memref_slice %arg7[%parallel_loop3A_285, %parallel_loop3A_286] : memref<128x128xi32, #tpu.memory_space<vmem>> -> memref<1x128xi32, #tpu.memory_space<vmem>>
      %parallel_loop3A_288 = tpu.memref_squeeze %parallel_loop3A_287 : memref<1x128xi32, #tpu.memory_space<vmem>> -> memref<128xi32, #tpu.memory_space<vmem>>
      %parallel_loop3A_289 = arith.constant 0 : i32
      %parallel_loop3A_290 = tpu.memref_slice %arg11[%parallel_loop3A_289] : memref<524800xf32, #tpu.memory_space<vmem_shared>> -> memref<524800xf32, #tpu.memory_space<vmem_shared>>
      tpu.enqueue_indirect_dma source(%arg10 : memref<128xf32, #tpu.memory_space<vmem>>) target(%parallel_loop3A_290 : memref<524800xf32, #tpu.memory_space<vmem_shared>>) offsets(%parallel_loop3A_288 : memref<128xi32, #tpu.memory_space<vmem>>) semaphore(%arg14 : memref<!tpu.dma_semaphore, #tpu.memory_space<semaphore_mem>>)
    } {sc.loop_unroll_factor = 8 : i64, sc.parallel_access}
    %dma_wait3A_150 = arith.constant 0 : i32
    %dma_wait3A_151 = tpu.memref_slice %arg4[%dma_wait3A_150] : memref<4194304xf32, #tpu.memory_space<hbm>> -> memref<16384xf32, #tpu.memory_space<hbm>>
    %dma_wait3A_152 = arith.constant 0 : i32
    %dma_wait3A_153 = tpu.memref_slice %arg4[%dma_wait3A_152] : memref<4194304xf32, #tpu.memory_space<hbm>> -> memref<16384xf32, #tpu.memory_space<hbm>>
    tpu.wait_dma2 semaphore(%arg14 : memref<!tpu.dma_semaphore, #tpu.memory_space<semaphore_mem>>) src(%dma_wait3A_153 : memref<16384xf32, #tpu.memory_space<hbm>>) dst(%arg9 : memref<16384xf32, #tpu.memory_space<vmem>>)
    "tpu.trace_stop"() : () -> ()
    %barrier3A_154 = arith.constant 0 : index
    tpu.barrier barrier_id(%barrier3A_154)
    "tpu.trace_start"() <{level = 10 : i32, message = "copy_out"}> : () -> ()
    %mul3A_155 = arith.constant 32768 : i32
    %mul3A_156 = arith.muli %arg1, %mul3A_155 : i32
    %sub3A_157 = arith.constant 0 : i32
    %sub3A_158 = arith.subi %add3A_117, %sub3A_157 : i32
    %mul3A_159 = arith.constant 1048576 : i32
    %mul3A_160 = arith.muli %sub3A_158, %mul3A_159 : i32
    %add3A_161 = arith.constant 524288 : i32
    %add3A_162 = arith.addi %mul3A_160, %add3A_161 : i32
    %mul3A_163 = arith.constant 32768 : i32
    %mul3A_164 = arith.muli %arg1, %mul3A_163 : i32
    %add3A_165 = arith.addi %add3A_162, %mul3A_164 : i32
    %dma_start3A_166 = tpu.memref_slice %arg4[%add3A_165] : memref<4194304xf32, #tpu.memory_space<hbm>> -> memref<32768xf32, #tpu.memory_space<hbm>>
    %dma_start3A_167 = tpu.memref_slice %arg11[%mul3A_156] : memref<524800xf32, #tpu.memory_space<vmem_shared>> -> memref<32768xf32, #tpu.memory_space<vmem_shared>>
    tpu.enqueue_dma source(%dma_start3A_167 : memref<32768xf32, #tpu.memory_space<vmem_shared>>) target(%dma_start3A_166 : memref<32768xf32, #tpu.memory_space<hbm>>) target_semaphore(%arg15 : memref<!tpu.dma_semaphore, #tpu.memory_space<semaphore_mem>>)
    "tpu.trace_stop"() : () -> ()
    %mul3A_168 = arith.constant 2 : i32
    %mul3A_169 = arith.muli %arg0, %mul3A_168 : i32
    %add3A_170 = arith.constant 0 : i32
    %add3A_171 = arith.addi %add3A_170, %mul3A_169 : i32
    %add3A_172 = arith.constant 1 : i32
    %add3A_173 = arith.addi %add3A_171, %add3A_172 : i32
    %mul3A_174 = arith.constant 2 : i32
    %mul3A_175 = arith.muli %add3A_173, %mul3A_174 : i32
    %add3A_176 = arith.constant 0 : i32
    %add3A_177 = arith.addi %mul3A_175, %add3A_176 : i32
    "tpu.trace_start"() <{level = 10 : i32, message = "copy_wait"}> : () -> ()
    %mul3A_178 = arith.constant 32768 : i32
    %mul3A_179 = arith.muli %arg1, %mul3A_178 : i32
    %dma_wait3A_180 = arith.constant 0 : i32
    %dma_wait3A_181 = tpu.memref_slice %arg4[%dma_wait3A_180] : memref<4194304xf32, #tpu.memory_space<hbm>> -> memref<32768xf32, #tpu.memory_space<hbm>>
    %dma_wait3A_182 = tpu.memref_slice %arg11[%mul3A_179] : memref<524800xf32, #tpu.memory_space<vmem_shared>> -> memref<32768xf32, #tpu.memory_space<vmem_shared>>
    tpu.wait_dma2 semaphore(%arg15 : memref<!tpu.dma_semaphore, #tpu.memory_space<semaphore_mem>>) src(%dma_wait3A_182 : memref<32768xf32, #tpu.memory_space<vmem_shared>>) dst(%dma_wait3A_181 : memref<32768xf32, #tpu.memory_space<hbm>>)
    "tpu.trace_stop"() : () -> ()
    "tpu.trace_start"() <{level = 10 : i32, message = "zero_fire"}> : () -> ()
    %mul3A_183 = arith.constant 32768 : i32
    %mul3A_184 = arith.muli %arg1, %mul3A_183 : i32
    %add3A_185 = arith.constant 0 : i32
    %add3A_186 = arith.addi %mul3A_184, %add3A_185 : i32
    %dma_start3A_187 = tpu.memref_slice %arg11[%add3A_186] : memref<524800xf32, #tpu.memory_space<vmem_shared>> -> memref<16384xf32, #tpu.memory_space<vmem_shared>>
    %dma_start3A_188 = tpu.memref_slice %arg11[%add3A_186] : memref<524800xf32, #tpu.memory_space<vmem_shared>> -> memref<16384xf32, #tpu.memory_space<vmem_shared>>
    tpu.enqueue_dma source(%arg9 : memref<16384xf32, #tpu.memory_space<vmem>>) target(%dma_start3A_188 : memref<16384xf32, #tpu.memory_space<vmem_shared>>) target_semaphore(%arg13 : memref<!tpu.dma_semaphore, #tpu.memory_space<semaphore_mem>>)
    %mul3A_189 = arith.constant 32768 : i32
    %mul3A_190 = arith.muli %arg1, %mul3A_189 : i32
    %add3A_191 = arith.constant 16384 : i32
    %add3A_192 = arith.addi %mul3A_190, %add3A_191 : i32
    %dma_start3A_193 = tpu.memref_slice %arg11[%add3A_192] : memref<524800xf32, #tpu.memory_space<vmem_shared>> -> memref<16384xf32, #tpu.memory_space<vmem_shared>>
    %dma_start3A_194 = tpu.memref_slice %arg11[%add3A_192] : memref<524800xf32, #tpu.memory_space<vmem_shared>> -> memref<16384xf32, #tpu.memory_space<vmem_shared>>
    tpu.enqueue_dma source(%arg9 : memref<16384xf32, #tpu.memory_space<vmem>>) target(%dma_start3A_194 : memref<16384xf32, #tpu.memory_space<vmem_shared>>) target_semaphore(%arg13 : memref<!tpu.dma_semaphore, #tpu.memory_space<semaphore_mem>>)
    %parallel_loop3A_195 = arith.constant 0 : i32
    %parallel_loop3A_196 = arith.constant 16384 : i32
    %parallel_loop3A_197 = arith.constant 16 : i32
    "tpu.trace_stop"() : () -> ()
    "tpu.trace_start"() <{level = 10 : i32, message = "idx_compute"}> : () -> ()
    scf.for %parallel_loop3A_285 = %parallel_loop3A_195 to %parallel_loop3A_196 step %parallel_loop3A_197  : i32 {
      %parallel_loop3A_286 = arith.index_cast %parallel_loop3A_285 : i32 to index
      %parallel_loop3A_287 = tpu.vector_load %arg8[%parallel_loop3A_286] {strides = array<i32>} : memref<16384xi32, #tpu.memory_space<vmem>>, vector<16xi32>,
      %parallel_loop3A_288 = vector.shape_cast %parallel_loop3A_287 : vector<16xi32> to vector<16xi32>
      %parallel_loop3A_289 = arith.constant 19 : i32
      %parallel_loop3A_290 = vector.broadcast %parallel_loop3A_289 : i32 to vector<16xi32>
      %parallel_loop3A_291 = arith.shrui %parallel_loop3A_288, %parallel_loop3A_290 : vector<16xi32>
      %parallel_loop3A_292 = vector.broadcast %add3A_177 : i32 to vector<16xi32>
      %parallel_loop3A_293 = arith.cmpi eq, %parallel_loop3A_291, %parallel_loop3A_292 : vector<16xi32>
      %parallel_loop3A_294 = arith.constant 524287 : i32
      %parallel_loop3A_295 = vector.broadcast %parallel_loop3A_294 : i32 to vector<16xi32>
      %parallel_loop3A_296 = arith.andi %parallel_loop3A_288, %parallel_loop3A_295 : vector<16xi32>
      %parallel_loop3A_297 = arith.select %parallel_loop3A_293, %parallel_loop3A_296, %add3A_62 : vector<16xi1>, vector<16xi32>
      %parallel_loop3A_298 = arith.constant 128 : i32
      %parallel_loop3A_299 = arith.divsi %parallel_loop3A_285, %parallel_loop3A_298 : i32
      %parallel_loop3A_300 = arith.constant 128 : i32
      %parallel_loop3A_301 = arith.remsi %parallel_loop3A_285, %parallel_loop3A_300 : i32
      %parallel_loop3A_302 = arith.index_cast %parallel_loop3A_299 : i32 to index
      %parallel_loop3A_303 = arith.index_cast %parallel_loop3A_301 : i32 to index
      %parallel_loop3A_304 = tpu.vector_load %arg7[%parallel_loop3A_302, %parallel_loop3A_303] {strides = array<i32>} : memref<128x128xi32, #tpu.memory_space<vmem>>, vector<1x16xi32>,
      %parallel_loop3A_305 = vector.shape_cast %parallel_loop3A_304 : vector<1x16xi32> to vector<16xi32>
      %parallel_loop3A_306 = vector.shape_cast %parallel_loop3A_297 : vector<16xi32> to vector<1x16xi32>
      tpu.vector_store %arg7[%parallel_loop3A_302, %parallel_loop3A_303], %parallel_loop3A_306 {strides = array<i32>} : memref<128x128xi32, #tpu.memory_space<vmem>>, vector<1x16xi32>,
    } {sc.loop_unroll_factor = 8 : i64, sc.parallel_access}
    "tpu.trace_stop"() : () -> ()
    "tpu.trace_start"() <{level = 10 : i32, message = "zero_drain"}> : () -> ()
    %dma_wait3A_198 = tpu.memref_slice %arg11[%add3A_186] : memref<524800xf32, #tpu.memory_space<vmem_shared>> -> memref<16384xf32, #tpu.memory_space<vmem_shared>>
    %dma_wait3A_199 = tpu.memref_slice %arg11[%add3A_186] : memref<524800xf32, #tpu.memory_space<vmem_shared>> -> memref<16384xf32, #tpu.memory_space<vmem_shared>>
    tpu.wait_dma2 semaphore(%arg13 : memref<!tpu.dma_semaphore, #tpu.memory_space<semaphore_mem>>) src(%arg9 : memref<16384xf32, #tpu.memory_space<vmem>>) dst(%dma_wait3A_199 : memref<16384xf32, #tpu.memory_space<vmem_shared>>)
    %dma_wait3A_200 = tpu.memref_slice %arg11[%add3A_192] : memref<524800xf32, #tpu.memory_space<vmem_shared>> -> memref<16384xf32, #tpu.memory_space<vmem_shared>>
    %dma_wait3A_201 = tpu.memref_slice %arg11[%add3A_192] : memref<524800xf32, #tpu.memory_space<vmem_shared>> -> memref<16384xf32, #tpu.memory_space<vmem_shared>>
    tpu.wait_dma2 semaphore(%arg13 : memref<!tpu.dma_semaphore, #tpu.memory_space<semaphore_mem>>) src(%arg9 : memref<16384xf32, #tpu.memory_space<vmem>>) dst(%dma_wait3A_201 : memref<16384xf32, #tpu.memory_space<vmem_shared>>)
    "tpu.trace_stop"() : () -> ()
    %barrier3A_202 = arith.constant 0 : index
    tpu.barrier barrier_id(%barrier3A_202)
    %parallel_loop3A_203 = arith.constant 0 : i32
    %parallel_loop3A_204 = arith.constant 128 : i32
    %parallel_loop3A_205 = arith.constant 1 : i32
    "tpu.trace_start"() <{level = 10 : i32, message = "scatter"}> : () -> ()
    scf.for %parallel_loop3A_285 = %parallel_loop3A_203 to %parallel_loop3A_204 step %parallel_loop3A_205  : i32 {
      %parallel_loop3A_286 = arith.constant 0 : i32
      %parallel_loop3A_287 = tpu.memref_slice %arg7[%parallel_loop3A_285, %parallel_loop3A_286] : memref<128x128xi32, #tpu.memory_space<vmem>> -> memref<1x128xi32, #tpu.memory_space<vmem>>
      %parallel_loop3A_288 = tpu.memref_squeeze %parallel_loop3A_287 : memref<1x128xi32, #tpu.memory_space<vmem>> -> memref<128xi32, #tpu.memory_space<vmem>>
      %parallel_loop3A_289 = arith.constant 0 : i32
      %parallel_loop3A_290 = tpu.memref_slice %arg11[%parallel_loop3A_289] : memref<524800xf32, #tpu.memory_space<vmem_shared>> -> memref<524800xf32, #tpu.memory_space<vmem_shared>>
      tpu.enqueue_indirect_dma source(%arg10 : memref<128xf32, #tpu.memory_space<vmem>>) target(%parallel_loop3A_290 : memref<524800xf32, #tpu.memory_space<vmem_shared>>) offsets(%parallel_loop3A_288 : memref<128xi32, #tpu.memory_space<vmem>>) semaphore(%arg14 : memref<!tpu.dma_semaphore, #tpu.memory_space<semaphore_mem>>)
    } {sc.loop_unroll_factor = 8 : i64, sc.parallel_access}
    %dma_wait3A_206 = arith.constant 0 : i32
    %dma_wait3A_207 = tpu.memref_slice %arg4[%dma_wait3A_206] : memref<4194304xf32, #tpu.memory_space<hbm>> -> memref<16384xf32, #tpu.memory_space<hbm>>
    %dma_wait3A_208 = arith.constant 0 : i32
    %dma_wait3A_209 = tpu.memref_slice %arg4[%dma_wait3A_208] : memref<4194304xf32, #tpu.memory_space<hbm>> -> memref<16384xf32, #tpu.memory_space<hbm>>
    tpu.wait_dma2 semaphore(%arg14 : memref<!tpu.dma_semaphore, #tpu.memory_space<semaphore_mem>>) src(%dma_wait3A_209 : memref<16384xf32, #tpu.memory_space<hbm>>) dst(%arg9 : memref<16384xf32, #tpu.memory_space<vmem>>)
    "tpu.trace_stop"() : () -> ()
    %barrier3A_210 = arith.constant 0 : index
    tpu.barrier barrier_id(%barrier3A_210)
    "tpu.trace_start"() <{level = 10 : i32, message = "copy_out"}> : () -> ()
    %mul3A_211 = arith.constant 32768 : i32
    %mul3A_212 = arith.muli %arg1, %mul3A_211 : i32
    %sub3A_213 = arith.constant 0 : i32
    %sub3A_214 = arith.subi %add3A_173, %sub3A_213 : i32
    %mul3A_215 = arith.constant 1048576 : i32
    %mul3A_216 = arith.muli %sub3A_214, %mul3A_215 : i32
    %add3A_217 = arith.constant 0 : i32
    %add3A_218 = arith.addi %mul3A_216, %add3A_217 : i32
    %mul3A_219 = arith.constant 32768 : i32
    %mul3A_220 = arith.muli %arg1, %mul3A_219 : i32
    %add3A_221 = arith.addi %add3A_218, %mul3A_220 : i32
    %dma_start3A_222 = tpu.memref_slice %arg4[%add3A_221] : memref<4194304xf32, #tpu.memory_space<hbm>> -> memref<32768xf32, #tpu.memory_space<hbm>>
    %dma_start3A_223 = tpu.memref_slice %arg11[%mul3A_212] : memref<524800xf32, #tpu.memory_space<vmem_shared>> -> memref<32768xf32, #tpu.memory_space<vmem_shared>>
    tpu.enqueue_dma source(%dma_start3A_223 : memref<32768xf32, #tpu.memory_space<vmem_shared>>) target(%dma_start3A_222 : memref<32768xf32, #tpu.memory_space<hbm>>) target_semaphore(%arg15 : memref<!tpu.dma_semaphore, #tpu.memory_space<semaphore_mem>>)
    "tpu.trace_stop"() : () -> ()
    %mul3A_224 = arith.constant 2 : i32
    %mul3A_225 = arith.muli %arg0, %mul3A_224 : i32
    %add3A_226 = arith.constant 0 : i32
    %add3A_227 = arith.addi %add3A_226, %mul3A_225 : i32
    %add3A_228 = arith.constant 1 : i32
    %add3A_229 = arith.addi %add3A_227, %add3A_228 : i32
    %mul3A_230 = arith.constant 2 : i32
    %mul3A_231 = arith.muli %add3A_229, %mul3A_230 : i32
    %add3A_232 = arith.constant 1 : i32
    %add3A_233 = arith.addi %mul3A_231, %add3A_232 : i32
    "tpu.trace_start"() <{level = 10 : i32, message = "copy_wait"}> : () -> ()
    %mul3A_234 = arith.constant 32768 : i32
    %mul3A_235 = arith.muli %arg1, %mul3A_234 : i32
    %dma_wait3A_236 = arith.constant 0 : i32
    %dma_wait3A_237 = tpu.memref_slice %arg4[%dma_wait3A_236] : memref<4194304xf32, #tpu.memory_space<hbm>> -> memref<32768xf32, #tpu.memory_space<hbm>>
    %dma_wait3A_238 = tpu.memref_slice %arg11[%mul3A_235] : memref<524800xf32, #tpu.memory_space<vmem_shared>> -> memref<32768xf32, #tpu.memory_space<vmem_shared>>
    tpu.wait_dma2 semaphore(%arg15 : memref<!tpu.dma_semaphore, #tpu.memory_space<semaphore_mem>>) src(%dma_wait3A_238 : memref<32768xf32, #tpu.memory_space<vmem_shared>>) dst(%dma_wait3A_237 : memref<32768xf32, #tpu.memory_space<hbm>>)
    "tpu.trace_stop"() : () -> ()
    "tpu.trace_start"() <{level = 10 : i32, message = "zero_fire"}> : () -> ()
    %mul3A_239 = arith.constant 32768 : i32
    %mul3A_240 = arith.muli %arg1, %mul3A_239 : i32
    %add3A_241 = arith.constant 0 : i32
    %add3A_242 = arith.addi %mul3A_240, %add3A_241 : i32
    %dma_start3A_243 = tpu.memref_slice %arg11[%add3A_242] : memref<524800xf32, #tpu.memory_space<vmem_shared>> -> memref<16384xf32, #tpu.memory_space<vmem_shared>>
    %dma_start3A_244 = tpu.memref_slice %arg11[%add3A_242] : memref<524800xf32, #tpu.memory_space<vmem_shared>> -> memref<16384xf32, #tpu.memory_space<vmem_shared>>
    tpu.enqueue_dma source(%arg9 : memref<16384xf32, #tpu.memory_space<vmem>>) target(%dma_start3A_244 : memref<16384xf32, #tpu.memory_space<vmem_shared>>) target_semaphore(%arg13 : memref<!tpu.dma_semaphore, #tpu.memory_space<semaphore_mem>>)
    %mul3A_245 = arith.constant 32768 : i32
    %mul3A_246 = arith.muli %arg1, %mul3A_245 : i32
    %add3A_247 = arith.constant 16384 : i32
    %add3A_248 = arith.addi %mul3A_246, %add3A_247 : i32
    %dma_start3A_249 = tpu.memref_slice %arg11[%add3A_248] : memref<524800xf32, #tpu.memory_space<vmem_shared>> -> memref<16384xf32, #tpu.memory_space<vmem_shared>>
    %dma_start3A_250 = tpu.memref_slice %arg11[%add3A_248] : memref<524800xf32, #tpu.memory_space<vmem_shared>> -> memref<16384xf32, #tpu.memory_space<vmem_shared>>
    tpu.enqueue_dma source(%arg9 : memref<16384xf32, #tpu.memory_space<vmem>>) target(%dma_start3A_250 : memref<16384xf32, #tpu.memory_space<vmem_shared>>) target_semaphore(%arg13 : memref<!tpu.dma_semaphore, #tpu.memory_space<semaphore_mem>>)
    %parallel_loop3A_251 = arith.constant 0 : i32
    %parallel_loop3A_252 = arith.constant 16384 : i32
    %parallel_loop3A_253 = arith.constant 16 : i32
    "tpu.trace_stop"() : () -> ()
    "tpu.trace_start"() <{level = 10 : i32, message = "idx_compute"}> : () -> ()
    scf.for %parallel_loop3A_285 = %parallel_loop3A_251 to %parallel_loop3A_252 step %parallel_loop3A_253  : i32 {
      %parallel_loop3A_286 = arith.index_cast %parallel_loop3A_285 : i32 to index
      %parallel_loop3A_287 = tpu.vector_load %arg8[%parallel_loop3A_286] {strides = array<i32>} : memref<16384xi32, #tpu.memory_space<vmem>>, vector<16xi32>,
      %parallel_loop3A_288 = vector.shape_cast %parallel_loop3A_287 : vector<16xi32> to vector<16xi32>
      %parallel_loop3A_289 = arith.constant 19 : i32
      %parallel_loop3A_290 = vector.broadcast %parallel_loop3A_289 : i32 to vector<16xi32>
      %parallel_loop3A_291 = arith.shrui %parallel_loop3A_288, %parallel_loop3A_290 : vector<16xi32>
      %parallel_loop3A_292 = vector.broadcast %add3A_233 : i32 to vector<16xi32>
      %parallel_loop3A_293 = arith.cmpi eq, %parallel_loop3A_291, %parallel_loop3A_292 : vector<16xi32>
      %parallel_loop3A_294 = arith.constant 524287 : i32
      %parallel_loop3A_295 = vector.broadcast %parallel_loop3A_294 : i32 to vector<16xi32>
      %parallel_loop3A_296 = arith.andi %parallel_loop3A_288, %parallel_loop3A_295 : vector<16xi32>
      %parallel_loop3A_297 = arith.select %parallel_loop3A_293, %parallel_loop3A_296, %add3A_62 : vector<16xi1>, vector<16xi32>
      %parallel_loop3A_298 = arith.constant 128 : i32
      %parallel_loop3A_299 = arith.divsi %parallel_loop3A_285, %parallel_loop3A_298 : i32
      %parallel_loop3A_300 = arith.constant 128 : i32
      %parallel_loop3A_301 = arith.remsi %parallel_loop3A_285, %parallel_loop3A_300 : i32
      %parallel_loop3A_302 = arith.index_cast %parallel_loop3A_299 : i32 to index
      %parallel_loop3A_303 = arith.index_cast %parallel_loop3A_301 : i32 to index
      %parallel_loop3A_304 = tpu.vector_load %arg7[%parallel_loop3A_302, %parallel_loop3A_303] {strides = array<i32>} : memref<128x128xi32, #tpu.memory_space<vmem>>, vector<1x16xi32>,
      %parallel_loop3A_305 = vector.shape_cast %parallel_loop3A_304 : vector<1x16xi32> to vector<16xi32>
      %parallel_loop3A_306 = vector.shape_cast %parallel_loop3A_297 : vector<16xi32> to vector<1x16xi32>
      tpu.vector_store %arg7[%parallel_loop3A_302, %parallel_loop3A_303], %parallel_loop3A_306 {strides = array<i32>} : memref<128x128xi32, #tpu.memory_space<vmem>>, vector<1x16xi32>,
    } {sc.loop_unroll_factor = 8 : i64, sc.parallel_access}
    "tpu.trace_stop"() : () -> ()
    "tpu.trace_start"() <{level = 10 : i32, message = "zero_drain"}> : () -> ()
    %dma_wait3A_254 = tpu.memref_slice %arg11[%add3A_242] : memref<524800xf32, #tpu.memory_space<vmem_shared>> -> memref<16384xf32, #tpu.memory_space<vmem_shared>>
    %dma_wait3A_255 = tpu.memref_slice %arg11[%add3A_242] : memref<524800xf32, #tpu.memory_space<vmem_shared>> -> memref<16384xf32, #tpu.memory_space<vmem_shared>>
    tpu.wait_dma2 semaphore(%arg13 : memref<!tpu.dma_semaphore, #tpu.memory_space<semaphore_mem>>) src(%arg9 : memref<16384xf32, #tpu.memory_space<vmem>>) dst(%dma_wait3A_255 : memref<16384xf32, #tpu.memory_space<vmem_shared>>)
    %dma_wait3A_256 = tpu.memref_slice %arg11[%add3A_248] : memref<524800xf32, #tpu.memory_space<vmem_shared>> -> memref<16384xf32, #tpu.memory_space<vmem_shared>>
    %dma_wait3A_257 = tpu.memref_slice %arg11[%add3A_248] : memref<524800xf32, #tpu.memory_space<vmem_shared>> -> memref<16384xf32, #tpu.memory_space<vmem_shared>>
    tpu.wait_dma2 semaphore(%arg13 : memref<!tpu.dma_semaphore, #tpu.memory_space<semaphore_mem>>) src(%arg9 : memref<16384xf32, #tpu.memory_space<vmem>>) dst(%dma_wait3A_257 : memref<16384xf32, #tpu.memory_space<vmem_shared>>)
    "tpu.trace_stop"() : () -> ()
    %barrier3A_258 = arith.constant 0 : index
    tpu.barrier barrier_id(%barrier3A_258)
    %parallel_loop3A_259 = arith.constant 0 : i32
    %parallel_loop3A_260 = arith.constant 128 : i32
    %parallel_loop3A_261 = arith.constant 1 : i32
    "tpu.trace_start"() <{level = 10 : i32, message = "scatter"}> : () -> ()
    scf.for %parallel_loop3A_285 = %parallel_loop3A_259 to %parallel_loop3A_260 step %parallel_loop3A_261  : i32 {
      %parallel_loop3A_286 = arith.constant 0 : i32
      %parallel_loop3A_287 = tpu.memref_slice %arg7[%parallel_loop3A_285, %parallel_loop3A_286] : memref<128x128xi32, #tpu.memory_space<vmem>> -> memref<1x128xi32, #tpu.memory_space<vmem>>
      %parallel_loop3A_288 = tpu.memref_squeeze %parallel_loop3A_287 : memref<1x128xi32, #tpu.memory_space<vmem>> -> memref<128xi32, #tpu.memory_space<vmem>>
      %parallel_loop3A_289 = arith.constant 0 : i32
      %parallel_loop3A_290 = tpu.memref_slice %arg11[%parallel_loop3A_289] : memref<524800xf32, #tpu.memory_space<vmem_shared>> -> memref<524800xf32, #tpu.memory_space<vmem_shared>>
      tpu.enqueue_indirect_dma source(%arg10 : memref<128xf32, #tpu.memory_space<vmem>>) target(%parallel_loop3A_290 : memref<524800xf32, #tpu.memory_space<vmem_shared>>) offsets(%parallel_loop3A_288 : memref<128xi32, #tpu.memory_space<vmem>>) semaphore(%arg14 : memref<!tpu.dma_semaphore, #tpu.memory_space<semaphore_mem>>)
    } {sc.loop_unroll_factor = 8 : i64, sc.parallel_access}
    %dma_wait3A_262 = arith.constant 0 : i32
    %dma_wait3A_263 = tpu.memref_slice %arg4[%dma_wait3A_262] : memref<4194304xf32, #tpu.memory_space<hbm>> -> memref<16384xf32, #tpu.memory_space<hbm>>
    %dma_wait3A_264 = arith.constant 0 : i32
    %dma_wait3A_265 = tpu.memref_slice %arg4[%dma_wait3A_264] : memref<4194304xf32, #tpu.memory_space<hbm>> -> memref<16384xf32, #tpu.memory_space<hbm>>
    tpu.wait_dma2 semaphore(%arg14 : memref<!tpu.dma_semaphore, #tpu.memory_space<semaphore_mem>>) src(%dma_wait3A_265 : memref<16384xf32, #tpu.memory_space<hbm>>) dst(%arg9 : memref<16384xf32, #tpu.memory_space<vmem>>)
    "tpu.trace_stop"() : () -> ()
    %barrier3A_266 = arith.constant 0 : index
    tpu.barrier barrier_id(%barrier3A_266)
    "tpu.trace_start"() <{level = 10 : i32, message = "copy_out"}> : () -> ()
    %mul3A_267 = arith.constant 32768 : i32
    %mul3A_268 = arith.muli %arg1, %mul3A_267 : i32
    %sub3A_269 = arith.constant 0 : i32
    %sub3A_270 = arith.subi %add3A_229, %sub3A_269 : i32
    %mul3A_271 = arith.constant 1048576 : i32
    %mul3A_272 = arith.muli %sub3A_270, %mul3A_271 : i32
    %add3A_273 = arith.constant 524288 : i32
    %add3A_274 = arith.addi %mul3A_272, %add3A_273 : i32
    %mul3A_275 = arith.constant 32768 : i32
    %mul3A_276 = arith.muli %arg1, %mul3A_275 : i32
    %add3A_277 = arith.addi %add3A_274, %mul3A_276 : i32
    %dma_start3A_278 = tpu.memref_slice %arg4[%add3A_277] : memref<4194304xf32, #tpu.memory_space<hbm>> -> memref<32768xf32, #tpu.memory_space<hbm>>
    %dma_start3A_279 = tpu.memref_slice %arg11[%mul3A_268] : memref<524800xf32, #tpu.memory_space<vmem_shared>> -> memref<32768xf32, #tpu.memory_space<vmem_shared>>
    tpu.enqueue_dma source(%dma_start3A_279 : memref<32768xf32, #tpu.memory_space<vmem_shared>>) target(%dma_start3A_278 : memref<32768xf32, #tpu.memory_space<hbm>>) target_semaphore(%arg15 : memref<!tpu.dma_semaphore, #tpu.memory_space<semaphore_mem>>)
    "tpu.trace_stop"() : () -> ()
    "tpu.trace_start"() <{level = 10 : i32, message = "final_wait"}> : () -> ()
    %mul3A_280 = arith.constant 32768 : i32
    %mul3A_281 = arith.muli %arg1, %mul3A_280 : i32
    %dma_wait3A_282 = arith.constant 0 : i32
    %dma_wait3A_283 = tpu.memref_slice %arg4[%dma_wait3A_282] : memref<4194304xf32, #tpu.memory_space<hbm>> -> memref<32768xf32, #tpu.memory_space<hbm>>
    %dma_wait3A_284 = tpu.memref_slice %arg11[%mul3A_281] : memref<524800xf32, #tpu.memory_space<vmem_shared>> -> memref<32768xf32, #tpu.memory_space<vmem_shared>>
    tpu.wait_dma2 semaphore(%arg15 : memref<!tpu.dma_semaphore, #tpu.memory_space<semaphore_mem>>) src(%dma_wait3A_284 : memref<32768xf32, #tpu.memory_space<vmem_shared>>) dst(%dma_wait3A_283 : memref<32768xf32, #tpu.memory_space<hbm>>)
    "tpu.trace_stop"() : () -> ()
    return
  }
}

module attributes {stable_mosaic.version = 14 : i64} {
  func.func @_tc_pool_mlp_body(%arg0: i32, %arg1: memref<1x1024x1024xf32, #tpu.memory_space<vmem>>, %arg2: memref<1x1024x128xf32, #tpu.memory_space<vmem>>, %arg3: memref<128x128xf32, #tpu.memory_space<vmem>>, %arg4: memref<1x128xf32, #tpu.memory_space<vmem>>, %arg5: memref<4x128xf32, #tpu.memory_space<vmem>>, %arg6: memref<4x128xf32, #tpu.memory_space<vmem>>, %arg7: memref<4x128xf32, #tpu.memory_space<vmem>>, %arg8: memref<128x128xf32, #tpu.memory_space<vmem>>, %arg9: memref<1x128xf32, #tpu.memory_space<vmem>>, %arg10: memref<128x128xf32, #tpu.memory_space<vmem>>, %arg11: memref<1x128xf32, #tpu.memory_space<vmem>>, %arg12: memref<128x128xf32, #tpu.memory_space<vmem>>, %arg13: memref<1x128xf32, #tpu.memory_space<vmem>>, %arg14: memref<16x128xf32, #tpu.memory_space<vmem>>, %arg15: memref<4x128xf32, #tpu.memory_space<vmem>>) attributes {dimension_semantics = [#tpu.dimension_semantics<arbitrary>], iteration_bounds = array<i64: 4>, scalar_prefetch = 0 : i64, scratch_operands = 1 : i64, tpu.core_type = #tpu.core_type<tc>, window_params = [{transform_indices = @transform_0, window_bounds = array<i64: 1, 1024, 1024>}, {transform_indices = @transform_1, window_bounds = array<i64: 1, 1024, 128>}, {pipeline_mode = #tpu.pipeline_mode<synchronous>, transform_indices = @transform_2, window_bounds = array<i64: 128, 128>}, {pipeline_mode = #tpu.pipeline_mode<synchronous>, transform_indices = @transform_3, window_bounds = array<i64: 1, 128>}, {pipeline_mode = #tpu.pipeline_mode<synchronous>, transform_indices = @transform_4, window_bounds = array<i64: 4, 128>}, {pipeline_mode = #tpu.pipeline_mode<synchronous>, transform_indices = @transform_5, window_bounds = array<i64: 4, 128>}, {pipeline_mode = #tpu.pipeline_mode<synchronous>, transform_indices = @transform_6, window_bounds = array<i64: 4, 128>}, {pipeline_mode = #tpu.pipeline_mode<synchronous>, transform_indices = @transform_7, window_bounds = array<i64: 128, 128>}, {pipeline_mode = #tpu.pipeline_mode<synchronous>, transform_indices = @transform_8, window_bounds = array<i64: 1, 128>}, {pipeline_mode = #tpu.pipeline_mode<synchronous>, transform_indices = @transform_9, window_bounds = array<i64: 128, 128>}, {pipeline_mode = #tpu.pipeline_mode<synchronous>, transform_indices = @transform_10, window_bounds = array<i64: 1, 128>}, {pipeline_mode = #tpu.pipeline_mode<synchronous>, transform_indices = @transform_11, window_bounds = array<i64: 128, 128>}, {pipeline_mode = #tpu.pipeline_mode<synchronous>, transform_indices = @transform_12, window_bounds = array<i64: 1, 128>}, {pipeline_mode = #tpu.pipeline_mode<synchronous>, transform_indices = @transform_13, window_bounds = array<i64: 16, 128>}]} {
    %get3A = arith.constant 0 : index
    %get3A_0 = arith.constant 0 : index
    %get3A_1 = arith.constant 0 : index
    %get3A_2 = vector.load %arg1[%get3A, %get3A_0, %get3A_1] : memref<1x1024x1024xf32, #tpu.memory_space<vmem>>, vector<1x1024x1024xf32>
    %get3A_3 = vector.shape_cast %get3A_2 : vector<1x1024x1024xf32> to vector<1024x1024xf32>
    %get3A_4 = arith.constant 0 : index
    %get3A_5 = arith.constant 0 : index
    %get3A_6 = arith.constant 0 : index
    %get3A_7 = vector.load %arg2[%get3A_4, %get3A_5, %get3A_6] : memref<1x1024x128xf32, #tpu.memory_space<vmem>>, vector<1x1024x128xf32>
    %get3A_8 = vector.shape_cast %get3A_7 : vector<1x1024x128xf32> to vector<1024x128xf32>
    %dot_general3A = arith.constant dense<0.000000e+00> : vector<1024x128xf32>
    %dot_general3A_9 = tpu.matmul %get3A_3, %get3A_8, %dot_general3A {dimension_numbers = #tpu.dot_dimension_numbers<[1], [0], [0], [1], [0, 0, 1, 1], [], []>, transpose_lhs_hint = false} : vector<1024x1024xf32>, vector<1024x128xf32>, vector<1024x128xf32> -> vector<1024x128xf32>
    %get3A_10 = arith.constant 0 : index
    %get3A_11 = arith.constant 0 : index
    %get3A_12 = vector.load %arg3[%get3A_10, %get3A_11] : memref<128x128xf32, #tpu.memory_space<vmem>>, vector<128x128xf32>
    %dot_general3A_13 = arith.constant dense<0.000000e+00> : vector<1024x128xf32>
    %dot_general3A_14 = tpu.matmul %dot_general3A_9, %get3A_12, %dot_general3A_13 {dimension_numbers = #tpu.dot_dimension_numbers<[1], [0], [0], [1], [0, 0, 1, 1], [], []>, transpose_lhs_hint = false} : vector<1024x128xf32>, vector<128x128xf32>, vector<1024x128xf32> -> vector<1024x128xf32>
    %get3A_15 = arith.constant 0 : index
    %get3A_16 = arith.constant 0 : index
    %get3A_17 = vector.load %arg4[%get3A_15, %get3A_16] : memref<1x128xf32, #tpu.memory_space<vmem>>, vector<1x128xf32>
    %add3A = vector.broadcast %get3A_17 : vector<1x128xf32> to vector<1024x128xf32>
    %add3A_18 = arith.addf %dot_general3A_14, %add3A : vector<1024x128xf32>
    %reduce_max3A = arith.constant dense<0xFF800000> : vector<128xf32>
    %reduce_max3A_19 = vector.multi_reduction <maximumf>, %add3A_18, %reduce_max3A [0] : vector<1024x128xf32> to vector<128xf32>
    %broadcast_in_dim3A = vector.shape_cast %reduce_max3A_19 : vector<128xf32> to vector<1x128xf32>
    %swap3A = arith.index_cast %arg0 : i32 to index
    %swap3A_20 = arith.constant 0 : index
    %swap3A_21 = vector.load %arg15[%swap3A, %swap3A_20] : memref<4x128xf32, #tpu.memory_space<vmem>>, vector<1x128xf32>
    tpu.vector_store %arg15[%swap3A, %swap3A_20], %broadcast_in_dim3A {strides = array<i32>} : memref<4x128xf32, #tpu.memory_space<vmem>>, vector<1x128xf32>,
    %eq3A = arith.constant 3 : i32
    %eq3A_22 = arith.cmpi eq, %arg0, %eq3A : i32
    %convert_element_type3A = arith.extui %eq3A_22 : i1 to i32
    %cond3A = arith.constant 0 : i32
    %cond3A_23 = arith.cmpi ne, %convert_element_type3A, %cond3A : i32
    scf.if %cond3A_23 {
      %get3A_24 = arith.constant 0 : index
      %get3A_25 = arith.constant 0 : index
      %get3A_26 = vector.load %arg5[%get3A_24, %get3A_25] : memref<4x128xf32, #tpu.memory_space<vmem>>, vector<4x128xf32>
      %get3A_27 = arith.constant 0 : index
      %get3A_28 = arith.constant 0 : index
      %get3A_29 = vector.load %arg6[%get3A_27, %get3A_28] : memref<4x128xf32, #tpu.memory_space<vmem>>, vector<4x128xf32>
      %get3A_30 = arith.constant 0 : index
      %get3A_31 = arith.constant 0 : index
      %get3A_32 = vector.load %arg7[%get3A_30, %get3A_31] : memref<4x128xf32, #tpu.memory_space<vmem>>, vector<4x128xf32>
      %get3A_33 = arith.constant 0 : index
      %get3A_34 = arith.constant 0 : index
      %get3A_35 = vector.load %arg15[%get3A_33, %get3A_34] : memref<4x128xf32, #tpu.memory_space<vmem>>, vector<4x128xf32>
      %concatenate3A = tpu.concatenate %get3A_26, %get3A_29, %get3A_32, %get3A_35 in 0 : vector<4x128xf32>, vector<4x128xf32>, vector<4x128xf32>, vector<4x128xf32> -> vector<16x128xf32>
      %get3A_36 = arith.constant 0 : index
      %get3A_37 = arith.constant 0 : index
      %get3A_38 = vector.load %arg8[%get3A_36, %get3A_37] : memref<128x128xf32, #tpu.memory_space<vmem>>, vector<128x128xf32>
      %dot_general3A_39 = arith.constant dense<0.000000e+00> : vector<16x128xf32>
      %dot_general3A_40 = tpu.matmul %concatenate3A, %get3A_38, %dot_general3A_39 {dimension_numbers = #tpu.dot_dimension_numbers<[1], [0], [0], [1], [0, 0, 1, 1], [], []>, transpose_lhs_hint = false} : vector<16x128xf32>, vector<128x128xf32>, vector<16x128xf32> -> vector<16x128xf32>
      %get3A_41 = arith.constant 0 : index
      %get3A_42 = arith.constant 0 : index
      %get3A_43 = vector.load %arg9[%get3A_41, %get3A_42] : memref<1x128xf32, #tpu.memory_space<vmem>>, vector<1x128xf32>
      %add3A_44 = vector.broadcast %get3A_43 : vector<1x128xf32> to vector<16x128xf32>
      %add3A_45 = arith.addf %dot_general3A_40, %add3A_44 : vector<16x128xf32>
      %tanh3A = math.tanh %add3A_45 : vector<16x128xf32>
      %get3A_46 = arith.constant 0 : index
      %get3A_47 = arith.constant 0 : index
      %get3A_48 = vector.load %arg10[%get3A_46, %get3A_47] : memref<128x128xf32, #tpu.memory_space<vmem>>, vector<128x128xf32>
      %dot_general3A_49 = arith.constant dense<0.000000e+00> : vector<16x128xf32>
      %dot_general3A_50 = tpu.matmul %tanh3A, %get3A_48, %dot_general3A_49 {dimension_numbers = #tpu.dot_dimension_numbers<[1], [0], [0], [1], [0, 0, 1, 1], [], []>, transpose_lhs_hint = false} : vector<16x128xf32>, vector<128x128xf32>, vector<16x128xf32> -> vector<16x128xf32>
      %get3A_51 = arith.constant 0 : index
      %get3A_52 = arith.constant 0 : index
      %get3A_53 = vector.load %arg11[%get3A_51, %get3A_52] : memref<1x128xf32, #tpu.memory_space<vmem>>, vector<1x128xf32>
      %add3A_54 = vector.broadcast %get3A_53 : vector<1x128xf32> to vector<16x128xf32>
      %add3A_55 = arith.addf %dot_general3A_50, %add3A_54 : vector<16x128xf32>
      %tanh3A_56 = math.tanh %add3A_55 : vector<16x128xf32>
      %get3A_57 = arith.constant 0 : index
      %get3A_58 = arith.constant 0 : index
      %get3A_59 = vector.load %arg12[%get3A_57, %get3A_58] : memref<128x128xf32, #tpu.memory_space<vmem>>, vector<128x128xf32>
      %dot_general3A_60 = arith.constant dense<0.000000e+00> : vector<16x128xf32>
      %dot_general3A_61 = tpu.matmul %tanh3A_56, %get3A_59, %dot_general3A_60 {dimension_numbers = #tpu.dot_dimension_numbers<[1], [0], [0], [1], [0, 0, 1, 1], [], []>, transpose_lhs_hint = false} : vector<16x128xf32>, vector<128x128xf32>, vector<16x128xf32> -> vector<16x128xf32>
      %get3A_62 = arith.constant 0 : index
      %get3A_63 = arith.constant 0 : index
      %get3A_64 = vector.load %arg13[%get3A_62, %get3A_63] : memref<1x128xf32, #tpu.memory_space<vmem>>, vector<1x128xf32>
      %add3A_65 = vector.broadcast %get3A_64 : vector<1x128xf32> to vector<16x128xf32>
      %add3A_66 = arith.addf %dot_general3A_61, %add3A_65 : vector<16x128xf32>
      %swap3A_67 = arith.constant 0 : index
      %swap3A_68 = arith.constant 0 : index
      %swap3A_69 = vector.load %arg14[%swap3A_67, %swap3A_68] : memref<16x128xf32, #tpu.memory_space<vmem>>, vector<16x128xf32>
      tpu.vector_store %arg14[%swap3A_67, %swap3A_68], %add3A_66 {strides = array<i32>} : memref<16x128xf32, #tpu.memory_space<vmem>>, vector<16x128xf32>,
    } else {
    }
    return
  }
  func.func @transform_0(%arg0: i32) -> (i32, i32, i32) {
    %c0_i32 = arith.constant 0 : i32
    %c0_i32_0 = arith.constant 0 : i32
    %c0_i32_1 = arith.constant 0 : i32
    return %arg0, %c0_i32, %c0_i32_0 : i32, i32, i32
  }
  func.func @transform_1(%arg0: i32) -> (i32, i32, i32) {
    %c0_i32 = arith.constant 0 : i32
    %c0_i32_0 = arith.constant 0 : i32
    %c0_i32_1 = arith.constant 0 : i32
    return %arg0, %c0_i32, %c0_i32_0 : i32, i32, i32
  }
  func.func @transform_2(%arg0: i32) -> (i32, i32) {
    %c0_i32 = arith.constant 0 : i32
    %c0_i32_0 = arith.constant 0 : i32
    %c0_i32_1 = arith.constant 0 : i32
    return %c0_i32, %c0_i32_0 : i32, i32
  }
  func.func @transform_3(%arg0: i32) -> (i32, i32) {
    %c0_i32 = arith.constant 0 : i32
    %c0_i32_0 = arith.constant 0 : i32
    %c0_i32_1 = arith.constant 0 : i32
    return %c0_i32, %c0_i32_0 : i32, i32
  }
  func.func @transform_4(%arg0: i32) -> (i32, i32) {
    %c0_i32 = arith.constant 0 : i32
    %c0_i32_0 = arith.constant 0 : i32
    %c0_i32_1 = arith.constant 0 : i32
    return %c0_i32, %c0_i32_0 : i32, i32
  }
  func.func @transform_5(%arg0: i32) -> (i32, i32) {
    %c0_i32 = arith.constant 0 : i32
    %c0_i32_0 = arith.constant 0 : i32
    %c0_i32_1 = arith.constant 0 : i32
    return %c0_i32, %c0_i32_0 : i32, i32
  }
  func.func @transform_6(%arg0: i32) -> (i32, i32) {
    %c0_i32 = arith.constant 0 : i32
    %c0_i32_0 = arith.constant 0 : i32
    %c0_i32_1 = arith.constant 0 : i32
    return %c0_i32, %c0_i32_0 : i32, i32
  }
  func.func @transform_7(%arg0: i32) -> (i32, i32) {
    %c0_i32 = arith.constant 0 : i32
    %c0_i32_0 = arith.constant 0 : i32
    %c0_i32_1 = arith.constant 0 : i32
    return %c0_i32, %c0_i32_0 : i32, i32
  }
  func.func @transform_8(%arg0: i32) -> (i32, i32) {
    %c0_i32 = arith.constant 0 : i32
    %c0_i32_0 = arith.constant 0 : i32
    %c0_i32_1 = arith.constant 0 : i32
    return %c0_i32, %c0_i32_0 : i32, i32
  }
  func.func @transform_9(%arg0: i32) -> (i32, i32) {
    %c0_i32 = arith.constant 0 : i32
    %c0_i32_0 = arith.constant 0 : i32
    %c0_i32_1 = arith.constant 0 : i32
    return %c0_i32, %c0_i32_0 : i32, i32
  }
  func.func @transform_10(%arg0: i32) -> (i32, i32) {
    %c0_i32 = arith.constant 0 : i32
    %c0_i32_0 = arith.constant 0 : i32
    %c0_i32_1 = arith.constant 0 : i32
    return %c0_i32, %c0_i32_0 : i32, i32
  }
  func.func @transform_11(%arg0: i32) -> (i32, i32) {
    %c0_i32 = arith.constant 0 : i32
    %c0_i32_0 = arith.constant 0 : i32
    %c0_i32_1 = arith.constant 0 : i32
    return %c0_i32, %c0_i32_0 : i32, i32
  }
  func.func @transform_12(%arg0: i32) -> (i32, i32) {
    %c0_i32 = arith.constant 0 : i32
    %c0_i32_0 = arith.constant 0 : i32
    %c0_i32_1 = arith.constant 0 : i32
    return %c0_i32, %c0_i32_0 : i32, i32
  }
  func.func @transform_13(%arg0: i32) -> (i32, i32) {
    %c0_i32 = arith.constant 0 : i32
    %c0_i32_0 = arith.constant 0 : i32
    %c0_i32_1 = arith.constant 0 : i32
    return %c0_i32, %c0_i32_0 : i32, i32
  }
}

module attributes {stable_mosaic.version = 14 : i64} {
  func.func @_tc_pool_body(%arg0: i32, %arg1: memref<1x1024x1024xf32, #tpu.memory_space<vmem>>, %arg2: memref<1x1024x128xf32, #tpu.memory_space<vmem>>, %arg3: memref<128x128xf32, #tpu.memory_space<vmem>>, %arg4: memref<1x128xf32, #tpu.memory_space<vmem>>, %arg5: memref<4x128xf32, #tpu.memory_space<vmem>>) attributes {dimension_semantics = [#tpu.dimension_semantics<arbitrary>], iteration_bounds = array<i64: 4>, scalar_prefetch = 0 : i64, scratch_operands = 0 : i64, tpu.core_type = #tpu.core_type<tc>, window_params = [{transform_indices = @transform_0, window_bounds = array<i64: 1, 1024, 1024>}, {transform_indices = @transform_1, window_bounds = array<i64: 1, 1024, 128>}, {pipeline_mode = #tpu.pipeline_mode<synchronous>, transform_indices = @transform_2, window_bounds = array<i64: 128, 128>}, {pipeline_mode = #tpu.pipeline_mode<synchronous>, transform_indices = @transform_3, window_bounds = array<i64: 1, 128>}, {pipeline_mode = #tpu.pipeline_mode<synchronous>, transform_indices = @transform_4, window_bounds = array<i64: 4, 128>}]} {
    %get3A = arith.constant 0 : index
    %get3A_0 = arith.constant 0 : index
    %get3A_1 = arith.constant 0 : index
    %get3A_2 = vector.load %arg1[%get3A, %get3A_0, %get3A_1] : memref<1x1024x1024xf32, #tpu.memory_space<vmem>>, vector<1x1024x1024xf32>
    %get3A_3 = vector.shape_cast %get3A_2 : vector<1x1024x1024xf32> to vector<1024x1024xf32>
    %get3A_4 = arith.constant 0 : index
    %get3A_5 = arith.constant 0 : index
    %get3A_6 = arith.constant 0 : index
    %get3A_7 = vector.load %arg2[%get3A_4, %get3A_5, %get3A_6] : memref<1x1024x128xf32, #tpu.memory_space<vmem>>, vector<1x1024x128xf32>
    %get3A_8 = vector.shape_cast %get3A_7 : vector<1x1024x128xf32> to vector<1024x128xf32>
    %dot_general3A = arith.constant dense<0.000000e+00> : vector<1024x128xf32>
    %dot_general3A_9 = tpu.matmul %get3A_3, %get3A_8, %dot_general3A {dimension_numbers = #tpu.dot_dimension_numbers<[1], [0], [0], [1], [0, 0, 1, 1], [], []>, transpose_lhs_hint = false} : vector<1024x1024xf32>, vector<1024x128xf32>, vector<1024x128xf32> -> vector<1024x128xf32>
    %get3A_10 = arith.constant 0 : index
    %get3A_11 = arith.constant 0 : index
    %get3A_12 = vector.load %arg3[%get3A_10, %get3A_11] : memref<128x128xf32, #tpu.memory_space<vmem>>, vector<128x128xf32>
    %dot_general3A_13 = arith.constant dense<0.000000e+00> : vector<1024x128xf32>
    %dot_general3A_14 = tpu.matmul %dot_general3A_9, %get3A_12, %dot_general3A_13 {dimension_numbers = #tpu.dot_dimension_numbers<[1], [0], [0], [1], [0, 0, 1, 1], [], []>, transpose_lhs_hint = false} : vector<1024x128xf32>, vector<128x128xf32>, vector<1024x128xf32> -> vector<1024x128xf32>
    %get3A_15 = arith.constant 0 : index
    %get3A_16 = arith.constant 0 : index
    %get3A_17 = vector.load %arg4[%get3A_15, %get3A_16] : memref<1x128xf32, #tpu.memory_space<vmem>>, vector<1x128xf32>
    %add3A = vector.broadcast %get3A_17 : vector<1x128xf32> to vector<1024x128xf32>
    %add3A_18 = arith.addf %dot_general3A_14, %add3A : vector<1024x128xf32>
    %reduce_max3A = arith.constant dense<0xFF800000> : vector<128xf32>
    %reduce_max3A_19 = vector.multi_reduction <maximumf>, %add3A_18, %reduce_max3A [0] : vector<1024x128xf32> to vector<128xf32>
    %broadcast_in_dim3A = vector.shape_cast %reduce_max3A_19 : vector<128xf32> to vector<1x128xf32>
    %swap3A = arith.index_cast %arg0 : i32 to index
    %swap3A_20 = arith.constant 0 : index
    %swap3A_21 = vector.load %arg5[%swap3A, %swap3A_20] : memref<4x128xf32, #tpu.memory_space<vmem>>, vector<1x128xf32>
    tpu.vector_store %arg5[%swap3A, %swap3A_20], %broadcast_in_dim3A {strides = array<i32>} : memref<4x128xf32, #tpu.memory_space<vmem>>, vector<1x128xf32>,
    return
  }
  func.func @transform_0(%arg0: i32) -> (i32, i32, i32) {
    %c0_i32 = arith.constant 0 : i32
    %c0_i32_0 = arith.constant 0 : i32
    %c0_i32_1 = arith.constant 0 : i32
    return %arg0, %c0_i32, %c0_i32_0 : i32, i32, i32
  }
  func.func @transform_1(%arg0: i32) -> (i32, i32, i32) {
    %c0_i32 = arith.constant 0 : i32
    %c0_i32_0 = arith.constant 0 : i32
    %c0_i32_1 = arith.constant 0 : i32
    return %arg0, %c0_i32, %c0_i32_0 : i32, i32, i32
  }
  func.func @transform_2(%arg0: i32) -> (i32, i32) {
    %c0_i32 = arith.constant 0 : i32
    %c0_i32_0 = arith.constant 0 : i32
    %c0_i32_1 = arith.constant 0 : i32
    return %c0_i32, %c0_i32_0 : i32, i32
  }
  func.func @transform_3(%arg0: i32) -> (i32, i32) {
    %c0_i32 = arith.constant 0 : i32
    %c0_i32_0 = arith.constant 0 : i32
    %c0_i32_1 = arith.constant 0 : i32
    return %c0_i32, %c0_i32_0 : i32, i32
  }
  func.func @transform_4(%arg0: i32) -> (i32, i32) {
    %c0_i32 = arith.constant 0 : i32
    %c0_i32_0 = arith.constant 0 : i32
    %c0_i32_1 = arith.constant 0 : i32
    return %c0_i32, %c0_i32_0 : i32, i32
  }
}

</mosaic_0001>

<sc_bundles>
// kernel: kernel.10.cloned.1.call-start
scs
__scs_entry_jumppad:
0x0: {  	(pc) =	sbr.rel $0x88, $3  }
0x1: {  	(tag) =	ssettag $0x0;
	lr =	simm.s32 $0x1  }
0x2: {  	[smem:$0x3F97] =	sst lr;
	_ =	strace $0xD0000000  }
0x3: {  	_ = 	snop  }
0x4: {  	_ = 	snop  }
0x5: {  	_ = 	snop  }
0x6: {  	_ = 	snop  }
0x7: {  	_ = 	snop  }
__scs_overlays_trampoline_lowered:
0x8: {  	[smem:$0x3FA6] =	sst s0  }
0x9: {  	[smem:$0x3FA7] =	sst s1  }
0xa: {  	[smem:$0x3FA8] =	sst s2  }
0xb: {  	[smem:$0x3FA9] =	sst s3  }
0xc: {  	[smem:$0x3FAA] =	sst s4  }
0xd: {  	[smem:$0x3FAB] =	sst s5  }
0xe: {  	[smem:$0x3FAC] =	sst s6  }
0xf: {  	[smem:$0x3FAD] =	sst s7  }
0x10: {  	[smem:$0x3FAE] =	sst s8  }
0x11: {  	[smem:$0x3FAF] =	sst s9;
	s0 =	simm.s32 @!p0 $0x0  }
0x12: {  	s1 =	sld [smem:$0x3F95];
	s0 =	simm.s32 @p0 $0x1  }
0x13: {  	[smem:$0x3FB0] =	sst s0;
	s0 =	simm.s32 @!p1 $0x0  }
0x14: {  	s2 =	sld [smem:$0x3F94];
	s0 =	simm.s32 @p1 $0x1  }
0x15: {  	[smem:$0x3FB1] =	sst s0;
	s0 =	simm.s32 @!p2 $0x0  }
0x16: {  	s3 =	sld [smem:$0x3FDB];
	s0 =	simm.s32 @p2 $0x1  }
0x17: {  	s4 =	simm.s32 $0x1BF5;
	[smem:$0x3FB3] =	sst s0  }
0x18: {  	s0 =	sld [smem:$0x3F96];
	_ =	swait.ge [sflag:s4], $0x0  }
0x19: {  	s7 =	sld [smem:$0x3F97]  }
0x1a: {  	s8 =	sadd.s32 $0xFFFFE003, lr  }
0x1b: {  	s9 =	sadd.s32 $0xFFFFFEF7, lr;
	s5 =	simm.s32 $0xFFFFFFFF;
	p2 =	slt.u32 s8, $0xFFFFF086  }
0x1c: {  	p1 =	slt.u32 s9, $0xF7A;
	s5 =	simm.s32 @!p2 $0x0  }
0x1d: {  	s5 =	simm.s32 @p1 $0x1;
	p0 =	seq.s32 s7, s2  }
0x1e: {  	s7 =	smul.u32 @!p0 $0xF7A, s2;
	p2 =	seq.s32 @!p0 s5, $0x0  }
0x1f: {  	s9 =	smul.u32 $0xF7A, s1;
	s8 =	simm.s32 @!p0 $0x1BF5;
	p2 =	por !p2, p0  }
0x20: {  	[sflag:s8] =	ssyncset.s32 @!p0 $0xFFFFF086;
	s6 =	sadd.s32 @!p0 s3, s7;
	s7 =	simm.s32 @!p0 $0x108  }
0x21: {  	s3 =	sadd.s32 s3, s9;
	s6 =	sadd.s32 @!p0 $0x88, s6;
	s7 =	simm.s32 @p2 $0x1082  }
0x22: {  	[simem:s7], [sflag:s8] =	dma.local @!p0 [hbm:s6], $0xF7A  }
0x23: {  	s9 =	sor.u32 $0xD0000000, s2;
	s6 =	simm.s32 $0x108;
	_ =	swait.ge @!p0 [sflag:s8], $0x0  }
0x24: {  	s3 =	sadd.s32 $0x88, s3;
	s6 =	simm.s32 @!p1 $0x1082;
	[sflag:s4] =	ssyncset.s32 $0xFFFFF086  }
0x25: {  	[simem:s6], [sflag:s4] =	dma.local [hbm:s3], $0xF7A  }
0x26: {  	[smem:$0x3F97] =	sst s1;
	(tag) =	ssettag s2;
	_ =	strace s9  }
0x27: {  	s1 =	sld [smem:$0x3FA7]  }
0x28: {  	s2 =	sld [smem:$0x3FA8]  }
0x29: {  	s4 =	sld [smem:$0x3FAA]  }
0x2a: {  	p0 =	seq.s32 s5, $0x0;
	s5 =	sld [smem:$0x3FAB]  }
0x2b: {  	s6 =	sld [smem:$0x3FAC]  }
0x2c: {  	s7 =	sld [smem:$0x3FAD]  }
0x2d: {  	s3 =	simm.s32 $0x108;
	s8 =	sld [smem:$0x3FAE]  }
0x2e: {  	s3 =	simm.s32 @!p0 $0x1082;
	s9 =	sld [smem:$0x3FAF]  }
0x2f: {  	lr =	sadd.s32 s0, s3;
	s0 =	sld [smem:$0x3FA6]  }
0x30: {  	s3 =	sld [smem:$0x3FA9]  }
0x31: {  	[smem:$0x3FB2] =	sst s10  }
0x32: {  	s10 =	sld [smem:$0x3FB0];
	_ =	sdelay $0x3  }
0x33: {  	p0 =	seq.s32 s10, $0x1;
	s10 =	sld [smem:$0x3FB2];
	_ =	sdelay $0x3  }
0x34: {  	[smem:$0x3FB2] =	sst s10  }
0x35: {  	s10 =	sld [smem:$0x3FB1];
	_ =	sdelay $0x3  }
0x36: {  	p1 =	seq.s32 s10, $0x1;
	s10 =	sld [smem:$0x3FB2];
	_ =	sdelay $0x3  }
0x37: {  	[smem:$0x3FB2] =	sst s10  }
0x38: {  	s10 =	sld [smem:$0x3FB3]  }
0x39: {  	_ = 	snop;
	(pc) =	sbr.ind lr, $3  }
0x3a: {  	_ = 	snop  }
0x3b: {  	_ = 	snop  }
0x3c: {  	p2 =	seq.s32 s10, $0x1;
	s10 =	sld [smem:$0x3FB2]  }
0x3d: {  	_ =	shalt  }
0x3e: {  	_ =	shalt  }
0x3f: {  	_ =	shalt  }
0x40: {  	_ =	shalt  }
0x41: {  	_ =	shalt  }
0x42: {  	_ =	shalt  }
0x43: {  	_ =	shalt  }
0x44: {  	_ =	shalt  }
0x45: {  	_ =	shalt  }
0x46: {  	_ =	shalt  }
0x47: {  	_ =	shalt  }
0x48: {  	_ =	shalt  }
0x49: {  	_ =	shalt  }
0x4a: {  	_ =	shalt  }
0x4b: {  	_ =	shalt  }
0x4c: {  	_ =	shalt  }
0x4d: {  	_ =	shalt  }
0x4e: {  	_ =	shalt  }
0x4f: {  	_ =	shalt  }
0x50: {  	_ =	shalt  }
0x51: {  	_ =	shalt  }
0x52: {  	_ =	shalt  }
0x53: {  	_ =	shalt  }
0x54: {  	_ =	shalt  }
0x55: {  	_ =	shalt  }
0x56: {  	_ =	shalt  }
0x57: {  	_ =	shalt  }
0x58: {  	_ =	shalt  }
0x59: {  	_ =	shalt  }
0x5a: {  	_ =	shalt  }
0x5b: {  	_ =	shalt  }
0x5c: {  	_ =	shalt  }
0x5d: {  	_ =	shalt  }
0x5e: {  	_ =	shalt  }
0x5f: {  	_ =	shalt  }
0x60: {  	_ =	shalt  }
0x61: {  	_ =	shalt  }
0x62: {  	_ =	shalt  }
0x63: {  	_ =	shalt  }
0x64: {  	_ =	shalt  }
0x65: {  	_ =	shalt  }
0x66: {  	_ =	shalt  }
0x67: {  	_ =	shalt  }
0x68: {  	_ =	shalt  }
0x69: {  	_ =	shalt  }
0x6a: {  	_ =	shalt  }
0x6b: {  	_ =	shalt  }
0x6c: {  	_ =	shalt  }
0x6d: {  	_ =	shalt  }
0x6e: {  	_ =	shalt  }
0x6f: {  	_ =	shalt  }
0x70: {  	_ =	shalt  }
0x71: {  	_ =	shalt  }
0x72: {  	_ =	shalt  }
0x73: {  	_ =	shalt  }
0x74: {  	_ =	shalt  }
0x75: {  	_ =	shalt  }
0x76: {  	_ =	shalt  }
0x77: {  	_ =	shalt  }
0x78: {  	_ =	shalt  }
0x79: {  	_ =	shalt  }
0x7a: {  	_ =	shalt  }
0x7b: {  	_ =	shalt  }
0x7c: {  	_ =	shalt  }
0x7d: {  	_ =	shalt  }
0x7e: {  	_ =	shalt  }
0x7f: {  	_ =	shalt  }
0x80: {  	_ =	shalt  }
0x81: {  	_ =	shalt  }
0x82: {  	_ =	shalt  }
0x83: {  	_ =	shalt  }
0x84: {  	_ =	shalt  }
0x85: {  	_ =	shalt  }
0x86: {  	_ =	shalt  }
0x87: {  	_ =	shalt  }
.Lfunc_end0:
.L_simem_size_0:
called_computation_lowered:
.L_overlay_start_0:
0x88: {  	s2 =	sld [smem:$0x3FD9]  }
0x89: {  	s3 =	sld [smem:$0x3FFE];
	_ =	sdelay $0x1  }
0x8a: {  	s1 =	srdreg.scid  }
0x8b: {  	s0 =	sand.u32 $0x1, s1  }
0x8c: {  	s17 =	sshll.u32 s0, $0xA;
	s2 =	sadd.s32 s3, s2  }
0x8d: {  	s2 =	sadd.s32 s2, s17  }
0x8e: {  	[smem:$0x3FBE] =	sst s2  }
0x8f: {  	_ = 	snop  }
0x90: {  	(tm) =	ssettm $0x1  }
0x91: {  	s18 =	sld [smem:$0x3FFB];
	_ =	sdelay $0x3  }
0x92: {  	_ =	strace s18  }
0x93: {  	s2 =	sld [smem:$0x3FFC];
	_ =	sdelay $0x3  }
0x94: {  	_ =	strace s2  }
0x95: {  	s2 =	sld [smem:$0x3FFD];
	_ =	sdelay $0x3  }
0x96: {  	_ =	strace s2  }
0x97: {  	_ =	strace $0x8FFFFFFF  }
0x98: {  	s19 =	sld [smem:$0x3FDB];
	_ =	sdelay $0x1  }
0x99: {  	s20 =	simm.s32 $_scs_section_size  }
0x9a: {  	s4 =	simm.s32 $_size__tile_overlayer_lowered;
	s5 =	simm.s32 $_tile_overlayer_lowered  }
0x9b: {  	s6 =	simm.s32 $0x1BFF;
	s21 =	sshll.u32 s5, $0x1;
	s3 =	sadd.s32 s20, s19  }
0x9c: {  	s22 =	simm.s32 $0x0;
	s4 =	sshll.u32 s4, $0x1;
	s5 =	sadd.s32 s21, s3  }
0x9d: {  	[timem:s22], [sflag:s6] =	dma.local [hbm:s5], s4  }
0x9e: {  	_ =	swait.ge [sflag:s6], s4  }
0x9f: {  	s4 =	ssub.s32 $0x0, s4;
	[sflag:s6] =	ssyncset.done $0x0  }
0xa0: {  	[sflag:s6] =	ssyncadd.s32 s4;
	_ =	sdelay $0x1  }
0xa1: {  	s23 =	simm.s32 $0x1B8B  }
0xa2: {  	_ =	swait.ge [sflag:s23], $0x1  }
0xa3: {  	[sflag:s23] =	ssyncset.done $0x0  }
0xa4: {  	[sflag:s23] =	ssyncadd.s32 $0xFFFFFFFF  }
0xa5: {  	s4 =	sld [smem:$0x0]  }
0xa6: {  	s5 =	sand.u32 $0xFFFFFFFE, s1  }
0xa7: {  	p0 =	sne.s32 s1, s5  }
0xa8: {  	s5 =	sshll.u32 @p0 s5, $0xE  }
0xa9: {  	s5 =	sadd.s32 @p0 $0x11B8D, s5;
	s6 =	sshll.u32 @p0 s4, $0x11  }
0xaa: {  	s5 =	sor.u32 @p0 s6, s5  }
0xab: {  	[sflag:s5] =	ssyncadd.remote.s32 @p0 $0x1;
	_ =	sdelay $0x1  }
0xac: {  	s5 =	simm.s32 @p0 $0x1B8D  }
0xad: {  	_ =	swait.eq @p0 [sflag:s5], $0x1  }
0xae: {  	[sflag:s5] =	ssyncadd.s32 @p0 $0xFFFFFFFF  }
0xaf: {  	s6 =	sshll.u32 @!p0 s1, $0xE  }
0xb0: {  	s6 =	sor.u32 @!p0 $0x4000, s6;
	s5 =	simm.s32 @!p0 $0x1B8D  }
0xb1: {  	s4 =	sshll.u32 @!p0 s4, $0x11;
	s6 =	sadd.s32 @!p0 $0x11B8D, s6;
	_ =	swait.eq @!p0 [sflag:s5], $0x1  }
0xb2: {  	s4 =	sor.u32 @!p0 s4, s6;
	[sflag:s5] =	ssyncadd.s32 @!p0 $0xFFFFFFFF  }
0xb3: {  	s25 =	simm.s32 $0x1B8E;
	s24 =	sld [smem:$0x3FFE];
	[sflag:s4] =	ssyncadd.remote.s32 @!p0 $0x1  }
0xb4: {  	s26 =	simm.s32 $execute0_lowered;
	[smem:$0x3FD2] =	sst s25  }
0xb5: {  	s5 =	sshll.u32 s26, $0x1;
	_ =	strace $0x80000080;
	[dreg:$0x1] =	wrdreg $0xFFFFFFFF  }
0xb6: {  	s28 =	simm.s32 $_size_execute0_lowered;
	s3 =	sadd.s32 s3, s5;
	[dreg:$0x0] =	wrdreg $0x0  }
0xb7: {  	s5 =	sshll.u32 s28, $0x1;
	[dreg:$0x2] =	wrdreg s3  }
0xb8: {  	[dreg:$0x3] =	wrdreg s5  }
0xb9: {  	[dreg:$0x4] =	wrdreg $0xC0  }
0xba: {  	_ =	task [dreg:s22], $0x5FFFF  }
0xbb: {  	[dreg:$0x1] =	wrdreg $0xFFFFFFFF  }
0xbc: {  	[dreg:$0x0] =	wrdreg $0x60  }
0xbd: {  	[dreg:$0x2] =	wrdreg s24  }
0xbe: {  	[dreg:$0x3] =	wrdreg $0x140800  }
0xbf: {  	[dreg:$0x4] =	wrdreg $0x9  }
0xc0: {  	_ =	task.clear_ibuf [dreg:s22], $0x5FFFF;
	_ =	strace $0x90000080  }
0xc1: {  	s29 =	simm.s32 $0x9;
	_ =	strace $0x8000009C  }
0xc2: {  	_ =	swait.ge [sflag:s29], $0x1  }
0xc3: {  	[sflag:s29] =	ssyncadd.s32 $0xFFFFFFFF  }
0xc4: {  	_ =	strace $0x9000009C  }
0xc5: {  	_ =	sfence  }
0xc6: {  	s30 =	sld [smem:$0x0];
	_ =	sdelay $0x2  }
0xc7: {  	s31 =	sshll.u32 s1, $0xD;
	s1 =	sshrl.u32 s1, $0x2  }
0xc8: {  	s4 =	sand.u32 $0x4000, s31;
	s1 =	sadd.s32 s1, s30  }
0xc9: {  	s0 =	sor.u32 s4, s0;
	s1 =	sshll.u32 s1, $0x11  }
0xca: {  	s0 =	sor.u32 s1, s0  }
0xcb: {  	s0 =	sadd.s32 $0x8F2B, s0  }
0xcc: {  	[sflag:s0] =	ssyncadd.remote.s32 $0x1  }
0xcd: {  	_ =	sfence.sel $0xFFFF  }
0xce: {  	[dreg:$0x0] =	wrdreg $0xFFFFFFFF;
	(pc) =	sbr.abs _section_cstart, $3  }
0xcf: {  	[dreg:$0x1] =	wrdreg $0xFFFFFFFF  }
0xd0: {  	_ =	task.clear_ibuf [dreg:s22], $0x2FFFF;
	_ =	strace $0x9FFFFFFF  }
0xd1: {  	(tm) =	ssettm $0x7FFFFFFF  }
tec
execute0_lowered:
.L_overlay_start_1:
0x0: {  	(tag) =	ssettag $0x1  }
0x1: {  	s9 =	rddreg [dreg:$0x0]  }
0x2: {  	s1 =	rddreg [dreg:$0x1];
	s2 =	srdreg.scid  }
0x3: {  	s0 =	rddreg [dreg:$0x2];
	s3 =	simm.s32 $0x0;
	s21 =	simm.s32 $0x0  }
0x4: {  	s6 =	sand.u32 $0x1, s2;
	[smem:$0x7FF] =	sst s3;
	s2 =	stileid.u32  }
0x5: {  	s10 =	sadd.s32 $0x112A00, s9;
	s18 =	sadd.s32 $0x122A00, s9;
	s4 =	ssub.s32 $0x2, s6  }
0x6: {  	_ =	strace $0x80000081;
	s5 =	sshll.u32 s2, $0xB;
	s29 =	sshll.u32 s2, $0x4  }
0x7: {  	s11 =	sshll.u32 s2, $0xF;
	s30 =	sshll.u32 s6, $0x15;
	s16 =	sshll.u32 s6, $0x2  }
0x8: {  	s14 =	sshllo.u32 s6, $0x1;
	s7 =	sshrl.u32 s4, $0x1;
	s5 =	sadd.s32 s5, s9  }
0x9: {  	s13 =	sor.u32 $0x80000, s29;
	s6 =	sadd.s32 s11, s1;
	s17 =	sshll.u32 s14, $0x14  }
0xa: {  	s31 =	sor.u32 $0x1, s16;
	s19 =	sshll.u32 s14, $0x1;
	s20 =	sshllo.u32 s14, $0x1  }
0xb: {  	s14 =	simm.s32 $0x1;
	v1 =	vmov s16;
	s16 =	simm.s32 $0x2;
	s12 =	ssub.s32 s4, s7  }
0xc: {  	v0 =	vlaneseq.u32;
	s4 =	sadd.s32 $0xAA00, s5;
	s5 =	sadd.s32 $0x2A00, s5;
	s7 =	sor.u32 s11, s30  }
0xd: {  	s11 =	sor.u32 s11, s17;
	v0 =	vor.u32 s13, v0;
	s13 =	simm.s32 $0x4000;
	s17 =	simm.s32 $0x80  }
0xe: {  	v3 =	vmov s19;
	v4 =	vmov s20;
	s19 =	simm.s32 $0x3;
	s20 =	simm.s32 $0x4;
	s15 =	sshrl.u32 s7, $0x3  }
0xf: {  	s7 =	sadd.s32 $0x4000, s6;
	s11 =	sshrl.u32 s11, $0x3;
	s12 =	smax.u32 s12, $0x1  }
0x10: {  	s8 =	sadd.s32 s10, s15;
	s9 =	sadd.s32 s15, s18;
	s10 =	sadd.s32 s10, s11  }
0x11: {  	v5 =	vimm.f32 $0.0e+00;
	v6 =	vimm.f32 $1.000000000e+00;
	v2 =	vmov s31;
	s11 =	sadd.s32 s11, s18;
	s15 =	simm.s32 $0x10000;
	s18 =	simm.s32 $0x14000  }
.LBB2_1:
0x12: {  	[tilespmem:s3], [sflag:$0x1] =	stream.linear.gather [hbm4b:s4+s3], $0x4000, $0x38;
	[tilespmem:$0x1C0A0] =	vst v63  }
0x13: {  	s22 =	simm.s32 $0x10040  }
0x14: {  	[tilespmem:s13], [sflag:$0x1] =	stream.linear.gather [hbm4b:s5+s3], $0x4000, $0x38;
	[tilespmem:$0x1C0A0] =	vst v63  }
0x15: {  	_ =	strace $0x80000082;
	[tilespmem:s22+$0xFFFFFFC0] =	vst v5  }
0x16: {  	[tilespmem:s22+$0x30] =	vst v5  }
0x17: {  	[tilespmem:s22+$0x20] =	vst v5  }
0x18: {  	[tilespmem:s22+$0x10] =	vst v5  }
0x19: {  	[tilespmem:s22+$0x0] =	vst v5  }
0x1a: {  	[tilespmem:s22+$0xFFFFFFF0] =	vst v5  }
0x1b: {  	s23 =	simm.s32 $0x0;
	[tilespmem:s22+$0xFFFFFFE0] =	vst v5  }
.LBB2_2:
0x1c: {  	s23 =	sadd.s32 $0x80, s23;
	[tilespmem:s22+$0xFFFFFFD0] =	vst v5;
	s22 =	sadd.s32 $0x80, s22  }
0x1d: {  	[tilespmem:s22+$0xFFFFFFC0] =	vst v5;
	p0 =	slt.u32 s23, $0x3F80  }
0x1e: {  	[tilespmem:s22+$0x30] =	vst v5  }
.Ltmp0:
0x1f: {  	[tilespmem:s22+$0x20] =	vst v5;
	(pc) =	sbr.rel @p0 .LBB2_2-.Ltmp0, $4  }
0x20: {  	[tilespmem:s22+$0x10] =	vst v5  }
0x21: {  	[tilespmem:s22+$0x0] =	vst v5  }
0x22: {  	[tilespmem:s22+$0xFFFFFFF0] =	vst v5  }
0x23: {  	[tilespmem:s22+$0xFFFFFFE0] =	vst v5  }
0x24: {  	[tilespmem:s22+$0xFFFFFFD0] =	vst v5  }
0x25: {  	[tilespmem:$0x14000] =	vst v6  }
0x26: {  	[tilespmem:$0x14010] =	vst v6  }
0x27: {  	[tilespmem:$0x14020] =	vst v6  }
0x28: {  	[tilespmem:$0x14030] =	vst v6  }
0x29: {  	[tilespmem:$0x14040] =	vst v6  }
0x2a: {  	[tilespmem:$0x14050] =	vst v6  }
0x2b: {  	[tilespmem:$0x14060] =	vst v6  }
0x2c: {  	[tilespmem:$0x14070] =	vst v6  }
0x2d: {  	_ =	strace $0x90000082  }
0x2e: {  	_ =	swait.ge [sflag:s14], $0x4000  }
0x2f: {  	[sflag:s14] =	ssyncset.done $0x0  }
0x30: {  	[sflag:s14] =	ssyncadd.s32 $0xFFFFC000  }
0x31: {  	_ =	swait.ge [sflag:s14], $0x4000  }
0x32: {  	[sflag:s14] =	ssyncset.done $0x0  }
0x33: {  	[sflag:s14] =	ssyncadd.s32 $0xFFFFC000  }
0x34: {  	s25 =	simm.s32 $0x40;
	_ =	strace $0x80000083  }
0x35: {  	s22 =	simm.s32 $0x4040;
	v7 =	vld [tilespmem:s25+$0x30]  }
0x36: {  	v8 =	vld [tilespmem:s22+$0x30]  }
0x37: {  	v12 =	vld [tilespmem:s22+$0xFFFFFFC0]  }
0x38: {  	v9 =	vld [tilespmem:s25+$0xFFFFFFD0]  }
0x39: {  	v10 =	vld [tilespmem:s22+$0xFFFFFFD0]  }
0x3a: {  	v11 =	vld [tilespmem:s25+$0xFFFFFFE0]  }
0x3b: {  	v13 =	vld [tilespmem:s22+$0xFFFFFFE0]  }
0x3c: {  	v14 =	vld [tilespmem:s25+$0xFFFFFFF0]  }
0x3d: {  	v15 =	vld [tilespmem:s22+$0xFFFFFFF0]  }
0x3e: {  	v16 =	vld [tilespmem:s25+$0x0]  }
0x3f: {  	v17 =	vld [tilespmem:s22+$0x0];
	v7 =	vshll.u32 v7, $0xA;
	v8 =	vand.u32 $0x3FF, v8  }
0x40: {  	s23 =	simm.s32 $0xC040;
	v9 =	vshll.u32 v9, $0xA;
	v10 =	vand.u32 $0x3FF, v10;
	v7 =	vor.u32 v7, v8;
	v8 =	vld [tilespmem:s25+$0x10]  }
0x41: {  	[tilespmem:s23+$0x30] =	vst v7;
	v7 =	vor.u32 v9, v10;
	v10 =	vshll.u32 v11, $0xA;
	v11 =	vand.u32 $0x3FF, v13;
	v9 =	vld [tilespmem:s22+$0x10]  }
0x42: {  	v13 =	vand.u32 $0x3FF, v15;
	[tilespmem:s23+$0xFFFFFFD0] =	vst v7;
	v7 =	vor.u32 v10, v11;
	v11 =	vshll.u32 v14, $0xA;
	v10 =	vld [tilespmem:s25+$0x20]  }
0x43: {  	[tilespmem:s23+$0xFFFFFFE0] =	vst v7;
	v14 =	vor.u32 v11, v13;
	v11 =	vld [tilespmem:s22+$0x20]  }
0x44: {  	s24 =	simm.s32 $0x0;
	v7 =	vand.u32 $0x3FF, v12;
	v13 =	vshll.u32 v16, $0xA;
	v12 =	vld [tilespmem:s25+$0xFFFFFFC0];
	s25 =	simm.s32 $0xC0;
	[tilespmem:s23+$0xFFFFFFF0] =	vst v14;
	v14 =	vand.u32 $0x3FF, v17  }
.LBB2_4:
0x45: {  	v15 =	vld [tilespmem:s25+$0x30];
	v13 =	vor.u32 v13, v14;
	v8 =	vshll.u32 v8, $0xA;
	s22 =	sadd.s32 $0x80, s22  }
0x46: {  	s24 =	sadd.s32 $0x80, s24;
	v14 =	vld [tilespmem:s22+$0x30];
	[tilespmem:s23+$0x0] =	vst v13;
	v9 =	vand.u32 $0x3FF, v9  }
0x47: {  	p0 =	slt.u32 s24, $0x3F80;
	v13 =	vld [tilespmem:s22+$0xFFFFFFC0];
	v8 =	vor.u32 v8, v9;
	v9 =	vshll.u32 v10, $0xA  }
0x48: {  	v10 =	vld [tilespmem:s25+$0xFFFFFFD0];
	[tilespmem:s23+$0x10] =	vst v8;
	v8 =	vand.u32 $0x3FF, v11  }
0x49: {  	v11 =	vld [tilespmem:s22+$0xFFFFFFD0];
	v12 =	vshll.u32 v12, $0xA;
	v8 =	vor.u32 v9, v8  }
0x4a: {  	v9 =	vld [tilespmem:s25+$0xFFFFFFE0];
	v7 =	vor.u32 v12, v7;
	[tilespmem:s23+$0x20] =	vst v8  }
0x4b: {  	v12 =	vshll.u32 v15, $0xA;
	v8 =	vld [tilespmem:s22+$0xFFFFFFE0];
	v14 =	vand.u32 $0x3FF, v14;
	[tilespmem:s23+$0xFFFFFFC0] =	vst v7  }
0x4c: {  	s23 =	sadd.s32 $0x80, s23;
	v7 =	vand.u32 $0x3FF, v13;
	v13 =	vld [tilespmem:s25+$0xFFFFFFF0];
	v12 =	vor.u32 v12, v14  }
0x4d: {  	v10 =	vshll.u32 v10, $0xA;
	v14 =	vld [tilespmem:s22+$0xFFFFFFF0];
	[tilespmem:s23+$0x30] =	vst v12  }
0x4e: {  	v11 =	vand.u32 $0x3FF, v11;
	v12 =	vld [tilespmem:s25+$0x0]  }
0x4f: {  	v10 =	vor.u32 v10, v11;
	v9 =	vshll.u32 v9, $0xA;
	v15 =	vld [tilespmem:s22+$0x0]  }
.Ltmp1:
0x50: {  	[tilespmem:s23+$0xFFFFFFD0] =	vst v10;
	v10 =	vand.u32 $0x3FF, v8;
	v8 =	vld [tilespmem:s25+$0x10];
	(pc) =	sbr.rel @p0 .LBB2_4-.Ltmp1, $4  }
0x51: {  	v10 =	vor.u32 v9, v10;
	v11 =	vshll.u32 v13, $0xA;
	v9 =	vld [tilespmem:s22+$0x10]  }
0x52: {  	[tilespmem:s23+$0xFFFFFFE0] =	vst v10;
	v13 =	vand.u32 $0x3FF, v14;
	v10 =	vld [tilespmem:s25+$0x20]  }
0x53: {  	v14 =	vor.u32 v11, v13;
	v13 =	vshll.u32 v12, $0xA;
	v11 =	vld [tilespmem:s22+$0x20]  }
0x54: {  	v12 =	vld [tilespmem:s25+$0xFFFFFFC0];
	[tilespmem:s23+$0xFFFFFFF0] =	vst v14;
	v14 =	vand.u32 $0x3FF, v15;
	s25 =	sadd.s32 $0x80, s25  }
0x55: {  	_ =	sdelay $0x1  }
0x56: {  	v13 =	vor.u32 v13, v14;
	v8 =	vshll.u32 v8, $0xA;
	v9 =	vand.u32 $0x3FF, v9  }
0x57: {  	[tilespmem:s23+$0x0] =	vst v13;
	v8 =	vor.u32 v8, v9;
	v9 =	vshll.u32 v10, $0xA;
	v10 =	vand.u32 $0x3FF, v11  }
0x58: {  	[tilespmem:s23+$0x10] =	vst v8;
	v8 =	vshll.u32 v12, $0xA;
	v9 =	vor.u32 v9, v10  }
0x59: {  	v7 =	vor.u32 v8, v7;
	[tilespmem:s23+$0x20] =	vst v9  }
0x5a: {  	[tilespmem:s23+$0xFFFFFFC0] =	vst v7  }
0x5b: {  	_ =	strace $0x90000083  }
0x5c: {  	_ =	strace $0x80000084  }
0x5d: {  	[spmem:s6] =	stream.linear.scatter [tilespmem:s15], [sflag:$0x2], $0x4000, $0x200038;
	[tilespmem:$0x1C0A0] =	vst v63  }
0x5e: {  	_ = 	snop  }
0x5f: {  	[spmem:s7] =	stream.linear.scatter [tilespmem:s15], [sflag:$0x2], $0x4000, $0x200038;
	[tilespmem:$0x1C0A0] =	vst v63  }
0x60: {  	_ =	strace $0x90000084  }
0x61: {  	s22 =	simm.s32 $0xC040;
	_ =	strace $0x80000085  }
0x62: {  	v7 =	vld [tilespmem:s22+$0x30]  }
0x63: {  	v8 =	vld [tilespmem:s22+$0xFFFFFFD0]  }
0x64: {  	v10 =	vld [tilespmem:s22+$0xFFFFFFF0]  }
0x65: {  	v9 =	vld [tilespmem:s22+$0xFFFFFFE0]  }
0x66: {  	v12 =	vld [tilespmem:s22+$0x10]  }
0x67: {  	v11 =	vld [tilespmem:s22+$0x0]  }
0x68: {  	v15 =	vld [tilespmem:s22+$0x20];
	v13 =	vshrl.u32 v7, $0x13;
	v14 =	vshrl.u32 v8, $0x13  }
0x69: {  	s25 =	simm.s32 $0xC0C0;
	v7 =	vand.u32 $0x7FFFF, v7;
	v8 =	vand.u32 $0x7FFFF, v8;
	v16 =	vshrl.u32 v10, $0x13  }
0x6a: {  	v17 =	vld [tilespmem:s25+$0xFFFFFFD0];
	v10 =	vand.u32 $0x7FFFF, v10;
	vm0 =	veq.s32 v13, v1;
	vm1 =	veq.s32 v14, v1  }
0x6b: {  	v13 =	vld [tilespmem:s22+$0xFFFFFFC0];
	v14 =	vshrl.u32 v9, $0x13;
	vm2 =	veq.s32 v16, v1;
	v16 =	vshrl.u32 v12, $0x13  }
0x6c: {  	v7 =	vsel vm0, v7, v0;
	vm0 =	veq.s32 v14, v1;
	v14 =	vshrl.u32 v11, $0x13  }
0x6d: {  	vm4 =	veq.s32 v16, v1;
	v16 =	vshrl.u32 v15, $0x13;
	vm3 =	veq.s32 v14, v1;
	v14 =	vld [tilespmem:s25+$0x30]  }
0x6e: {  	v9 =	vand.u32 $0x7FFFF, v9;
	v12 =	vand.u32 $0x7FFFF, v12;
	vm5 =	veq.s32 v16, v1;
	v16 =	vld [tilespmem:s25+$0xFFFFFFE0]  }
0x6f: {  	v11 =	vand.u32 $0x7FFFF, v11;
	v19 =	vsel vm2, v10, v0;
	v9 =	vsel vm0, v9, v0  }
0x70: {  	s22 =	simm.s32 $0x8040;
	v21 =	vsel vm4, v12, v0;
	v12 =	vshrl.u32 v17, $0x13;
	v18 =	vshrl.u32 v13, $0x13  }
0x71: {  	v63 =	vld [tilespmem:s25+$0xFFFFFFF0];
	[tilespmem:s22+$0x30] =	vst v7;
	v20 =	vsel vm3, v11, v0;
	v13 =	vand.u32 $0x7FFFF, v13;
	vm6 =	veq.s32 v18, v1  }
0x72: {  	[tilespmem:s22+$0xFFFFFFE0] =	vst v9;
	v7 =	vsel vm6, v13, v0;
	v13 =	vsel vm1, v8, v0;
	v8 =	vld [tilespmem:s25+$0x0];
	v11 =	vshrl.u32 v14, $0x13  }
0x73: {  	v9 =	vshrl.u32 v16, $0x13;
	[tilespmem:s22+$0xFFFFFFC0] =	vst v7;
	v7 =	vld [tilespmem:s25+$0x10];
	vm1 =	veq.s32 v11, v1;
	v11 =	vand.u32 $0x7FFFF, v14  }
0x74: {  	[tilespmem:s22+$0xFFFFFFF0] =	vst v19;
	vm0 =	veq.s32 v12, v1;
	v12 =	vsel vm1, v11, v0;
	vm1 =	veq.s32 v9, v1;
	v9 =	vld [tilespmem:s25+$0x20]  }
0x75: {  	v15 =	vand.u32 $0x7FFFF, v15;
	[tilespmem:s22+$0x10] =	vst v21;
	v14 =	vld [tilespmem:s25+$0xFFFFFFC0]  }
0x76: {  	v10 =	vsel vm5, v15, v0;
	[tilespmem:s22+$0xFFFFFFD0] =	vst v13;
	v13 =	vshrl.u32 v63, $0x13;
	v11 =	vand.u32 $0x7FFFF, v17  }
0x77: {  	s23 =	simm.s32 $0x80C0;
	[tilespmem:s22+$0x0] =	vst v20;
	vm2 =	veq.s32 v13, v1;
	v13 =	vand.u32 $0x7FFFF, v63;
	v15 =	vshrl.u32 v8, $0x13  }
0x78: {  	s24 =	simm.s32 $0x80;
	s25 =	simm.s32 $0xC140;
	[tilespmem:s23+$0x30] =	vst v12;
	v12 =	vand.u32 $0x7FFFF, v16;
	vm3 =	veq.s32 v15, v1;
	v15 =	vshrl.u32 v7, $0x13  }
.LBB2_6:
0x79: {  	v16 =	vld [tilespmem:s25+$0x30];
	s24 =	sadd.s32 $0x80, s24;
	v17 =	vand.u32 $0x7FFFF, v8;
	vm4 =	veq.s32 v15, v1;
	v8 =	vshrl.u32 v9, $0x13;
	[tilespmem:s22+$0x20] =	vst v10;
	s22 =	smov.u32 s23  }
0x7a: {  	v15 =	vld [tilespmem:s25+$0xFFFFFFD0];
	p0 =	slt.u32 s24, $0x3F80;
	v10 =	vshrl.u32 v14, $0x13;
	v14 =	vand.u32 $0x7FFFF, v14;
	vm5 =	veq.s32 v8, v1  }
0x7b: {  	v7 =	vand.u32 $0x7FFFF, v7;
	v9 =	vand.u32 $0x7FFFF, v9;
	v18 =	vld [tilespmem:s25+$0xFFFFFFE0];
	vm6 =	veq.s32 v10, v1  }
0x7c: {  	v11 =	vsel vm0, v11, v0;
	v12 =	vsel vm1, v12, v0;
	v19 =	vld [tilespmem:s25+$0xFFFFFFF0];
	v10 =	vsel vm6, v14, v0  }
0x7d: {  	v13 =	vsel vm2, v13, v0;
	v17 =	vsel vm3, v17, v0;
	v20 =	vsel vm4, v7, v0;
	v8 =	vld [tilespmem:s25+$0x0];
	[tilespmem:s23+$0xFFFFFFC0] =	vst v10  }
0x7e: {  	v10 =	vsel vm5, v9, v0;
	v7 =	vld [tilespmem:s25+$0x10];
	v14 =	vshrl.u32 v16, $0x13;
	[tilespmem:s23+$0xFFFFFFD0] =	vst v11  }
.Ltmp2:
0x7f: {  	v16 =	vand.u32 $0x7FFFF, v16;
	v11 =	vshrl.u32 v15, $0x13;
	v9 =	vld [tilespmem:s25+$0x20];
	vm1 =	veq.s32 v14, v1;
	[tilespmem:s23+$0xFFFFFFE0] =	vst v12;
	(pc) =	sbr.rel @p0 .LBB2_6-.Ltmp2, $4  }
0x80: {  	s23 =	sadd.s32 $0x80, s23;
	v14 =	vld [tilespmem:s25+$0xFFFFFFC0];
	vm0 =	veq.s32 v11, v1;
	v12 =	vshrl.u32 v18, $0x13;
	v16 =	vsel vm1, v16, v0;
	[tilespmem:s22+$0xFFFFFFF0] =	vst v13  }
0x81: {  	v11 =	vand.u32 $0x7FFFF, v15;
	vm1 =	veq.s32 v12, v1;
	v13 =	vshrl.u32 v19, $0x13;
	[tilespmem:s23+$0x30] =	vst v16  }
0x82: {  	v12 =	vand.u32 $0x7FFFF, v18;
	vm2 =	veq.s32 v13, v1;
	v15 =	vshrl.u32 v8, $0x13;
	[tilespmem:s22+$0x0] =	vst v17  }
0x83: {  	s25 =	sadd.s32 $0x80, s25;
	v13 =	vand.u32 $0x7FFFF, v19;
	vm3 =	veq.s32 v15, v1;
	v15 =	vshrl.u32 v7, $0x13;
	[tilespmem:s22+$0x10] =	vst v20  }
0x84: {  	[tilespmem:s22+$0x20] =	vst v10;
	v11 =	vsel vm0, v11, v0  }
0x85: {  	v60 =	vsel vm1, v12, v0;
	v8 =	vand.u32 $0x7FFFF, v8;
	[tilespmem:s23+$0xFFFFFFD0] =	vst v11  }
0x86: {  	vm14 =	veq.s32 v15, v1;
	v61 =	vsel vm2, v13, v0;
	v62 =	vshrl.u32 v9, $0x13;
	[tilespmem:s23+$0xFFFFFFE0] =	vst v60  }
0x87: {  	v7 =	vand.u32 $0x7FFFF, v7;
	v63 =	vand.u32 $0x7FFFF, v9;
	v8 =	vsel vm3, v8, v0;
	[tilespmem:s23+$0xFFFFFFF0] =	vst v61  }
0x88: {  	v16 =	vshrl.u32 v14, $0x13;
	vm15 =	veq.s32 v62, v1;
	v7 =	vsel vm14, v7, v0;
	[tilespmem:s23+$0x0] =	vst v8  }
0x89: {  	v58 =	vand.u32 $0x7FFFF, v14;
	vm4 =	veq.s32 v16, v1;
	v8 =	vsel vm15, v63, v0;
	[tilespmem:s23+$0x10] =	vst v7  }
0x8a: {  	v59 =	vsel vm4, v58, v0;
	[tilespmem:s23+$0x20] =	vst v8  }
0x8b: {  	[tilespmem:s23+$0xFFFFFFC0] =	vst v59  }
0x8c: {  	_ =	strace $0x90000085  }
0x8d: {  	_ =	strace $0x80000086  }
0x8e: {  	_ =	swait.ge [sflag:s16], $0x4000  }
0x8f: {  	[sflag:s16] =	ssyncset.done $0x0  }
0x90: {  	[sflag:s16] =	ssyncadd.s32 $0xFFFFC000  }
0x91: {  	_ =	swait.ge [sflag:s16], $0x4000  }
0x92: {  	[sflag:s16] =	ssyncset.done $0x0  }
0x93: {  	[sflag:s16] =	ssyncadd.s32 $0xFFFFC000  }
0x94: {  	_ =	strace $0x90000086  }
0x95: {  	[bflag:$0x0] =	sbarrier.arrive $0xFFFF  }
0x96: {  	s24 =	simm.s32 $0x8000;
	_ =	strace $0x80000087  }
0x97: {  	[spmem:s1] =	stream.indirect.scatter [tilespmem:s18], [sflag:$0x3], $0x1, s24, s17, $0x2000b8;
	[tilespmem:$0x1C0A0] =	vst v63  }
0x98: {  	s25 =	simm.s32 $0x8080  }
0x99: {  	[spmem:s1] =	stream.indirect.scatter [tilespmem:s18], [sflag:$0x3], $0x1, s25, s17, $0x2000b8;
	[tilespmem:$0x1C0A0] =	vst v63  }
0x9a: {  	s26 =	simm.s32 $0x8100  }
0x9b: {  	[spmem:s1] =	stream.indirect.scatter [tilespmem:s18], [sflag:$0x3], $0x1, s26, s17, $0x2000b8;
	[tilespmem:$0x1C0A0] =	vst v63  }
0x9c: {  	s28 =	simm.s32 $0x8180  }
0x9d: {  	[spmem:s1] =	stream.indirect.scatter [tilespmem:s18], [sflag:$0x3], $0x1, s28, s17, $0x2000b8;
	[tilespmem:$0x1C0A0] =	vst v63  }
0x9e: {  	s29 =	simm.s32 $0x8200  }
0x9f: {  	[spmem:s1] =	stream.indirect.scatter [tilespmem:s18], [sflag:$0x3], $0x1, s29, s17, $0x2000b8;
	[tilespmem:$0x1C0A0] =	vst v63  }
0xa0: {  	s30 =	simm.s32 $0x8280;
	s31 =	simm.s32 $0x8300  }
0xa1: {  	[spmem:s1] =	stream.indirect.scatter [tilespmem:s18], [sflag:$0x3], $0x1, s30, s17, $0x2000b8;
	[tilespmem:$0x1C0A0] =	vst v63  }
0xa2: {  	s22 =	simm.s32 $0x0;
	s23 =	simm.s32 $0x8780;
	s24 =	simm.s32 $0x8380  }
0xa3: {  	[spmem:s1] =	stream.indirect.scatter [tilespmem:s18], [sflag:$0x3], $0x1, s31, s17, $0x2000b8;
	[tilespmem:$0x1C0A0] =	vst v63  }
.LBB2_8:
0xa4: {  	[spmem:s1] =	stream.indirect.scatter [tilespmem:s18], [sflag:$0x3], $0x1, s24, s17, $0x2000b8;
	[tilespmem:$0x1C0A0] =	vst v63  }
0xa5: {  	s25 =	sadd.s32 $0xFFFFFC80, s23;
	s22 =	sadd.s32 $0x8, s22;
	s24 =	smov.u32 s23  }
0xa6: {  	[spmem:s1] =	stream.indirect.scatter [tilespmem:s18], [sflag:$0x3], $0x1, s25, s17, $0x2000b8;
	[tilespmem:$0x1C0A0] =	vst v63  }
0xa7: {  	p0 =	slt.u32 s22, $0x78;
	s25 =	sadd.s32 $0xFFFFFD00, s23  }
0xa8: {  	[spmem:s1] =	stream.indirect.scatter [tilespmem:s18], [sflag:$0x3], $0x1, s25, s17, $0x2000b8;
	[tilespmem:$0x1C0A0] =	vst v63  }
0xa9: {  	s25 =	sadd.s32 $0xFFFFFD80, s23  }
0xaa: {  	[spmem:s1] =	stream.indirect.scatter [tilespmem:s18], [sflag:$0x3], $0x1, s25, s17, $0x2000b8;
	[tilespmem:$0x1C0A0] =	vst v63  }
0xab: {  	s25 =	sadd.s32 $0xFFFFFE00, s23  }
0xac: {  	[spmem:s1] =	stream.indirect.scatter [tilespmem:s18], [sflag:$0x3], $0x1, s25, s17, $0x2000b8;
	[tilespmem:$0x1C0A0] =	vst v63  }
0xad: {  	s25 =	sadd.s32 $0xFFFFFE80, s23  }
0xae: {  	[spmem:s1] =	stream.indirect.scatter [tilespmem:s18], [sflag:$0x3], $0x1, s25, s17, $0x2000b8;
	[tilespmem:$0x1C0A0] =	vst v63  }
.Ltmp3:
0xaf: {  	s25 =	sadd.s32 $0xFFFFFF00, s23;
	(pc) =	sbr.rel @p0 .LBB2_8-.Ltmp3, $4  }
0xb0: {  	[spmem:s1] =	stream.indirect.scatter [tilespmem:s18], [sflag:$0x3], $0x1, s25, s17, $0x2000b8;
	[tilespmem:$0x1C0A0] =	vst v63  }
0xb1: {  	s25 =	sadd.s32 $0xFFFFFF80, s23  }
0xb2: {  	[spmem:s1] =	stream.indirect.scatter [tilespmem:s18], [sflag:$0x3], $0x1, s25, s17, $0x2000b8;
	[tilespmem:$0x1C0A0] =	vst v63  }
0xb3: {  	s23 =	sadd.s32 $0x400, s23  }
0xb4: {  	[spmem:s1] =	stream.indirect.scatter [tilespmem:s18], [sflag:$0x3], $0x1, s24, s17, $0x2000b8;
	[tilespmem:$0x1C0A0] =	vst v63  }
0xb5: {  	_ =	swait.ge [sflag:s19], $0x4000  }
0xb6: {  	[sflag:s19] =	ssyncset.done $0x0  }
0xb7: {  	[sflag:s19] =	ssyncadd.s32 $0xFFFFC000  }
0xb8: {  	_ =	strace $0x90000087  }
0xb9: {  	s22 =	sshll.u32 s2, $0x6;
	[bflag:$0x0] =	sbarrier.arrive $0xFFFF  }
0xba: {  	s23 =	sshrl.u32 s6, $0x3;
	s22 =	sor.u32 $0x1C04, s22;
	_ =	strace $0x80000088  }
0xbb: {  	[hbm:s8], [sflag:s22] =	dma.local [spmem:s23], $0x1000  }
0xbc: {  	_ =	strace $0x90000088  }
0xbd: {  	_ =	strace $0x80000089  }
0xbe: {  	_ =	swait.ge [sflag:s20], $0x1000  }
0xbf: {  	[sflag:s20] =	ssyncset.done $0x0  }
0xc0: {  	[sflag:s20] =	ssyncadd.s32 $0xFFFFF000  }
0xc1: {  	_ =	strace $0x90000089  }
0xc2: {  	_ =	strace $0x8000008A  }
0xc3: {  	[spmem:s6] =	stream.linear.scatter [tilespmem:s15], [sflag:$0x2], $0x4000, $0x200038;
	[tilespmem:$0x1C0A0] =	vst v63  }
0xc4: {  	_ = 	snop  }
0xc5: {  	[spmem:s7] =	stream.linear.scatter [tilespmem:s15], [sflag:$0x2], $0x4000, $0x200038;
	[tilespmem:$0x1C0A0] =	vst v63  }
0xc6: {  	_ =	strace $0x9000008A  }
0xc7: {  	s31 =	simm.s32 $0xC040;
	_ =	strace $0x8000008B  }
0xc8: {  	v7 =	vld [tilespmem:s31+$0x30]  }
0xc9: {  	v8 =	vld [tilespmem:s31+$0xFFFFFFD0]  }
0xca: {  	v10 =	vld [tilespmem:s31+$0xFFFFFFF0]  }
0xcb: {  	v9 =	vld [tilespmem:s31+$0xFFFFFFE0]  }
0xcc: {  	v12 =	vld [tilespmem:s31+$0x10]  }
0xcd: {  	v11 =	vld [tilespmem:s31+$0x0]  }
0xce: {  	v15 =	vld [tilespmem:s31+$0x20];
	v13 =	vshrl.u32 v7, $0x13;
	v14 =	vshrl.u32 v8, $0x13  }
0xcf: {  	s28 =	simm.s32 $0xC0C0;
	v7 =	vand.u32 $0x7FFFF, v7;
	v8 =	vand.u32 $0x7FFFF, v8;
	v16 =	vshrl.u32 v10, $0x13  }
0xd0: {  	v17 =	vld [tilespmem:s28+$0xFFFFFFD0];
	v10 =	vand.u32 $0x7FFFF, v10;
	vm0 =	veq.s32 v13, v2;
	vm1 =	veq.s32 v14, v2  }
0xd1: {  	v13 =	vld [tilespmem:s31+$0xFFFFFFC0];
	v14 =	vshrl.u32 v9, $0x13;
	vm2 =	veq.s32 v16, v2;
	v16 =	vshrl.u32 v12, $0x13  }
0xd2: {  	v7 =	vsel vm0, v7, v0;
	vm0 =	veq.s32 v14, v2;
	v14 =	vshrl.u32 v11, $0x13  }
0xd3: {  	vm4 =	veq.s32 v16, v2;
	v16 =	vshrl.u32 v15, $0x13;
	vm3 =	veq.s32 v14, v2;
	v14 =	vld [tilespmem:s28+$0x30]  }
0xd4: {  	v9 =	vand.u32 $0x7FFFF, v9;
	v12 =	vand.u32 $0x7FFFF, v12;
	vm5 =	veq.s32 v16, v2;
	v16 =	vld [tilespmem:s28+$0xFFFFFFE0]  }
0xd5: {  	v11 =	vand.u32 $0x7FFFF, v11;
	v19 =	vsel vm2, v10, v0;
	v9 =	vsel vm0, v9, v0  }
0xd6: {  	s24 =	simm.s32 $0x8040;
	v21 =	vsel vm4, v12, v0;
	v12 =	vshrl.u32 v17, $0x13;
	v18 =	vshrl.u32 v13, $0x13  }
0xd7: {  	v63 =	vld [tilespmem:s28+$0xFFFFFFF0];
	[tilespmem:s24+$0x30] =	vst v7;
	v20 =	vsel vm3, v11, v0;
	v13 =	vand.u32 $0x7FFFF, v13;
	vm6 =	veq.s32 v18, v2  }
0xd8: {  	[tilespmem:s24+$0xFFFFFFE0] =	vst v9;
	v7 =	vsel vm6, v13, v0;
	v13 =	vsel vm1, v8, v0;
	v8 =	vld [tilespmem:s28+$0x0];
	v11 =	vshrl.u32 v14, $0x13  }
0xd9: {  	v9 =	vshrl.u32 v16, $0x13;
	[tilespmem:s24+$0xFFFFFFC0] =	vst v7;
	v7 =	vld [tilespmem:s28+$0x10];
	vm1 =	veq.s32 v11, v2;
	v11 =	vand.u32 $0x7FFFF, v14  }
0xda: {  	[tilespmem:s24+$0xFFFFFFF0] =	vst v19;
	vm0 =	veq.s32 v12, v2;
	v12 =	vsel vm1, v11, v0;
	vm1 =	veq.s32 v9, v2;
	v9 =	vld [tilespmem:s28+$0x20]  }
0xdb: {  	v15 =	vand.u32 $0x7FFFF, v15;
	[tilespmem:s24+$0x10] =	vst v21;
	v14 =	vld [tilespmem:s28+$0xFFFFFFC0]  }
0xdc: {  	v10 =	vsel vm5, v15, v0;
	[tilespmem:s24+$0xFFFFFFD0] =	vst v13;
	v13 =	vshrl.u32 v63, $0x13;
	v11 =	vand.u32 $0x7FFFF, v17  }
0xdd: {  	s25 =	simm.s32 $0x80C0;
	[tilespmem:s24+$0x0] =	vst v20;
	vm2 =	veq.s32 v13, v2;
	v13 =	vand.u32 $0x7FFFF, v63;
	v15 =	vshrl.u32 v8, $0x13  }
0xde: {  	s26 =	simm.s32 $0x80;
	s28 =	simm.s32 $0xC140;
	[tilespmem:s25+$0x30] =	vst v12;
	v12 =	vand.u32 $0x7FFFF, v16;
	vm3 =	veq.s32 v15, v2;
	v15 =	vshrl.u32 v7, $0x13  }
.LBB2_10:
0xdf: {  	v16 =	vld [tilespmem:s28+$0x30];
	s26 =	sadd.s32 $0x80, s26;
	v17 =	vand.u32 $0x7FFFF, v8;
	vm4 =	veq.s32 v15, v2;
	v8 =	vshrl.u32 v9, $0x13;
	[tilespmem:s24+$0x20] =	vst v10;
	s24 =	smov.u32 s25  }
0xe0: {  	v15 =	vld [tilespmem:s28+$0xFFFFFFD0];
	p0 =	slt.u32 s26, $0x3F80;
	v10 =	vshrl.u32 v14, $0x13;
	v14 =	vand.u32 $0x7FFFF, v14;
	vm5 =	veq.s32 v8, v2  }
0xe1: {  	v7 =	vand.u32 $0x7FFFF, v7;
	v9 =	vand.u32 $0x7FFFF, v9;
	v18 =	vld [tilespmem:s28+$0xFFFFFFE0];
	vm6 =	veq.s32 v10, v2  }
0xe2: {  	v11 =	vsel vm0, v11, v0;
	v12 =	vsel vm1, v12, v0;
	v19 =	vld [tilespmem:s28+$0xFFFFFFF0];
	v10 =	vsel vm6, v14, v0  }
0xe3: {  	v13 =	vsel vm2, v13, v0;
	v17 =	vsel vm3, v17, v0;
	v20 =	vsel vm4, v7, v0;
	v8 =	vld [tilespmem:s28+$0x0];
	[tilespmem:s25+$0xFFFFFFC0] =	vst v10  }
0xe4: {  	v10 =	vsel vm5, v9, v0;
	v7 =	vld [tilespmem:s28+$0x10];
	v14 =	vshrl.u32 v16, $0x13;
	[tilespmem:s25+$0xFFFFFFD0] =	vst v11  }
.Ltmp4:
0xe5: {  	v16 =	vand.u32 $0x7FFFF, v16;
	v11 =	vshrl.u32 v15, $0x13;
	v9 =	vld [tilespmem:s28+$0x20];
	vm1 =	veq.s32 v14, v2;
	[tilespmem:s25+$0xFFFFFFE0] =	vst v12;
	(pc) =	sbr.rel @p0 .LBB2_10-.Ltmp4, $4  }
0xe6: {  	s25 =	sadd.s32 $0x80, s25;
	v14 =	vld [tilespmem:s28+$0xFFFFFFC0];
	vm0 =	veq.s32 v11, v2;
	v12 =	vshrl.u32 v18, $0x13;
	v16 =	vsel vm1, v16, v0;
	[tilespmem:s24+$0xFFFFFFF0] =	vst v13  }
0xe7: {  	v11 =	vand.u32 $0x7FFFF, v15;
	vm1 =	veq.s32 v12, v2;
	v13 =	vshrl.u32 v19, $0x13;
	[tilespmem:s25+$0x30] =	vst v16  }
0xe8: {  	v12 =	vand.u32 $0x7FFFF, v18;
	vm2 =	veq.s32 v13, v2;
	v15 =	vshrl.u32 v8, $0x13;
	[tilespmem:s24+$0x0] =	vst v17  }
0xe9: {  	s28 =	sadd.s32 $0x80, s28;
	v13 =	vand.u32 $0x7FFFF, v19;
	vm3 =	veq.s32 v15, v2;
	v15 =	vshrl.u32 v7, $0x13;
	[tilespmem:s24+$0x10] =	vst v20  }
0xea: {  	[tilespmem:s24+$0x20] =	vst v10;
	v11 =	vsel vm0, v11, v0  }
0xeb: {  	v60 =	vsel vm1, v12, v0;
	v8 =	vand.u32 $0x7FFFF, v8;
	[tilespmem:s25+$0xFFFFFFD0] =	vst v11  }
0xec: {  	vm14 =	veq.s32 v15, v2;
	v61 =	vsel vm2, v13, v0;
	v62 =	vshrl.u32 v9, $0x13;
	[tilespmem:s25+$0xFFFFFFE0] =	vst v60  }
0xed: {  	v7 =	vand.u32 $0x7FFFF, v7;
	v63 =	vand.u32 $0x7FFFF, v9;
	v8 =	vsel vm3, v8, v0;
	[tilespmem:s25+$0xFFFFFFF0] =	vst v61  }
0xee: {  	v16 =	vshrl.u32 v14, $0x13;
	vm15 =	veq.s32 v62, v2;
	v7 =	vsel vm14, v7, v0;
	[tilespmem:s25+$0x0] =	vst v8  }
0xef: {  	v58 =	vand.u32 $0x7FFFF, v14;
	vm4 =	veq.s32 v16, v2;
	v8 =	vsel vm15, v63, v0;
	[tilespmem:s25+$0x10] =	vst v7  }
0xf0: {  	v59 =	vsel vm4, v58, v0;
	[tilespmem:s25+$0x20] =	vst v8  }
0xf1: {  	[tilespmem:s25+$0xFFFFFFC0] =	vst v59  }
0xf2: {  	_ =	strace $0x9000008B  }
0xf3: {  	_ =	strace $0x8000008C  }
0xf4: {  	_ =	swait.ge [sflag:s16], $0x4000  }
0xf5: {  	[sflag:s16] =	ssyncset.done $0x0  }
0xf6: {  	[sflag:s16] =	ssyncadd.s32 $0xFFFFC000  }
0xf7: {  	_ =	swait.ge [sflag:s16], $0x4000  }
0xf8: {  	[sflag:s16] =	ssyncset.done $0x0  }
0xf9: {  	[sflag:s16] =	ssyncadd.s32 $0xFFFFC000  }
0xfa: {  	_ =	strace $0x9000008C  }
0xfb: {  	[bflag:$0x0] =	sbarrier.arrive $0xFFFF  }
0xfc: {  	s31 =	simm.s32 $0x8000;
	_ =	strace $0x8000008D  }
0xfd: {  	[spmem:s1] =	stream.indirect.scatter [tilespmem:s18], [sflag:$0x3], $0x1, s31, s17, $0x2000b8;
	[tilespmem:$0x1C0A0] =	vst v63  }
0xfe: {  	s25 =	simm.s32 $0x8080  }
0xff: {  	[spmem:s1] =	stream.indirect.scatter [tilespmem:s18], [sflag:$0x3], $0x1, s25, s17, $0x2000b8;
	[tilespmem:$0x1C0A0] =	vst v63  }
0x100: {  	s26 =	simm.s32 $0x8100  }
0x101: {  	[spmem:s1] =	stream.indirect.scatter [tilespmem:s18], [sflag:$0x3], $0x1, s26, s17, $0x2000b8;
	[tilespmem:$0x1C0A0] =	vst v63  }
0x102: {  	s28 =	simm.s32 $0x8180  }
0x103: {  	[spmem:s1] =	stream.indirect.scatter [tilespmem:s18], [sflag:$0x3], $0x1, s28, s17, $0x2000b8;
	[tilespmem:$0x1C0A0] =	vst v63  }
0x104: {  	s29 =	simm.s32 $0x8200  }
0x105: {  	[spmem:s1] =	stream.indirect.scatter [tilespmem:s18], [sflag:$0x3], $0x1, s29, s17, $0x2000b8;
	[tilespmem:$0x1C0A0] =	vst v63  }
0x106: {  	s30 =	simm.s32 $0x8280;
	s24 =	simm.s32 $0x0  }
0x107: {  	[spmem:s1] =	stream.indirect.scatter [tilespmem:s18], [sflag:$0x3], $0x1, s30, s17, $0x2000b8;
	[tilespmem:$0x1C0A0] =	vst v63  }
0x108: {  	s31 =	simm.s32 $0x8300;
	s25 =	simm.s32 $0x8780;
	s26 =	simm.s32 $0x8380  }
0x109: {  	[spmem:s1] =	stream.indirect.scatter [tilespmem:s18], [sflag:$0x3], $0x1, s31, s17, $0x2000b8;
	[tilespmem:$0x1C0A0] =	vst v63  }
.LBB2_12:
0x10a: {  	[spmem:s1] =	stream.indirect.scatter [tilespmem:s18], [sflag:$0x3], $0x1, s26, s17, $0x2000b8;
	[tilespmem:$0x1C0A0] =	vst v63  }
0x10b: {  	s28 =	sadd.s32 $0xFFFFFC80, s25;
	s24 =	sadd.s32 $0x8, s24;
	s26 =	smov.u32 s25  }
0x10c: {  	[spmem:s1] =	stream.indirect.scatter [tilespmem:s18], [sflag:$0x3], $0x1, s28, s17, $0x2000b8;
	[tilespmem:$0x1C0A0] =	vst v63  }
0x10d: {  	p0 =	slt.u32 s24, $0x78;
	s28 =	sadd.s32 $0xFFFFFD00, s25  }
0x10e: {  	[spmem:s1] =	stream.indirect.scatter [tilespmem:s18], [sflag:$0x3], $0x1, s28, s17, $0x2000b8;
	[tilespmem:$0x1C0A0] =	vst v63  }
0x10f: {  	s28 =	sadd.s32 $0xFFFFFD80, s25  }
0x110: {  	[spmem:s1] =	stream.indirect.scatter [tilespmem:s18], [sflag:$0x3], $0x1, s28, s17, $0x2000b8;
	[tilespmem:$0x1C0A0] =	vst v63  }
0x111: {  	s28 =	sadd.s32 $0xFFFFFE00, s25  }
0x112: {  	[spmem:s1] =	stream.indirect.scatter [tilespmem:s18], [sflag:$0x3], $0x1, s28, s17, $0x2000b8;
	[tilespmem:$0x1C0A0] =	vst v63  }
0x113: {  	s28 =	sadd.s32 $0xFFFFFE80, s25  }
0x114: {  	[spmem:s1] =	stream.indirect.scatter [tilespmem:s18], [sflag:$0x3], $0x1, s28, s17, $0x2000b8;
	[tilespmem:$0x1C0A0] =	vst v63  }
.Ltmp5:
0x115: {  	s28 =	sadd.s32 $0xFFFFFF00, s25;
	(pc) =	sbr.rel @p0 .LBB2_12-.Ltmp5, $4  }
0x116: {  	[spmem:s1] =	stream.indirect.scatter [tilespmem:s18], [sflag:$0x3], $0x1, s28, s17, $0x2000b8;
	[tilespmem:$0x1C0A0] =	vst v63  }
0x117: {  	s28 =	sadd.s32 $0xFFFFFF80, s25  }
0x118: {  	[spmem:s1] =	stream.indirect.scatter [tilespmem:s18], [sflag:$0x3], $0x1, s28, s17, $0x2000b8;
	[tilespmem:$0x1C0A0] =	vst v63  }
0x119: {  	s25 =	sadd.s32 $0x400, s25  }
0x11a: {  	[spmem:s1] =	stream.indirect.scatter [tilespmem:s18], [sflag:$0x3], $0x1, s26, s17, $0x2000b8;
	[tilespmem:$0x1C0A0] =	vst v63  }
0x11b: {  	_ =	swait.ge [sflag:s19], $0x4000  }
0x11c: {  	[sflag:s19] =	ssyncset.done $0x0  }
0x11d: {  	[sflag:s19] =	ssyncadd.s32 $0xFFFFC000  }
0x11e: {  	_ =	strace $0x9000008D  }
0x11f: {  	[bflag:$0x0] =	sbarrier.arrive $0xFFFF  }
0x120: {  	_ =	strace $0x8000008E  }
0x121: {  	[hbm:s9], [sflag:s22] =	dma.local [spmem:s23], $0x1000  }
0x122: {  	_ =	strace $0x9000008E  }
0x123: {  	_ =	strace $0x8000008F  }
0x124: {  	_ =	swait.ge [sflag:s20], $0x1000  }
0x125: {  	[sflag:s20] =	ssyncset.done $0x0  }
0x126: {  	[sflag:s20] =	ssyncadd.s32 $0xFFFFF000  }
0x127: {  	_ =	strace $0x9000008F  }
0x128: {  	_ =	strace $0x80000090  }
0x129: {  	[spmem:s6] =	stream.linear.scatter [tilespmem:s15], [sflag:$0x2], $0x4000, $0x200038;
	[tilespmem:$0x1C0A0] =	vst v63  }
0x12a: {  	_ = 	snop  }
0x12b: {  	[spmem:s7] =	stream.linear.scatter [tilespmem:s15], [sflag:$0x2], $0x4000, $0x200038;
	[tilespmem:$0x1C0A0] =	vst v63  }
0x12c: {  	_ =	strace $0x90000090  }
0x12d: {  	s24 =	simm.s32 $0xC040;
	_ =	strace $0x80000091  }
0x12e: {  	v7 =	vld [tilespmem:s24+$0x30]  }
0x12f: {  	v8 =	vld [tilespmem:s24+$0xFFFFFFD0]  }
0x130: {  	v10 =	vld [tilespmem:s24+$0xFFFFFFF0]  }
0x131: {  	v9 =	vld [tilespmem:s24+$0xFFFFFFE0]  }
0x132: {  	v12 =	vld [tilespmem:s24+$0x10]  }
0x133: {  	v11 =	vld [tilespmem:s24+$0x0]  }
0x134: {  	v15 =	vld [tilespmem:s24+$0x20];
	v13 =	vshrl.u32 v7, $0x13;
	v14 =	vshrl.u32 v8, $0x13  }
0x135: {  	s28 =	simm.s32 $0xC0C0;
	v7 =	vand.u32 $0x7FFFF, v7;
	v8 =	vand.u32 $0x7FFFF, v8;
	v16 =	vshrl.u32 v10, $0x13  }
0x136: {  	v17 =	vld [tilespmem:s28+$0xFFFFFFD0];
	v10 =	vand.u32 $0x7FFFF, v10;
	vm0 =	veq.s32 v13, v3;
	vm1 =	veq.s32 v14, v3  }
0x137: {  	v13 =	vld [tilespmem:s24+$0xFFFFFFC0];
	v14 =	vshrl.u32 v9, $0x13;
	vm2 =	veq.s32 v16, v3;
	v16 =	vshrl.u32 v12, $0x13  }
0x138: {  	v7 =	vsel vm0, v7, v0;
	vm0 =	veq.s32 v14, v3;
	v14 =	vshrl.u32 v11, $0x13  }
0x139: {  	vm4 =	veq.s32 v16, v3;
	v16 =	vshrl.u32 v15, $0x13;
	vm3 =	veq.s32 v14, v3;
	v14 =	vld [tilespmem:s28+$0x30]  }
0x13a: {  	v9 =	vand.u32 $0x7FFFF, v9;
	v12 =	vand.u32 $0x7FFFF, v12;
	vm5 =	veq.s32 v16, v3;
	v16 =	vld [tilespmem:s28+$0xFFFFFFE0]  }
0x13b: {  	v11 =	vand.u32 $0x7FFFF, v11;
	v19 =	vsel vm2, v10, v0;
	v9 =	vsel vm0, v9, v0  }
0x13c: {  	s24 =	simm.s32 $0x8040;
	v21 =	vsel vm4, v12, v0;
	v12 =	vshrl.u32 v17, $0x13;
	v18 =	vshrl.u32 v13, $0x13  }
0x13d: {  	v63 =	vld [tilespmem:s28+$0xFFFFFFF0];
	[tilespmem:s24+$0x30] =	vst v7;
	v20 =	vsel vm3, v11, v0;
	v13 =	vand.u32 $0x7FFFF, v13;
	vm6 =	veq.s32 v18, v3  }
0x13e: {  	[tilespmem:s24+$0xFFFFFFE0] =	vst v9;
	v7 =	vsel vm6, v13, v0;
	v13 =	vsel vm1, v8, v0;
	v8 =	vld [tilespmem:s28+$0x0];
	v11 =	vshrl.u32 v14, $0x13  }
0x13f: {  	v9 =	vshrl.u32 v16, $0x13;
	[tilespmem:s24+$0xFFFFFFC0] =	vst v7;
	v7 =	vld [tilespmem:s28+$0x10];
	vm1 =	veq.s32 v11, v3;
	v11 =	vand.u32 $0x7FFFF, v14  }
0x140: {  	[tilespmem:s24+$0xFFFFFFF0] =	vst v19;
	vm0 =	veq.s32 v12, v3;
	v12 =	vsel vm1, v11, v0;
	vm1 =	veq.s32 v9, v3;
	v9 =	vld [tilespmem:s28+$0x20]  }
0x141: {  	v15 =	vand.u32 $0x7FFFF, v15;
	[tilespmem:s24+$0x10] =	vst v21;
	v14 =	vld [tilespmem:s28+$0xFFFFFFC0]  }
0x142: {  	v10 =	vsel vm5, v15, v0;
	[tilespmem:s24+$0xFFFFFFD0] =	vst v13;
	v13 =	vshrl.u32 v63, $0x13;
	v11 =	vand.u32 $0x7FFFF, v17  }
0x143: {  	s25 =	simm.s32 $0x80C0;
	[tilespmem:s24+$0x0] =	vst v20;
	vm2 =	veq.s32 v13, v3;
	v13 =	vand.u32 $0x7FFFF, v63;
	v15 =	vshrl.u32 v8, $0x13  }
0x144: {  	s26 =	simm.s32 $0x80;
	s28 =	simm.s32 $0xC140;
	[tilespmem:s25+$0x30] =	vst v12;
	v12 =	vand.u32 $0x7FFFF, v16;
	vm3 =	veq.s32 v15, v3;
	v15 =	vshrl.u32 v7, $0x13  }
.LBB2_14:
0x145: {  	v16 =	vld [tilespmem:s28+$0x30];
	s26 =	sadd.s32 $0x80, s26;
	v17 =	vand.u32 $0x7FFFF, v8;
	vm4 =	veq.s32 v15, v3;
	v8 =	vshrl.u32 v9, $0x13;
	[tilespmem:s24+$0x20] =	vst v10;
	s24 =	smov.u32 s25  }
0x146: {  	v15 =	vld [tilespmem:s28+$0xFFFFFFD0];
	p0 =	slt.u32 s26, $0x3F80;
	v10 =	vshrl.u32 v14, $0x13;
	v14 =	vand.u32 $0x7FFFF, v14;
	vm5 =	veq.s32 v8, v3  }
0x147: {  	v7 =	vand.u32 $0x7FFFF, v7;
	v9 =	vand.u32 $0x7FFFF, v9;
	v18 =	vld [tilespmem:s28+$0xFFFFFFE0];
	vm6 =	veq.s32 v10, v3  }
0x148: {  	v11 =	vsel vm0, v11, v0;
	v12 =	vsel vm1, v12, v0;
	v19 =	vld [tilespmem:s28+$0xFFFFFFF0];
	v10 =	vsel vm6, v14, v0  }
0x149: {  	v13 =	vsel vm2, v13, v0;
	v17 =	vsel vm3, v17, v0;
	v20 =	vsel vm4, v7, v0;
	v8 =	vld [tilespmem:s28+$0x0];
	[tilespmem:s25+$0xFFFFFFC0] =	vst v10  }
0x14a: {  	v10 =	vsel vm5, v9, v0;
	v7 =	vld [tilespmem:s28+$0x10];
	v14 =	vshrl.u32 v16, $0x13;
	[tilespmem:s25+$0xFFFFFFD0] =	vst v11  }
.Ltmp6:
0x14b: {  	v16 =	vand.u32 $0x7FFFF, v16;
	v11 =	vshrl.u32 v15, $0x13;
	v9 =	vld [tilespmem:s28+$0x20];
	vm1 =	veq.s32 v14, v3;
	[tilespmem:s25+$0xFFFFFFE0] =	vst v12;
	(pc) =	sbr.rel @p0 .LBB2_14-.Ltmp6, $4  }
0x14c: {  	s25 =	sadd.s32 $0x80, s25;
	v14 =	vld [tilespmem:s28+$0xFFFFFFC0];
	vm0 =	veq.s32 v11, v3;
	v12 =	vshrl.u32 v18, $0x13;
	v16 =	vsel vm1, v16, v0;
	[tilespmem:s24+$0xFFFFFFF0] =	vst v13  }
0x14d: {  	v11 =	vand.u32 $0x7FFFF, v15;
	vm1 =	veq.s32 v12, v3;
	v13 =	vshrl.u32 v19, $0x13;
	[tilespmem:s25+$0x30] =	vst v16  }
0x14e: {  	v12 =	vand.u32 $0x7FFFF, v18;
	vm2 =	veq.s32 v13, v3;
	v15 =	vshrl.u32 v8, $0x13;
	[tilespmem:s24+$0x0] =	vst v17  }
0x14f: {  	s28 =	sadd.s32 $0x80, s28;
	v13 =	vand.u32 $0x7FFFF, v19;
	vm3 =	veq.s32 v15, v3;
	v15 =	vshrl.u32 v7, $0x13;
	[tilespmem:s24+$0x10] =	vst v20  }
0x150: {  	[tilespmem:s24+$0x20] =	vst v10;
	v11 =	vsel vm0, v11, v0  }
0x151: {  	v60 =	vsel vm1, v12, v0;
	v8 =	vand.u32 $0x7FFFF, v8;
	[tilespmem:s25+$0xFFFFFFD0] =	vst v11  }
0x152: {  	vm14 =	veq.s32 v15, v3;
	v61 =	vsel vm2, v13, v0;
	v62 =	vshrl.u32 v9, $0x13;
	[tilespmem:s25+$0xFFFFFFE0] =	vst v60  }
0x153: {  	v7 =	vand.u32 $0x7FFFF, v7;
	v63 =	vand.u32 $0x7FFFF, v9;
	v8 =	vsel vm3, v8, v0;
	[tilespmem:s25+$0xFFFFFFF0] =	vst v61  }
0x154: {  	v16 =	vshrl.u32 v14, $0x13;
	vm15 =	veq.s32 v62, v3;
	v7 =	vsel vm14, v7, v0;
	[tilespmem:s25+$0x0] =	vst v8  }
0x155: {  	v58 =	vand.u32 $0x7FFFF, v14;
	vm4 =	veq.s32 v16, v3;
	v8 =	vsel vm15, v63, v0;
	[tilespmem:s25+$0x10] =	vst v7  }
0x156: {  	v59 =	vsel vm4, v58, v0;
	[tilespmem:s25+$0x20] =	vst v8  }
0x157: {  	[tilespmem:s25+$0xFFFFFFC0] =	vst v59  }
0x158: {  	_ =	strace $0x90000091  }
0x159: {  	_ =	strace $0x80000092  }
0x15a: {  	_ =	swait.ge [sflag:s16], $0x4000  }
0x15b: {  	[sflag:s16] =	ssyncset.done $0x0  }
0x15c: {  	[sflag:s16] =	ssyncadd.s32 $0xFFFFC000  }
0x15d: {  	_ =	swait.ge [sflag:s16], $0x4000  }
0x15e: {  	[sflag:s16] =	ssyncset.done $0x0  }
0x15f: {  	[sflag:s16] =	ssyncadd.s32 $0xFFFFC000  }
0x160: {  	_ =	strace $0x90000092  }
0x161: {  	[bflag:$0x0] =	sbarrier.arrive $0xFFFF  }
0x162: {  	s31 =	simm.s32 $0x8000;
	_ =	strace $0x80000093  }
0x163: {  	[spmem:s1] =	stream.indirect.scatter [tilespmem:s18], [sflag:$0x3], $0x1, s31, s17, $0x2000b8;
	[tilespmem:$0x1C0A0] =	vst v63  }
0x164: {  	s25 =	simm.s32 $0x8080  }
0x165: {  	[spmem:s1] =	stream.indirect.scatter [tilespmem:s18], [sflag:$0x3], $0x1, s25, s17, $0x2000b8;
	[tilespmem:$0x1C0A0] =	vst v63  }
0x166: {  	s26 =	simm.s32 $0x8100  }
0x167: {  	[spmem:s1] =	stream.indirect.scatter [tilespmem:s18], [sflag:$0x3], $0x1, s26, s17, $0x2000b8;
	[tilespmem:$0x1C0A0] =	vst v63  }
0x168: {  	s28 =	simm.s32 $0x8180  }
0x169: {  	[spmem:s1] =	stream.indirect.scatter [tilespmem:s18], [sflag:$0x3], $0x1, s28, s17, $0x2000b8;
	[tilespmem:$0x1C0A0] =	vst v63  }
0x16a: {  	s29 =	simm.s32 $0x8200  }
0x16b: {  	[spmem:s1] =	stream.indirect.scatter [tilespmem:s18], [sflag:$0x3], $0x1, s29, s17, $0x2000b8;
	[tilespmem:$0x1C0A0] =	vst v63  }
0x16c: {  	s30 =	simm.s32 $0x8280;
	s24 =	simm.s32 $0x0  }
0x16d: {  	[spmem:s1] =	stream.indirect.scatter [tilespmem:s18], [sflag:$0x3], $0x1, s30, s17, $0x2000b8;
	[tilespmem:$0x1C0A0] =	vst v63  }
0x16e: {  	s31 =	simm.s32 $0x8300;
	s25 =	simm.s32 $0x8780;
	s26 =	simm.s32 $0x8380  }
0x16f: {  	[spmem:s1] =	stream.indirect.scatter [tilespmem:s18], [sflag:$0x3], $0x1, s31, s17, $0x2000b8;
	[tilespmem:$0x1C0A0] =	vst v63  }
.LBB2_16:
0x170: {  	[spmem:s1] =	stream.indirect.scatter [tilespmem:s18], [sflag:$0x3], $0x1, s26, s17, $0x2000b8;
	[tilespmem:$0x1C0A0] =	vst v63  }
0x171: {  	s28 =	sadd.s32 $0xFFFFFC80, s25;
	s24 =	sadd.s32 $0x8, s24;
	s26 =	smov.u32 s25  }
0x172: {  	[spmem:s1] =	stream.indirect.scatter [tilespmem:s18], [sflag:$0x3], $0x1, s28, s17, $0x2000b8;
	[tilespmem:$0x1C0A0] =	vst v63  }
0x173: {  	p0 =	slt.u32 s24, $0x78;
	s28 =	sadd.s32 $0xFFFFFD00, s25  }
0x174: {  	[spmem:s1] =	stream.indirect.scatter [tilespmem:s18], [sflag:$0x3], $0x1, s28, s17, $0x2000b8;
	[tilespmem:$0x1C0A0] =	vst v63  }
0x175: {  	s28 =	sadd.s32 $0xFFFFFD80, s25  }
0x176: {  	[spmem:s1] =	stream.indirect.scatter [tilespmem:s18], [sflag:$0x3], $0x1, s28, s17, $0x2000b8;
	[tilespmem:$0x1C0A0] =	vst v63  }
0x177: {  	s28 =	sadd.s32 $0xFFFFFE00, s25  }
0x178: {  	[spmem:s1] =	stream.indirect.scatter [tilespmem:s18], [sflag:$0x3], $0x1, s28, s17, $0x2000b8;
	[tilespmem:$0x1C0A0] =	vst v63  }
0x179: {  	s28 =	sadd.s32 $0xFFFFFE80, s25  }
0x17a: {  	[spmem:s1] =	stream.indirect.scatter [tilespmem:s18], [sflag:$0x3], $0x1, s28, s17, $0x2000b8;
	[tilespmem:$0x1C0A0] =	vst v63  }
.Ltmp7:
0x17b: {  	s28 =	sadd.s32 $0xFFFFFF00, s25;
	(pc) =	sbr.rel @p0 .LBB2_16-.Ltmp7, $4  }
0x17c: {  	[spmem:s1] =	stream.indirect.scatter [tilespmem:s18], [sflag:$0x3], $0x1, s28, s17, $0x2000b8;
	[tilespmem:$0x1C0A0] =	vst v63  }
0x17d: {  	s28 =	sadd.s32 $0xFFFFFF80, s25  }
0x17e: {  	[spmem:s1] =	stream.indirect.scatter [tilespmem:s18], [sflag:$0x3], $0x1, s28, s17, $0x2000b8;
	[tilespmem:$0x1C0A0] =	vst v63  }
0x17f: {  	s25 =	sadd.s32 $0x400, s25  }
0x180: {  	[spmem:s1] =	stream.indirect.scatter [tilespmem:s18], [sflag:$0x3], $0x1, s26, s17, $0x2000b8;
	[tilespmem:$0x1C0A0] =	vst v63  }
0x181: {  	_ =	swait.ge [sflag:s19], $0x4000  }
0x182: {  	[sflag:s19] =	ssyncset.done $0x0  }
0x183: {  	[sflag:s19] =	ssyncadd.s32 $0xFFFFC000  }
0x184: {  	_ =	strace $0x90000093  }
0x185: {  	[bflag:$0x0] =	sbarrier.arrive $0xFFFF  }
0x186: {  	_ =	strace $0x80000094  }
0x187: {  	[hbm:s10], [sflag:s22] =	dma.local [spmem:s23], $0x1000  }
0x188: {  	_ =	strace $0x90000094  }
0x189: {  	_ =	strace $0x80000095  }
0x18a: {  	_ =	swait.ge [sflag:s20], $0x1000  }
0x18b: {  	[sflag:s20] =	ssyncset.done $0x0  }
0x18c: {  	[sflag:s20] =	ssyncadd.s32 $0xFFFFF000  }
0x18d: {  	_ =	strace $0x90000095  }
0x18e: {  	_ =	strace $0x80000096  }
0x18f: {  	[spmem:s6] =	stream.linear.scatter [tilespmem:s15], [sflag:$0x2], $0x4000, $0x200038;
	[tilespmem:$0x1C0A0] =	vst v63  }
0x190: {  	_ = 	snop  }
0x191: {  	[spmem:s7] =	stream.linear.scatter [tilespmem:s15], [sflag:$0x2], $0x4000, $0x200038;
	[tilespmem:$0x1C0A0] =	vst v63  }
0x192: {  	_ =	strace $0x90000096  }
0x193: {  	s24 =	simm.s32 $0xC040;
	_ =	strace $0x80000097  }
0x194: {  	v7 =	vld [tilespmem:s24+$0x30]  }
0x195: {  	v8 =	vld [tilespmem:s24+$0xFFFFFFD0]  }
0x196: {  	v10 =	vld [tilespmem:s24+$0xFFFFFFF0]  }
0x197: {  	v9 =	vld [tilespmem:s24+$0xFFFFFFE0]  }
0x198: {  	v12 =	vld [tilespmem:s24+$0x10]  }
0x199: {  	v11 =	vld [tilespmem:s24+$0x0]  }
0x19a: {  	v15 =	vld [tilespmem:s24+$0x20];
	v13 =	vshrl.u32 v7, $0x13;
	v14 =	vshrl.u32 v8, $0x13  }
0x19b: {  	s28 =	simm.s32 $0xC0C0;
	v7 =	vand.u32 $0x7FFFF, v7;
	v8 =	vand.u32 $0x7FFFF, v8;
	v16 =	vshrl.u32 v10, $0x13  }
0x19c: {  	v17 =	vld [tilespmem:s28+$0xFFFFFFD0];
	v10 =	vand.u32 $0x7FFFF, v10;
	vm0 =	veq.s32 v13, v4;
	vm1 =	veq.s32 v14, v4  }
0x19d: {  	v13 =	vld [tilespmem:s24+$0xFFFFFFC0];
	v14 =	vshrl.u32 v9, $0x13;
	vm2 =	veq.s32 v16, v4;
	v16 =	vshrl.u32 v12, $0x13  }
0x19e: {  	v7 =	vsel vm0, v7, v0;
	vm0 =	veq.s32 v14, v4;
	v14 =	vshrl.u32 v11, $0x13  }
0x19f: {  	vm4 =	veq.s32 v16, v4;
	v16 =	vshrl.u32 v15, $0x13;
	vm3 =	veq.s32 v14, v4;
	v14 =	vld [tilespmem:s28+$0x30]  }
0x1a0: {  	v9 =	vand.u32 $0x7FFFF, v9;
	v12 =	vand.u32 $0x7FFFF, v12;
	vm5 =	veq.s32 v16, v4;
	v16 =	vld [tilespmem:s28+$0xFFFFFFE0]  }
0x1a1: {  	v11 =	vand.u32 $0x7FFFF, v11;
	v19 =	vsel vm2, v10, v0;
	v9 =	vsel vm0, v9, v0  }
0x1a2: {  	s24 =	simm.s32 $0x8040;
	v21 =	vsel vm4, v12, v0;
	v12 =	vshrl.u32 v17, $0x13;
	v18 =	vshrl.u32 v13, $0x13  }
0x1a3: {  	v63 =	vld [tilespmem:s28+$0xFFFFFFF0];
	[tilespmem:s24+$0x30] =	vst v7;
	v20 =	vsel vm3, v11, v0;
	v13 =	vand.u32 $0x7FFFF, v13;
	vm6 =	veq.s32 v18, v4  }
0x1a4: {  	[tilespmem:s24+$0xFFFFFFE0] =	vst v9;
	v7 =	vsel vm6, v13, v0;
	v13 =	vsel vm1, v8, v0;
	v8 =	vld [tilespmem:s28+$0x0];
	v11 =	vshrl.u32 v14, $0x13  }
0x1a5: {  	v9 =	vshrl.u32 v16, $0x13;
	[tilespmem:s24+$0xFFFFFFC0] =	vst v7;
	v7 =	vld [tilespmem:s28+$0x10];
	vm1 =	veq.s32 v11, v4;
	v11 =	vand.u32 $0x7FFFF, v14  }
0x1a6: {  	[tilespmem:s24+$0xFFFFFFF0] =	vst v19;
	vm0 =	veq.s32 v12, v4;
	v12 =	vsel vm1, v11, v0;
	vm1 =	veq.s32 v9, v4;
	v9 =	vld [tilespmem:s28+$0x20]  }
0x1a7: {  	v15 =	vand.u32 $0x7FFFF, v15;
	[tilespmem:s24+$0x10] =	vst v21;
	v14 =	vld [tilespmem:s28+$0xFFFFFFC0]  }
0x1a8: {  	v10 =	vsel vm5, v15, v0;
	[tilespmem:s24+$0xFFFFFFD0] =	vst v13;
	v13 =	vshrl.u32 v63, $0x13;
	v11 =	vand.u32 $0x7FFFF, v17  }
0x1a9: {  	s25 =	simm.s32 $0x80C0;
	[tilespmem:s24+$0x0] =	vst v20;
	vm2 =	veq.s32 v13, v4;
	v13 =	vand.u32 $0x7FFFF, v63;
	v15 =	vshrl.u32 v8, $0x13  }
0x1aa: {  	s26 =	simm.s32 $0x80;
	s28 =	simm.s32 $0xC140;
	[tilespmem:s25+$0x30] =	vst v12;
	v12 =	vand.u32 $0x7FFFF, v16;
	vm3 =	veq.s32 v15, v4;
	v15 =	vshrl.u32 v7, $0x13  }
.LBB2_18:
0x1ab: {  	v16 =	vld [tilespmem:s28+$0x30];
	s26 =	sadd.s32 $0x80, s26;
	v17 =	vand.u32 $0x7FFFF, v8;
	vm4 =	veq.s32 v15, v4;
	v8 =	vshrl.u32 v9, $0x13;
	[tilespmem:s24+$0x20] =	vst v10;
	s24 =	smov.u32 s25  }
0x1ac: {  	v15 =	vld [tilespmem:s28+$0xFFFFFFD0];
	p0 =	slt.u32 s26, $0x3F80;
	v10 =	vshrl.u32 v14, $0x13;
	v14 =	vand.u32 $0x7FFFF, v14;
	vm5 =	veq.s32 v8, v4  }
0x1ad: {  	v7 =	vand.u32 $0x7FFFF, v7;
	v9 =	vand.u32 $0x7FFFF, v9;
	v18 =	vld [tilespmem:s28+$0xFFFFFFE0];
	vm6 =	veq.s32 v10, v4  }
0x1ae: {  	v11 =	vsel vm0, v11, v0;
	v12 =	vsel vm1, v12, v0;
	v19 =	vld [tilespmem:s28+$0xFFFFFFF0];
	v10 =	vsel vm6, v14, v0  }
0x1af: {  	v13 =	vsel vm2, v13, v0;
	v17 =	vsel vm3, v17, v0;
	v20 =	vsel vm4, v7, v0;
	v8 =	vld [tilespmem:s28+$0x0];
	[tilespmem:s25+$0xFFFFFFC0] =	vst v10  }
0x1b0: {  	v10 =	vsel vm5, v9, v0;
	v7 =	vld [tilespmem:s28+$0x10];
	v14 =	vshrl.u32 v16, $0x13;
	[tilespmem:s25+$0xFFFFFFD0] =	vst v11  }
.Ltmp8:
0x1b1: {  	v16 =	vand.u32 $0x7FFFF, v16;
	v11 =	vshrl.u32 v15, $0x13;
	v9 =	vld [tilespmem:s28+$0x20];
	vm1 =	veq.s32 v14, v4;
	[tilespmem:s25+$0xFFFFFFE0] =	vst v12;
	(pc) =	sbr.rel @p0 .LBB2_18-.Ltmp8, $4  }
0x1b2: {  	s25 =	sadd.s32 $0x80, s25;
	v14 =	vld [tilespmem:s28+$0xFFFFFFC0];
	vm0 =	veq.s32 v11, v4;
	v12 =	vshrl.u32 v18, $0x13;
	v16 =	vsel vm1, v16, v0;
	[tilespmem:s24+$0xFFFFFFF0] =	vst v13  }
0x1b3: {  	v11 =	vand.u32 $0x7FFFF, v15;
	vm1 =	veq.s32 v12, v4;
	v13 =	vshrl.u32 v19, $0x13;
	[tilespmem:s25+$0x30] =	vst v16  }
0x1b4: {  	v12 =	vand.u32 $0x7FFFF, v18;
	vm2 =	veq.s32 v13, v4;
	v15 =	vshrl.u32 v8, $0x13;
	[tilespmem:s24+$0x0] =	vst v17  }
0x1b5: {  	s28 =	sadd.s32 $0x80, s28;
	v13 =	vand.u32 $0x7FFFF, v19;
	vm3 =	veq.s32 v15, v4;
	v15 =	vshrl.u32 v7, $0x13;
	[tilespmem:s24+$0x10] =	vst v20  }
0x1b6: {  	[tilespmem:s24+$0x20] =	vst v10;
	v11 =	vsel vm0, v11, v0  }
0x1b7: {  	v60 =	vsel vm1, v12, v0;
	v8 =	vand.u32 $0x7FFFF, v8;
	[tilespmem:s25+$0xFFFFFFD0] =	vst v11  }
0x1b8: {  	vm14 =	veq.s32 v15, v4;
	v61 =	vsel vm2, v13, v0;
	v62 =	vshrl.u32 v9, $0x13;
	[tilespmem:s25+$0xFFFFFFE0] =	vst v60  }
0x1b9: {  	v7 =	vand.u32 $0x7FFFF, v7;
	v63 =	vand.u32 $0x7FFFF, v9;
	v8 =	vsel vm3, v8, v0;
	[tilespmem:s25+$0xFFFFFFF0] =	vst v61  }
0x1ba: {  	v16 =	vshrl.u32 v14, $0x13;
	vm15 =	veq.s32 v62, v4;
	v7 =	vsel vm14, v7, v0;
	[tilespmem:s25+$0x0] =	vst v8  }
0x1bb: {  	v58 =	vand.u32 $0x7FFFF, v14;
	vm4 =	veq.s32 v16, v4;
	v8 =	vsel vm15, v63, v0;
	[tilespmem:s25+$0x10] =	vst v7  }
0x1bc: {  	v59 =	vsel vm4, v58, v0;
	[tilespmem:s25+$0x20] =	vst v8  }
0x1bd: {  	[tilespmem:s25+$0xFFFFFFC0] =	vst v59  }
0x1be: {  	_ =	strace $0x90000097  }
0x1bf: {  	_ =	strace $0x80000098  }
0x1c0: {  	_ =	swait.ge [sflag:s16], $0x4000  }
0x1c1: {  	[sflag:s16] =	ssyncset.done $0x0  }
0x1c2: {  	[sflag:s16] =	ssyncadd.s32 $0xFFFFC000  }
0x1c3: {  	_ =	swait.ge [sflag:s16], $0x4000  }
0x1c4: {  	[sflag:s16] =	ssyncset.done $0x0  }
0x1c5: {  	[sflag:s16] =	ssyncadd.s32 $0xFFFFC000  }
0x1c6: {  	_ =	strace $0x90000098  }
0x1c7: {  	[bflag:$0x0] =	sbarrier.arrive $0xFFFF  }
0x1c8: {  	s31 =	simm.s32 $0x8000;
	_ =	strace $0x80000099  }
0x1c9: {  	[spmem:s1] =	stream.indirect.scatter [tilespmem:s18], [sflag:$0x3], $0x1, s31, s17, $0x2000b8;
	[tilespmem:$0x1C0A0] =	vst v63  }
0x1ca: {  	s25 =	simm.s32 $0x8080  }
0x1cb: {  	[spmem:s1] =	stream.indirect.scatter [tilespmem:s18], [sflag:$0x3], $0x1, s25, s17, $0x2000b8;
	[tilespmem:$0x1C0A0] =	vst v63  }
0x1cc: {  	s26 =	simm.s32 $0x8100  }
0x1cd: {  	[spmem:s1] =	stream.indirect.scatter [tilespmem:s18], [sflag:$0x3], $0x1, s26, s17, $0x2000b8;
	[tilespmem:$0x1C0A0] =	vst v63  }
0x1ce: {  	s28 =	simm.s32 $0x8180  }
0x1cf: {  	[spmem:s1] =	stream.indirect.scatter [tilespmem:s18], [sflag:$0x3], $0x1, s28, s17, $0x2000b8;
	[tilespmem:$0x1C0A0] =	vst v63  }
0x1d0: {  	s29 =	simm.s32 $0x8200  }
0x1d1: {  	[spmem:s1] =	stream.indirect.scatter [tilespmem:s18], [sflag:$0x3], $0x1, s29, s17, $0x2000b8;
	[tilespmem:$0x1C0A0] =	vst v63  }
0x1d2: {  	s30 =	simm.s32 $0x8280;
	s24 =	simm.s32 $0x0  }
0x1d3: {  	[spmem:s1] =	stream.indirect.scatter [tilespmem:s18], [sflag:$0x3], $0x1, s30, s17, $0x2000b8;
	[tilespmem:$0x1C0A0] =	vst v63  }
0x1d4: {  	s31 =	simm.s32 $0x8300;
	s25 =	simm.s32 $0x8780;
	s26 =	simm.s32 $0x8380  }
0x1d5: {  	[spmem:s1] =	stream.indirect.scatter [tilespmem:s18], [sflag:$0x3], $0x1, s31, s17, $0x2000b8;
	[tilespmem:$0x1C0A0] =	vst v63  }
.LBB2_20:
0x1d6: {  	[spmem:s1] =	stream.indirect.scatter [tilespmem:s18], [sflag:$0x3], $0x1, s26, s17, $0x2000b8;
	[tilespmem:$0x1C0A0] =	vst v63  }
0x1d7: {  	s28 =	sadd.s32 $0xFFFFFC80, s25;
	s24 =	sadd.s32 $0x8, s24;
	s26 =	smov.u32 s25  }
0x1d8: {  	[spmem:s1] =	stream.indirect.scatter [tilespmem:s18], [sflag:$0x3], $0x1, s28, s17, $0x2000b8;
	[tilespmem:$0x1C0A0] =	vst v63  }
0x1d9: {  	p0 =	slt.u32 s24, $0x78;
	s28 =	sadd.s32 $0xFFFFFD00, s25  }
0x1da: {  	[spmem:s1] =	stream.indirect.scatter [tilespmem:s18], [sflag:$0x3], $0x1, s28, s17, $0x2000b8;
	[tilespmem:$0x1C0A0] =	vst v63  }
0x1db: {  	s28 =	sadd.s32 $0xFFFFFD80, s25  }
0x1dc: {  	[spmem:s1] =	stream.indirect.scatter [tilespmem:s18], [sflag:$0x3], $0x1, s28, s17, $0x2000b8;
	[tilespmem:$0x1C0A0] =	vst v63  }
0x1dd: {  	s28 =	sadd.s32 $0xFFFFFE00, s25  }
0x1de: {  	[spmem:s1] =	stream.indirect.scatter [tilespmem:s18], [sflag:$0x3], $0x1, s28, s17, $0x2000b8;
	[tilespmem:$0x1C0A0] =	vst v63  }
0x1df: {  	s28 =	sadd.s32 $0xFFFFFE80, s25  }
0x1e0: {  	[spmem:s1] =	stream.indirect.scatter [tilespmem:s18], [sflag:$0x3], $0x1, s28, s17, $0x2000b8;
	[tilespmem:$0x1C0A0] =	vst v63  }
.Ltmp9:
0x1e1: {  	s28 =	sadd.s32 $0xFFFFFF00, s25;
	(pc) =	sbr.rel @p0 .LBB2_20-.Ltmp9, $4  }
0x1e2: {  	[spmem:s1] =	stream.indirect.scatter [tilespmem:s18], [sflag:$0x3], $0x1, s28, s17, $0x2000b8;
	[tilespmem:$0x1C0A0] =	vst v63  }
0x1e3: {  	s28 =	sadd.s32 $0xFFFFFF80, s25  }
0x1e4: {  	[spmem:s1] =	stream.indirect.scatter [tilespmem:s18], [sflag:$0x3], $0x1, s28, s17, $0x2000b8;
	[tilespmem:$0x1C0A0] =	vst v63  }
0x1e5: {  	s25 =	sadd.s32 $0x400, s25  }
0x1e6: {  	[spmem:s1] =	stream.indirect.scatter [tilespmem:s18], [sflag:$0x3], $0x1, s26, s17, $0x2000b8;
	[tilespmem:$0x1C0A0] =	vst v63  }
0x1e7: {  	_ =	swait.ge [sflag:s19], $0x4000  }
0x1e8: {  	[sflag:s19] =	ssyncset.done $0x0  }
0x1e9: {  	[sflag:s19] =	ssyncadd.s32 $0xFFFFC000  }
0x1ea: {  	_ =	strace $0x90000099  }
0x1eb: {  	[bflag:$0x0] =	sbarrier.arrive $0xFFFF  }
0x1ec: {  	s21 =	sadd.s32 $0x1, s21;
	_ =	strace $0x8000009A  }
0x1ed: {  	[hbm:s11], [sflag:s22] =	dma.local [spmem:s23], $0x1000  }
0x1ee: {  	p0 =	sne.s32 s21, s12;
	_ =	strace $0x9000009A  }
.Ltmp10:
0x1ef: {  	_ =	strace $0x8000009B;
	(pc) =	sbr.rel @p0 .LBB2_1-.Ltmp10, $4  }
0x1f0: {  	_ =	swait.ge [sflag:s20], $0x1000  }
0x1f1: {  	[sflag:s20] =	ssyncset.done $0x0  }
0x1f2: {  	[sflag:s20] =	ssyncadd.s32 $0xFFFFF000  }
0x1f3: {  	_ =	strace $0x9000009B  }
0x1f4: {  	_ =	sfence.sel $0x180000  }
0x1f5: {  	[bflag:$0x0] =	sbarrier.arrive $0xFFFF  }
0x1f6: {  	p0 =	sne.s32 s2, $0x0;
	_ =	strace $0x90000081  }
0x1f7: {  	s0 =	sadd.s32 @!p0 $0x100000, s0;
	[bflag:$0x2] =	sbarrier.arrive $0xFFFF  }
0x1f8: {  	[sflag:s0] =	ssyncadd.tile.s32 @!p0 $0x1;
	_ =	shalt  }
.Lfunc_end2:
_tile_overlayer_lowered:
.L_overlay_start_2:
0x1f9: {  	(tag) =	ssettag $0x2  }
0x1fa: {  	s0 =	rddreg [dreg:$0x0];
	s2 =	stileid.u32  }
0x1fb: {  	s1 =	rddreg [dreg:$0x1];
	p0 =	sne.s32 s2, $0x0  }
0x1fc: {  	s3 =	rddreg [dreg:$0x2];
	[bflag:$0x3] =	sbarrier.arrive $0xFFFF;
	s2 =	simm.s32 @!p0 $0x1C05  }
0x1fd: {  	[timem:s3], [sflag:s2] =	dma.local @!p0 [hbm:s0], s1  }
0x1fe: {  	s0 =	simm.s32 @!p0 $0x5  }
0x1ff: {  	_ =	swait.ge @!p0 [sflag:s0], s1  }
0x200: {  	s1 =	ssub.s32 @!p0 $0x0, s1;
	[sflag:s0] =	ssyncset.done @!p0 $0x0  }
0x201: {  	[sflag:s0] =	ssyncadd.s32 @!p0 s1  }
0x202: {  	[bflag:$0x3] =	sbarrier.arrive $0xFFFF  }
0x203: {  	_ =	shalt  }

// kernel: kernel.13.cloned.1.call-start
scs
__scs_entry_jumppad:
0x0: {  	(pc) =	sbr.rel $0x88, $3  }
0x1: {  	(tag) =	ssettag $0x0;
	lr =	simm.s32 $0x1  }
0x2: {  	[smem:$0x3F97] =	sst lr;
	_ =	strace $0xD0000000  }
0x3: {  	_ = 	snop  }
0x4: {  	_ = 	snop  }
0x5: {  	_ = 	snop  }
0x6: {  	_ = 	snop  }
0x7: {  	_ = 	snop  }
__scs_overlays_trampoline_lowered:
0x8: {  	[smem:$0x3FA6] =	sst s0  }
0x9: {  	[smem:$0x3FA7] =	sst s1  }
0xa: {  	[smem:$0x3FA8] =	sst s2  }
0xb: {  	[smem:$0x3FA9] =	sst s3  }
0xc: {  	[smem:$0x3FAA] =	sst s4  }
0xd: {  	[smem:$0x3FAB] =	sst s5  }
0xe: {  	[smem:$0x3FAC] =	sst s6  }
0xf: {  	[smem:$0x3FAD] =	sst s7  }
0x10: {  	[smem:$0x3FAE] =	sst s8  }
0x11: {  	[smem:$0x3FAF] =	sst s9;
	s0 =	simm.s32 @!p0 $0x0  }
0x12: {  	s1 =	sld [smem:$0x3F95];
	s0 =	simm.s32 @p0 $0x1  }
0x13: {  	[smem:$0x3FB0] =	sst s0;
	s0 =	simm.s32 @!p1 $0x0  }
0x14: {  	s2 =	sld [smem:$0x3F94];
	s0 =	simm.s32 @p1 $0x1  }
0x15: {  	[smem:$0x3FB1] =	sst s0;
	s0 =	simm.s32 @!p2 $0x0  }
0x16: {  	s3 =	sld [smem:$0x3FDB];
	s0 =	simm.s32 @p2 $0x1  }
0x17: {  	s4 =	simm.s32 $0x1BF5;
	[smem:$0x3FB3] =	sst s0  }
0x18: {  	s0 =	sld [smem:$0x3F96];
	_ =	swait.ge [sflag:s4], $0x0  }
0x19: {  	s7 =	sld [smem:$0x3F97]  }
0x1a: {  	s8 =	sadd.s32 $0xFFFFE003, lr  }
0x1b: {  	s9 =	sadd.s32 $0xFFFFFEF7, lr;
	s5 =	simm.s32 $0xFFFFFFFF;
	p2 =	slt.u32 s8, $0xFFFFF086  }
0x1c: {  	p1 =	slt.u32 s9, $0xF7A;
	s5 =	simm.s32 @!p2 $0x0  }
0x1d: {  	s5 =	simm.s32 @p1 $0x1;
	p0 =	seq.s32 s7, s2  }
0x1e: {  	s7 =	smul.u32 @!p0 $0xF7A, s2;
	p2 =	seq.s32 @!p0 s5, $0x0  }
0x1f: {  	s9 =	smul.u32 $0xF7A, s1;
	s8 =	simm.s32 @!p0 $0x1BF5;
	p2 =	por !p2, p0  }
0x20: {  	[sflag:s8] =	ssyncset.s32 @!p0 $0xFFFFF086;
	s6 =	sadd.s32 @!p0 s3, s7;
	s7 =	simm.s32 @!p0 $0x108  }
0x21: {  	s3 =	sadd.s32 s3, s9;
	s6 =	sadd.s32 @!p0 $0x88, s6;
	s7 =	simm.s32 @p2 $0x1082  }
0x22: {  	[simem:s7], [sflag:s8] =	dma.local @!p0 [hbm:s6], $0xF7A  }
0x23: {  	s9 =	sor.u32 $0xD0000000, s2;
	s6 =	simm.s32 $0x108;
	_ =	swait.ge @!p0 [sflag:s8], $0x0  }
0x24: {  	s3 =	sadd.s32 $0x88, s3;
	s6 =	simm.s32 @!p1 $0x1082;
	[sflag:s4] =	ssyncset.s32 $0xFFFFF086  }
0x25: {  	[simem:s6], [sflag:s4] =	dma.local [hbm:s3], $0xF7A  }
0x26: {  	[smem:$0x3F97] =	sst s1;
	(tag) =	ssettag s2;
	_ =	strace s9  }
0x27: {  	s1 =	sld [smem:$0x3FA7]  }
0x28: {  	s2 =	sld [smem:$0x3FA8]  }
0x29: {  	s4 =	sld [smem:$0x3FAA]  }
0x2a: {  	p0 =	seq.s32 s5, $0x0;
	s5 =	sld [smem:$0x3FAB]  }
0x2b: {  	s6 =	sld [smem:$0x3FAC]  }
0x2c: {  	s7 =	sld [smem:$0x3FAD]  }
0x2d: {  	s3 =	simm.s32 $0x108;
	s8 =	sld [smem:$0x3FAE]  }
0x2e: {  	s3 =	simm.s32 @!p0 $0x1082;
	s9 =	sld [smem:$0x3FAF]  }
0x2f: {  	lr =	sadd.s32 s0, s3;
	s0 =	sld [smem:$0x3FA6]  }
0x30: {  	s3 =	sld [smem:$0x3FA9]  }
0x31: {  	[smem:$0x3FB2] =	sst s10  }
0x32: {  	s10 =	sld [smem:$0x3FB0];
	_ =	sdelay $0x3  }
0x33: {  	p0 =	seq.s32 s10, $0x1;
	s10 =	sld [smem:$0x3FB2];
	_ =	sdelay $0x3  }
0x34: {  	[smem:$0x3FB2] =	sst s10  }
0x35: {  	s10 =	sld [smem:$0x3FB1];
	_ =	sdelay $0x3  }
0x36: {  	p1 =	seq.s32 s10, $0x1;
	s10 =	sld [smem:$0x3FB2];
	_ =	sdelay $0x3  }
0x37: {  	[smem:$0x3FB2] =	sst s10  }
0x38: {  	s10 =	sld [smem:$0x3FB3]  }
0x39: {  	_ = 	snop;
	(pc) =	sbr.ind lr, $3  }
0x3a: {  	_ = 	snop  }
0x3b: {  	_ = 	snop  }
0x3c: {  	p2 =	seq.s32 s10, $0x1;
	s10 =	sld [smem:$0x3FB2]  }
0x3d: {  	_ =	shalt  }
0x3e: {  	_ =	shalt  }
0x3f: {  	_ =	shalt  }
0x40: {  	_ =	shalt  }
0x41: {  	_ =	shalt  }
0x42: {  	_ =	shalt  }
0x43: {  	_ =	shalt  }
0x44: {  	_ =	shalt  }
0x45: {  	_ =	shalt  }
0x46: {  	_ =	shalt  }
0x47: {  	_ =	shalt  }
0x48: {  	_ =	shalt  }
0x49: {  	_ =	shalt  }
0x4a: {  	_ =	shalt  }
0x4b: {  	_ =	shalt  }
0x4c: {  	_ =	shalt  }
0x4d: {  	_ =	shalt  }
0x4e: {  	_ =	shalt  }
0x4f: {  	_ =	shalt  }
0x50: {  	_ =	shalt  }
0x51: {  	_ =	shalt  }
0x52: {  	_ =	shalt  }
0x53: {  	_ =	shalt  }
0x54: {  	_ =	shalt  }
0x55: {  	_ =	shalt  }
0x56: {  	_ =	shalt  }
0x57: {  	_ =	shalt  }
0x58: {  	_ =	shalt  }
0x59: {  	_ =	shalt  }
0x5a: {  	_ =	shalt  }
0x5b: {  	_ =	shalt  }
0x5c: {  	_ =	shalt  }
0x5d: {  	_ =	shalt  }
0x5e: {  	_ =	shalt  }
0x5f: {  	_ =	shalt  }
0x60: {  	_ =	shalt  }
0x61: {  	_ =	shalt  }
0x62: {  	_ =	shalt  }
0x63: {  	_ =	shalt  }
0x64: {  	_ =	shalt  }
0x65: {  	_ =	shalt  }
0x66: {  	_ =	shalt  }
0x67: {  	_ =	shalt  }
0x68: {  	_ =	shalt  }
0x69: {  	_ =	shalt  }
0x6a: {  	_ =	shalt  }
0x6b: {  	_ =	shalt  }
0x6c: {  	_ =	shalt  }
0x6d: {  	_ =	shalt  }
0x6e: {  	_ =	shalt  }
0x6f: {  	_ =	shalt  }
0x70: {  	_ =	shalt  }
0x71: {  	_ =	shalt  }
0x72: {  	_ =	shalt  }
0x73: {  	_ =	shalt  }
0x74: {  	_ =	shalt  }
0x75: {  	_ =	shalt  }
0x76: {  	_ =	shalt  }
0x77: {  	_ =	shalt  }
0x78: {  	_ =	shalt  }
0x79: {  	_ =	shalt  }
0x7a: {  	_ =	shalt  }
0x7b: {  	_ =	shalt  }
0x7c: {  	_ =	shalt  }
0x7d: {  	_ =	shalt  }
0x7e: {  	_ =	shalt  }
0x7f: {  	_ =	shalt  }
0x80: {  	_ =	shalt  }
0x81: {  	_ =	shalt  }
0x82: {  	_ =	shalt  }
0x83: {  	_ =	shalt  }
0x84: {  	_ =	shalt  }
0x85: {  	_ =	shalt  }
0x86: {  	_ =	shalt  }
0x87: {  	_ =	shalt  }
.Lfunc_end0:
.L_simem_size_0:
called_computation.1_lowered:
.L_overlay_start_0:
0x88: {  	s2 =	sld [smem:$0x3FD9]  }
0x89: {  	s3 =	sld [smem:$0x3FFE];
	_ =	sdelay $0x1  }
0x8a: {  	s1 =	srdreg.scid  }
0x8b: {  	s0 =	sand.u32 $0x1, s1  }
0x8c: {  	s16 =	sshll.u32 s0, $0xA;
	s2 =	sadd.s32 s3, s2  }
0x8d: {  	s2 =	sadd.s32 s2, s16  }
0x8e: {  	[smem:$0x3FBE] =	sst s2  }
0x8f: {  	_ = 	snop  }
0x90: {  	(tm) =	ssettm $0x1  }
0x91: {  	s17 =	sld [smem:$0x3FFB];
	_ =	sdelay $0x3  }
0x92: {  	_ =	strace s17  }
0x93: {  	s2 =	sld [smem:$0x3FFC];
	_ =	sdelay $0x3  }
0x94: {  	_ =	strace s2  }
0x95: {  	s2 =	sld [smem:$0x3FFD];
	_ =	sdelay $0x3  }
0x96: {  	_ =	strace s2  }
0x97: {  	_ =	strace $0x8FFFFFFF  }
0x98: {  	s18 =	sld [smem:$0x3FDB];
	_ =	sdelay $0x1  }
0x99: {  	s19 =	simm.s32 $_scs_section_size  }
0x9a: {  	s4 =	simm.s32 $_size__tile_overlayer_lowered;
	s5 =	simm.s32 $_tile_overlayer_lowered  }
0x9b: {  	s22 =	simm.s32 $0x1BFF;
	s21 =	sshll.u32 s5, $0x1;
	s2 =	sadd.s32 s19, s18  }
0x9c: {  	s6 =	simm.s32 $0x0;
	s20 =	sshll.u32 s4, $0x1;
	s4 =	sadd.s32 s21, s2  }
0x9d: {  	[timem:s6], [sflag:s22] =	dma.local [hbm:s4], s20  }
0x9e: {  	_ =	swait.ge [sflag:s22], s20  }
0x9f: {  	s3 =	ssub.s32 $0x0, s20;
	[sflag:s22] =	ssyncset.done $0x0  }
0xa0: {  	[sflag:s22] =	ssyncadd.s32 s3;
	_ =	sdelay $0x1  }
0xa1: {  	s23 =	simm.s32 $0x1B8B  }
0xa2: {  	_ =	swait.ge [sflag:s23], $0x1  }
0xa3: {  	[sflag:s23] =	ssyncset.done $0x0  }
0xa4: {  	s25 =	simm.s32 $0x1B8E;
	s24 =	sld [smem:$0x3FFE];
	[sflag:s23] =	ssyncadd.s32 $0xFFFFFFFF  }
0xa5: {  	s26 =	simm.s32 $execute0_lowered;
	[smem:$0x3FD2] =	sst s25  }
0xa6: {  	s4 =	sshll.u32 s26, $0x1;
	_ =	strace $0x80000046;
	[dreg:$0x1] =	wrdreg $0xFFFFFFFF  }
0xa7: {  	s28 =	simm.s32 $_size_execute0_lowered;
	s2 =	sadd.s32 s2, s4;
	[dreg:$0x0] =	wrdreg $0x0  }
0xa8: {  	s4 =	sshll.u32 s28, $0x1;
	[dreg:$0x2] =	wrdreg s2  }
0xa9: {  	[dreg:$0x3] =	wrdreg s4  }
0xaa: {  	[dreg:$0x4] =	wrdreg $0xC0  }
0xab: {  	_ =	task [dreg:s6], $0x5FFFF  }
0xac: {  	[dreg:$0x1] =	wrdreg $0xFFFFFFFF  }
0xad: {  	[dreg:$0x0] =	wrdreg $0x60  }
0xae: {  	[dreg:$0x2] =	wrdreg s24  }
0xaf: {  	[dreg:$0x3] =	wrdreg $0x140800  }
0xb0: {  	[dreg:$0x4] =	wrdreg $0xA  }
0xb1: {  	_ =	task.clear_ibuf [dreg:s6], $0x5FFFF;
	_ =	strace $0x90000046  }
0xb2: {  	s29 =	simm.s32 $0xA;
	_ =	strace $0x80000062  }
0xb3: {  	_ =	swait.ge [sflag:s29], $0x1  }
0xb4: {  	[sflag:s29] =	ssyncadd.s32 $0xFFFFFFFF  }
0xb5: {  	_ =	strace $0x90000062  }
0xb6: {  	_ =	sfence  }
0xb7: {  	s30 =	sld [smem:$0x0];
	_ =	sdelay $0x2  }
0xb8: {  	s31 =	sshll.u32 s1, $0xD;
	s1 =	sshrl.u32 s1, $0x2  }
0xb9: {  	s3 =	sand.u32 $0x4000, s31;
	s1 =	sadd.s32 s1, s30  }
0xba: {  	s0 =	sor.u32 s3, s0;
	s1 =	sshll.u32 s1, $0x11  }
0xbb: {  	s0 =	sor.u32 s1, s0  }
0xbc: {  	s0 =	sadd.s32 $0x8F2B, s0  }
0xbd: {  	[sflag:s0] =	ssyncadd.remote.s32 $0x1  }
0xbe: {  	_ =	sfence.sel $0xFFFF  }
0xbf: {  	[dreg:$0x0] =	wrdreg $0xFFFFFFFF;
	(pc) =	sbr.abs _section_cstart, $3  }
0xc0: {  	[dreg:$0x1] =	wrdreg $0xFFFFFFFF  }
0xc1: {  	_ =	task.clear_ibuf [dreg:s6], $0x2FFFF;
	_ =	strace $0x9FFFFFFF  }
0xc2: {  	(tm) =	ssettm $0x7FFFFFFF  }
0xc3: {  	_ =	shalt  }
tec
execute0_lowered:
.L_overlay_start_1:
0x0: {  	(tag) =	ssettag $0x1  }
0x1: {  	s4 =	rddreg [dreg:$0x0]  }
0x2: {  	s1 =	rddreg [dreg:$0x1]  }
0x3: {  	s0 =	rddreg [dreg:$0x2];
	s3 =	simm.s32 $0x0;
	s5 =	srdreg.scid  }
0x4: {  	s2 =	stileid.u32;
	s15 =	simm.s32 $0x10000;
	s20 =	simm.s32 $0x4  }
0x5: {  	s21 =	simm.s32 $0x0;
	[smem:$0x7FF] =	sst s3;
	s6 =	sand.u32 $0x1, s5  }
0x6: {  	s7 =	sshll.u32 s2, $0xF;
	s8 =	sshll.u32 s2, $0xB;
	s31 =	sshll.u32 s2, $0x4  }
0x7: {  	_ =	strace $0x80000047;
	s5 =	sshll.u32 s6, $0x15;
	s9 =	ssub.s32 $0x2, s6  }
0x8: {  	s8 =	sadd.s32 s8, s4;
	s13 =	sshll.u32 s6, $0x2;
	s14 =	sor.u32 $0x80000, s31  }
0x9: {  	s6 =	sadd.s32 s7, s1;
	s5 =	sor.u32 s7, s5;
	s10 =	sshrl.u32 s9, $0x1  }
0xa: {  	s16 =	sor.u32 $0x8, s13;
	s7 =	sadd.s32 $0x4000, s6;
	s17 =	sor.u32 $0x9, s13  }
0xb: {  	v0 =	vlaneseq.u32;
	s18 =	sor.u32 $0xA, s13;
	s19 =	sor.u32 $0xB, s13;
	s13 =	simm.s32 $0x4000  }
0xc: {  	v0 =	vor.u32 s14, v0;
	s14 =	simm.s32 $0x1;
	s5 =	sshrl.u32 s5, $0x3;
	s12 =	ssub.s32 s9, s10  }
0xd: {  	v1 =	vmov s16;
	v2 =	vmov s17;
	v3 =	vmov s18;
	s16 =	simm.s32 $0x2;
	s17 =	simm.s32 $0x80;
	s18 =	simm.s32 $0x14000  }
0xe: {  	v4 =	vmov s19;
	s19 =	simm.s32 $0x3;
	s11 =	sadd.s32 s5, s4;
	s4 =	sadd.s32 $0xAA00, s8  }
0xf: {  	s5 =	sadd.s32 $0x2A00, s8;
	s12 =	smax.u32 s12, $0x1;
	s8 =	sadd.s32 $0x12A00, s11  }
0x10: {  	v5 =	vimm.f32 $0.0e+00;
	v6 =	vimm.f32 $1.000000000e+00;
	s9 =	sadd.s32 $0x22A00, s11;
	s10 =	sadd.s32 $0x32A00, s11;
	s11 =	sadd.s32 $0x42A00, s11  }
.LBB2_1:
0x11: {  	[tilespmem:s3], [sflag:$0x1] =	stream.linear.gather [hbm4b:s4+s3], $0x4000, $0x38;
	[tilespmem:$0x1C0A0] =	vst v63  }
0x12: {  	s22 =	simm.s32 $0x10040  }
0x13: {  	[tilespmem:s13], [sflag:$0x1] =	stream.linear.gather [hbm4b:s5+s3], $0x4000, $0x38;
	[tilespmem:$0x1C0A0] =	vst v63  }
0x14: {  	_ =	strace $0x80000048;
	[tilespmem:s22+$0xFFFFFFC0] =	vst v5  }
0x15: {  	[tilespmem:s22+$0x30] =	vst v5  }
0x16: {  	[tilespmem:s22+$0x20] =	vst v5  }
0x17: {  	[tilespmem:s22+$0x10] =	vst v5  }
0x18: {  	[tilespmem:s22+$0x0] =	vst v5  }
0x19: {  	[tilespmem:s22+$0xFFFFFFF0] =	vst v5  }
0x1a: {  	s23 =	simm.s32 $0x0;
	[tilespmem:s22+$0xFFFFFFE0] =	vst v5  }
.LBB2_2:
0x1b: {  	s23 =	sadd.s32 $0x80, s23;
	[tilespmem:s22+$0xFFFFFFD0] =	vst v5;
	s22 =	sadd.s32 $0x80, s22  }
0x1c: {  	[tilespmem:s22+$0xFFFFFFC0] =	vst v5;
	p0 =	slt.u32 s23, $0x3F80  }
0x1d: {  	[tilespmem:s22+$0x30] =	vst v5  }
.Ltmp0:
0x1e: {  	[tilespmem:s22+$0x20] =	vst v5;
	(pc) =	sbr.rel @p0 .LBB2_2-.Ltmp0, $4  }
0x1f: {  	[tilespmem:s22+$0x10] =	vst v5  }
0x20: {  	[tilespmem:s22+$0x0] =	vst v5  }
0x21: {  	[tilespmem:s22+$0xFFFFFFF0] =	vst v5  }
0x22: {  	[tilespmem:s22+$0xFFFFFFE0] =	vst v5  }
0x23: {  	[tilespmem:s22+$0xFFFFFFD0] =	vst v5  }
0x24: {  	[tilespmem:$0x14000] =	vst v6  }
0x25: {  	[tilespmem:$0x14010] =	vst v6  }
0x26: {  	[tilespmem:$0x14020] =	vst v6  }
0x27: {  	[tilespmem:$0x14030] =	vst v6  }
0x28: {  	[tilespmem:$0x14040] =	vst v6  }
0x29: {  	[tilespmem:$0x14050] =	vst v6  }
0x2a: {  	[tilespmem:$0x14060] =	vst v6  }
0x2b: {  	[tilespmem:$0x14070] =	vst v6  }
0x2c: {  	_ =	strace $0x90000048  }
0x2d: {  	_ =	swait.ge [sflag:s14], $0x4000  }
0x2e: {  	[sflag:s14] =	ssyncset.done $0x0  }
0x2f: {  	[sflag:s14] =	ssyncadd.s32 $0xFFFFC000  }
0x30: {  	_ =	swait.ge [sflag:s14], $0x4000  }
0x31: {  	[sflag:s14] =	ssyncset.done $0x0  }
0x32: {  	[sflag:s14] =	ssyncadd.s32 $0xFFFFC000  }
0x33: {  	s25 =	simm.s32 $0x40;
	_ =	strace $0x80000049  }
0x34: {  	s22 =	simm.s32 $0x4040;
	v7 =	vld [tilespmem:s25+$0x30]  }
0x35: {  	v8 =	vld [tilespmem:s22+$0x30]  }
0x36: {  	v12 =	vld [tilespmem:s22+$0xFFFFFFC0]  }
0x37: {  	v9 =	vld [tilespmem:s25+$0xFFFFFFD0]  }
0x38: {  	v10 =	vld [tilespmem:s22+$0xFFFFFFD0]  }
0x39: {  	v11 =	vld [tilespmem:s25+$0xFFFFFFE0]  }
0x3a: {  	v13 =	vld [tilespmem:s22+$0xFFFFFFE0]  }
0x3b: {  	v14 =	vld [tilespmem:s25+$0xFFFFFFF0]  }
0x3c: {  	v15 =	vld [tilespmem:s22+$0xFFFFFFF0]  }
0x3d: {  	v16 =	vld [tilespmem:s25+$0x0]  }
0x3e: {  	v17 =	vld [tilespmem:s22+$0x0];
	v7 =	vshll.u32 v7, $0xA;
	v8 =	vand.u32 $0x3FF, v8  }
0x3f: {  	s23 =	simm.s32 $0xC040;
	v9 =	vshll.u32 v9, $0xA;
	v10 =	vand.u32 $0x3FF, v10;
	v7 =	vor.u32 v7, v8;
	v8 =	vld [tilespmem:s25+$0x10]  }
0x40: {  	[tilespmem:s23+$0x30] =	vst v7;
	v7 =	vor.u32 v9, v10;
	v10 =	vshll.u32 v11, $0xA;
	v11 =	vand.u32 $0x3FF, v13;
	v9 =	vld [tilespmem:s22+$0x10]  }
0x41: {  	v13 =	vand.u32 $0x3FF, v15;
	[tilespmem:s23+$0xFFFFFFD0] =	vst v7;
	v7 =	vor.u32 v10, v11;
	v11 =	vshll.u32 v14, $0xA;
	v10 =	vld [tilespmem:s25+$0x20]  }
0x42: {  	[tilespmem:s23+$0xFFFFFFE0] =	vst v7;
	v14 =	vor.u32 v11, v13;
	v11 =	vld [tilespmem:s22+$0x20]  }
0x43: {  	s24 =	simm.s32 $0x0;
	v7 =	vand.u32 $0x3FF, v12;
	v13 =	vshll.u32 v16, $0xA;
	v12 =	vld [tilespmem:s25+$0xFFFFFFC0];
	s25 =	simm.s32 $0xC0;
	[tilespmem:s23+$0xFFFFFFF0] =	vst v14;
	v14 =	vand.u32 $0x3FF, v17  }
.LBB2_4:
0x44: {  	v15 =	vld [tilespmem:s25+$0x30];
	v13 =	vor.u32 v13, v14;
	v8 =	vshll.u32 v8, $0xA;
	s22 =	sadd.s32 $0x80, s22  }
0x45: {  	s24 =	sadd.s32 $0x80, s24;
	v14 =	vld [tilespmem:s22+$0x30];
	[tilespmem:s23+$0x0] =	vst v13;
	v9 =	vand.u32 $0x3FF, v9  }
0x46: {  	p0 =	slt.u32 s24, $0x3F80;
	v13 =	vld [tilespmem:s22+$0xFFFFFFC0];
	v8 =	vor.u32 v8, v9;
	v9 =	vshll.u32 v10, $0xA  }
0x47: {  	v10 =	vld [tilespmem:s25+$0xFFFFFFD0];
	[tilespmem:s23+$0x10] =	vst v8;
	v8 =	vand.u32 $0x3FF, v11  }
0x48: {  	v11 =	vld [tilespmem:s22+$0xFFFFFFD0];
	v12 =	vshll.u32 v12, $0xA;
	v8 =	vor.u32 v9, v8  }
0x49: {  	v9 =	vld [tilespmem:s25+$0xFFFFFFE0];
	v7 =	vor.u32 v12, v7;
	[tilespmem:s23+$0x20] =	vst v8  }
0x4a: {  	v12 =	vshll.u32 v15, $0xA;
	v8 =	vld [tilespmem:s22+$0xFFFFFFE0];
	v14 =	vand.u32 $0x3FF, v14;
	[tilespmem:s23+$0xFFFFFFC0] =	vst v7  }
0x4b: {  	s23 =	sadd.s32 $0x80, s23;
	v7 =	vand.u32 $0x3FF, v13;
	v13 =	vld [tilespmem:s25+$0xFFFFFFF0];
	v12 =	vor.u32 v12, v14  }
0x4c: {  	v10 =	vshll.u32 v10, $0xA;
	v14 =	vld [tilespmem:s22+$0xFFFFFFF0];
	[tilespmem:s23+$0x30] =	vst v12  }
0x4d: {  	v11 =	vand.u32 $0x3FF, v11;
	v12 =	vld [tilespmem:s25+$0x0]  }
0x4e: {  	v10 =	vor.u32 v10, v11;
	v9 =	vshll.u32 v9, $0xA;
	v15 =	vld [tilespmem:s22+$0x0]  }
.Ltmp1:
0x4f: {  	[tilespmem:s23+$0xFFFFFFD0] =	vst v10;
	v10 =	vand.u32 $0x3FF, v8;
	v8 =	vld [tilespmem:s25+$0x10];
	(pc) =	sbr.rel @p0 .LBB2_4-.Ltmp1, $4  }
0x50: {  	v10 =	vor.u32 v9, v10;
	v11 =	vshll.u32 v13, $0xA;
	v9 =	vld [tilespmem:s22+$0x10]  }
0x51: {  	[tilespmem:s23+$0xFFFFFFE0] =	vst v10;
	v13 =	vand.u32 $0x3FF, v14;
	v10 =	vld [tilespmem:s25+$0x20]  }
0x52: {  	v14 =	vor.u32 v11, v13;
	v13 =	vshll.u32 v12, $0xA;
	v11 =	vld [tilespmem:s22+$0x20]  }
0x53: {  	v12 =	vld [tilespmem:s25+$0xFFFFFFC0];
	[tilespmem:s23+$0xFFFFFFF0] =	vst v14;
	v14 =	vand.u32 $0x3FF, v15;
	s25 =	sadd.s32 $0x80, s25  }
0x54: {  	_ =	sdelay $0x1  }
0x55: {  	v13 =	vor.u32 v13, v14;
	v8 =	vshll.u32 v8, $0xA;
	v9 =	vand.u32 $0x3FF, v9  }
0x56: {  	[tilespmem:s23+$0x0] =	vst v13;
	v8 =	vor.u32 v8, v9;
	v9 =	vshll.u32 v10, $0xA;
	v10 =	vand.u32 $0x3FF, v11  }
0x57: {  	[tilespmem:s23+$0x10] =	vst v8;
	v8 =	vshll.u32 v12, $0xA;
	v9 =	vor.u32 v9, v10  }
0x58: {  	v7 =	vor.u32 v8, v7;
	[tilespmem:s23+$0x20] =	vst v9  }
0x59: {  	[tilespmem:s23+$0xFFFFFFC0] =	vst v7  }
0x5a: {  	_ =	strace $0x90000049  }
0x5b: {  	_ =	strace $0x8000004A  }
0x5c: {  	[spmem:s6] =	stream.linear.scatter [tilespmem:s15], [sflag:$0x2], $0x4000, $0x200038;
	[tilespmem:$0x1C0A0] =	vst v63  }
0x5d: {  	_ = 	snop  }
0x5e: {  	[spmem:s7] =	stream.linear.scatter [tilespmem:s15], [sflag:$0x2], $0x4000, $0x200038;
	[tilespmem:$0x1C0A0] =	vst v63  }
0x5f: {  	_ =	strace $0x9000004A  }
0x60: {  	s22 =	simm.s32 $0xC040;
	_ =	strace $0x8000004B  }
0x61: {  	v7 =	vld [tilespmem:s22+$0x30]  }
0x62: {  	v8 =	vld [tilespmem:s22+$0xFFFFFFD0]  }
0x63: {  	v10 =	vld [tilespmem:s22+$0xFFFFFFF0]  }
0x64: {  	v9 =	vld [tilespmem:s22+$0xFFFFFFE0]  }
0x65: {  	v12 =	vld [tilespmem:s22+$0x10]  }
0x66: {  	v11 =	vld [tilespmem:s22+$0x0]  }
0x67: {  	v15 =	vld [tilespmem:s22+$0x20];
	v13 =	vshrl.u32 v7, $0x13;
	v14 =	vshrl.u32 v8, $0x13  }
0x68: {  	s25 =	simm.s32 $0xC0C0;
	v7 =	vand.u32 $0x7FFFF, v7;
	v8 =	vand.u32 $0x7FFFF, v8;
	v16 =	vshrl.u32 v10, $0x13  }
0x69: {  	v17 =	vld [tilespmem:s25+$0xFFFFFFD0];
	v10 =	vand.u32 $0x7FFFF, v10;
	vm0 =	veq.s32 v13, v1;
	vm1 =	veq.s32 v14, v1  }
0x6a: {  	v13 =	vld [tilespmem:s22+$0xFFFFFFC0];
	v14 =	vshrl.u32 v9, $0x13;
	vm2 =	veq.s32 v16, v1;
	v16 =	vshrl.u32 v12, $0x13  }
0x6b: {  	v7 =	vsel vm0, v7, v0;
	vm0 =	veq.s32 v14, v1;
	v14 =	vshrl.u32 v11, $0x13  }
0x6c: {  	vm4 =	veq.s32 v16, v1;
	v16 =	vshrl.u32 v15, $0x13;
	vm3 =	veq.s32 v14, v1;
	v14 =	vld [tilespmem:s25+$0x30]  }
0x6d: {  	v9 =	vand.u32 $0x7FFFF, v9;
	v12 =	vand.u32 $0x7FFFF, v12;
	vm5 =	veq.s32 v16, v1;
	v16 =	vld [tilespmem:s25+$0xFFFFFFE0]  }
0x6e: {  	v11 =	vand.u32 $0x7FFFF, v11;
	v19 =	vsel vm2, v10, v0;
	v9 =	vsel vm0, v9, v0  }
0x6f: {  	s22 =	simm.s32 $0x8040;
	v21 =	vsel vm4, v12, v0;
	v12 =	vshrl.u32 v17, $0x13;
	v18 =	vshrl.u32 v13, $0x13  }
0x70: {  	v63 =	vld [tilespmem:s25+$0xFFFFFFF0];
	[tilespmem:s22+$0x30] =	vst v7;
	v20 =	vsel vm3, v11, v0;
	v13 =	vand.u32 $0x7FFFF, v13;
	vm6 =	veq.s32 v18, v1  }
0x71: {  	[tilespmem:s22+$0xFFFFFFE0] =	vst v9;
	v7 =	vsel vm6, v13, v0;
	v13 =	vsel vm1, v8, v0;
	v8 =	vld [tilespmem:s25+$0x0];
	v11 =	vshrl.u32 v14, $0x13  }
0x72: {  	v9 =	vshrl.u32 v16, $0x13;
	[tilespmem:s22+$0xFFFFFFC0] =	vst v7;
	v7 =	vld [tilespmem:s25+$0x10];
	vm1 =	veq.s32 v11, v1;
	v11 =	vand.u32 $0x7FFFF, v14  }
0x73: {  	[tilespmem:s22+$0xFFFFFFF0] =	vst v19;
	vm0 =	veq.s32 v12, v1;
	v12 =	vsel vm1, v11, v0;
	vm1 =	veq.s32 v9, v1;
	v9 =	vld [tilespmem:s25+$0x20]  }
0x74: {  	v15 =	vand.u32 $0x7FFFF, v15;
	[tilespmem:s22+$0x10] =	vst v21;
	v14 =	vld [tilespmem:s25+$0xFFFFFFC0]  }
0x75: {  	v10 =	vsel vm5, v15, v0;
	[tilespmem:s22+$0xFFFFFFD0] =	vst v13;
	v13 =	vshrl.u32 v63, $0x13;
	v11 =	vand.u32 $0x7FFFF, v17  }
0x76: {  	s23 =	simm.s32 $0x80C0;
	[tilespmem:s22+$0x0] =	vst v20;
	vm2 =	veq.s32 v13, v1;
	v13 =	vand.u32 $0x7FFFF, v63;
	v15 =	vshrl.u32 v8, $0x13  }
0x77: {  	s24 =	simm.s32 $0x80;
	s25 =	simm.s32 $0xC140;
	[tilespmem:s23+$0x30] =	vst v12;
	v12 =	vand.u32 $0x7FFFF, v16;
	vm3 =	veq.s32 v15, v1;
	v15 =	vshrl.u32 v7, $0x13  }
.LBB2_6:
0x78: {  	v16 =	vld [tilespmem:s25+$0x30];
	s24 =	sadd.s32 $0x80, s24;
	v17 =	vand.u32 $0x7FFFF, v8;
	vm4 =	veq.s32 v15, v1;
	v8 =	vshrl.u32 v9, $0x13;
	[tilespmem:s22+$0x20] =	vst v10;
	s22 =	smov.u32 s23  }
0x79: {  	v15 =	vld [tilespmem:s25+$0xFFFFFFD0];
	p0 =	slt.u32 s24, $0x3F80;
	v10 =	vshrl.u32 v14, $0x13;
	v14 =	vand.u32 $0x7FFFF, v14;
	vm5 =	veq.s32 v8, v1  }
0x7a: {  	v7 =	vand.u32 $0x7FFFF, v7;
	v9 =	vand.u32 $0x7FFFF, v9;
	v18 =	vld [tilespmem:s25+$0xFFFFFFE0];
	vm6 =	veq.s32 v10, v1  }
0x7b: {  	v11 =	vsel vm0, v11, v0;
	v12 =	vsel vm1, v12, v0;
	v19 =	vld [tilespmem:s25+$0xFFFFFFF0];
	v10 =	vsel vm6, v14, v0  }
0x7c: {  	v13 =	vsel vm2, v13, v0;
	v17 =	vsel vm3, v17, v0;
	v20 =	vsel vm4, v7, v0;
	v8 =	vld [tilespmem:s25+$0x0];
	[tilespmem:s23+$0xFFFFFFC0] =	vst v10  }
0x7d: {  	v10 =	vsel vm5, v9, v0;
	v7 =	vld [tilespmem:s25+$0x10];
	v14 =	vshrl.u32 v16, $0x13;
	[tilespmem:s23+$0xFFFFFFD0] =	vst v11  }
.Ltmp2:
0x7e: {  	v16 =	vand.u32 $0x7FFFF, v16;
	v11 =	vshrl.u32 v15, $0x13;
	v9 =	vld [tilespmem:s25+$0x20];
	vm1 =	veq.s32 v14, v1;
	[tilespmem:s23+$0xFFFFFFE0] =	vst v12;
	(pc) =	sbr.rel @p0 .LBB2_6-.Ltmp2, $4  }
0x7f: {  	s23 =	sadd.s32 $0x80, s23;
	v14 =	vld [tilespmem:s25+$0xFFFFFFC0];
	vm0 =	veq.s32 v11, v1;
	v12 =	vshrl.u32 v18, $0x13;
	v16 =	vsel vm1, v16, v0;
	[tilespmem:s22+$0xFFFFFFF0] =	vst v13  }
0x80: {  	v11 =	vand.u32 $0x7FFFF, v15;
	vm1 =	veq.s32 v12, v1;
	v13 =	vshrl.u32 v19, $0x13;
	[tilespmem:s23+$0x30] =	vst v16  }
0x81: {  	v12 =	vand.u32 $0x7FFFF, v18;
	vm2 =	veq.s32 v13, v1;
	v15 =	vshrl.u32 v8, $0x13;
	[tilespmem:s22+$0x0] =	vst v17  }
0x82: {  	s25 =	sadd.s32 $0x80, s25;
	v13 =	vand.u32 $0x7FFFF, v19;
	vm3 =	veq.s32 v15, v1;
	v15 =	vshrl.u32 v7, $0x13;
	[tilespmem:s22+$0x10] =	vst v20  }
0x83: {  	[tilespmem:s22+$0x20] =	vst v10;
	v11 =	vsel vm0, v11, v0  }
0x84: {  	v60 =	vsel vm1, v12, v0;
	v8 =	vand.u32 $0x7FFFF, v8;
	[tilespmem:s23+$0xFFFFFFD0] =	vst v11  }
0x85: {  	vm14 =	veq.s32 v15, v1;
	v61 =	vsel vm2, v13, v0;
	v62 =	vshrl.u32 v9, $0x13;
	[tilespmem:s23+$0xFFFFFFE0] =	vst v60  }
0x86: {  	v7 =	vand.u32 $0x7FFFF, v7;
	v63 =	vand.u32 $0x7FFFF, v9;
	v8 =	vsel vm3, v8, v0;
	[tilespmem:s23+$0xFFFFFFF0] =	vst v61  }
0x87: {  	v16 =	vshrl.u32 v14, $0x13;
	vm15 =	veq.s32 v62, v1;
	v7 =	vsel vm14, v7, v0;
	[tilespmem:s23+$0x0] =	vst v8  }
0x88: {  	v58 =	vand.u32 $0x7FFFF, v14;
	vm4 =	veq.s32 v16, v1;
	v8 =	vsel vm15, v63, v0;
	[tilespmem:s23+$0x10] =	vst v7  }
0x89: {  	v59 =	vsel vm4, v58, v0;
	[tilespmem:s23+$0x20] =	vst v8  }
0x8a: {  	[tilespmem:s23+$0xFFFFFFC0] =	vst v59  }
0x8b: {  	_ =	strace $0x9000004B  }
0x8c: {  	_ =	strace $0x8000004C  }
0x8d: {  	_ =	swait.ge [sflag:s16], $0x4000  }
0x8e: {  	[sflag:s16] =	ssyncset.done $0x0  }
0x8f: {  	[sflag:s16] =	ssyncadd.s32 $0xFFFFC000  }
0x90: {  	_ =	swait.ge [sflag:s16], $0x4000  }
0x91: {  	[sflag:s16] =	ssyncset.done $0x0  }
0x92: {  	[sflag:s16] =	ssyncadd.s32 $0xFFFFC000  }
0x93: {  	_ =	strace $0x9000004C  }
0x94: {  	[bflag:$0x0] =	sbarrier.arrive $0xFFFF  }
0x95: {  	s24 =	simm.s32 $0x8000;
	_ =	strace $0x8000004D  }
0x96: {  	[spmem:s1] =	stream.indirect.scatter [tilespmem:s18], [sflag:$0x3], $0x1, s24, s17, $0x2000b8;
	[tilespmem:$0x1C0A0] =	vst v63  }
0x97: {  	s25 =	simm.s32 $0x8080  }
0x98: {  	[spmem:s1] =	stream.indirect.scatter [tilespmem:s18], [sflag:$0x3], $0x1, s25, s17, $0x2000b8;
	[tilespmem:$0x1C0A0] =	vst v63  }
0x99: {  	s26 =	simm.s32 $0x8100  }
0x9a: {  	[spmem:s1] =	stream.indirect.scatter [tilespmem:s18], [sflag:$0x3], $0x1, s26, s17, $0x2000b8;
	[tilespmem:$0x1C0A0] =	vst v63  }
0x9b: {  	s28 =	simm.s32 $0x8180  }
0x9c: {  	[spmem:s1] =	stream.indirect.scatter [tilespmem:s18], [sflag:$0x3], $0x1, s28, s17, $0x2000b8;
	[tilespmem:$0x1C0A0] =	vst v63  }
0x9d: {  	s29 =	simm.s32 $0x8200  }
0x9e: {  	[spmem:s1] =	stream.indirect.scatter [tilespmem:s18], [sflag:$0x3], $0x1, s29, s17, $0x2000b8;
	[tilespmem:$0x1C0A0] =	vst v63  }
0x9f: {  	s30 =	simm.s32 $0x8280;
	s31 =	simm.s32 $0x8300  }
0xa0: {  	[spmem:s1] =	stream.indirect.scatter [tilespmem:s18], [sflag:$0x3], $0x1, s30, s17, $0x2000b8;
	[tilespmem:$0x1C0A0] =	vst v63  }
0xa1: {  	s22 =	simm.s32 $0x0;
	s23 =	simm.s32 $0x8780;
	s24 =	simm.s32 $0x8380  }
0xa2: {  	[spmem:s1] =	stream.indirect.scatter [tilespmem:s18], [sflag:$0x3], $0x1, s31, s17, $0x2000b8;
	[tilespmem:$0x1C0A0] =	vst v63  }
.LBB2_8:
0xa3: {  	[spmem:s1] =	stream.indirect.scatter [tilespmem:s18], [sflag:$0x3], $0x1, s24, s17, $0x2000b8;
	[tilespmem:$0x1C0A0] =	vst v63  }
0xa4: {  	s25 =	sadd.s32 $0xFFFFFC80, s23;
	s22 =	sadd.s32 $0x8, s22;
	s24 =	smov.u32 s23  }
0xa5: {  	[spmem:s1] =	stream.indirect.scatter [tilespmem:s18], [sflag:$0x3], $0x1, s25, s17, $0x2000b8;
	[tilespmem:$0x1C0A0] =	vst v63  }
0xa6: {  	p0 =	slt.u32 s22, $0x78;
	s25 =	sadd.s32 $0xFFFFFD00, s23  }
0xa7: {  	[spmem:s1] =	stream.indirect.scatter [tilespmem:s18], [sflag:$0x3], $0x1, s25, s17, $0x2000b8;
	[tilespmem:$0x1C0A0] =	vst v63  }
0xa8: {  	s25 =	sadd.s32 $0xFFFFFD80, s23  }
0xa9: {  	[spmem:s1] =	stream.indirect.scatter [tilespmem:s18], [sflag:$0x3], $0x1, s25, s17, $0x2000b8;
	[tilespmem:$0x1C0A0] =	vst v63  }
0xaa: {  	s25 =	sadd.s32 $0xFFFFFE00, s23  }
0xab: {  	[spmem:s1] =	stream.indirect.scatter [tilespmem:s18], [sflag:$0x3], $0x1, s25, s17, $0x2000b8;
	[tilespmem:$0x1C0A0] =	vst v63  }
0xac: {  	s25 =	sadd.s32 $0xFFFFFE80, s23  }
0xad: {  	[spmem:s1] =	stream.indirect.scatter [tilespmem:s18], [sflag:$0x3], $0x1, s25, s17, $0x2000b8;
	[tilespmem:$0x1C0A0] =	vst v63  }
.Ltmp3:
0xae: {  	s25 =	sadd.s32 $0xFFFFFF00, s23;
	(pc) =	sbr.rel @p0 .LBB2_8-.Ltmp3, $4  }
0xaf: {  	[spmem:s1] =	stream.indirect.scatter [tilespmem:s18], [sflag:$0x3], $0x1, s25, s17, $0x2000b8;
	[tilespmem:$0x1C0A0] =	vst v63  }
0xb0: {  	s25 =	sadd.s32 $0xFFFFFF80, s23  }
0xb1: {  	[spmem:s1] =	stream.indirect.scatter [tilespmem:s18], [sflag:$0x3], $0x1, s25, s17, $0x2000b8;
	[tilespmem:$0x1C0A0] =	vst v63  }
0xb2: {  	s23 =	sadd.s32 $0x400, s23  }
0xb3: {  	[spmem:s1] =	stream.indirect.scatter [tilespmem:s18], [sflag:$0x3], $0x1, s24, s17, $0x2000b8;
	[tilespmem:$0x1C0A0] =	vst v63  }
0xb4: {  	_ =	swait.ge [sflag:s19], $0x4000  }
0xb5: {  	[sflag:s19] =	ssyncset.done $0x0  }
0xb6: {  	[sflag:s19] =	ssyncadd.s32 $0xFFFFC000  }
0xb7: {  	_ =	strace $0x9000004D  }
0xb8: {  	s22 =	sshll.u32 s2, $0x6;
	[bflag:$0x0] =	sbarrier.arrive $0xFFFF  }
0xb9: {  	s23 =	sshrl.u32 s6, $0x3;
	s22 =	sor.u32 $0x1C04, s22;
	_ =	strace $0x8000004E  }
0xba: {  	[hbm:s8], [sflag:s22] =	dma.local [spmem:s23], $0x1000  }
0xbb: {  	_ =	strace $0x9000004E  }
0xbc: {  	_ =	strace $0x8000004F  }
0xbd: {  	_ =	swait.ge [sflag:s20], $0x1000  }
0xbe: {  	[sflag:s20] =	ssyncset.done $0x0  }
0xbf: {  	[sflag:s20] =	ssyncadd.s32 $0xFFFFF000  }
0xc0: {  	_ =	strace $0x9000004F  }
0xc1: {  	_ =	strace $0x80000050  }
0xc2: {  	[spmem:s6] =	stream.linear.scatter [tilespmem:s15], [sflag:$0x2], $0x4000, $0x200038;
	[tilespmem:$0x1C0A0] =	vst v63  }
0xc3: {  	_ = 	snop  }
0xc4: {  	[spmem:s7] =	stream.linear.scatter [tilespmem:s15], [sflag:$0x2], $0x4000, $0x200038;
	[tilespmem:$0x1C0A0] =	vst v63  }
0xc5: {  	_ =	strace $0x90000050  }
0xc6: {  	s31 =	simm.s32 $0xC040;
	_ =	strace $0x80000051  }
0xc7: {  	v7 =	vld [tilespmem:s31+$0x30]  }
0xc8: {  	v8 =	vld [tilespmem:s31+$0xFFFFFFD0]  }
0xc9: {  	v10 =	vld [tilespmem:s31+$0xFFFFFFF0]  }
0xca: {  	v9 =	vld [tilespmem:s31+$0xFFFFFFE0]  }
0xcb: {  	v12 =	vld [tilespmem:s31+$0x10]  }
0xcc: {  	v11 =	vld [tilespmem:s31+$0x0]  }
0xcd: {  	v15 =	vld [tilespmem:s31+$0x20];
	v13 =	vshrl.u32 v7, $0x13;
	v14 =	vshrl.u32 v8, $0x13  }
0xce: {  	s28 =	simm.s32 $0xC0C0;
	v7 =	vand.u32 $0x7FFFF, v7;
	v8 =	vand.u32 $0x7FFFF, v8;
	v16 =	vshrl.u32 v10, $0x13  }
0xcf: {  	v17 =	vld [tilespmem:s28+$0xFFFFFFD0];
	v10 =	vand.u32 $0x7FFFF, v10;
	vm0 =	veq.s32 v13, v2;
	vm1 =	veq.s32 v14, v2  }
0xd0: {  	v13 =	vld [tilespmem:s31+$0xFFFFFFC0];
	v14 =	vshrl.u32 v9, $0x13;
	vm2 =	veq.s32 v16, v2;
	v16 =	vshrl.u32 v12, $0x13  }
0xd1: {  	v7 =	vsel vm0, v7, v0;
	vm0 =	veq.s32 v14, v2;
	v14 =	vshrl.u32 v11, $0x13  }
0xd2: {  	vm4 =	veq.s32 v16, v2;
	v16 =	vshrl.u32 v15, $0x13;
	vm3 =	veq.s32 v14, v2;
	v14 =	vld [tilespmem:s28+$0x30]  }
0xd3: {  	v9 =	vand.u32 $0x7FFFF, v9;
	v12 =	vand.u32 $0x7FFFF, v12;
	vm5 =	veq.s32 v16, v2;
	v16 =	vld [tilespmem:s28+$0xFFFFFFE0]  }
0xd4: {  	v11 =	vand.u32 $0x7FFFF, v11;
	v19 =	vsel vm2, v10, v0;
	v9 =	vsel vm0, v9, v0  }
0xd5: {  	s24 =	simm.s32 $0x8040;
	v21 =	vsel vm4, v12, v0;
	v12 =	vshrl.u32 v17, $0x13;
	v18 =	vshrl.u32 v13, $0x13  }
0xd6: {  	v63 =	vld [tilespmem:s28+$0xFFFFFFF0];
	[tilespmem:s24+$0x30] =	vst v7;
	v20 =	vsel vm3, v11, v0;
	v13 =	vand.u32 $0x7FFFF, v13;
	vm6 =	veq.s32 v18, v2  }
0xd7: {  	[tilespmem:s24+$0xFFFFFFE0] =	vst v9;
	v7 =	vsel vm6, v13, v0;
	v13 =	vsel vm1, v8, v0;
	v8 =	vld [tilespmem:s28+$0x0];
	v11 =	vshrl.u32 v14, $0x13  }
0xd8: {  	v9 =	vshrl.u32 v16, $0x13;
	[tilespmem:s24+$0xFFFFFFC0] =	vst v7;
	v7 =	vld [tilespmem:s28+$0x10];
	vm1 =	veq.s32 v11, v2;
	v11 =	vand.u32 $0x7FFFF, v14  }
0xd9: {  	[tilespmem:s24+$0xFFFFFFF0] =	vst v19;
	vm0 =	veq.s32 v12, v2;
	v12 =	vsel vm1, v11, v0;
	vm1 =	veq.s32 v9, v2;
	v9 =	vld [tilespmem:s28+$0x20]  }
0xda: {  	v15 =	vand.u32 $0x7FFFF, v15;
	[tilespmem:s24+$0x10] =	vst v21;
	v14 =	vld [tilespmem:s28+$0xFFFFFFC0]  }
0xdb: {  	v10 =	vsel vm5, v15, v0;
	[tilespmem:s24+$0xFFFFFFD0] =	vst v13;
	v13 =	vshrl.u32 v63, $0x13;
	v11 =	vand.u32 $0x7FFFF, v17  }
0xdc: {  	s25 =	simm.s32 $0x80C0;
	[tilespmem:s24+$0x0] =	vst v20;
	vm2 =	veq.s32 v13, v2;
	v13 =	vand.u32 $0x7FFFF, v63;
	v15 =	vshrl.u32 v8, $0x13  }
0xdd: {  	s26 =	simm.s32 $0x80;
	s28 =	simm.s32 $0xC140;
	[tilespmem:s25+$0x30] =	vst v12;
	v12 =	vand.u32 $0x7FFFF, v16;
	vm3 =	veq.s32 v15, v2;
	v15 =	vshrl.u32 v7, $0x13  }
.LBB2_10:
0xde: {  	v16 =	vld [tilespmem:s28+$0x30];
	s26 =	sadd.s32 $0x80, s26;
	v17 =	vand.u32 $0x7FFFF, v8;
	vm4 =	veq.s32 v15, v2;
	v8 =	vshrl.u32 v9, $0x13;
	[tilespmem:s24+$0x20] =	vst v10;
	s24 =	smov.u32 s25  }
0xdf: {  	v15 =	vld [tilespmem:s28+$0xFFFFFFD0];
	p0 =	slt.u32 s26, $0x3F80;
	v10 =	vshrl.u32 v14, $0x13;
	v14 =	vand.u32 $0x7FFFF, v14;
	vm5 =	veq.s32 v8, v2  }
0xe0: {  	v7 =	vand.u32 $0x7FFFF, v7;
	v9 =	vand.u32 $0x7FFFF, v9;
	v18 =	vld [tilespmem:s28+$0xFFFFFFE0];
	vm6 =	veq.s32 v10, v2  }
0xe1: {  	v11 =	vsel vm0, v11, v0;
	v12 =	vsel vm1, v12, v0;
	v19 =	vld [tilespmem:s28+$0xFFFFFFF0];
	v10 =	vsel vm6, v14, v0  }
0xe2: {  	v13 =	vsel vm2, v13, v0;
	v17 =	vsel vm3, v17, v0;
	v20 =	vsel vm4, v7, v0;
	v8 =	vld [tilespmem:s28+$0x0];
	[tilespmem:s25+$0xFFFFFFC0] =	vst v10  }
0xe3: {  	v10 =	vsel vm5, v9, v0;
	v7 =	vld [tilespmem:s28+$0x10];
	v14 =	vshrl.u32 v16, $0x13;
	[tilespmem:s25+$0xFFFFFFD0] =	vst v11  }
.Ltmp4:
0xe4: {  	v16 =	vand.u32 $0x7FFFF, v16;
	v11 =	vshrl.u32 v15, $0x13;
	v9 =	vld [tilespmem:s28+$0x20];
	vm1 =	veq.s32 v14, v2;
	[tilespmem:s25+$0xFFFFFFE0] =	vst v12;
	(pc) =	sbr.rel @p0 .LBB2_10-.Ltmp4, $4  }
0xe5: {  	s25 =	sadd.s32 $0x80, s25;
	v14 =	vld [tilespmem:s28+$0xFFFFFFC0];
	vm0 =	veq.s32 v11, v2;
	v12 =	vshrl.u32 v18, $0x13;
	v16 =	vsel vm1, v16, v0;
	[tilespmem:s24+$0xFFFFFFF0] =	vst v13  }
0xe6: {  	v11 =	vand.u32 $0x7FFFF, v15;
	vm1 =	veq.s32 v12, v2;
	v13 =	vshrl.u32 v19, $0x13;
	[tilespmem:s25+$0x30] =	vst v16  }
0xe7: {  	v12 =	vand.u32 $0x7FFFF, v18;
	vm2 =	veq.s32 v13, v2;
	v15 =	vshrl.u32 v8, $0x13;
	[tilespmem:s24+$0x0] =	vst v17  }
0xe8: {  	s28 =	sadd.s32 $0x80, s28;
	v13 =	vand.u32 $0x7FFFF, v19;
	vm3 =	veq.s32 v15, v2;
	v15 =	vshrl.u32 v7, $0x13;
	[tilespmem:s24+$0x10] =	vst v20  }
0xe9: {  	[tilespmem:s24+$0x20] =	vst v10;
	v11 =	vsel vm0, v11, v0  }
0xea: {  	v60 =	vsel vm1, v12, v0;
	v8 =	vand.u32 $0x7FFFF, v8;
	[tilespmem:s25+$0xFFFFFFD0] =	vst v11  }
0xeb: {  	vm14 =	veq.s32 v15, v2;
	v61 =	vsel vm2, v13, v0;
	v62 =	vshrl.u32 v9, $0x13;
	[tilespmem:s25+$0xFFFFFFE0] =	vst v60  }
0xec: {  	v7 =	vand.u32 $0x7FFFF, v7;
	v63 =	vand.u32 $0x7FFFF, v9;
	v8 =	vsel vm3, v8, v0;
	[tilespmem:s25+$0xFFFFFFF0] =	vst v61  }
0xed: {  	v16 =	vshrl.u32 v14, $0x13;
	vm15 =	veq.s32 v62, v2;
	v7 =	vsel vm14, v7, v0;
	[tilespmem:s25+$0x0] =	vst v8  }
0xee: {  	v58 =	vand.u32 $0x7FFFF, v14;
	vm4 =	veq.s32 v16, v2;
	v8 =	vsel vm15, v63, v0;
	[tilespmem:s25+$0x10] =	vst v7  }
0xef: {  	v59 =	vsel vm4, v58, v0;
	[tilespmem:s25+$0x20] =	vst v8  }
0xf0: {  	[tilespmem:s25+$0xFFFFFFC0] =	vst v59  }
0xf1: {  	_ =	strace $0x90000051  }
0xf2: {  	_ =	strace $0x80000052  }
0xf3: {  	_ =	swait.ge [sflag:s16], $0x4000  }
0xf4: {  	[sflag:s16] =	ssyncset.done $0x0  }
0xf5: {  	[sflag:s16] =	ssyncadd.s32 $0xFFFFC000  }
0xf6: {  	_ =	swait.ge [sflag:s16], $0x4000  }
0xf7: {  	[sflag:s16] =	ssyncset.done $0x0  }
0xf8: {  	[sflag:s16] =	ssyncadd.s32 $0xFFFFC000  }
0xf9: {  	_ =	strace $0x90000052  }
0xfa: {  	[bflag:$0x0] =	sbarrier.arrive $0xFFFF  }
0xfb: {  	s31 =	simm.s32 $0x8000;
	_ =	strace $0x80000053  }
0xfc: {  	[spmem:s1] =	stream.indirect.scatter [tilespmem:s18], [sflag:$0x3], $0x1, s31, s17, $0x2000b8;
	[tilespmem:$0x1C0A0] =	vst v63  }
0xfd: {  	s25 =	simm.s32 $0x8080  }
0xfe: {  	[spmem:s1] =	stream.indirect.scatter [tilespmem:s18], [sflag:$0x3], $0x1, s25, s17, $0x2000b8;
	[tilespmem:$0x1C0A0] =	vst v63  }
0xff: {  	s26 =	simm.s32 $0x8100  }
0x100: {  	[spmem:s1] =	stream.indirect.scatter [tilespmem:s18], [sflag:$0x3], $0x1, s26, s17, $0x2000b8;
	[tilespmem:$0x1C0A0] =	vst v63  }
0x101: {  	s28 =	simm.s32 $0x8180  }
0x102: {  	[spmem:s1] =	stream.indirect.scatter [tilespmem:s18], [sflag:$0x3], $0x1, s28, s17, $0x2000b8;
	[tilespmem:$0x1C0A0] =	vst v63  }
0x103: {  	s29 =	simm.s32 $0x8200  }
0x104: {  	[spmem:s1] =	stream.indirect.scatter [tilespmem:s18], [sflag:$0x3], $0x1, s29, s17, $0x2000b8;
	[tilespmem:$0x1C0A0] =	vst v63  }
0x105: {  	s30 =	simm.s32 $0x8280;
	s24 =	simm.s32 $0x0  }
0x106: {  	[spmem:s1] =	stream.indirect.scatter [tilespmem:s18], [sflag:$0x3], $0x1, s30, s17, $0x2000b8;
	[tilespmem:$0x1C0A0] =	vst v63  }
0x107: {  	s31 =	simm.s32 $0x8300;
	s25 =	simm.s32 $0x8780;
	s26 =	simm.s32 $0x8380  }
0x108: {  	[spmem:s1] =	stream.indirect.scatter [tilespmem:s18], [sflag:$0x3], $0x1, s31, s17, $0x2000b8;
	[tilespmem:$0x1C0A0] =	vst v63  }
.LBB2_12:
0x109: {  	[spmem:s1] =	stream.indirect.scatter [tilespmem:s18], [sflag:$0x3], $0x1, s26, s17, $0x2000b8;
	[tilespmem:$0x1C0A0] =	vst v63  }
0x10a: {  	s28 =	sadd.s32 $0xFFFFFC80, s25;
	s24 =	sadd.s32 $0x8, s24;
	s26 =	smov.u32 s25  }
0x10b: {  	[spmem:s1] =	stream.indirect.scatter [tilespmem:s18], [sflag:$0x3], $0x1, s28, s17, $0x2000b8;
	[tilespmem:$0x1C0A0] =	vst v63  }
0x10c: {  	p0 =	slt.u32 s24, $0x78;
	s28 =	sadd.s32 $0xFFFFFD00, s25  }
0x10d: {  	[spmem:s1] =	stream.indirect.scatter [tilespmem:s18], [sflag:$0x3], $0x1, s28, s17, $0x2000b8;
	[tilespmem:$0x1C0A0] =	vst v63  }
0x10e: {  	s28 =	sadd.s32 $0xFFFFFD80, s25  }
0x10f: {  	[spmem:s1] =	stream.indirect.scatter [tilespmem:s18], [sflag:$0x3], $0x1, s28, s17, $0x2000b8;
	[tilespmem:$0x1C0A0] =	vst v63  }
0x110: {  	s28 =	sadd.s32 $0xFFFFFE00, s25  }
0x111: {  	[spmem:s1] =	stream.indirect.scatter [tilespmem:s18], [sflag:$0x3], $0x1, s28, s17, $0x2000b8;
	[tilespmem:$0x1C0A0] =	vst v63  }
0x112: {  	s28 =	sadd.s32 $0xFFFFFE80, s25  }
0x113: {  	[spmem:s1] =	stream.indirect.scatter [tilespmem:s18], [sflag:$0x3], $0x1, s28, s17, $0x2000b8;
	[tilespmem:$0x1C0A0] =	vst v63  }
.Ltmp5:
0x114: {  	s28 =	sadd.s32 $0xFFFFFF00, s25;
	(pc) =	sbr.rel @p0 .LBB2_12-.Ltmp5, $4  }
0x115: {  	[spmem:s1] =	stream.indirect.scatter [tilespmem:s18], [sflag:$0x3], $0x1, s28, s17, $0x2000b8;
	[tilespmem:$0x1C0A0] =	vst v63  }
0x116: {  	s28 =	sadd.s32 $0xFFFFFF80, s25  }
0x117: {  	[spmem:s1] =	stream.indirect.scatter [tilespmem:s18], [sflag:$0x3], $0x1, s28, s17, $0x2000b8;
	[tilespmem:$0x1C0A0] =	vst v63  }
0x118: {  	s25 =	sadd.s32 $0x400, s25  }
0x119: {  	[spmem:s1] =	stream.indirect.scatter [tilespmem:s18], [sflag:$0x3], $0x1, s26, s17, $0x2000b8;
	[tilespmem:$0x1C0A0] =	vst v63  }
0x11a: {  	_ =	swait.ge [sflag:s19], $0x4000  }
0x11b: {  	[sflag:s19] =	ssyncset.done $0x0  }
0x11c: {  	[sflag:s19] =	ssyncadd.s32 $0xFFFFC000  }
0x11d: {  	_ =	strace $0x90000053  }
0x11e: {  	[bflag:$0x0] =	sbarrier.arrive $0xFFFF  }
0x11f: {  	_ =	strace $0x80000054  }
0x120: {  	[hbm:s9], [sflag:s22] =	dma.local [spmem:s23], $0x1000  }
0x121: {  	_ =	strace $0x90000054  }
0x122: {  	_ =	strace $0x80000055  }
0x123: {  	_ =	swait.ge [sflag:s20], $0x1000  }
0x124: {  	[sflag:s20] =	ssyncset.done $0x0  }
0x125: {  	[sflag:s20] =	ssyncadd.s32 $0xFFFFF000  }
0x126: {  	_ =	strace $0x90000055  }
0x127: {  	_ =	strace $0x80000056  }
0x128: {  	[spmem:s6] =	stream.linear.scatter [tilespmem:s15], [sflag:$0x2], $0x4000, $0x200038;
	[tilespmem:$0x1C0A0] =	vst v63  }
0x129: {  	_ = 	snop  }
0x12a: {  	[spmem:s7] =	stream.linear.scatter [tilespmem:s15], [sflag:$0x2], $0x4000, $0x200038;
	[tilespmem:$0x1C0A0] =	vst v63  }
0x12b: {  	_ =	strace $0x90000056  }
0x12c: {  	s24 =	simm.s32 $0xC040;
	_ =	strace $0x80000057  }
0x12d: {  	v7 =	vld [tilespmem:s24+$0x30]  }
0x12e: {  	v8 =	vld [tilespmem:s24+$0xFFFFFFD0]  }
0x12f: {  	v10 =	vld [tilespmem:s24+$0xFFFFFFF0]  }
0x130: {  	v9 =	vld [tilespmem:s24+$0xFFFFFFE0]  }
0x131: {  	v12 =	vld [tilespmem:s24+$0x10]  }
0x132: {  	v11 =	vld [tilespmem:s24+$0x0]  }
0x133: {  	v15 =	vld [tilespmem:s24+$0x20];
	v13 =	vshrl.u32 v7, $0x13;
	v14 =	vshrl.u32 v8, $0x13  }
0x134: {  	s28 =	simm.s32 $0xC0C0;
	v7 =	vand.u32 $0x7FFFF, v7;
	v8 =	vand.u32 $0x7FFFF, v8;
	v16 =	vshrl.u32 v10, $0x13  }
0x135: {  	v17 =	vld [tilespmem:s28+$0xFFFFFFD0];
	v10 =	vand.u32 $0x7FFFF, v10;
	vm0 =	veq.s32 v13, v3;
	vm1 =	veq.s32 v14, v3  }
0x136: {  	v13 =	vld [tilespmem:s24+$0xFFFFFFC0];
	v14 =	vshrl.u32 v9, $0x13;
	vm2 =	veq.s32 v16, v3;
	v16 =	vshrl.u32 v12, $0x13  }
0x137: {  	v7 =	vsel vm0, v7, v0;
	vm0 =	veq.s32 v14, v3;
	v14 =	vshrl.u32 v11, $0x13  }
0x138: {  	vm4 =	veq.s32 v16, v3;
	v16 =	vshrl.u32 v15, $0x13;
	vm3 =	veq.s32 v14, v3;
	v14 =	vld [tilespmem:s28+$0x30]  }
0x139: {  	v9 =	vand.u32 $0x7FFFF, v9;
	v12 =	vand.u32 $0x7FFFF, v12;
	vm5 =	veq.s32 v16, v3;
	v16 =	vld [tilespmem:s28+$0xFFFFFFE0]  }
0x13a: {  	v11 =	vand.u32 $0x7FFFF, v11;
	v19 =	vsel vm2, v10, v0;
	v9 =	vsel vm0, v9, v0  }
0x13b: {  	s24 =	simm.s32 $0x8040;
	v21 =	vsel vm4, v12, v0;
	v12 =	vshrl.u32 v17, $0x13;
	v18 =	vshrl.u32 v13, $0x13  }
0x13c: {  	v63 =	vld [tilespmem:s28+$0xFFFFFFF0];
	[tilespmem:s24+$0x30] =	vst v7;
	v20 =	vsel vm3, v11, v0;
	v13 =	vand.u32 $0x7FFFF, v13;
	vm6 =	veq.s32 v18, v3  }
0x13d: {  	[tilespmem:s24+$0xFFFFFFE0] =	vst v9;
	v7 =	vsel vm6, v13, v0;
	v13 =	vsel vm1, v8, v0;
	v8 =	vld [tilespmem:s28+$0x0];
	v11 =	vshrl.u32 v14, $0x13  }
0x13e: {  	v9 =	vshrl.u32 v16, $0x13;
	[tilespmem:s24+$0xFFFFFFC0] =	vst v7;
	v7 =	vld [tilespmem:s28+$0x10];
	vm1 =	veq.s32 v11, v3;
	v11 =	vand.u32 $0x7FFFF, v14  }
0x13f: {  	[tilespmem:s24+$0xFFFFFFF0] =	vst v19;
	vm0 =	veq.s32 v12, v3;
	v12 =	vsel vm1, v11, v0;
	vm1 =	veq.s32 v9, v3;
	v9 =	vld [tilespmem:s28+$0x20]  }
0x140: {  	v15 =	vand.u32 $0x7FFFF, v15;
	[tilespmem:s24+$0x10] =	vst v21;
	v14 =	vld [tilespmem:s28+$0xFFFFFFC0]  }
0x141: {  	v10 =	vsel vm5, v15, v0;
	[tilespmem:s24+$0xFFFFFFD0] =	vst v13;
	v13 =	vshrl.u32 v63, $0x13;
	v11 =	vand.u32 $0x7FFFF, v17  }
0x142: {  	s25 =	simm.s32 $0x80C0;
	[tilespmem:s24+$0x0] =	vst v20;
	vm2 =	veq.s32 v13, v3;
	v13 =	vand.u32 $0x7FFFF, v63;
	v15 =	vshrl.u32 v8, $0x13  }
0x143: {  	s26 =	simm.s32 $0x80;
	s28 =	simm.s32 $0xC140;
	[tilespmem:s25+$0x30] =	vst v12;
	v12 =	vand.u32 $0x7FFFF, v16;
	vm3 =	veq.s32 v15, v3;
	v15 =	vshrl.u32 v7, $0x13  }
.LBB2_14:
0x144: {  	v16 =	vld [tilespmem:s28+$0x30];
	s26 =	sadd.s32 $0x80, s26;
	v17 =	vand.u32 $0x7FFFF, v8;
	vm4 =	veq.s32 v15, v3;
	v8 =	vshrl.u32 v9, $0x13;
	[tilespmem:s24+$0x20] =	vst v10;
	s24 =	smov.u32 s25  }
0x145: {  	v15 =	vld [tilespmem:s28+$0xFFFFFFD0];
	p0 =	slt.u32 s26, $0x3F80;
	v10 =	vshrl.u32 v14, $0x13;
	v14 =	vand.u32 $0x7FFFF, v14;
	vm5 =	veq.s32 v8, v3  }
0x146: {  	v7 =	vand.u32 $0x7FFFF, v7;
	v9 =	vand.u32 $0x7FFFF, v9;
	v18 =	vld [tilespmem:s28+$0xFFFFFFE0];
	vm6 =	veq.s32 v10, v3  }
0x147: {  	v11 =	vsel vm0, v11, v0;
	v12 =	vsel vm1, v12, v0;
	v19 =	vld [tilespmem:s28+$0xFFFFFFF0];
	v10 =	vsel vm6, v14, v0  }
0x148: {  	v13 =	vsel vm2, v13, v0;
	v17 =	vsel vm3, v17, v0;
	v20 =	vsel vm4, v7, v0;
	v8 =	vld [tilespmem:s28+$0x0];
	[tilespmem:s25+$0xFFFFFFC0] =	vst v10  }
0x149: {  	v10 =	vsel vm5, v9, v0;
	v7 =	vld [tilespmem:s28+$0x10];
	v14 =	vshrl.u32 v16, $0x13;
	[tilespmem:s25+$0xFFFFFFD0] =	vst v11  }
.Ltmp6:
0x14a: {  	v16 =	vand.u32 $0x7FFFF, v16;
	v11 =	vshrl.u32 v15, $0x13;
	v9 =	vld [tilespmem:s28+$0x20];
	vm1 =	veq.s32 v14, v3;
	[tilespmem:s25+$0xFFFFFFE0] =	vst v12;
	(pc) =	sbr.rel @p0 .LBB2_14-.Ltmp6, $4  }
0x14b: {  	s25 =	sadd.s32 $0x80, s25;
	v14 =	vld [tilespmem:s28+$0xFFFFFFC0];
	vm0 =	veq.s32 v11, v3;
	v12 =	vshrl.u32 v18, $0x13;
	v16 =	vsel vm1, v16, v0;
	[tilespmem:s24+$0xFFFFFFF0] =	vst v13  }
0x14c: {  	v11 =	vand.u32 $0x7FFFF, v15;
	vm1 =	veq.s32 v12, v3;
	v13 =	vshrl.u32 v19, $0x13;
	[tilespmem:s25+$0x30] =	vst v16  }
0x14d: {  	v12 =	vand.u32 $0x7FFFF, v18;
	vm2 =	veq.s32 v13, v3;
	v15 =	vshrl.u32 v8, $0x13;
	[tilespmem:s24+$0x0] =	vst v17  }
0x14e: {  	s28 =	sadd.s32 $0x80, s28;
	v13 =	vand.u32 $0x7FFFF, v19;
	vm3 =	veq.s32 v15, v3;
	v15 =	vshrl.u32 v7, $0x13;
	[tilespmem:s24+$0x10] =	vst v20  }
0x14f: {  	[tilespmem:s24+$0x20] =	vst v10;
	v11 =	vsel vm0, v11, v0  }
0x150: {  	v60 =	vsel vm1, v12, v0;
	v8 =	vand.u32 $0x7FFFF, v8;
	[tilespmem:s25+$0xFFFFFFD0] =	vst v11  }
0x151: {  	vm14 =	veq.s32 v15, v3;
	v61 =	vsel vm2, v13, v0;
	v62 =	vshrl.u32 v9, $0x13;
	[tilespmem:s25+$0xFFFFFFE0] =	vst v60  }
0x152: {  	v7 =	vand.u32 $0x7FFFF, v7;
	v63 =	vand.u32 $0x7FFFF, v9;
	v8 =	vsel vm3, v8, v0;
	[tilespmem:s25+$0xFFFFFFF0] =	vst v61  }
0x153: {  	v16 =	vshrl.u32 v14, $0x13;
	vm15 =	veq.s32 v62, v3;
	v7 =	vsel vm14, v7, v0;
	[tilespmem:s25+$0x0] =	vst v8  }
0x154: {  	v58 =	vand.u32 $0x7FFFF, v14;
	vm4 =	veq.s32 v16, v3;
	v8 =	vsel vm15, v63, v0;
	[tilespmem:s25+$0x10] =	vst v7  }
0x155: {  	v59 =	vsel vm4, v58, v0;
	[tilespmem:s25+$0x20] =	vst v8  }
0x156: {  	[tilespmem:s25+$0xFFFFFFC0] =	vst v59  }
0x157: {  	_ =	strace $0x90000057  }
0x158: {  	_ =	strace $0x80000058  }
0x159: {  	_ =	swait.ge [sflag:s16], $0x4000  }
0x15a: {  	[sflag:s16] =	ssyncset.done $0x0  }
0x15b: {  	[sflag:s16] =	ssyncadd.s32 $0xFFFFC000  }
0x15c: {  	_ =	swait.ge [sflag:s16], $0x4000  }
0x15d: {  	[sflag:s16] =	ssyncset.done $0x0  }
0x15e: {  	[sflag:s16] =	ssyncadd.s32 $0xFFFFC000  }
0x15f: {  	_ =	strace $0x90000058  }
0x160: {  	[bflag:$0x0] =	sbarrier.arrive $0xFFFF  }
0x161: {  	s31 =	simm.s32 $0x8000;
	_ =	strace $0x80000059  }
0x162: {  	[spmem:s1] =	stream.indirect.scatter [tilespmem:s18], [sflag:$0x3], $0x1, s31, s17, $0x2000b8;
	[tilespmem:$0x1C0A0] =	vst v63  }
0x163: {  	s25 =	simm.s32 $0x8080  }
0x164: {  	[spmem:s1] =	stream.indirect.scatter [tilespmem:s18], [sflag:$0x3], $0x1, s25, s17, $0x2000b8;
	[tilespmem:$0x1C0A0] =	vst v63  }
0x165: {  	s26 =	simm.s32 $0x8100  }
0x166: {  	[spmem:s1] =	stream.indirect.scatter [tilespmem:s18], [sflag:$0x3], $0x1, s26, s17, $0x2000b8;
	[tilespmem:$0x1C0A0] =	vst v63  }
0x167: {  	s28 =	simm.s32 $0x8180  }
0x168: {  	[spmem:s1] =	stream.indirect.scatter [tilespmem:s18], [sflag:$0x3], $0x1, s28, s17, $0x2000b8;
	[tilespmem:$0x1C0A0] =	vst v63  }
0x169: {  	s29 =	simm.s32 $0x8200  }
0x16a: {  	[spmem:s1] =	stream.indirect.scatter [tilespmem:s18], [sflag:$0x3], $0x1, s29, s17, $0x2000b8;
	[tilespmem:$0x1C0A0] =	vst v63  }
0x16b: {  	s30 =	simm.s32 $0x8280;
	s24 =	simm.s32 $0x0  }
0x16c: {  	[spmem:s1] =	stream.indirect.scatter [tilespmem:s18], [sflag:$0x3], $0x1, s30, s17, $0x2000b8;
	[tilespmem:$0x1C0A0] =	vst v63  }
0x16d: {  	s31 =	simm.s32 $0x8300;
	s25 =	simm.s32 $0x8780;
	s26 =	simm.s32 $0x8380  }
0x16e: {  	[spmem:s1] =	stream.indirect.scatter [tilespmem:s18], [sflag:$0x3], $0x1, s31, s17, $0x2000b8;
	[tilespmem:$0x1C0A0] =	vst v63  }
.LBB2_16:
0x16f: {  	[spmem:s1] =	stream.indirect.scatter [tilespmem:s18], [sflag:$0x3], $0x1, s26, s17, $0x2000b8;
	[tilespmem:$0x1C0A0] =	vst v63  }
0x170: {  	s28 =	sadd.s32 $0xFFFFFC80, s25;
	s24 =	sadd.s32 $0x8, s24;
	s26 =	smov.u32 s25  }
0x171: {  	[spmem:s1] =	stream.indirect.scatter [tilespmem:s18], [sflag:$0x3], $0x1, s28, s17, $0x2000b8;
	[tilespmem:$0x1C0A0] =	vst v63  }
0x172: {  	p0 =	slt.u32 s24, $0x78;
	s28 =	sadd.s32 $0xFFFFFD00, s25  }
0x173: {  	[spmem:s1] =	stream.indirect.scatter [tilespmem:s18], [sflag:$0x3], $0x1, s28, s17, $0x2000b8;
	[tilespmem:$0x1C0A0] =	vst v63  }
0x174: {  	s28 =	sadd.s32 $0xFFFFFD80, s25  }
0x175: {  	[spmem:s1] =	stream.indirect.scatter [tilespmem:s18], [sflag:$0x3], $0x1, s28, s17, $0x2000b8;
	[tilespmem:$0x1C0A0] =	vst v63  }
0x176: {  	s28 =	sadd.s32 $0xFFFFFE00, s25  }
0x177: {  	[spmem:s1] =	stream.indirect.scatter [tilespmem:s18], [sflag:$0x3], $0x1, s28, s17, $0x2000b8;
	[tilespmem:$0x1C0A0] =	vst v63  }
0x178: {  	s28 =	sadd.s32 $0xFFFFFE80, s25  }
0x179: {  	[spmem:s1] =	stream.indirect.scatter [tilespmem:s18], [sflag:$0x3], $0x1, s28, s17, $0x2000b8;
	[tilespmem:$0x1C0A0] =	vst v63  }
.Ltmp7:
0x17a: {  	s28 =	sadd.s32 $0xFFFFFF00, s25;
	(pc) =	sbr.rel @p0 .LBB2_16-.Ltmp7, $4  }
0x17b: {  	[spmem:s1] =	stream.indirect.scatter [tilespmem:s18], [sflag:$0x3], $0x1, s28, s17, $0x2000b8;
	[tilespmem:$0x1C0A0] =	vst v63  }
0x17c: {  	s28 =	sadd.s32 $0xFFFFFF80, s25  }
0x17d: {  	[spmem:s1] =	stream.indirect.scatter [tilespmem:s18], [sflag:$0x3], $0x1, s28, s17, $0x2000b8;
	[tilespmem:$0x1C0A0] =	vst v63  }
0x17e: {  	s25 =	sadd.s32 $0x400, s25  }
0x17f: {  	[spmem:s1] =	stream.indirect.scatter [tilespmem:s18], [sflag:$0x3], $0x1, s26, s17, $0x2000b8;
	[tilespmem:$0x1C0A0] =	vst v63  }
0x180: {  	_ =	swait.ge [sflag:s19], $0x4000  }
0x181: {  	[sflag:s19] =	ssyncset.done $0x0  }
0x182: {  	[sflag:s19] =	ssyncadd.s32 $0xFFFFC000  }
0x183: {  	_ =	strace $0x90000059  }
0x184: {  	[bflag:$0x0] =	sbarrier.arrive $0xFFFF  }
0x185: {  	_ =	strace $0x8000005A  }
0x186: {  	[hbm:s10], [sflag:s22] =	dma.local [spmem:s23], $0x1000  }
0x187: {  	_ =	strace $0x9000005A  }
0x188: {  	_ =	strace $0x8000005B  }
0x189: {  	_ =	swait.ge [sflag:s20], $0x1000  }
0x18a: {  	[sflag:s20] =	ssyncset.done $0x0  }
0x18b: {  	[sflag:s20] =	ssyncadd.s32 $0xFFFFF000  }
0x18c: {  	_ =	strace $0x9000005B  }
0x18d: {  	_ =	strace $0x8000005C  }
0x18e: {  	[spmem:s6] =	stream.linear.scatter [tilespmem:s15], [sflag:$0x2], $0x4000, $0x200038;
	[tilespmem:$0x1C0A0] =	vst v63  }
0x18f: {  	_ = 	snop  }
0x190: {  	[spmem:s7] =	stream.linear.scatter [tilespmem:s15], [sflag:$0x2], $0x4000, $0x200038;
	[tilespmem:$0x1C0A0] =	vst v63  }
0x191: {  	_ =	strace $0x9000005C  }
0x192: {  	s24 =	simm.s32 $0xC040;
	_ =	strace $0x8000005D  }
0x193: {  	v7 =	vld [tilespmem:s24+$0x30]  }
0x194: {  	v8 =	vld [tilespmem:s24+$0xFFFFFFD0]  }
0x195: {  	v10 =	vld [tilespmem:s24+$0xFFFFFFF0]  }
0x196: {  	v9 =	vld [tilespmem:s24+$0xFFFFFFE0]  }
0x197: {  	v12 =	vld [tilespmem:s24+$0x10]  }
0x198: {  	v11 =	vld [tilespmem:s24+$0x0]  }
0x199: {  	v15 =	vld [tilespmem:s24+$0x20];
	v13 =	vshrl.u32 v7, $0x13;
	v14 =	vshrl.u32 v8, $0x13  }
0x19a: {  	s28 =	simm.s32 $0xC0C0;
	v7 =	vand.u32 $0x7FFFF, v7;
	v8 =	vand.u32 $0x7FFFF, v8;
	v16 =	vshrl.u32 v10, $0x13  }
0x19b: {  	v17 =	vld [tilespmem:s28+$0xFFFFFFD0];
	v10 =	vand.u32 $0x7FFFF, v10;
	vm0 =	veq.s32 v13, v4;
	vm1 =	veq.s32 v14, v4  }
0x19c: {  	v13 =	vld [tilespmem:s24+$0xFFFFFFC0];
	v14 =	vshrl.u32 v9, $0x13;
	vm2 =	veq.s32 v16, v4;
	v16 =	vshrl.u32 v12, $0x13  }
0x19d: {  	v7 =	vsel vm0, v7, v0;
	vm0 =	veq.s32 v14, v4;
	v14 =	vshrl.u32 v11, $0x13  }
0x19e: {  	vm4 =	veq.s32 v16, v4;
	v16 =	vshrl.u32 v15, $0x13;
	vm3 =	veq.s32 v14, v4;
	v14 =	vld [tilespmem:s28+$0x30]  }
0x19f: {  	v9 =	vand.u32 $0x7FFFF, v9;
	v12 =	vand.u32 $0x7FFFF, v12;
	vm5 =	veq.s32 v16, v4;
	v16 =	vld [tilespmem:s28+$0xFFFFFFE0]  }
0x1a0: {  	v11 =	vand.u32 $0x7FFFF, v11;
	v19 =	vsel vm2, v10, v0;
	v9 =	vsel vm0, v9, v0  }
0x1a1: {  	s24 =	simm.s32 $0x8040;
	v21 =	vsel vm4, v12, v0;
	v12 =	vshrl.u32 v17, $0x13;
	v18 =	vshrl.u32 v13, $0x13  }
0x1a2: {  	v63 =	vld [tilespmem:s28+$0xFFFFFFF0];
	[tilespmem:s24+$0x30] =	vst v7;
	v20 =	vsel vm3, v11, v0;
	v13 =	vand.u32 $0x7FFFF, v13;
	vm6 =	veq.s32 v18, v4  }
0x1a3: {  	[tilespmem:s24+$0xFFFFFFE0] =	vst v9;
	v7 =	vsel vm6, v13, v0;
	v13 =	vsel vm1, v8, v0;
	v8 =	vld [tilespmem:s28+$0x0];
	v11 =	vshrl.u32 v14, $0x13  }
0x1a4: {  	v9 =	vshrl.u32 v16, $0x13;
	[tilespmem:s24+$0xFFFFFFC0] =	vst v7;
	v7 =	vld [tilespmem:s28+$0x10];
	vm1 =	veq.s32 v11, v4;
	v11 =	vand.u32 $0x7FFFF, v14  }
0x1a5: {  	[tilespmem:s24+$0xFFFFFFF0] =	vst v19;
	vm0 =	veq.s32 v12, v4;
	v12 =	vsel vm1, v11, v0;
	vm1 =	veq.s32 v9, v4;
	v9 =	vld [tilespmem:s28+$0x20]  }
0x1a6: {  	v15 =	vand.u32 $0x7FFFF, v15;
	[tilespmem:s24+$0x10] =	vst v21;
	v14 =	vld [tilespmem:s28+$0xFFFFFFC0]  }
0x1a7: {  	v10 =	vsel vm5, v15, v0;
	[tilespmem:s24+$0xFFFFFFD0] =	vst v13;
	v13 =	vshrl.u32 v63, $0x13;
	v11 =	vand.u32 $0x7FFFF, v17  }
0x1a8: {  	s25 =	simm.s32 $0x80C0;
	[tilespmem:s24+$0x0] =	vst v20;
	vm2 =	veq.s32 v13, v4;
	v13 =	vand.u32 $0x7FFFF, v63;
	v15 =	vshrl.u32 v8, $0x13  }
0x1a9: {  	s26 =	simm.s32 $0x80;
	s28 =	simm.s32 $0xC140;
	[tilespmem:s25+$0x30] =	vst v12;
	v12 =	vand.u32 $0x7FFFF, v16;
	vm3 =	veq.s32 v15, v4;
	v15 =	vshrl.u32 v7, $0x13  }
.LBB2_18:
0x1aa: {  	v16 =	vld [tilespmem:s28+$0x30];
	s26 =	sadd.s32 $0x80, s26;
	v17 =	vand.u32 $0x7FFFF, v8;
	vm4 =	veq.s32 v15, v4;
	v8 =	vshrl.u32 v9, $0x13;
	[tilespmem:s24+$0x20] =	vst v10;
	s24 =	smov.u32 s25  }
0x1ab: {  	v15 =	vld [tilespmem:s28+$0xFFFFFFD0];
	p0 =	slt.u32 s26, $0x3F80;
	v10 =	vshrl.u32 v14, $0x13;
	v14 =	vand.u32 $0x7FFFF, v14;
	vm5 =	veq.s32 v8, v4  }
0x1ac: {  	v7 =	vand.u32 $0x7FFFF, v7;
	v9 =	vand.u32 $0x7FFFF, v9;
	v18 =	vld [tilespmem:s28+$0xFFFFFFE0];
	vm6 =	veq.s32 v10, v4  }
0x1ad: {  	v11 =	vsel vm0, v11, v0;
	v12 =	vsel vm1, v12, v0;
	v19 =	vld [tilespmem:s28+$0xFFFFFFF0];
	v10 =	vsel vm6, v14, v0  }
0x1ae: {  	v13 =	vsel vm2, v13, v0;
	v17 =	vsel vm3, v17, v0;
	v20 =	vsel vm4, v7, v0;
	v8 =	vld [tilespmem:s28+$0x0];
	[tilespmem:s25+$0xFFFFFFC0] =	vst v10  }
0x1af: {  	v10 =	vsel vm5, v9, v0;
	v7 =	vld [tilespmem:s28+$0x10];
	v14 =	vshrl.u32 v16, $0x13;
	[tilespmem:s25+$0xFFFFFFD0] =	vst v11  }
.Ltmp8:
0x1b0: {  	v16 =	vand.u32 $0x7FFFF, v16;
	v11 =	vshrl.u32 v15, $0x13;
	v9 =	vld [tilespmem:s28+$0x20];
	vm1 =	veq.s32 v14, v4;
	[tilespmem:s25+$0xFFFFFFE0] =	vst v12;
	(pc) =	sbr.rel @p0 .LBB2_18-.Ltmp8, $4  }
0x1b1: {  	s25 =	sadd.s32 $0x80, s25;
	v14 =	vld [tilespmem:s28+$0xFFFFFFC0];
	vm0 =	veq.s32 v11, v4;
	v12 =	vshrl.u32 v18, $0x13;
	v16 =	vsel vm1, v16, v0;
	[tilespmem:s24+$0xFFFFFFF0] =	vst v13  }
0x1b2: {  	v11 =	vand.u32 $0x7FFFF, v15;
	vm1 =	veq.s32 v12, v4;
	v13 =	vshrl.u32 v19, $0x13;
	[tilespmem:s25+$0x30] =	vst v16  }
0x1b3: {  	v12 =	vand.u32 $0x7FFFF, v18;
	vm2 =	veq.s32 v13, v4;
	v15 =	vshrl.u32 v8, $0x13;
	[tilespmem:s24+$0x0] =	vst v17  }
0x1b4: {  	s28 =	sadd.s32 $0x80, s28;
	v13 =	vand.u32 $0x7FFFF, v19;
	vm3 =	veq.s32 v15, v4;
	v15 =	vshrl.u32 v7, $0x13;
	[tilespmem:s24+$0x10] =	vst v20  }
0x1b5: {  	[tilespmem:s24+$0x20] =	vst v10;
	v11 =	vsel vm0, v11, v0  }
0x1b6: {  	v60 =	vsel vm1, v12, v0;
	v8 =	vand.u32 $0x7FFFF, v8;
	[tilespmem:s25+$0xFFFFFFD0] =	vst v11  }
0x1b7: {  	vm14 =	veq.s32 v15, v4;
	v61 =	vsel vm2, v13, v0;
	v62 =	vshrl.u32 v9, $0x13;
	[tilespmem:s25+$0xFFFFFFE0] =	vst v60  }
0x1b8: {  	v7 =	vand.u32 $0x7FFFF, v7;
	v63 =	vand.u32 $0x7FFFF, v9;
	v8 =	vsel vm3, v8, v0;
	[tilespmem:s25+$0xFFFFFFF0] =	vst v61  }
0x1b9: {  	v16 =	vshrl.u32 v14, $0x13;
	vm15 =	veq.s32 v62, v4;
	v7 =	vsel vm14, v7, v0;
	[tilespmem:s25+$0x0] =	vst v8  }
0x1ba: {  	v58 =	vand.u32 $0x7FFFF, v14;
	vm4 =	veq.s32 v16, v4;
	v8 =	vsel vm15, v63, v0;
	[tilespmem:s25+$0x10] =	vst v7  }
0x1bb: {  	v59 =	vsel vm4, v58, v0;
	[tilespmem:s25+$0x20] =	vst v8  }
0x1bc: {  	[tilespmem:s25+$0xFFFFFFC0] =	vst v59  }
0x1bd: {  	_ =	strace $0x9000005D  }
0x1be: {  	_ =	strace $0x8000005E  }
0x1bf: {  	_ =	swait.ge [sflag:s16], $0x4000  }
0x1c0: {  	[sflag:s16] =	ssyncset.done $0x0  }
0x1c1: {  	[sflag:s16] =	ssyncadd.s32 $0xFFFFC000  }
0x1c2: {  	_ =	swait.ge [sflag:s16], $0x4000  }
0x1c3: {  	[sflag:s16] =	ssyncset.done $0x0  }
0x1c4: {  	[sflag:s16] =	ssyncadd.s32 $0xFFFFC000  }
0x1c5: {  	_ =	strace $0x9000005E  }
0x1c6: {  	[bflag:$0x0] =	sbarrier.arrive $0xFFFF  }
0x1c7: {  	s31 =	simm.s32 $0x8000;
	_ =	strace $0x8000005F  }
0x1c8: {  	[spmem:s1] =	stream.indirect.scatter [tilespmem:s18], [sflag:$0x3], $0x1, s31, s17, $0x2000b8;
	[tilespmem:$0x1C0A0] =	vst v63  }
0x1c9: {  	s25 =	simm.s32 $0x8080  }
0x1ca: {  	[spmem:s1] =	stream.indirect.scatter [tilespmem:s18], [sflag:$0x3], $0x1, s25, s17, $0x2000b8;
	[tilespmem:$0x1C0A0] =	vst v63  }
0x1cb: {  	s26 =	simm.s32 $0x8100  }
0x1cc: {  	[spmem:s1] =	stream.indirect.scatter [tilespmem:s18], [sflag:$0x3], $0x1, s26, s17, $0x2000b8;
	[tilespmem:$0x1C0A0] =	vst v63  }
0x1cd: {  	s28 =	simm.s32 $0x8180  }
0x1ce: {  	[spmem:s1] =	stream.indirect.scatter [tilespmem:s18], [sflag:$0x3], $0x1, s28, s17, $0x2000b8;
	[tilespmem:$0x1C0A0] =	vst v63  }
0x1cf: {  	s29 =	simm.s32 $0x8200  }
0x1d0: {  	[spmem:s1] =	stream.indirect.scatter [tilespmem:s18], [sflag:$0x3], $0x1, s29, s17, $0x2000b8;
	[tilespmem:$0x1C0A0] =	vst v63  }
0x1d1: {  	s30 =	simm.s32 $0x8280;
	s24 =	simm.s32 $0x0  }
0x1d2: {  	[spmem:s1] =	stream.indirect.scatter [tilespmem:s18], [sflag:$0x3], $0x1, s30, s17, $0x2000b8;
	[tilespmem:$0x1C0A0] =	vst v63  }
0x1d3: {  	s31 =	simm.s32 $0x8300;
	s25 =	simm.s32 $0x8780;
	s26 =	simm.s32 $0x8380  }
0x1d4: {  	[spmem:s1] =	stream.indirect.scatter [tilespmem:s18], [sflag:$0x3], $0x1, s31, s17, $0x2000b8;
	[tilespmem:$0x1C0A0] =	vst v63  }
.LBB2_20:
0x1d5: {  	[spmem:s1] =	stream.indirect.scatter [tilespmem:s18], [sflag:$0x3], $0x1, s26, s17, $0x2000b8;
	[tilespmem:$0x1C0A0] =	vst v63  }
0x1d6: {  	s28 =	sadd.s32 $0xFFFFFC80, s25;
	s24 =	sadd.s32 $0x8, s24;
	s26 =	smov.u32 s25  }
0x1d7: {  	[spmem:s1] =	stream.indirect.scatter [tilespmem:s18], [sflag:$0x3], $0x1, s28, s17, $0x2000b8;
	[tilespmem:$0x1C0A0] =	vst v63  }
0x1d8: {  	p0 =	slt.u32 s24, $0x78;
	s28 =	sadd.s32 $0xFFFFFD00, s25  }
0x1d9: {  	[spmem:s1] =	stream.indirect.scatter [tilespmem:s18], [sflag:$0x3], $0x1, s28, s17, $0x2000b8;
	[tilespmem:$0x1C0A0] =	vst v63  }
0x1da: {  	s28 =	sadd.s32 $0xFFFFFD80, s25  }
0x1db: {  	[spmem:s1] =	stream.indirect.scatter [tilespmem:s18], [sflag:$0x3], $0x1, s28, s17, $0x2000b8;
	[tilespmem:$0x1C0A0] =	vst v63  }
0x1dc: {  	s28 =	sadd.s32 $0xFFFFFE00, s25  }
0x1dd: {  	[spmem:s1] =	stream.indirect.scatter [tilespmem:s18], [sflag:$0x3], $0x1, s28, s17, $0x2000b8;
	[tilespmem:$0x1C0A0] =	vst v63  }
0x1de: {  	s28 =	sadd.s32 $0xFFFFFE80, s25  }
0x1df: {  	[spmem:s1] =	stream.indirect.scatter [tilespmem:s18], [sflag:$0x3], $0x1, s28, s17, $0x2000b8;
	[tilespmem:$0x1C0A0] =	vst v63  }
.Ltmp9:
0x1e0: {  	s28 =	sadd.s32 $0xFFFFFF00, s25;
	(pc) =	sbr.rel @p0 .LBB2_20-.Ltmp9, $4  }
0x1e1: {  	[spmem:s1] =	stream.indirect.scatter [tilespmem:s18], [sflag:$0x3], $0x1, s28, s17, $0x2000b8;
	[tilespmem:$0x1C0A0] =	vst v63  }
0x1e2: {  	s28 =	sadd.s32 $0xFFFFFF80, s25  }
0x1e3: {  	[spmem:s1] =	stream.indirect.scatter [tilespmem:s18], [sflag:$0x3], $0x1, s28, s17, $0x2000b8;
	[tilespmem:$0x1C0A0] =	vst v63  }
0x1e4: {  	s25 =	sadd.s32 $0x400, s25  }
0x1e5: {  	[spmem:s1] =	stream.indirect.scatter [tilespmem:s18], [sflag:$0x3], $0x1, s26, s17, $0x2000b8;
	[tilespmem:$0x1C0A0] =	vst v63  }
0x1e6: {  	_ =	swait.ge [sflag:s19], $0x4000  }
0x1e7: {  	[sflag:s19] =	ssyncset.done $0x0  }
0x1e8: {  	[sflag:s19] =	ssyncadd.s32 $0xFFFFC000  }
0x1e9: {  	_ =	strace $0x9000005F  }
0x1ea: {  	[bflag:$0x0] =	sbarrier.arrive $0xFFFF  }
0x1eb: {  	s21 =	sadd.s32 $0x1, s21;
	_ =	strace $0x80000060  }
0x1ec: {  	[hbm:s11], [sflag:s22] =	dma.local [spmem:s23], $0x1000  }
0x1ed: {  	p0 =	sne.s32 s21, s12;
	_ =	strace $0x90000060  }
.Ltmp10:
0x1ee: {  	_ =	strace $0x80000061;
	(pc) =	sbr.rel @p0 .LBB2_1-.Ltmp10, $4  }
0x1ef: {  	_ =	swait.ge [sflag:s20], $0x1000  }
0x1f0: {  	[sflag:s20] =	ssyncset.done $0x0  }
0x1f1: {  	[sflag:s20] =	ssyncadd.s32 $0xFFFFF000  }
0x1f2: {  	_ =	strace $0x90000061  }
0x1f3: {  	_ =	sfence.sel $0x180000  }
0x1f4: {  	[bflag:$0x0] =	sbarrier.arrive $0xFFFF  }
0x1f5: {  	p0 =	sne.s32 s2, $0x0;
	_ =	strace $0x90000047  }
0x1f6: {  	s0 =	sadd.s32 @!p0 $0x100000, s0;
	[bflag:$0x2] =	sbarrier.arrive $0xFFFF  }
0x1f7: {  	[sflag:s0] =	ssyncadd.tile.s32 @!p0 $0x1;
	_ =	shalt  }
.Lfunc_end2:
_tile_overlayer_lowered:
.L_overlay_start_2:
0x1f8: {  	(tag) =	ssettag $0x2  }
0x1f9: {  	s0 =	rddreg [dreg:$0x0];
	s2 =	stileid.u32  }
0x1fa: {  	s1 =	rddreg [dreg:$0x1];
	p0 =	sne.s32 s2, $0x0  }
0x1fb: {  	s3 =	rddreg [dreg:$0x2];
	[bflag:$0x3] =	sbarrier.arrive $0xFFFF;
	s2 =	simm.s32 @!p0 $0x1C05  }
0x1fc: {  	[timem:s3], [sflag:s2] =	dma.local @!p0 [hbm:s0], s1  }
0x1fd: {  	s0 =	simm.s32 @!p0 $0x5  }
0x1fe: {  	_ =	swait.ge @!p0 [sflag:s0], s1  }
0x1ff: {  	s1 =	ssub.s32 @!p0 $0x0, s1;
	[sflag:s0] =	ssyncset.done @!p0 $0x0  }
0x200: {  	[sflag:s0] =	ssyncadd.s32 @!p0 s1  }
0x201: {  	[bflag:$0x3] =	sbarrier.arrive $0xFFFF  }
0x202: {  	_ =	shalt  }

// kernel: kernel.16.cloned.1.call-start
scs
__scs_entry_jumppad:
0x0: {  	(pc) =	sbr.rel $0x88, $3  }
0x1: {  	(tag) =	ssettag $0x0;
	lr =	simm.s32 $0x1  }
0x2: {  	[smem:$0x3F97] =	sst lr;
	_ =	strace $0xD0000000  }
0x3: {  	_ = 	snop  }
0x4: {  	_ = 	snop  }
0x5: {  	_ = 	snop  }
0x6: {  	_ = 	snop  }
0x7: {  	_ = 	snop  }
__scs_overlays_trampoline_lowered:
0x8: {  	[smem:$0x3FA6] =	sst s0  }
0x9: {  	[smem:$0x3FA7] =	sst s1  }
0xa: {  	[smem:$0x3FA8] =	sst s2  }
0xb: {  	[smem:$0x3FA9] =	sst s3  }
0xc: {  	[smem:$0x3FAA] =	sst s4  }
0xd: {  	[smem:$0x3FAB] =	sst s5  }
0xe: {  	[smem:$0x3FAC] =	sst s6  }
0xf: {  	[smem:$0x3FAD] =	sst s7  }
0x10: {  	[smem:$0x3FAE] =	sst s8  }
0x11: {  	[smem:$0x3FAF] =	sst s9;
	s0 =	simm.s32 @!p0 $0x0  }
0x12: {  	s1 =	sld [smem:$0x3F95];
	s0 =	simm.s32 @p0 $0x1  }
0x13: {  	[smem:$0x3FB0] =	sst s0;
	s0 =	simm.s32 @!p1 $0x0  }
0x14: {  	s2 =	sld [smem:$0x3F94];
	s0 =	simm.s32 @p1 $0x1  }
0x15: {  	[smem:$0x3FB1] =	sst s0;
	s0 =	simm.s32 @!p2 $0x0  }
0x16: {  	s3 =	sld [smem:$0x3FDB];
	s0 =	simm.s32 @p2 $0x1  }
0x17: {  	s4 =	simm.s32 $0x1BF5;
	[smem:$0x3FB3] =	sst s0  }
0x18: {  	s0 =	sld [smem:$0x3F96];
	_ =	swait.ge [sflag:s4], $0x0  }
0x19: {  	s7 =	sld [smem:$0x3F97]  }
0x1a: {  	s8 =	sadd.s32 $0xFFFFE003, lr  }
0x1b: {  	s9 =	sadd.s32 $0xFFFFFEF7, lr;
	s5 =	simm.s32 $0xFFFFFFFF;
	p2 =	slt.u32 s8, $0xFFFFF086  }
0x1c: {  	p1 =	slt.u32 s9, $0xF7A;
	s5 =	simm.s32 @!p2 $0x0  }
0x1d: {  	s5 =	simm.s32 @p1 $0x1;
	p0 =	seq.s32 s7, s2  }
0x1e: {  	s7 =	smul.u32 @!p0 $0xF7A, s2;
	p2 =	seq.s32 @!p0 s5, $0x0  }
0x1f: {  	s9 =	smul.u32 $0xF7A, s1;
	s8 =	simm.s32 @!p0 $0x1BF5;
	p2 =	por !p2, p0  }
0x20: {  	[sflag:s8] =	ssyncset.s32 @!p0 $0xFFFFF086;
	s6 =	sadd.s32 @!p0 s3, s7;
	s7 =	simm.s32 @!p0 $0x108  }
0x21: {  	s3 =	sadd.s32 s3, s9;
	s6 =	sadd.s32 @!p0 $0x88, s6;
	s7 =	simm.s32 @p2 $0x1082  }
0x22: {  	[simem:s7], [sflag:s8] =	dma.local @!p0 [hbm:s6], $0xF7A  }
0x23: {  	s9 =	sor.u32 $0xD0000000, s2;
	s6 =	simm.s32 $0x108;
	_ =	swait.ge @!p0 [sflag:s8], $0x0  }
0x24: {  	s3 =	sadd.s32 $0x88, s3;
	s6 =	simm.s32 @!p1 $0x1082;
	[sflag:s4] =	ssyncset.s32 $0xFFFFF086  }
0x25: {  	[simem:s6], [sflag:s4] =	dma.local [hbm:s3], $0xF7A  }
0x26: {  	[smem:$0x3F97] =	sst s1;
	(tag) =	ssettag s2;
	_ =	strace s9  }
0x27: {  	s1 =	sld [smem:$0x3FA7]  }
0x28: {  	s2 =	sld [smem:$0x3FA8]  }
0x29: {  	s4 =	sld [smem:$0x3FAA]  }
0x2a: {  	p0 =	seq.s32 s5, $0x0;
	s5 =	sld [smem:$0x3FAB]  }
0x2b: {  	s6 =	sld [smem:$0x3FAC]  }
0x2c: {  	s7 =	sld [smem:$0x3FAD]  }
0x2d: {  	s3 =	simm.s32 $0x108;
	s8 =	sld [smem:$0x3FAE]  }
0x2e: {  	s3 =	simm.s32 @!p0 $0x1082;
	s9 =	sld [smem:$0x3FAF]  }
0x2f: {  	lr =	sadd.s32 s0, s3;
	s0 =	sld [smem:$0x3FA6]  }
0x30: {  	s3 =	sld [smem:$0x3FA9]  }
0x31: {  	[smem:$0x3FB2] =	sst s10  }
0x32: {  	s10 =	sld [smem:$0x3FB0];
	_ =	sdelay $0x3  }
0x33: {  	p0 =	seq.s32 s10, $0x1;
	s10 =	sld [smem:$0x3FB2];
	_ =	sdelay $0x3  }
0x34: {  	[smem:$0x3FB2] =	sst s10  }
0x35: {  	s10 =	sld [smem:$0x3FB1];
	_ =	sdelay $0x3  }
0x36: {  	p1 =	seq.s32 s10, $0x1;
	s10 =	sld [smem:$0x3FB2];
	_ =	sdelay $0x3  }
0x37: {  	[smem:$0x3FB2] =	sst s10  }
0x38: {  	s10 =	sld [smem:$0x3FB3]  }
0x39: {  	_ = 	snop;
	(pc) =	sbr.ind lr, $3  }
0x3a: {  	_ = 	snop  }
0x3b: {  	_ = 	snop  }
0x3c: {  	p2 =	seq.s32 s10, $0x1;
	s10 =	sld [smem:$0x3FB2]  }
0x3d: {  	_ =	shalt  }
0x3e: {  	_ =	shalt  }
0x3f: {  	_ =	shalt  }
0x40: {  	_ =	shalt  }
0x41: {  	_ =	shalt  }
0x42: {  	_ =	shalt  }
0x43: {  	_ =	shalt  }
0x44: {  	_ =	shalt  }
0x45: {  	_ =	shalt  }
0x46: {  	_ =	shalt  }
0x47: {  	_ =	shalt  }
0x48: {  	_ =	shalt  }
0x49: {  	_ =	shalt  }
0x4a: {  	_ =	shalt  }
0x4b: {  	_ =	shalt  }
0x4c: {  	_ =	shalt  }
0x4d: {  	_ =	shalt  }
0x4e: {  	_ =	shalt  }
0x4f: {  	_ =	shalt  }
0x50: {  	_ =	shalt  }
0x51: {  	_ =	shalt  }
0x52: {  	_ =	shalt  }
0x53: {  	_ =	shalt  }
0x54: {  	_ =	shalt  }
0x55: {  	_ =	shalt  }
0x56: {  	_ =	shalt  }
0x57: {  	_ =	shalt  }
0x58: {  	_ =	shalt  }
0x59: {  	_ =	shalt  }
0x5a: {  	_ =	shalt  }
0x5b: {  	_ =	shalt  }
0x5c: {  	_ =	shalt  }
0x5d: {  	_ =	shalt  }
0x5e: {  	_ =	shalt  }
0x5f: {  	_ =	shalt  }
0x60: {  	_ =	shalt  }
0x61: {  	_ =	shalt  }
0x62: {  	_ =	shalt  }
0x63: {  	_ =	shalt  }
0x64: {  	_ =	shalt  }
0x65: {  	_ =	shalt  }
0x66: {  	_ =	shalt  }
0x67: {  	_ =	shalt  }
0x68: {  	_ =	shalt  }
0x69: {  	_ =	shalt  }
0x6a: {  	_ =	shalt  }
0x6b: {  	_ =	shalt  }
0x6c: {  	_ =	shalt  }
0x6d: {  	_ =	shalt  }
0x6e: {  	_ =	shalt  }
0x6f: {  	_ =	shalt  }
0x70: {  	_ =	shalt  }
0x71: {  	_ =	shalt  }
0x72: {  	_ =	shalt  }
0x73: {  	_ =	shalt  }
0x74: {  	_ =	shalt  }
0x75: {  	_ =	shalt  }
0x76: {  	_ =	shalt  }
0x77: {  	_ =	shalt  }
0x78: {  	_ =	shalt  }
0x79: {  	_ =	shalt  }
0x7a: {  	_ =	shalt  }
0x7b: {  	_ =	shalt  }
0x7c: {  	_ =	shalt  }
0x7d: {  	_ =	shalt  }
0x7e: {  	_ =	shalt  }
0x7f: {  	_ =	shalt  }
0x80: {  	_ =	shalt  }
0x81: {  	_ =	shalt  }
0x82: {  	_ =	shalt  }
0x83: {  	_ =	shalt  }
0x84: {  	_ =	shalt  }
0x85: {  	_ =	shalt  }
0x86: {  	_ =	shalt  }
0x87: {  	_ =	shalt  }
.Lfunc_end0:
.L_simem_size_0:
called_computation.2_lowered:
.L_overlay_start_0:
0x88: {  	s2 =	sld [smem:$0x3FD9]  }
0x89: {  	s3 =	sld [smem:$0x3FFE];
	_ =	sdelay $0x1  }
0x8a: {  	s1 =	srdreg.scid  }
0x8b: {  	s0 =	sand.u32 $0x1, s1  }
0x8c: {  	s17 =	sshll.u32 s0, $0xA;
	s2 =	sadd.s32 s3, s2  }
0x8d: {  	s2 =	sadd.s32 s2, s17  }
0x8e: {  	[smem:$0x3FBE] =	sst s2  }
0x8f: {  	_ = 	snop  }
0x90: {  	(tm) =	ssettm $0x1  }
0x91: {  	s18 =	sld [smem:$0x3FFB];
	_ =	sdelay $0x3  }
0x92: {  	_ =	strace s18  }
0x93: {  	s2 =	sld [smem:$0x3FFC];
	_ =	sdelay $0x3  }
0x94: {  	_ =	strace s2  }
0x95: {  	s2 =	sld [smem:$0x3FFD];
	_ =	sdelay $0x3  }
0x96: {  	_ =	strace s2  }
0x97: {  	_ =	strace $0x8FFFFFFF  }
0x98: {  	s19 =	sld [smem:$0x3FDB];
	_ =	sdelay $0x1  }
0x99: {  	s20 =	simm.s32 $_scs_section_size  }
0x9a: {  	s4 =	simm.s32 $_size__tile_overlayer_lowered;
	s5 =	simm.s32 $_tile_overlayer_lowered  }
0x9b: {  	s6 =	simm.s32 $0x1BFF;
	s21 =	sshll.u32 s5, $0x1;
	s3 =	sadd.s32 s20, s19  }
0x9c: {  	s22 =	simm.s32 $0x0;
	s4 =	sshll.u32 s4, $0x1;
	s5 =	sadd.s32 s21, s3  }
0x9d: {  	[timem:s22], [sflag:s6] =	dma.local [hbm:s5], s4  }
0x9e: {  	_ =	swait.ge [sflag:s6], s4  }
0x9f: {  	s4 =	ssub.s32 $0x0, s4;
	[sflag:s6] =	ssyncset.done $0x0  }
0xa0: {  	[sflag:s6] =	ssyncadd.s32 s4;
	_ =	sdelay $0x1  }
0xa1: {  	s23 =	simm.s32 $0x1B8B  }
0xa2: {  	_ =	swait.ge [sflag:s23], $0x1  }
0xa3: {  	[sflag:s23] =	ssyncset.done $0x0  }
0xa4: {  	[sflag:s23] =	ssyncadd.s32 $0xFFFFFFFF  }
0xa5: {  	s4 =	sld [smem:$0x0]  }
0xa6: {  	s5 =	sand.u32 $0xFFFFFFFE, s1  }
0xa7: {  	p0 =	sne.s32 s1, s5  }
0xa8: {  	s5 =	sshll.u32 @p0 s5, $0xE  }
0xa9: {  	s5 =	sadd.s32 @p0 $0x11B8D, s5;
	s6 =	sshll.u32 @p0 s4, $0x11  }
0xaa: {  	s5 =	sor.u32 @p0 s6, s5  }
0xab: {  	[sflag:s5] =	ssyncadd.remote.s32 @p0 $0x1;
	_ =	sdelay $0x1  }
0xac: {  	s5 =	simm.s32 @p0 $0x1B8D  }
0xad: {  	_ =	swait.eq @p0 [sflag:s5], $0x1  }
0xae: {  	[sflag:s5] =	ssyncadd.s32 @p0 $0xFFFFFFFF  }
0xaf: {  	s6 =	sshll.u32 @!p0 s1, $0xE  }
0xb0: {  	s6 =	sor.u32 @!p0 $0x4000, s6;
	s5 =	simm.s32 @!p0 $0x1B8D  }
0xb1: {  	s4 =	sshll.u32 @!p0 s4, $0x11;
	s6 =	sadd.s32 @!p0 $0x11B8D, s6;
	_ =	swait.eq @!p0 [sflag:s5], $0x1  }
0xb2: {  	s4 =	sor.u32 @!p0 s4, s6;
	[sflag:s5] =	ssyncadd.s32 @!p0 $0xFFFFFFFF  }
0xb3: {  	s25 =	simm.s32 $0x1B8E;
	s24 =	sld [smem:$0x3FFE];
	[sflag:s4] =	ssyncadd.remote.s32 @!p0 $0x1  }
0xb4: {  	s26 =	simm.s32 $execute0_lowered;
	[smem:$0x3FD2] =	sst s25  }
0xb5: {  	s5 =	sshll.u32 s26, $0x1;
	_ =	strace $0x80000063;
	[dreg:$0x1] =	wrdreg $0xFFFFFFFF  }
0xb6: {  	s28 =	simm.s32 $_size_execute0_lowered;
	s3 =	sadd.s32 s3, s5;
	[dreg:$0x0] =	wrdreg $0x0  }
0xb7: {  	s5 =	sshll.u32 s28, $0x1;
	[dreg:$0x2] =	wrdreg s3  }
0xb8: {  	[dreg:$0x3] =	wrdreg s5  }
0xb9: {  	[dreg:$0x4] =	wrdreg $0xC0  }
0xba: {  	_ =	task [dreg:s22], $0x5FFFF  }
0xbb: {  	[dreg:$0x1] =	wrdreg $0xFFFFFFFF  }
0xbc: {  	[dreg:$0x0] =	wrdreg $0x60  }
0xbd: {  	[dreg:$0x2] =	wrdreg s24  }
0xbe: {  	[dreg:$0x3] =	wrdreg $0x140800  }
0xbf: {  	[dreg:$0x4] =	wrdreg $0xB  }
0xc0: {  	_ =	task.clear_ibuf [dreg:s22], $0x5FFFF;
	_ =	strace $0x90000063  }
0xc1: {  	s29 =	simm.s32 $0xB;
	_ =	strace $0x8000007F  }
0xc2: {  	_ =	swait.ge [sflag:s29], $0x1  }
0xc3: {  	[sflag:s29] =	ssyncadd.s32 $0xFFFFFFFF  }
0xc4: {  	_ =	strace $0x9000007F  }
0xc5: {  	_ =	sfence  }
0xc6: {  	s30 =	sld [smem:$0x0];
	_ =	sdelay $0x2  }
0xc7: {  	s31 =	sshll.u32 s1, $0xD;
	s1 =	sshrl.u32 s1, $0x2  }
0xc8: {  	s4 =	sand.u32 $0x4000, s31;
	s1 =	sadd.s32 s1, s30  }
0xc9: {  	s0 =	sor.u32 s4, s0;
	s1 =	sshll.u32 s1, $0x11  }
0xca: {  	s0 =	sor.u32 s1, s0  }
0xcb: {  	s0 =	sadd.s32 $0x8F2B, s0  }
0xcc: {  	[sflag:s0] =	ssyncadd.remote.s32 $0x1  }
0xcd: {  	_ =	sfence.sel $0xFFFF  }
0xce: {  	[dreg:$0x0] =	wrdreg $0xFFFFFFFF;
	(pc) =	sbr.abs _section_cstart, $3  }
0xcf: {  	[dreg:$0x1] =	wrdreg $0xFFFFFFFF  }
0xd0: {  	_ =	task.clear_ibuf [dreg:s22], $0x2FFFF;
	_ =	strace $0x9FFFFFFF  }
0xd1: {  	(tm) =	ssettm $0x7FFFFFFF  }
tec
execute0_lowered:
.L_overlay_start_1:
0x0: {  	(tag) =	ssettag $0x1  }
0x1: {  	s4 =	rddreg [dreg:$0x0]  }
0x2: {  	s1 =	rddreg [dreg:$0x1]  }
0x3: {  	s0 =	rddreg [dreg:$0x2];
	s3 =	simm.s32 $0x0;
	s5 =	srdreg.scid  }
0x4: {  	s2 =	stileid.u32;
	s15 =	simm.s32 $0x10000;
	s20 =	simm.s32 $0x4  }
0x5: {  	s21 =	simm.s32 $0x0;
	[smem:$0x7FF] =	sst s3;
	s6 =	sand.u32 $0x1, s5  }
0x6: {  	s7 =	sshll.u32 s2, $0xF;
	s8 =	sshll.u32 s2, $0xB;
	s31 =	sshll.u32 s2, $0x4  }
0x7: {  	_ =	strace $0x80000064;
	s5 =	sshll.u32 s6, $0x15;
	s9 =	ssub.s32 $0x2, s6  }
0x8: {  	s8 =	sadd.s32 s8, s4;
	s13 =	sshll.u32 s6, $0x2;
	s14 =	sor.u32 $0x80000, s31  }
0x9: {  	s6 =	sadd.s32 s7, s1;
	s5 =	sor.u32 s7, s5;
	s10 =	sshrl.u32 s9, $0x1  }
0xa: {  	s16 =	sor.u32 $0x10, s13;
	s7 =	sadd.s32 $0x4000, s6;
	s17 =	sor.u32 $0x11, s13  }
0xb: {  	v0 =	vlaneseq.u32;
	s18 =	sor.u32 $0x12, s13;
	s19 =	sor.u32 $0x13, s13;
	s13 =	simm.s32 $0x4000  }
0xc: {  	v0 =	vor.u32 s14, v0;
	s14 =	simm.s32 $0x1;
	s5 =	sshrl.u32 s5, $0x3;
	s12 =	ssub.s32 s9, s10  }
0xd: {  	v1 =	vmov s16;
	v2 =	vmov s17;
	v3 =	vmov s18;
	s16 =	simm.s32 $0x2;
	s17 =	simm.s32 $0x80;
	s18 =	simm.s32 $0x14000  }
0xe: {  	v4 =	vmov s19;
	s19 =	simm.s32 $0x3;
	s11 =	sadd.s32 s5, s4;
	s4 =	sadd.s32 $0xAA00, s8  }
0xf: {  	s5 =	sadd.s32 $0x2A00, s8;
	s12 =	smax.u32 s12, $0x1;
	s8 =	sadd.s32 $0x92A00, s11  }
0x10: {  	v5 =	vimm.f32 $0.0e+00;
	v6 =	vimm.f32 $1.000000000e+00;
	s9 =	sadd.s32 $0xA2A00, s11;
	s10 =	sadd.s32 $0xB2A00, s11;
	s11 =	sadd.s32 $0xC2A00, s11  }
.LBB2_1:
0x11: {  	[tilespmem:s3], [sflag:$0x1] =	stream.linear.gather [hbm4b:s4+s3], $0x4000, $0x38;
	[tilespmem:$0x1C0A0] =	vst v63  }
0x12: {  	s22 =	simm.s32 $0x10040  }
0x13: {  	[tilespmem:s13], [sflag:$0x1] =	stream.linear.gather [hbm4b:s5+s3], $0x4000, $0x38;
	[tilespmem:$0x1C0A0] =	vst v63  }
0x14: {  	_ =	strace $0x80000065;
	[tilespmem:s22+$0xFFFFFFC0] =	vst v5  }
0x15: {  	[tilespmem:s22+$0x30] =	vst v5  }
0x16: {  	[tilespmem:s22+$0x20] =	vst v5  }
0x17: {  	[tilespmem:s22+$0x10] =	vst v5  }
0x18: {  	[tilespmem:s22+$0x0] =	vst v5  }
0x19: {  	[tilespmem:s22+$0xFFFFFFF0] =	vst v5  }
0x1a: {  	s23 =	simm.s32 $0x0;
	[tilespmem:s22+$0xFFFFFFE0] =	vst v5  }
.LBB2_2:
0x1b: {  	s23 =	sadd.s32 $0x80, s23;
	[tilespmem:s22+$0xFFFFFFD0] =	vst v5;
	s22 =	sadd.s32 $0x80, s22  }
0x1c: {  	[tilespmem:s22+$0xFFFFFFC0] =	vst v5;
	p0 =	slt.u32 s23, $0x3F80  }
0x1d: {  	[tilespmem:s22+$0x30] =	vst v5  }
.Ltmp0:
0x1e: {  	[tilespmem:s22+$0x20] =	vst v5;
	(pc) =	sbr.rel @p0 .LBB2_2-.Ltmp0, $4  }
0x1f: {  	[tilespmem:s22+$0x10] =	vst v5  }
0x20: {  	[tilespmem:s22+$0x0] =	vst v5  }
0x21: {  	[tilespmem:s22+$0xFFFFFFF0] =	vst v5  }
0x22: {  	[tilespmem:s22+$0xFFFFFFE0] =	vst v5  }
0x23: {  	[tilespmem:s22+$0xFFFFFFD0] =	vst v5  }
0x24: {  	[tilespmem:$0x14000] =	vst v6  }
0x25: {  	[tilespmem:$0x14010] =	vst v6  }
0x26: {  	[tilespmem:$0x14020] =	vst v6  }
0x27: {  	[tilespmem:$0x14030] =	vst v6  }
0x28: {  	[tilespmem:$0x14040] =	vst v6  }
0x29: {  	[tilespmem:$0x14050] =	vst v6  }
0x2a: {  	[tilespmem:$0x14060] =	vst v6  }
0x2b: {  	[tilespmem:$0x14070] =	vst v6  }
0x2c: {  	_ =	strace $0x90000065  }
0x2d: {  	_ =	swait.ge [sflag:s14], $0x4000  }
0x2e: {  	[sflag:s14] =	ssyncset.done $0x0  }
0x2f: {  	[sflag:s14] =	ssyncadd.s32 $0xFFFFC000  }
0x30: {  	_ =	swait.ge [sflag:s14], $0x4000  }
0x31: {  	[sflag:s14] =	ssyncset.done $0x0  }
0x32: {  	[sflag:s14] =	ssyncadd.s32 $0xFFFFC000  }
0x33: {  	s25 =	simm.s32 $0x40;
	_ =	strace $0x80000066  }
0x34: {  	s22 =	simm.s32 $0x4040;
	v7 =	vld [tilespmem:s25+$0x30]  }
0x35: {  	v8 =	vld [tilespmem:s22+$0x30]  }
0x36: {  	v12 =	vld [tilespmem:s22+$0xFFFFFFC0]  }
0x37: {  	v9 =	vld [tilespmem:s25+$0xFFFFFFD0]  }
0x38: {  	v10 =	vld [tilespmem:s22+$0xFFFFFFD0]  }
0x39: {  	v11 =	vld [tilespmem:s25+$0xFFFFFFE0]  }
0x3a: {  	v13 =	vld [tilespmem:s22+$0xFFFFFFE0]  }
0x3b: {  	v14 =	vld [tilespmem:s25+$0xFFFFFFF0]  }
0x3c: {  	v15 =	vld [tilespmem:s22+$0xFFFFFFF0]  }
0x3d: {  	v16 =	vld [tilespmem:s25+$0x0]  }
0x3e: {  	v17 =	vld [tilespmem:s22+$0x0];
	v7 =	vshll.u32 v7, $0xA;
	v8 =	vand.u32 $0x3FF, v8  }
0x3f: {  	s23 =	simm.s32 $0xC040;
	v9 =	vshll.u32 v9, $0xA;
	v10 =	vand.u32 $0x3FF, v10;
	v7 =	vor.u32 v7, v8;
	v8 =	vld [tilespmem:s25+$0x10]  }
0x40: {  	[tilespmem:s23+$0x30] =	vst v7;
	v7 =	vor.u32 v9, v10;
	v10 =	vshll.u32 v11, $0xA;
	v11 =	vand.u32 $0x3FF, v13;
	v9 =	vld [tilespmem:s22+$0x10]  }
0x41: {  	v13 =	vand.u32 $0x3FF, v15;
	[tilespmem:s23+$0xFFFFFFD0] =	vst v7;
	v7 =	vor.u32 v10, v11;
	v11 =	vshll.u32 v14, $0xA;
	v10 =	vld [tilespmem:s25+$0x20]  }
0x42: {  	[tilespmem:s23+$0xFFFFFFE0] =	vst v7;
	v14 =	vor.u32 v11, v13;
	v11 =	vld [tilespmem:s22+$0x20]  }
0x43: {  	s24 =	simm.s32 $0x0;
	v7 =	vand.u32 $0x3FF, v12;
	v13 =	vshll.u32 v16, $0xA;
	v12 =	vld [tilespmem:s25+$0xFFFFFFC0];
	s25 =	simm.s32 $0xC0;
	[tilespmem:s23+$0xFFFFFFF0] =	vst v14;
	v14 =	vand.u32 $0x3FF, v17  }
.LBB2_4:
0x44: {  	v15 =	vld [tilespmem:s25+$0x30];
	v13 =	vor.u32 v13, v14;
	v8 =	vshll.u32 v8, $0xA;
	s22 =	sadd.s32 $0x80, s22  }
0x45: {  	s24 =	sadd.s32 $0x80, s24;
	v14 =	vld [tilespmem:s22+$0x30];
	[tilespmem:s23+$0x0] =	vst v13;
	v9 =	vand.u32 $0x3FF, v9  }
0x46: {  	p0 =	slt.u32 s24, $0x3F80;
	v13 =	vld [tilespmem:s22+$0xFFFFFFC0];
	v8 =	vor.u32 v8, v9;
	v9 =	vshll.u32 v10, $0xA  }
0x47: {  	v10 =	vld [tilespmem:s25+$0xFFFFFFD0];
	[tilespmem:s23+$0x10] =	vst v8;
	v8 =	vand.u32 $0x3FF, v11  }
0x48: {  	v11 =	vld [tilespmem:s22+$0xFFFFFFD0];
	v12 =	vshll.u32 v12, $0xA;
	v8 =	vor.u32 v9, v8  }
0x49: {  	v9 =	vld [tilespmem:s25+$0xFFFFFFE0];
	v7 =	vor.u32 v12, v7;
	[tilespmem:s23+$0x20] =	vst v8  }
0x4a: {  	v12 =	vshll.u32 v15, $0xA;
	v8 =	vld [tilespmem:s22+$0xFFFFFFE0];
	v14 =	vand.u32 $0x3FF, v14;
	[tilespmem:s23+$0xFFFFFFC0] =	vst v7  }
0x4b: {  	s23 =	sadd.s32 $0x80, s23;
	v7 =	vand.u32 $0x3FF, v13;
	v13 =	vld [tilespmem:s25+$0xFFFFFFF0];
	v12 =	vor.u32 v12, v14  }
0x4c: {  	v10 =	vshll.u32 v10, $0xA;
	v14 =	vld [tilespmem:s22+$0xFFFFFFF0];
	[tilespmem:s23+$0x30] =	vst v12  }
0x4d: {  	v11 =	vand.u32 $0x3FF, v11;
	v12 =	vld [tilespmem:s25+$0x0]  }
0x4e: {  	v10 =	vor.u32 v10, v11;
	v9 =	vshll.u32 v9, $0xA;
	v15 =	vld [tilespmem:s22+$0x0]  }
.Ltmp1:
0x4f: {  	[tilespmem:s23+$0xFFFFFFD0] =	vst v10;
	v10 =	vand.u32 $0x3FF, v8;
	v8 =	vld [tilespmem:s25+$0x10];
	(pc) =	sbr.rel @p0 .LBB2_4-.Ltmp1, $4  }
0x50: {  	v10 =	vor.u32 v9, v10;
	v11 =	vshll.u32 v13, $0xA;
	v9 =	vld [tilespmem:s22+$0x10]  }
0x51: {  	[tilespmem:s23+$0xFFFFFFE0] =	vst v10;
	v13 =	vand.u32 $0x3FF, v14;
	v10 =	vld [tilespmem:s25+$0x20]  }
0x52: {  	v14 =	vor.u32 v11, v13;
	v13 =	vshll.u32 v12, $0xA;
	v11 =	vld [tilespmem:s22+$0x20]  }
0x53: {  	v12 =	vld [tilespmem:s25+$0xFFFFFFC0];
	[tilespmem:s23+$0xFFFFFFF0] =	vst v14;
	v14 =	vand.u32 $0x3FF, v15;
	s25 =	sadd.s32 $0x80, s25  }
0x54: {  	_ =	sdelay $0x1  }
0x55: {  	v13 =	vor.u32 v13, v14;
	v8 =	vshll.u32 v8, $0xA;
	v9 =	vand.u32 $0x3FF, v9  }
0x56: {  	[tilespmem:s23+$0x0] =	vst v13;
	v8 =	vor.u32 v8, v9;
	v9 =	vshll.u32 v10, $0xA;
	v10 =	vand.u32 $0x3FF, v11  }
0x57: {  	[tilespmem:s23+$0x10] =	vst v8;
	v8 =	vshll.u32 v12, $0xA;
	v9 =	vor.u32 v9, v10  }
0x58: {  	v7 =	vor.u32 v8, v7;
	[tilespmem:s23+$0x20] =	vst v9  }
0x59: {  	[tilespmem:s23+$0xFFFFFFC0] =	vst v7  }
0x5a: {  	_ =	strace $0x90000066  }
0x5b: {  	_ =	strace $0x80000067  }
0x5c: {  	[spmem:s6] =	stream.linear.scatter [tilespmem:s15], [sflag:$0x2], $0x4000, $0x200038;
	[tilespmem:$0x1C0A0] =	vst v63  }
0x5d: {  	_ = 	snop  }
0x5e: {  	[spmem:s7] =	stream.linear.scatter [tilespmem:s15], [sflag:$0x2], $0x4000, $0x200038;
	[tilespmem:$0x1C0A0] =	vst v63  }
0x5f: {  	_ =	strace $0x90000067  }
0x60: {  	s22 =	simm.s32 $0xC040;
	_ =	strace $0x80000068  }
0x61: {  	v7 =	vld [tilespmem:s22+$0x30]  }
0x62: {  	v8 =	vld [tilespmem:s22+$0xFFFFFFD0]  }
0x63: {  	v10 =	vld [tilespmem:s22+$0xFFFFFFF0]  }
0x64: {  	v9 =	vld [tilespmem:s22+$0xFFFFFFE0]  }
0x65: {  	v12 =	vld [tilespmem:s22+$0x10]  }
0x66: {  	v11 =	vld [tilespmem:s22+$0x0]  }
0x67: {  	v15 =	vld [tilespmem:s22+$0x20];
	v13 =	vshrl.u32 v7, $0x13;
	v14 =	vshrl.u32 v8, $0x13  }
0x68: {  	s25 =	simm.s32 $0xC0C0;
	v7 =	vand.u32 $0x7FFFF, v7;
	v8 =	vand.u32 $0x7FFFF, v8;
	v16 =	vshrl.u32 v10, $0x13  }
0x69: {  	v17 =	vld [tilespmem:s25+$0xFFFFFFD0];
	v10 =	vand.u32 $0x7FFFF, v10;
	vm0 =	veq.s32 v13, v1;
	vm1 =	veq.s32 v14, v1  }
0x6a: {  	v13 =	vld [tilespmem:s22+$0xFFFFFFC0];
	v14 =	vshrl.u32 v9, $0x13;
	vm2 =	veq.s32 v16, v1;
	v16 =	vshrl.u32 v12, $0x13  }
0x6b: {  	v7 =	vsel vm0, v7, v0;
	vm0 =	veq.s32 v14, v1;
	v14 =	vshrl.u32 v11, $0x13  }
0x6c: {  	vm4 =	veq.s32 v16, v1;
	v16 =	vshrl.u32 v15, $0x13;
	vm3 =	veq.s32 v14, v1;
	v14 =	vld [tilespmem:s25+$0x30]  }
0x6d: {  	v9 =	vand.u32 $0x7FFFF, v9;
	v12 =	vand.u32 $0x7FFFF, v12;
	vm5 =	veq.s32 v16, v1;
	v16 =	vld [tilespmem:s25+$0xFFFFFFE0]  }
0x6e: {  	v11 =	vand.u32 $0x7FFFF, v11;
	v19 =	vsel vm2, v10, v0;
	v9 =	vsel vm0, v9, v0  }
0x6f: {  	s22 =	simm.s32 $0x8040;
	v21 =	vsel vm4, v12, v0;
	v12 =	vshrl.u32 v17, $0x13;
	v18 =	vshrl.u32 v13, $0x13  }
0x70: {  	v63 =	vld [tilespmem:s25+$0xFFFFFFF0];
	[tilespmem:s22+$0x30] =	vst v7;
	v20 =	vsel vm3, v11, v0;
	v13 =	vand.u32 $0x7FFFF, v13;
	vm6 =	veq.s32 v18, v1  }
0x71: {  	[tilespmem:s22+$0xFFFFFFE0] =	vst v9;
	v7 =	vsel vm6, v13, v0;
	v13 =	vsel vm1, v8, v0;
	v8 =	vld [tilespmem:s25+$0x0];
	v11 =	vshrl.u32 v14, $0x13  }
0x72: {  	v9 =	vshrl.u32 v16, $0x13;
	[tilespmem:s22+$0xFFFFFFC0] =	vst v7;
	v7 =	vld [tilespmem:s25+$0x10];
	vm1 =	veq.s32 v11, v1;
	v11 =	vand.u32 $0x7FFFF, v14  }
0x73: {  	[tilespmem:s22+$0xFFFFFFF0] =	vst v19;
	vm0 =	veq.s32 v12, v1;
	v12 =	vsel vm1, v11, v0;
	vm1 =	veq.s32 v9, v1;
	v9 =	vld [tilespmem:s25+$0x20]  }
0x74: {  	v15 =	vand.u32 $0x7FFFF, v15;
	[tilespmem:s22+$0x10] =	vst v21;
	v14 =	vld [tilespmem:s25+$0xFFFFFFC0]  }
0x75: {  	v10 =	vsel vm5, v15, v0;
	[tilespmem:s22+$0xFFFFFFD0] =	vst v13;
	v13 =	vshrl.u32 v63, $0x13;
	v11 =	vand.u32 $0x7FFFF, v17  }
0x76: {  	s23 =	simm.s32 $0x80C0;
	[tilespmem:s22+$0x0] =	vst v20;
	vm2 =	veq.s32 v13, v1;
	v13 =	vand.u32 $0x7FFFF, v63;
	v15 =	vshrl.u32 v8, $0x13  }
0x77: {  	s24 =	simm.s32 $0x80;
	s25 =	simm.s32 $0xC140;
	[tilespmem:s23+$0x30] =	vst v12;
	v12 =	vand.u32 $0x7FFFF, v16;
	vm3 =	veq.s32 v15, v1;
	v15 =	vshrl.u32 v7, $0x13  }
.LBB2_6:
0x78: {  	v16 =	vld [tilespmem:s25+$0x30];
	s24 =	sadd.s32 $0x80, s24;
	v17 =	vand.u32 $0x7FFFF, v8;
	vm4 =	veq.s32 v15, v1;
	v8 =	vshrl.u32 v9, $0x13;
	[tilespmem:s22+$0x20] =	vst v10;
	s22 =	smov.u32 s23  }
0x79: {  	v15 =	vld [tilespmem:s25+$0xFFFFFFD0];
	p0 =	slt.u32 s24, $0x3F80;
	v10 =	vshrl.u32 v14, $0x13;
	v14 =	vand.u32 $0x7FFFF, v14;
	vm5 =	veq.s32 v8, v1  }
0x7a: {  	v7 =	vand.u32 $0x7FFFF, v7;
	v9 =	vand.u32 $0x7FFFF, v9;
	v18 =	vld [tilespmem:s25+$0xFFFFFFE0];
	vm6 =	veq.s32 v10, v1  }
0x7b: {  	v11 =	vsel vm0, v11, v0;
	v12 =	vsel vm1, v12, v0;
	v19 =	vld [tilespmem:s25+$0xFFFFFFF0];
	v10 =	vsel vm6, v14, v0  }
0x7c: {  	v13 =	vsel vm2, v13, v0;
	v17 =	vsel vm3, v17, v0;
	v20 =	vsel vm4, v7, v0;
	v8 =	vld [tilespmem:s25+$0x0];
	[tilespmem:s23+$0xFFFFFFC0] =	vst v10  }
0x7d: {  	v10 =	vsel vm5, v9, v0;
	v7 =	vld [tilespmem:s25+$0x10];
	v14 =	vshrl.u32 v16, $0x13;
	[tilespmem:s23+$0xFFFFFFD0] =	vst v11  }
.Ltmp2:
0x7e: {  	v16 =	vand.u32 $0x7FFFF, v16;
	v11 =	vshrl.u32 v15, $0x13;
	v9 =	vld [tilespmem:s25+$0x20];
	vm1 =	veq.s32 v14, v1;
	[tilespmem:s23+$0xFFFFFFE0] =	vst v12;
	(pc) =	sbr.rel @p0 .LBB2_6-.Ltmp2, $4  }
0x7f: {  	s23 =	sadd.s32 $0x80, s23;
	v14 =	vld [tilespmem:s25+$0xFFFFFFC0];
	vm0 =	veq.s32 v11, v1;
	v12 =	vshrl.u32 v18, $0x13;
	v16 =	vsel vm1, v16, v0;
	[tilespmem:s22+$0xFFFFFFF0] =	vst v13  }
0x80: {  	v11 =	vand.u32 $0x7FFFF, v15;
	vm1 =	veq.s32 v12, v1;
	v13 =	vshrl.u32 v19, $0x13;
	[tilespmem:s23+$0x30] =	vst v16  }
0x81: {  	v12 =	vand.u32 $0x7FFFF, v18;
	vm2 =	veq.s32 v13, v1;
	v15 =	vshrl.u32 v8, $0x13;
	[tilespmem:s22+$0x0] =	vst v17  }
0x82: {  	s25 =	sadd.s32 $0x80, s25;
	v13 =	vand.u32 $0x7FFFF, v19;
	vm3 =	veq.s32 v15, v1;
	v15 =	vshrl.u32 v7, $0x13;
	[tilespmem:s22+$0x10] =	vst v20  }
0x83: {  	[tilespmem:s22+$0x20] =	vst v10;
	v11 =	vsel vm0, v11, v0  }
0x84: {  	v60 =	vsel vm1, v12, v0;
	v8 =	vand.u32 $0x7FFFF, v8;
	[tilespmem:s23+$0xFFFFFFD0] =	vst v11  }
0x85: {  	vm14 =	veq.s32 v15, v1;
	v61 =	vsel vm2, v13, v0;
	v62 =	vshrl.u32 v9, $0x13;
	[tilespmem:s23+$0xFFFFFFE0] =	vst v60  }
0x86: {  	v7 =	vand.u32 $0x7FFFF, v7;
	v63 =	vand.u32 $0x7FFFF, v9;
	v8 =	vsel vm3, v8, v0;
	[tilespmem:s23+$0xFFFFFFF0] =	vst v61  }
0x87: {  	v16 =	vshrl.u32 v14, $0x13;
	vm15 =	veq.s32 v62, v1;
	v7 =	vsel vm14, v7, v0;
	[tilespmem:s23+$0x0] =	vst v8  }
0x88: {  	v58 =	vand.u32 $0x7FFFF, v14;
	vm4 =	veq.s32 v16, v1;
	v8 =	vsel vm15, v63, v0;
	[tilespmem:s23+$0x10] =	vst v7  }
0x89: {  	v59 =	vsel vm4, v58, v0;
	[tilespmem:s23+$0x20] =	vst v8  }
0x8a: {  	[tilespmem:s23+$0xFFFFFFC0] =	vst v59  }
0x8b: {  	_ =	strace $0x90000068  }
0x8c: {  	_ =	strace $0x80000069  }
0x8d: {  	_ =	swait.ge [sflag:s16], $0x4000  }
0x8e: {  	[sflag:s16] =	ssyncset.done $0x0  }
0x8f: {  	[sflag:s16] =	ssyncadd.s32 $0xFFFFC000  }
0x90: {  	_ =	swait.ge [sflag:s16], $0x4000  }
0x91: {  	[sflag:s16] =	ssyncset.done $0x0  }
0x92: {  	[sflag:s16] =	ssyncadd.s32 $0xFFFFC000  }
0x93: {  	_ =	strace $0x90000069  }
0x94: {  	[bflag:$0x0] =	sbarrier.arrive $0xFFFF  }
0x95: {  	s24 =	simm.s32 $0x8000;
	_ =	strace $0x8000006A  }
0x96: {  	[spmem:s1] =	stream.indirect.scatter [tilespmem:s18], [sflag:$0x3], $0x1, s24, s17, $0x2000b8;
	[tilespmem:$0x1C0A0] =	vst v63  }
0x97: {  	s25 =	simm.s32 $0x8080  }
0x98: {  	[spmem:s1] =	stream.indirect.scatter [tilespmem:s18], [sflag:$0x3], $0x1, s25, s17, $0x2000b8;
	[tilespmem:$0x1C0A0] =	vst v63  }
0x99: {  	s26 =	simm.s32 $0x8100  }
0x9a: {  	[spmem:s1] =	stream.indirect.scatter [tilespmem:s18], [sflag:$0x3], $0x1, s26, s17, $0x2000b8;
	[tilespmem:$0x1C0A0] =	vst v63  }
0x9b: {  	s28 =	simm.s32 $0x8180  }
0x9c: {  	[spmem:s1] =	stream.indirect.scatter [tilespmem:s18], [sflag:$0x3], $0x1, s28, s17, $0x2000b8;
	[tilespmem:$0x1C0A0] =	vst v63  }
0x9d: {  	s29 =	simm.s32 $0x8200  }
0x9e: {  	[spmem:s1] =	stream.indirect.scatter [tilespmem:s18], [sflag:$0x3], $0x1, s29, s17, $0x2000b8;
	[tilespmem:$0x1C0A0] =	vst v63  }
0x9f: {  	s30 =	simm.s32 $0x8280;
	s31 =	simm.s32 $0x8300  }
0xa0: {  	[spmem:s1] =	stream.indirect.scatter [tilespmem:s18], [sflag:$0x3], $0x1, s30, s17, $0x2000b8;
	[tilespmem:$0x1C0A0] =	vst v63  }
0xa1: {  	s22 =	simm.s32 $0x0;
	s23 =	simm.s32 $0x8780;
	s24 =	simm.s32 $0x8380  }
0xa2: {  	[spmem:s1] =	stream.indirect.scatter [tilespmem:s18], [sflag:$0x3], $0x1, s31, s17, $0x2000b8;
	[tilespmem:$0x1C0A0] =	vst v63  }
.LBB2_8:
0xa3: {  	[spmem:s1] =	stream.indirect.scatter [tilespmem:s18], [sflag:$0x3], $0x1, s24, s17, $0x2000b8;
	[tilespmem:$0x1C0A0] =	vst v63  }
0xa4: {  	s25 =	sadd.s32 $0xFFFFFC80, s23;
	s22 =	sadd.s32 $0x8, s22;
	s24 =	smov.u32 s23  }
0xa5: {  	[spmem:s1] =	stream.indirect.scatter [tilespmem:s18], [sflag:$0x3], $0x1, s25, s17, $0x2000b8;
	[tilespmem:$0x1C0A0] =	vst v63  }
0xa6: {  	p0 =	slt.u32 s22, $0x78;
	s25 =	sadd.s32 $0xFFFFFD00, s23  }
0xa7: {  	[spmem:s1] =	stream.indirect.scatter [tilespmem:s18], [sflag:$0x3], $0x1, s25, s17, $0x2000b8;
	[tilespmem:$0x1C0A0] =	vst v63  }
0xa8: {  	s25 =	sadd.s32 $0xFFFFFD80, s23  }
0xa9: {  	[spmem:s1] =	stream.indirect.scatter [tilespmem:s18], [sflag:$0x3], $0x1, s25, s17, $0x2000b8;
	[tilespmem:$0x1C0A0] =	vst v63  }
0xaa: {  	s25 =	sadd.s32 $0xFFFFFE00, s23  }
0xab: {  	[spmem:s1] =	stream.indirect.scatter [tilespmem:s18], [sflag:$0x3], $0x1, s25, s17, $0x2000b8;
	[tilespmem:$0x1C0A0] =	vst v63  }
0xac: {  	s25 =	sadd.s32 $0xFFFFFE80, s23  }
0xad: {  	[spmem:s1] =	stream.indirect.scatter [tilespmem:s18], [sflag:$0x3], $0x1, s25, s17, $0x2000b8;
	[tilespmem:$0x1C0A0] =	vst v63  }
.Ltmp3:
0xae: {  	s25 =	sadd.s32 $0xFFFFFF00, s23;
	(pc) =	sbr.rel @p0 .LBB2_8-.Ltmp3, $4  }
0xaf: {  	[spmem:s1] =	stream.indirect.scatter [tilespmem:s18], [sflag:$0x3], $0x1, s25, s17, $0x2000b8;
	[tilespmem:$0x1C0A0] =	vst v63  }
0xb0: {  	s25 =	sadd.s32 $0xFFFFFF80, s23  }
0xb1: {  	[spmem:s1] =	stream.indirect.scatter [tilespmem:s18], [sflag:$0x3], $0x1, s25, s17, $0x2000b8;
	[tilespmem:$0x1C0A0] =	vst v63  }
0xb2: {  	s23 =	sadd.s32 $0x400, s23  }
0xb3: {  	[spmem:s1] =	stream.indirect.scatter [tilespmem:s18], [sflag:$0x3], $0x1, s24, s17, $0x2000b8;
	[tilespmem:$0x1C0A0] =	vst v63  }
0xb4: {  	_ =	swait.ge [sflag:s19], $0x4000  }
0xb5: {  	[sflag:s19] =	ssyncset.done $0x0  }
0xb6: {  	[sflag:s19] =	ssyncadd.s32 $0xFFFFC000  }
0xb7: {  	_ =	strace $0x9000006A  }
0xb8: {  	s22 =	sshll.u32 s2, $0x6;
	[bflag:$0x0] =	sbarrier.arrive $0xFFFF  }
0xb9: {  	s23 =	sshrl.u32 s6, $0x3;
	s22 =	sor.u32 $0x1C04, s22;
	_ =	strace $0x8000006B  }
0xba: {  	[hbm:s8], [sflag:s22] =	dma.local [spmem:s23], $0x1000  }
0xbb: {  	_ =	strace $0x9000006B  }
0xbc: {  	_ =	strace $0x8000006C  }
0xbd: {  	_ =	swait.ge [sflag:s20], $0x1000  }
0xbe: {  	[sflag:s20] =	ssyncset.done $0x0  }
0xbf: {  	[sflag:s20] =	ssyncadd.s32 $0xFFFFF000  }
0xc0: {  	_ =	strace $0x9000006C  }
0xc1: {  	_ =	strace $0x8000006D  }
0xc2: {  	[spmem:s6] =	stream.linear.scatter [tilespmem:s15], [sflag:$0x2], $0x4000, $0x200038;
	[tilespmem:$0x1C0A0] =	vst v63  }
0xc3: {  	_ = 	snop  }
0xc4: {  	[spmem:s7] =	stream.linear.scatter [tilespmem:s15], [sflag:$0x2], $0x4000, $0x200038;
	[tilespmem:$0x1C0A0] =	vst v63  }
0xc5: {  	_ =	strace $0x9000006D  }
0xc6: {  	s31 =	simm.s32 $0xC040;
	_ =	strace $0x8000006E  }
0xc7: {  	v7 =	vld [tilespmem:s31+$0x30]  }
0xc8: {  	v8 =	vld [tilespmem:s31+$0xFFFFFFD0]  }
0xc9: {  	v10 =	vld [tilespmem:s31+$0xFFFFFFF0]  }
0xca: {  	v9 =	vld [tilespmem:s31+$0xFFFFFFE0]  }
0xcb: {  	v12 =	vld [tilespmem:s31+$0x10]  }
0xcc: {  	v11 =	vld [tilespmem:s31+$0x0]  }
0xcd: {  	v15 =	vld [tilespmem:s31+$0x20];
	v13 =	vshrl.u32 v7, $0x13;
	v14 =	vshrl.u32 v8, $0x13  }
0xce: {  	s28 =	simm.s32 $0xC0C0;
	v7 =	vand.u32 $0x7FFFF, v7;
	v8 =	vand.u32 $0x7FFFF, v8;
	v16 =	vshrl.u32 v10, $0x13  }
0xcf: {  	v17 =	vld [tilespmem:s28+$0xFFFFFFD0];
	v10 =	vand.u32 $0x7FFFF, v10;
	vm0 =	veq.s32 v13, v2;
	vm1 =	veq.s32 v14, v2  }
0xd0: {  	v13 =	vld [tilespmem:s31+$0xFFFFFFC0];
	v14 =	vshrl.u32 v9, $0x13;
	vm2 =	veq.s32 v16, v2;
	v16 =	vshrl.u32 v12, $0x13  }
0xd1: {  	v7 =	vsel vm0, v7, v0;
	vm0 =	veq.s32 v14, v2;
	v14 =	vshrl.u32 v11, $0x13  }
0xd2: {  	vm4 =	veq.s32 v16, v2;
	v16 =	vshrl.u32 v15, $0x13;
	vm3 =	veq.s32 v14, v2;
	v14 =	vld [tilespmem:s28+$0x30]  }
0xd3: {  	v9 =	vand.u32 $0x7FFFF, v9;
	v12 =	vand.u32 $0x7FFFF, v12;
	vm5 =	veq.s32 v16, v2;
	v16 =	vld [tilespmem:s28+$0xFFFFFFE0]  }
0xd4: {  	v11 =	vand.u32 $0x7FFFF, v11;
	v19 =	vsel vm2, v10, v0;
	v9 =	vsel vm0, v9, v0  }
0xd5: {  	s24 =	simm.s32 $0x8040;
	v21 =	vsel vm4, v12, v0;
	v12 =	vshrl.u32 v17, $0x13;
	v18 =	vshrl.u32 v13, $0x13  }
0xd6: {  	v63 =	vld [tilespmem:s28+$0xFFFFFFF0];
	[tilespmem:s24+$0x30] =	vst v7;
	v20 =	vsel vm3, v11, v0;
	v13 =	vand.u32 $0x7FFFF, v13;
	vm6 =	veq.s32 v18, v2  }
0xd7: {  	[tilespmem:s24+$0xFFFFFFE0] =	vst v9;
	v7 =	vsel vm6, v13, v0;
	v13 =	vsel vm1, v8, v0;
	v8 =	vld [tilespmem:s28+$0x0];
	v11 =	vshrl.u32 v14, $0x13  }
0xd8: {  	v9 =	vshrl.u32 v16, $0x13;
	[tilespmem:s24+$0xFFFFFFC0] =	vst v7;
	v7 =	vld [tilespmem:s28+$0x10];
	vm1 =	veq.s32 v11, v2;
	v11 =	vand.u32 $0x7FFFF, v14  }
0xd9: {  	[tilespmem:s24+$0xFFFFFFF0] =	vst v19;
	vm0 =	veq.s32 v12, v2;
	v12 =	vsel vm1, v11, v0;
	vm1 =	veq.s32 v9, v2;
	v9 =	vld [tilespmem:s28+$0x20]  }
0xda: {  	v15 =	vand.u32 $0x7FFFF, v15;
	[tilespmem:s24+$0x10] =	vst v21;
	v14 =	vld [tilespmem:s28+$0xFFFFFFC0]  }
0xdb: {  	v10 =	vsel vm5, v15, v0;
	[tilespmem:s24+$0xFFFFFFD0] =	vst v13;
	v13 =	vshrl.u32 v63, $0x13;
	v11 =	vand.u32 $0x7FFFF, v17  }
0xdc: {  	s25 =	simm.s32 $0x80C0;
	[tilespmem:s24+$0x0] =	vst v20;
	vm2 =	veq.s32 v13, v2;
	v13 =	vand.u32 $0x7FFFF, v63;
	v15 =	vshrl.u32 v8, $0x13  }
0xdd: {  	s26 =	simm.s32 $0x80;
	s28 =	simm.s32 $0xC140;
	[tilespmem:s25+$0x30] =	vst v12;
	v12 =	vand.u32 $0x7FFFF, v16;
	vm3 =	veq.s32 v15, v2;
	v15 =	vshrl.u32 v7, $0x13  }
.LBB2_10:
0xde: {  	v16 =	vld [tilespmem:s28+$0x30];
	s26 =	sadd.s32 $0x80, s26;
	v17 =	vand.u32 $0x7FFFF, v8;
	vm4 =	veq.s32 v15, v2;
	v8 =	vshrl.u32 v9, $0x13;
	[tilespmem:s24+$0x20] =	vst v10;
	s24 =	smov.u32 s25  }
0xdf: {  	v15 =	vld [tilespmem:s28+$0xFFFFFFD0];
	p0 =	slt.u32 s26, $0x3F80;
	v10 =	vshrl.u32 v14, $0x13;
	v14 =	vand.u32 $0x7FFFF, v14;
	vm5 =	veq.s32 v8, v2  }
0xe0: {  	v7 =	vand.u32 $0x7FFFF, v7;
	v9 =	vand.u32 $0x7FFFF, v9;
	v18 =	vld [tilespmem:s28+$0xFFFFFFE0];
	vm6 =	veq.s32 v10, v2  }
0xe1: {  	v11 =	vsel vm0, v11, v0;
	v12 =	vsel vm1, v12, v0;
	v19 =	vld [tilespmem:s28+$0xFFFFFFF0];
	v10 =	vsel vm6, v14, v0  }
0xe2: {  	v13 =	vsel vm2, v13, v0;
	v17 =	vsel vm3, v17, v0;
	v20 =	vsel vm4, v7, v0;
	v8 =	vld [tilespmem:s28+$0x0];
	[tilespmem:s25+$0xFFFFFFC0] =	vst v10  }
0xe3: {  	v10 =	vsel vm5, v9, v0;
	v7 =	vld [tilespmem:s28+$0x10];
	v14 =	vshrl.u32 v16, $0x13;
	[tilespmem:s25+$0xFFFFFFD0] =	vst v11  }
.Ltmp4:
0xe4: {  	v16 =	vand.u32 $0x7FFFF, v16;
	v11 =	vshrl.u32 v15, $0x13;
	v9 =	vld [tilespmem:s28+$0x20];
	vm1 =	veq.s32 v14, v2;
	[tilespmem:s25+$0xFFFFFFE0] =	vst v12;
	(pc) =	sbr.rel @p0 .LBB2_10-.Ltmp4, $4  }
0xe5: {  	s25 =	sadd.s32 $0x80, s25;
	v14 =	vld [tilespmem:s28+$0xFFFFFFC0];
	vm0 =	veq.s32 v11, v2;
	v12 =	vshrl.u32 v18, $0x13;
	v16 =	vsel vm1, v16, v0;
	[tilespmem:s24+$0xFFFFFFF0] =	vst v13  }
0xe6: {  	v11 =	vand.u32 $0x7FFFF, v15;
	vm1 =	veq.s32 v12, v2;
	v13 =	vshrl.u32 v19, $0x13;
	[tilespmem:s25+$0x30] =	vst v16  }
0xe7: {  	v12 =	vand.u32 $0x7FFFF, v18;
	vm2 =	veq.s32 v13, v2;
	v15 =	vshrl.u32 v8, $0x13;
	[tilespmem:s24+$0x0] =	vst v17  }
0xe8: {  	s28 =	sadd.s32 $0x80, s28;
	v13 =	vand.u32 $0x7FFFF, v19;
	vm3 =	veq.s32 v15, v2;
	v15 =	vshrl.u32 v7, $0x13;
	[tilespmem:s24+$0x10] =	vst v20  }
0xe9: {  	[tilespmem:s24+$0x20] =	vst v10;
	v11 =	vsel vm0, v11, v0  }
0xea: {  	v60 =	vsel vm1, v12, v0;
	v8 =	vand.u32 $0x7FFFF, v8;
	[tilespmem:s25+$0xFFFFFFD0] =	vst v11  }
0xeb: {  	vm14 =	veq.s32 v15, v2;
	v61 =	vsel vm2, v13, v0;
	v62 =	vshrl.u32 v9, $0x13;
	[tilespmem:s25+$0xFFFFFFE0] =	vst v60  }
0xec: {  	v7 =	vand.u32 $0x7FFFF, v7;
	v63 =	vand.u32 $0x7FFFF, v9;
	v8 =	vsel vm3, v8, v0;
	[tilespmem:s25+$0xFFFFFFF0] =	vst v61  }
0xed: {  	v16 =	vshrl.u32 v14, $0x13;
	vm15 =	veq.s32 v62, v2;
	v7 =	vsel vm14, v7, v0;
	[tilespmem:s25+$0x0] =	vst v8  }
0xee: {  	v58 =	vand.u32 $0x7FFFF, v14;
	vm4 =	veq.s32 v16, v2;
	v8 =	vsel vm15, v63, v0;
	[tilespmem:s25+$0x10] =	vst v7  }
0xef: {  	v59 =	vsel vm4, v58, v0;
	[tilespmem:s25+$0x20] =	vst v8  }
0xf0: {  	[tilespmem:s25+$0xFFFFFFC0] =	vst v59  }
0xf1: {  	_ =	strace $0x9000006E  }
0xf2: {  	_ =	strace $0x8000006F  }
0xf3: {  	_ =	swait.ge [sflag:s16], $0x4000  }
0xf4: {  	[sflag:s16] =	ssyncset.done $0x0  }
0xf5: {  	[sflag:s16] =	ssyncadd.s32 $0xFFFFC000  }
0xf6: {  	_ =	swait.ge [sflag:s16], $0x4000  }
0xf7: {  	[sflag:s16] =	ssyncset.done $0x0  }
0xf8: {  	[sflag:s16] =	ssyncadd.s32 $0xFFFFC000  }
0xf9: {  	_ =	strace $0x9000006F  }
0xfa: {  	[bflag:$0x0] =	sbarrier.arrive $0xFFFF  }
0xfb: {  	s31 =	simm.s32 $0x8000;
	_ =	strace $0x80000070  }
0xfc: {  	[spmem:s1] =	stream.indirect.scatter [tilespmem:s18], [sflag:$0x3], $0x1, s31, s17, $0x2000b8;
	[tilespmem:$0x1C0A0] =	vst v63  }
0xfd: {  	s25 =	simm.s32 $0x8080  }
0xfe: {  	[spmem:s1] =	stream.indirect.scatter [tilespmem:s18], [sflag:$0x3], $0x1, s25, s17, $0x2000b8;
	[tilespmem:$0x1C0A0] =	vst v63  }
0xff: {  	s26 =	simm.s32 $0x8100  }
0x100: {  	[spmem:s1] =	stream.indirect.scatter [tilespmem:s18], [sflag:$0x3], $0x1, s26, s17, $0x2000b8;
	[tilespmem:$0x1C0A0] =	vst v63  }
0x101: {  	s28 =	simm.s32 $0x8180  }
0x102: {  	[spmem:s1] =	stream.indirect.scatter [tilespmem:s18], [sflag:$0x3], $0x1, s28, s17, $0x2000b8;
	[tilespmem:$0x1C0A0] =	vst v63  }
0x103: {  	s29 =	simm.s32 $0x8200  }
0x104: {  	[spmem:s1] =	stream.indirect.scatter [tilespmem:s18], [sflag:$0x3], $0x1, s29, s17, $0x2000b8;
	[tilespmem:$0x1C0A0] =	vst v63  }
0x105: {  	s30 =	simm.s32 $0x8280;
	s24 =	simm.s32 $0x0  }
0x106: {  	[spmem:s1] =	stream.indirect.scatter [tilespmem:s18], [sflag:$0x3], $0x1, s30, s17, $0x2000b8;
	[tilespmem:$0x1C0A0] =	vst v63  }
0x107: {  	s31 =	simm.s32 $0x8300;
	s25 =	simm.s32 $0x8780;
	s26 =	simm.s32 $0x8380  }
0x108: {  	[spmem:s1] =	stream.indirect.scatter [tilespmem:s18], [sflag:$0x3], $0x1, s31, s17, $0x2000b8;
	[tilespmem:$0x1C0A0] =	vst v63  }
.LBB2_12:
0x109: {  	[spmem:s1] =	stream.indirect.scatter [tilespmem:s18], [sflag:$0x3], $0x1, s26, s17, $0x2000b8;
	[tilespmem:$0x1C0A0] =	vst v63  }
0x10a: {  	s28 =	sadd.s32 $0xFFFFFC80, s25;
	s24 =	sadd.s32 $0x8, s24;
	s26 =	smov.u32 s25  }
0x10b: {  	[spmem:s1] =	stream.indirect.scatter [tilespmem:s18], [sflag:$0x3], $0x1, s28, s17, $0x2000b8;
	[tilespmem:$0x1C0A0] =	vst v63  }
0x10c: {  	p0 =	slt.u32 s24, $0x78;
	s28 =	sadd.s32 $0xFFFFFD00, s25  }
0x10d: {  	[spmem:s1] =	stream.indirect.scatter [tilespmem:s18], [sflag:$0x3], $0x1, s28, s17, $0x2000b8;
	[tilespmem:$0x1C0A0] =	vst v63  }
0x10e: {  	s28 =	sadd.s32 $0xFFFFFD80, s25  }
0x10f: {  	[spmem:s1] =	stream.indirect.scatter [tilespmem:s18], [sflag:$0x3], $0x1, s28, s17, $0x2000b8;
	[tilespmem:$0x1C0A0] =	vst v63  }
0x110: {  	s28 =	sadd.s32 $0xFFFFFE00, s25  }
0x111: {  	[spmem:s1] =	stream.indirect.scatter [tilespmem:s18], [sflag:$0x3], $0x1, s28, s17, $0x2000b8;
	[tilespmem:$0x1C0A0] =	vst v63  }
0x112: {  	s28 =	sadd.s32 $0xFFFFFE80, s25  }
0x113: {  	[spmem:s1] =	stream.indirect.scatter [tilespmem:s18], [sflag:$0x3], $0x1, s28, s17, $0x2000b8;
	[tilespmem:$0x1C0A0] =	vst v63  }
.Ltmp5:
0x114: {  	s28 =	sadd.s32 $0xFFFFFF00, s25;
	(pc) =	sbr.rel @p0 .LBB2_12-.Ltmp5, $4  }
0x115: {  	[spmem:s1] =	stream.indirect.scatter [tilespmem:s18], [sflag:$0x3], $0x1, s28, s17, $0x2000b8;
	[tilespmem:$0x1C0A0] =	vst v63  }
0x116: {  	s28 =	sadd.s32 $0xFFFFFF80, s25  }
0x117: {  	[spmem:s1] =	stream.indirect.scatter [tilespmem:s18], [sflag:$0x3], $0x1, s28, s17, $0x2000b8;
	[tilespmem:$0x1C0A0] =	vst v63  }
0x118: {  	s25 =	sadd.s32 $0x400, s25  }
0x119: {  	[spmem:s1] =	stream.indirect.scatter [tilespmem:s18], [sflag:$0x3], $0x1, s26, s17, $0x2000b8;
	[tilespmem:$0x1C0A0] =	vst v63  }
0x11a: {  	_ =	swait.ge [sflag:s19], $0x4000  }
0x11b: {  	[sflag:s19] =	ssyncset.done $0x0  }
0x11c: {  	[sflag:s19] =	ssyncadd.s32 $0xFFFFC000  }
0x11d: {  	_ =	strace $0x90000070  }
0x11e: {  	[bflag:$0x0] =	sbarrier.arrive $0xFFFF  }
0x11f: {  	_ =	strace $0x80000071  }
0x120: {  	[hbm:s9], [sflag:s22] =	dma.local [spmem:s23], $0x1000  }
0x121: {  	_ =	strace $0x90000071  }
0x122: {  	_ =	strace $0x80000072  }
0x123: {  	_ =	swait.ge [sflag:s20], $0x1000  }
0x124: {  	[sflag:s20] =	ssyncset.done $0x0  }
0x125: {  	[sflag:s20] =	ssyncadd.s32 $0xFFFFF000  }
0x126: {  	_ =	strace $0x90000072  }
0x127: {  	_ =	strace $0x80000073  }
0x128: {  	[spmem:s6] =	stream.linear.scatter [tilespmem:s15], [sflag:$0x2], $0x4000, $0x200038;
	[tilespmem:$0x1C0A0] =	vst v63  }
0x129: {  	_ = 	snop  }
0x12a: {  	[spmem:s7] =	stream.linear.scatter [tilespmem:s15], [sflag:$0x2], $0x4000, $0x200038;
	[tilespmem:$0x1C0A0] =	vst v63  }
0x12b: {  	_ =	strace $0x90000073  }
0x12c: {  	s24 =	simm.s32 $0xC040;
	_ =	strace $0x80000074  }
0x12d: {  	v7 =	vld [tilespmem:s24+$0x30]  }
0x12e: {  	v8 =	vld [tilespmem:s24+$0xFFFFFFD0]  }
0x12f: {  	v10 =	vld [tilespmem:s24+$0xFFFFFFF0]  }
0x130: {  	v9 =	vld [tilespmem:s24+$0xFFFFFFE0]  }
0x131: {  	v12 =	vld [tilespmem:s24+$0x10]  }
0x132: {  	v11 =	vld [tilespmem:s24+$0x0]  }
0x133: {  	v15 =	vld [tilespmem:s24+$0x20];
	v13 =	vshrl.u32 v7, $0x13;
	v14 =	vshrl.u32 v8, $0x13  }
0x134: {  	s28 =	simm.s32 $0xC0C0;
	v7 =	vand.u32 $0x7FFFF, v7;
	v8 =	vand.u32 $0x7FFFF, v8;
	v16 =	vshrl.u32 v10, $0x13  }
0x135: {  	v17 =	vld [tilespmem:s28+$0xFFFFFFD0];
	v10 =	vand.u32 $0x7FFFF, v10;
	vm0 =	veq.s32 v13, v3;
	vm1 =	veq.s32 v14, v3  }
0x136: {  	v13 =	vld [tilespmem:s24+$0xFFFFFFC0];
	v14 =	vshrl.u32 v9, $0x13;
	vm2 =	veq.s32 v16, v3;
	v16 =	vshrl.u32 v12, $0x13  }
0x137: {  	v7 =	vsel vm0, v7, v0;
	vm0 =	veq.s32 v14, v3;
	v14 =	vshrl.u32 v11, $0x13  }
0x138: {  	vm4 =	veq.s32 v16, v3;
	v16 =	vshrl.u32 v15, $0x13;
	vm3 =	veq.s32 v14, v3;
	v14 =	vld [tilespmem:s28+$0x30]  }
0x139: {  	v9 =	vand.u32 $0x7FFFF, v9;
	v12 =	vand.u32 $0x7FFFF, v12;
	vm5 =	veq.s32 v16, v3;
	v16 =	vld [tilespmem:s28+$0xFFFFFFE0]  }
0x13a: {  	v11 =	vand.u32 $0x7FFFF, v11;
	v19 =	vsel vm2, v10, v0;
	v9 =	vsel vm0, v9, v0  }
0x13b: {  	s24 =	simm.s32 $0x8040;
	v21 =	vsel vm4, v12, v0;
	v12 =	vshrl.u32 v17, $0x13;
	v18 =	vshrl.u32 v13, $0x13  }
0x13c: {  	v63 =	vld [tilespmem:s28+$0xFFFFFFF0];
	[tilespmem:s24+$0x30] =	vst v7;
	v20 =	vsel vm3, v11, v0;
	v13 =	vand.u32 $0x7FFFF, v13;
	vm6 =	veq.s32 v18, v3  }
0x13d: {  	[tilespmem:s24+$0xFFFFFFE0] =	vst v9;
	v7 =	vsel vm6, v13, v0;
	v13 =	vsel vm1, v8, v0;
	v8 =	vld [tilespmem:s28+$0x0];
	v11 =	vshrl.u32 v14, $0x13  }
0x13e: {  	v9 =	vshrl.u32 v16, $0x13;
	[tilespmem:s24+$0xFFFFFFC0] =	vst v7;
	v7 =	vld [tilespmem:s28+$0x10];
	vm1 =	veq.s32 v11, v3;
	v11 =	vand.u32 $0x7FFFF, v14  }
0x13f: {  	[tilespmem:s24+$0xFFFFFFF0] =	vst v19;
	vm0 =	veq.s32 v12, v3;
	v12 =	vsel vm1, v11, v0;
	vm1 =	veq.s32 v9, v3;
	v9 =	vld [tilespmem:s28+$0x20]  }
0x140: {  	v15 =	vand.u32 $0x7FFFF, v15;
	[tilespmem:s24+$0x10] =	vst v21;
	v14 =	vld [tilespmem:s28+$0xFFFFFFC0]  }
0x141: {  	v10 =	vsel vm5, v15, v0;
	[tilespmem:s24+$0xFFFFFFD0] =	vst v13;
	v13 =	vshrl.u32 v63, $0x13;
	v11 =	vand.u32 $0x7FFFF, v17  }
0x142: {  	s25 =	simm.s32 $0x80C0;
	[tilespmem:s24+$0x0] =	vst v20;
	vm2 =	veq.s32 v13, v3;
	v13 =	vand.u32 $0x7FFFF, v63;
	v15 =	vshrl.u32 v8, $0x13  }
0x143: {  	s26 =	simm.s32 $0x80;
	s28 =	simm.s32 $0xC140;
	[tilespmem:s25+$0x30] =	vst v12;
	v12 =	vand.u32 $0x7FFFF, v16;
	vm3 =	veq.s32 v15, v3;
	v15 =	vshrl.u32 v7, $0x13  }
.LBB2_14:
0x144: {  	v16 =	vld [tilespmem:s28+$0x30];
	s26 =	sadd.s32 $0x80, s26;
	v17 =	vand.u32 $0x7FFFF, v8;
	vm4 =	veq.s32 v15, v3;
	v8 =	vshrl.u32 v9, $0x13;
	[tilespmem:s24+$0x20] =	vst v10;
	s24 =	smov.u32 s25  }
0x145: {  	v15 =	vld [tilespmem:s28+$0xFFFFFFD0];
	p0 =	slt.u32 s26, $0x3F80;
	v10 =	vshrl.u32 v14, $0x13;
	v14 =	vand.u32 $0x7FFFF, v14;
	vm5 =	veq.s32 v8, v3  }
0x146: {  	v7 =	vand.u32 $0x7FFFF, v7;
	v9 =	vand.u32 $0x7FFFF, v9;
	v18 =	vld [tilespmem:s28+$0xFFFFFFE0];
	vm6 =	veq.s32 v10, v3  }
0x147: {  	v11 =	vsel vm0, v11, v0;
	v12 =	vsel vm1, v12, v0;
	v19 =	vld [tilespmem:s28+$0xFFFFFFF0];
	v10 =	vsel vm6, v14, v0  }
0x148: {  	v13 =	vsel vm2, v13, v0;
	v17 =	vsel vm3, v17, v0;
	v20 =	vsel vm4, v7, v0;
	v8 =	vld [tilespmem:s28+$0x0];
	[tilespmem:s25+$0xFFFFFFC0] =	vst v10  }
0x149: {  	v10 =	vsel vm5, v9, v0;
	v7 =	vld [tilespmem:s28+$0x10];
	v14 =	vshrl.u32 v16, $0x13;
	[tilespmem:s25+$0xFFFFFFD0] =	vst v11  }
.Ltmp6:
0x14a: {  	v16 =	vand.u32 $0x7FFFF, v16;
	v11 =	vshrl.u32 v15, $0x13;
	v9 =	vld [tilespmem:s28+$0x20];
	vm1 =	veq.s32 v14, v3;
	[tilespmem:s25+$0xFFFFFFE0] =	vst v12;
	(pc) =	sbr.rel @p0 .LBB2_14-.Ltmp6, $4  }
0x14b: {  	s25 =	sadd.s32 $0x80, s25;
	v14 =	vld [tilespmem:s28+$0xFFFFFFC0];
	vm0 =	veq.s32 v11, v3;
	v12 =	vshrl.u32 v18, $0x13;
	v16 =	vsel vm1, v16, v0;
	[tilespmem:s24+$0xFFFFFFF0] =	vst v13  }
0x14c: {  	v11 =	vand.u32 $0x7FFFF, v15;
	vm1 =	veq.s32 v12, v3;
	v13 =	vshrl.u32 v19, $0x13;
	[tilespmem:s25+$0x30] =	vst v16  }
0x14d: {  	v12 =	vand.u32 $0x7FFFF, v18;
	vm2 =	veq.s32 v13, v3;
	v15 =	vshrl.u32 v8, $0x13;
	[tilespmem:s24+$0x0] =	vst v17  }
0x14e: {  	s28 =	sadd.s32 $0x80, s28;
	v13 =	vand.u32 $0x7FFFF, v19;
	vm3 =	veq.s32 v15, v3;
	v15 =	vshrl.u32 v7, $0x13;
	[tilespmem:s24+$0x10] =	vst v20  }
0x14f: {  	[tilespmem:s24+$0x20] =	vst v10;
	v11 =	vsel vm0, v11, v0  }
0x150: {  	v60 =	vsel vm1, v12, v0;
	v8 =	vand.u32 $0x7FFFF, v8;
	[tilespmem:s25+$0xFFFFFFD0] =	vst v11  }
0x151: {  	vm14 =	veq.s32 v15, v3;
	v61 =	vsel vm2, v13, v0;
	v62 =	vshrl.u32 v9, $0x13;
	[tilespmem:s25+$0xFFFFFFE0] =	vst v60  }
0x152: {  	v7 =	vand.u32 $0x7FFFF, v7;
	v63 =	vand.u32 $0x7FFFF, v9;
	v8 =	vsel vm3, v8, v0;
	[tilespmem:s25+$0xFFFFFFF0] =	vst v61  }
0x153: {  	v16 =	vshrl.u32 v14, $0x13;
	vm15 =	veq.s32 v62, v3;
	v7 =	vsel vm14, v7, v0;
	[tilespmem:s25+$0x0] =	vst v8  }
0x154: {  	v58 =	vand.u32 $0x7FFFF, v14;
	vm4 =	veq.s32 v16, v3;
	v8 =	vsel vm15, v63, v0;
	[tilespmem:s25+$0x10] =	vst v7  }
0x155: {  	v59 =	vsel vm4, v58, v0;
	[tilespmem:s25+$0x20] =	vst v8  }
0x156: {  	[tilespmem:s25+$0xFFFFFFC0] =	vst v59  }
0x157: {  	_ =	strace $0x90000074  }
0x158: {  	_ =	strace $0x80000075  }
0x159: {  	_ =	swait.ge [sflag:s16], $0x4000  }
0x15a: {  	[sflag:s16] =	ssyncset.done $0x0  }
0x15b: {  	[sflag:s16] =	ssyncadd.s32 $0xFFFFC000  }
0x15c: {  	_ =	swait.ge [sflag:s16], $0x4000  }
0x15d: {  	[sflag:s16] =	ssyncset.done $0x0  }
0x15e: {  	[sflag:s16] =	ssyncadd.s32 $0xFFFFC000  }
0x15f: {  	_ =	strace $0x90000075  }
0x160: {  	[bflag:$0x0] =	sbarrier.arrive $0xFFFF  }
0x161: {  	s31 =	simm.s32 $0x8000;
	_ =	strace $0x80000076  }
0x162: {  	[spmem:s1] =	stream.indirect.scatter [tilespmem:s18], [sflag:$0x3], $0x1, s31, s17, $0x2000b8;
	[tilespmem:$0x1C0A0] =	vst v63  }
0x163: {  	s25 =	simm.s32 $0x8080  }
0x164: {  	[spmem:s1] =	stream.indirect.scatter [tilespmem:s18], [sflag:$0x3], $0x1, s25, s17, $0x2000b8;
	[tilespmem:$0x1C0A0] =	vst v63  }
0x165: {  	s26 =	simm.s32 $0x8100  }
0x166: {  	[spmem:s1] =	stream.indirect.scatter [tilespmem:s18], [sflag:$0x3], $0x1, s26, s17, $0x2000b8;
	[tilespmem:$0x1C0A0] =	vst v63  }
0x167: {  	s28 =	simm.s32 $0x8180  }
0x168: {  	[spmem:s1] =	stream.indirect.scatter [tilespmem:s18], [sflag:$0x3], $0x1, s28, s17, $0x2000b8;
	[tilespmem:$0x1C0A0] =	vst v63  }
0x169: {  	s29 =	simm.s32 $0x8200  }
0x16a: {  	[spmem:s1] =	stream.indirect.scatter [tilespmem:s18], [sflag:$0x3], $0x1, s29, s17, $0x2000b8;
	[tilespmem:$0x1C0A0] =	vst v63  }
0x16b: {  	s30 =	simm.s32 $0x8280;
	s24 =	simm.s32 $0x0  }
0x16c: {  	[spmem:s1] =	stream.indirect.scatter [tilespmem:s18], [sflag:$0x3], $0x1, s30, s17, $0x2000b8;
	[tilespmem:$0x1C0A0] =	vst v63  }
0x16d: {  	s31 =	simm.s32 $0x8300;
	s25 =	simm.s32 $0x8780;
	s26 =	simm.s32 $0x8380  }
0x16e: {  	[spmem:s1] =	stream.indirect.scatter [tilespmem:s18], [sflag:$0x3], $0x1, s31, s17, $0x2000b8;
	[tilespmem:$0x1C0A0] =	vst v63  }
.LBB2_16:
0x16f: {  	[spmem:s1] =	stream.indirect.scatter [tilespmem:s18], [sflag:$0x3], $0x1, s26, s17, $0x2000b8;
	[tilespmem:$0x1C0A0] =	vst v63  }
0x170: {  	s28 =	sadd.s32 $0xFFFFFC80, s25;
	s24 =	sadd.s32 $0x8, s24;
	s26 =	smov.u32 s25  }
0x171: {  	[spmem:s1] =	stream.indirect.scatter [tilespmem:s18], [sflag:$0x3], $0x1, s28, s17, $0x2000b8;
	[tilespmem:$0x1C0A0] =	vst v63  }
0x172: {  	p0 =	slt.u32 s24, $0x78;
	s28 =	sadd.s32 $0xFFFFFD00, s25  }
0x173: {  	[spmem:s1] =	stream.indirect.scatter [tilespmem:s18], [sflag:$0x3], $0x1, s28, s17, $0x2000b8;
	[tilespmem:$0x1C0A0] =	vst v63  }
0x174: {  	s28 =	sadd.s32 $0xFFFFFD80, s25  }
0x175: {  	[spmem:s1] =	stream.indirect.scatter [tilespmem:s18], [sflag:$0x3], $0x1, s28, s17, $0x2000b8;
	[tilespmem:$0x1C0A0] =	vst v63  }
0x176: {  	s28 =	sadd.s32 $0xFFFFFE00, s25  }
0x177: {  	[spmem:s1] =	stream.indirect.scatter [tilespmem:s18], [sflag:$0x3], $0x1, s28, s17, $0x2000b8;
	[tilespmem:$0x1C0A0] =	vst v63  }
0x178: {  	s28 =	sadd.s32 $0xFFFFFE80, s25  }
0x179: {  	[spmem:s1] =	stream.indirect.scatter [tilespmem:s18], [sflag:$0x3], $0x1, s28, s17, $0x2000b8;
	[tilespmem:$0x1C0A0] =	vst v63  }
.Ltmp7:
0x17a: {  	s28 =	sadd.s32 $0xFFFFFF00, s25;
	(pc) =	sbr.rel @p0 .LBB2_16-.Ltmp7, $4  }
0x17b: {  	[spmem:s1] =	stream.indirect.scatter [tilespmem:s18], [sflag:$0x3], $0x1, s28, s17, $0x2000b8;
	[tilespmem:$0x1C0A0] =	vst v63  }
0x17c: {  	s28 =	sadd.s32 $0xFFFFFF80, s25  }
0x17d: {  	[spmem:s1] =	stream.indirect.scatter [tilespmem:s18], [sflag:$0x3], $0x1, s28, s17, $0x2000b8;
	[tilespmem:$0x1C0A0] =	vst v63  }
0x17e: {  	s25 =	sadd.s32 $0x400, s25  }
0x17f: {  	[spmem:s1] =	stream.indirect.scatter [tilespmem:s18], [sflag:$0x3], $0x1, s26, s17, $0x2000b8;
	[tilespmem:$0x1C0A0] =	vst v63  }
0x180: {  	_ =	swait.ge [sflag:s19], $0x4000  }
0x181: {  	[sflag:s19] =	ssyncset.done $0x0  }
0x182: {  	[sflag:s19] =	ssyncadd.s32 $0xFFFFC000  }
0x183: {  	_ =	strace $0x90000076  }
0x184: {  	[bflag:$0x0] =	sbarrier.arrive $0xFFFF  }
0x185: {  	_ =	strace $0x80000077  }
0x186: {  	[hbm:s10], [sflag:s22] =	dma.local [spmem:s23], $0x1000  }
0x187: {  	_ =	strace $0x90000077  }
0x188: {  	_ =	strace $0x80000078  }
0x189: {  	_ =	swait.ge [sflag:s20], $0x1000  }
0x18a: {  	[sflag:s20] =	ssyncset.done $0x0  }
0x18b: {  	[sflag:s20] =	ssyncadd.s32 $0xFFFFF000  }
0x18c: {  	_ =	strace $0x90000078  }
0x18d: {  	_ =	strace $0x80000079  }
0x18e: {  	[spmem:s6] =	stream.linear.scatter [tilespmem:s15], [sflag:$0x2], $0x4000, $0x200038;
	[tilespmem:$0x1C0A0] =	vst v63  }
0x18f: {  	_ = 	snop  }
0x190: {  	[spmem:s7] =	stream.linear.scatter [tilespmem:s15], [sflag:$0x2], $0x4000, $0x200038;
	[tilespmem:$0x1C0A0] =	vst v63  }
0x191: {  	_ =	strace $0x90000079  }
0x192: {  	s24 =	simm.s32 $0xC040;
	_ =	strace $0x8000007A  }
0x193: {  	v7 =	vld [tilespmem:s24+$0x30]  }
0x194: {  	v8 =	vld [tilespmem:s24+$0xFFFFFFD0]  }
0x195: {  	v10 =	vld [tilespmem:s24+$0xFFFFFFF0]  }
0x196: {  	v9 =	vld [tilespmem:s24+$0xFFFFFFE0]  }
0x197: {  	v12 =	vld [tilespmem:s24+$0x10]  }
0x198: {  	v11 =	vld [tilespmem:s24+$0x0]  }
0x199: {  	v15 =	vld [tilespmem:s24+$0x20];
	v13 =	vshrl.u32 v7, $0x13;
	v14 =	vshrl.u32 v8, $0x13  }
0x19a: {  	s28 =	simm.s32 $0xC0C0;
	v7 =	vand.u32 $0x7FFFF, v7;
	v8 =	vand.u32 $0x7FFFF, v8;
	v16 =	vshrl.u32 v10, $0x13  }
0x19b: {  	v17 =	vld [tilespmem:s28+$0xFFFFFFD0];
	v10 =	vand.u32 $0x7FFFF, v10;
	vm0 =	veq.s32 v13, v4;
	vm1 =	veq.s32 v14, v4  }
0x19c: {  	v13 =	vld [tilespmem:s24+$0xFFFFFFC0];
	v14 =	vshrl.u32 v9, $0x13;
	vm2 =	veq.s32 v16, v4;
	v16 =	vshrl.u32 v12, $0x13  }
0x19d: {  	v7 =	vsel vm0, v7, v0;
	vm0 =	veq.s32 v14, v4;
	v14 =	vshrl.u32 v11, $0x13  }
0x19e: {  	vm4 =	veq.s32 v16, v4;
	v16 =	vshrl.u32 v15, $0x13;
	vm3 =	veq.s32 v14, v4;
	v14 =	vld [tilespmem:s28+$0x30]  }
0x19f: {  	v9 =	vand.u32 $0x7FFFF, v9;
	v12 =	vand.u32 $0x7FFFF, v12;
	vm5 =	veq.s32 v16, v4;
	v16 =	vld [tilespmem:s28+$0xFFFFFFE0]  }
0x1a0: {  	v11 =	vand.u32 $0x7FFFF, v11;
	v19 =	vsel vm2, v10, v0;
	v9 =	vsel vm0, v9, v0  }
0x1a1: {  	s24 =	simm.s32 $0x8040;
	v21 =	vsel vm4, v12, v0;
	v12 =	vshrl.u32 v17, $0x13;
	v18 =	vshrl.u32 v13, $0x13  }
0x1a2: {  	v63 =	vld [tilespmem:s28+$0xFFFFFFF0];
	[tilespmem:s24+$0x30] =	vst v7;
	v20 =	vsel vm3, v11, v0;
	v13 =	vand.u32 $0x7FFFF, v13;
	vm6 =	veq.s32 v18, v4  }
0x1a3: {  	[tilespmem:s24+$0xFFFFFFE0] =	vst v9;
	v7 =	vsel vm6, v13, v0;
	v13 =	vsel vm1, v8, v0;
	v8 =	vld [tilespmem:s28+$0x0];
	v11 =	vshrl.u32 v14, $0x13  }
0x1a4: {  	v9 =	vshrl.u32 v16, $0x13;
	[tilespmem:s24+$0xFFFFFFC0] =	vst v7;
	v7 =	vld [tilespmem:s28+$0x10];
	vm1 =	veq.s32 v11, v4;
	v11 =	vand.u32 $0x7FFFF, v14  }
0x1a5: {  	[tilespmem:s24+$0xFFFFFFF0] =	vst v19;
	vm0 =	veq.s32 v12, v4;
	v12 =	vsel vm1, v11, v0;
	vm1 =	veq.s32 v9, v4;
	v9 =	vld [tilespmem:s28+$0x20]  }
0x1a6: {  	v15 =	vand.u32 $0x7FFFF, v15;
	[tilespmem:s24+$0x10] =	vst v21;
	v14 =	vld [tilespmem:s28+$0xFFFFFFC0]  }
0x1a7: {  	v10 =	vsel vm5, v15, v0;
	[tilespmem:s24+$0xFFFFFFD0] =	vst v13;
	v13 =	vshrl.u32 v63, $0x13;
	v11 =	vand.u32 $0x7FFFF, v17  }
0x1a8: {  	s25 =	simm.s32 $0x80C0;
	[tilespmem:s24+$0x0] =	vst v20;
	vm2 =	veq.s32 v13, v4;
	v13 =	vand.u32 $0x7FFFF, v63;
	v15 =	vshrl.u32 v8, $0x13  }
0x1a9: {  	s26 =	simm.s32 $0x80;
	s28 =	simm.s32 $0xC140;
	[tilespmem:s25+$0x30] =	vst v12;
	v12 =	vand.u32 $0x7FFFF, v16;
	vm3 =	veq.s32 v15, v4;
	v15 =	vshrl.u32 v7, $0x13  }
.LBB2_18:
0x1aa: {  	v16 =	vld [tilespmem:s28+$0x30];
	s26 =	sadd.s32 $0x80, s26;
	v17 =	vand.u32 $0x7FFFF, v8;
	vm4 =	veq.s32 v15, v4;
	v8 =	vshrl.u32 v9, $0x13;
	[tilespmem:s24+$0x20] =	vst v10;
	s24 =	smov.u32 s25  }
0x1ab: {  	v15 =	vld [tilespmem:s28+$0xFFFFFFD0];
	p0 =	slt.u32 s26, $0x3F80;
	v10 =	vshrl.u32 v14, $0x13;
	v14 =	vand.u32 $0x7FFFF, v14;
	vm5 =	veq.s32 v8, v4  }
0x1ac: {  	v7 =	vand.u32 $0x7FFFF, v7;
	v9 =	vand.u32 $0x7FFFF, v9;
	v18 =	vld [tilespmem:s28+$0xFFFFFFE0];
	vm6 =	veq.s32 v10, v4  }
0x1ad: {  	v11 =	vsel vm0, v11, v0;
	v12 =	vsel vm1, v12, v0;
	v19 =	vld [tilespmem:s28+$0xFFFFFFF0];
	v10 =	vsel vm6, v14, v0  }
0x1ae: {  	v13 =	vsel vm2, v13, v0;
	v17 =	vsel vm3, v17, v0;
	v20 =	vsel vm4, v7, v0;
	v8 =	vld [tilespmem:s28+$0x0];
	[tilespmem:s25+$0xFFFFFFC0] =	vst v10  }
0x1af: {  	v10 =	vsel vm5, v9, v0;
	v7 =	vld [tilespmem:s28+$0x10];
	v14 =	vshrl.u32 v16, $0x13;
	[tilespmem:s25+$0xFFFFFFD0] =	vst v11  }
.Ltmp8:
0x1b0: {  	v16 =	vand.u32 $0x7FFFF, v16;
	v11 =	vshrl.u32 v15, $0x13;
	v9 =	vld [tilespmem:s28+$0x20];
	vm1 =	veq.s32 v14, v4;
	[tilespmem:s25+$0xFFFFFFE0] =	vst v12;
	(pc) =	sbr.rel @p0 .LBB2_18-.Ltmp8, $4  }
0x1b1: {  	s25 =	sadd.s32 $0x80, s25;
	v14 =	vld [tilespmem:s28+$0xFFFFFFC0];
	vm0 =	veq.s32 v11, v4;
	v12 =	vshrl.u32 v18, $0x13;
	v16 =	vsel vm1, v16, v0;
	[tilespmem:s24+$0xFFFFFFF0] =	vst v13  }
0x1b2: {  	v11 =	vand.u32 $0x7FFFF, v15;
	vm1 =	veq.s32 v12, v4;
	v13 =	vshrl.u32 v19, $0x13;
	[tilespmem:s25+$0x30] =	vst v16  }
0x1b3: {  	v12 =	vand.u32 $0x7FFFF, v18;
	vm2 =	veq.s32 v13, v4;
	v15 =	vshrl.u32 v8, $0x13;
	[tilespmem:s24+$0x0] =	vst v17  }
0x1b4: {  	s28 =	sadd.s32 $0x80, s28;
	v13 =	vand.u32 $0x7FFFF, v19;
	vm3 =	veq.s32 v15, v4;
	v15 =	vshrl.u32 v7, $0x13;
	[tilespmem:s24+$0x10] =	vst v20  }
0x1b5: {  	[tilespmem:s24+$0x20] =	vst v10;
	v11 =	vsel vm0, v11, v0  }
0x1b6: {  	v60 =	vsel vm1, v12, v0;
	v8 =	vand.u32 $0x7FFFF, v8;
	[tilespmem:s25+$0xFFFFFFD0] =	vst v11  }
0x1b7: {  	vm14 =	veq.s32 v15, v4;
	v61 =	vsel vm2, v13, v0;
	v62 =	vshrl.u32 v9, $0x13;
	[tilespmem:s25+$0xFFFFFFE0] =	vst v60  }
0x1b8: {  	v7 =	vand.u32 $0x7FFFF, v7;
	v63 =	vand.u32 $0x7FFFF, v9;
	v8 =	vsel vm3, v8, v0;
	[tilespmem:s25+$0xFFFFFFF0] =	vst v61  }
0x1b9: {  	v16 =	vshrl.u32 v14, $0x13;
	vm15 =	veq.s32 v62, v4;
	v7 =	vsel vm14, v7, v0;
	[tilespmem:s25+$0x0] =	vst v8  }
0x1ba: {  	v58 =	vand.u32 $0x7FFFF, v14;
	vm4 =	veq.s32 v16, v4;
	v8 =	vsel vm15, v63, v0;
	[tilespmem:s25+$0x10] =	vst v7  }
0x1bb: {  	v59 =	vsel vm4, v58, v0;
	[tilespmem:s25+$0x20] =	vst v8  }
0x1bc: {  	[tilespmem:s25+$0xFFFFFFC0] =	vst v59  }
0x1bd: {  	_ =	strace $0x9000007A  }
0x1be: {  	_ =	strace $0x8000007B  }
0x1bf: {  	_ =	swait.ge [sflag:s16], $0x4000  }
0x1c0: {  	[sflag:s16] =	ssyncset.done $0x0  }
0x1c1: {  	[sflag:s16] =	ssyncadd.s32 $0xFFFFC000  }
0x1c2: {  	_ =	swait.ge [sflag:s16], $0x4000  }
0x1c3: {  	[sflag:s16] =	ssyncset.done $0x0  }
0x1c4: {  	[sflag:s16] =	ssyncadd.s32 $0xFFFFC000  }
0x1c5: {  	_ =	strace $0x9000007B  }
0x1c6: {  	[bflag:$0x0] =	sbarrier.arrive $0xFFFF  }
0x1c7: {  	s31 =	simm.s32 $0x8000;
	_ =	strace $0x8000007C  }
0x1c8: {  	[spmem:s1] =	stream.indirect.scatter [tilespmem:s18], [sflag:$0x3], $0x1, s31, s17, $0x2000b8;
	[tilespmem:$0x1C0A0] =	vst v63  }
0x1c9: {  	s25 =	simm.s32 $0x8080  }
0x1ca: {  	[spmem:s1] =	stream.indirect.scatter [tilespmem:s18], [sflag:$0x3], $0x1, s25, s17, $0x2000b8;
	[tilespmem:$0x1C0A0] =	vst v63  }
0x1cb: {  	s26 =	simm.s32 $0x8100  }
0x1cc: {  	[spmem:s1] =	stream.indirect.scatter [tilespmem:s18], [sflag:$0x3], $0x1, s26, s17, $0x2000b8;
	[tilespmem:$0x1C0A0] =	vst v63  }
0x1cd: {  	s28 =	simm.s32 $0x8180  }
0x1ce: {  	[spmem:s1] =	stream.indirect.scatter [tilespmem:s18], [sflag:$0x3], $0x1, s28, s17, $0x2000b8;
	[tilespmem:$0x1C0A0] =	vst v63  }
0x1cf: {  	s29 =	simm.s32 $0x8200  }
0x1d0: {  	[spmem:s1] =	stream.indirect.scatter [tilespmem:s18], [sflag:$0x3], $0x1, s29, s17, $0x2000b8;
	[tilespmem:$0x1C0A0] =	vst v63  }
0x1d1: {  	s30 =	simm.s32 $0x8280;
	s24 =	simm.s32 $0x0  }
0x1d2: {  	[spmem:s1] =	stream.indirect.scatter [tilespmem:s18], [sflag:$0x3], $0x1, s30, s17, $0x2000b8;
	[tilespmem:$0x1C0A0] =	vst v63  }
0x1d3: {  	s31 =	simm.s32 $0x8300;
	s25 =	simm.s32 $0x8780;
	s26 =	simm.s32 $0x8380  }
0x1d4: {  	[spmem:s1] =	stream.indirect.scatter [tilespmem:s18], [sflag:$0x3], $0x1, s31, s17, $0x2000b8;
	[tilespmem:$0x1C0A0] =	vst v63  }
.LBB2_20:
0x1d5: {  	[spmem:s1] =	stream.indirect.scatter [tilespmem:s18], [sflag:$0x3], $0x1, s26, s17, $0x2000b8;
	[tilespmem:$0x1C0A0] =	vst v63  }
0x1d6: {  	s28 =	sadd.s32 $0xFFFFFC80, s25;
	s24 =	sadd.s32 $0x8, s24;
	s26 =	smov.u32 s25  }
0x1d7: {  	[spmem:s1] =	stream.indirect.scatter [tilespmem:s18], [sflag:$0x3], $0x1, s28, s17, $0x2000b8;
	[tilespmem:$0x1C0A0] =	vst v63  }
0x1d8: {  	p0 =	slt.u32 s24, $0x78;
	s28 =	sadd.s32 $0xFFFFFD00, s25  }
0x1d9: {  	[spmem:s1] =	stream.indirect.scatter [tilespmem:s18], [sflag:$0x3], $0x1, s28, s17, $0x2000b8;
	[tilespmem:$0x1C0A0] =	vst v63  }
0x1da: {  	s28 =	sadd.s32 $0xFFFFFD80, s25  }
0x1db: {  	[spmem:s1] =	stream.indirect.scatter [tilespmem:s18], [sflag:$0x3], $0x1, s28, s17, $0x2000b8;
	[tilespmem:$0x1C0A0] =	vst v63  }
0x1dc: {  	s28 =	sadd.s32 $0xFFFFFE00, s25  }
0x1dd: {  	[spmem:s1] =	stream.indirect.scatter [tilespmem:s18], [sflag:$0x3], $0x1, s28, s17, $0x2000b8;
	[tilespmem:$0x1C0A0] =	vst v63  }
0x1de: {  	s28 =	sadd.s32 $0xFFFFFE80, s25  }
0x1df: {  	[spmem:s1] =	stream.indirect.scatter [tilespmem:s18], [sflag:$0x3], $0x1, s28, s17, $0x2000b8;
	[tilespmem:$0x1C0A0] =	vst v63  }
.Ltmp9:
0x1e0: {  	s28 =	sadd.s32 $0xFFFFFF00, s25;
	(pc) =	sbr.rel @p0 .LBB2_20-.Ltmp9, $4  }
0x1e1: {  	[spmem:s1] =	stream.indirect.scatter [tilespmem:s18], [sflag:$0x3], $0x1, s28, s17, $0x2000b8;
	[tilespmem:$0x1C0A0] =	vst v63  }
0x1e2: {  	s28 =	sadd.s32 $0xFFFFFF80, s25  }
0x1e3: {  	[spmem:s1] =	stream.indirect.scatter [tilespmem:s18], [sflag:$0x3], $0x1, s28, s17, $0x2000b8;
	[tilespmem:$0x1C0A0] =	vst v63  }
0x1e4: {  	s25 =	sadd.s32 $0x400, s25  }
0x1e5: {  	[spmem:s1] =	stream.indirect.scatter [tilespmem:s18], [sflag:$0x3], $0x1, s26, s17, $0x2000b8;
	[tilespmem:$0x1C0A0] =	vst v63  }
0x1e6: {  	_ =	swait.ge [sflag:s19], $0x4000  }
0x1e7: {  	[sflag:s19] =	ssyncset.done $0x0  }
0x1e8: {  	[sflag:s19] =	ssyncadd.s32 $0xFFFFC000  }
0x1e9: {  	_ =	strace $0x9000007C  }
0x1ea: {  	[bflag:$0x0] =	sbarrier.arrive $0xFFFF  }
0x1eb: {  	s21 =	sadd.s32 $0x1, s21;
	_ =	strace $0x8000007D  }
0x1ec: {  	[hbm:s11], [sflag:s22] =	dma.local [spmem:s23], $0x1000  }
0x1ed: {  	p0 =	sne.s32 s21, s12;
	_ =	strace $0x9000007D  }
.Ltmp10:
0x1ee: {  	_ =	strace $0x8000007E;
	(pc) =	sbr.rel @p0 .LBB2_1-.Ltmp10, $4  }
0x1ef: {  	_ =	swait.ge [sflag:s20], $0x1000  }
0x1f0: {  	[sflag:s20] =	ssyncset.done $0x0  }
0x1f1: {  	[sflag:s20] =	ssyncadd.s32 $0xFFFFF000  }
0x1f2: {  	_ =	strace $0x9000007E  }
0x1f3: {  	_ =	sfence.sel $0x180000  }
0x1f4: {  	[bflag:$0x0] =	sbarrier.arrive $0xFFFF  }
0x1f5: {  	p0 =	sne.s32 s2, $0x0;
	_ =	strace $0x90000064  }
0x1f6: {  	s0 =	sadd.s32 @!p0 $0x100000, s0;
	[bflag:$0x2] =	sbarrier.arrive $0xFFFF  }
0x1f7: {  	[sflag:s0] =	ssyncadd.tile.s32 @!p0 $0x1;
	_ =	shalt  }
.Lfunc_end2:
_tile_overlayer_lowered:
.L_overlay_start_2:
0x1f8: {  	(tag) =	ssettag $0x2  }
0x1f9: {  	s0 =	rddreg [dreg:$0x0];
	s2 =	stileid.u32  }
0x1fa: {  	s1 =	rddreg [dreg:$0x1];
	p0 =	sne.s32 s2, $0x0  }
0x1fb: {  	s3 =	rddreg [dreg:$0x2];
	[bflag:$0x3] =	sbarrier.arrive $0xFFFF;
	s2 =	simm.s32 @!p0 $0x1C05  }
0x1fc: {  	[timem:s3], [sflag:s2] =	dma.local @!p0 [hbm:s0], s1  }
0x1fd: {  	s0 =	simm.s32 @!p0 $0x5  }
0x1fe: {  	_ =	swait.ge @!p0 [sflag:s0], s1  }
0x1ff: {  	s1 =	ssub.s32 @!p0 $0x0, s1;
	[sflag:s0] =	ssyncset.done @!p0 $0x0  }
0x200: {  	[sflag:s0] =	ssyncadd.s32 @!p0 s1  }
0x201: {  	[bflag:$0x3] =	sbarrier.arrive $0xFFFF  }
0x202: {  	_ =	shalt  }

// kernel: kernel.19.cloned.1.call-start
scs
__scs_entry_jumppad:
0x0: {  	(pc) =	sbr.rel $0x88, $3  }
0x1: {  	(tag) =	ssettag $0x0;
	lr =	simm.s32 $0x1  }
0x2: {  	[smem:$0x3F97] =	sst lr;
	_ =	strace $0xD0000000  }
0x3: {  	_ = 	snop  }
0x4: {  	_ = 	snop  }
0x5: {  	_ = 	snop  }
0x6: {  	_ = 	snop  }
0x7: {  	_ = 	snop  }
__scs_overlays_trampoline_lowered:
0x8: {  	[smem:$0x3FA6] =	sst s0  }
0x9: {  	[smem:$0x3FA7] =	sst s1  }
0xa: {  	[smem:$0x3FA8] =	sst s2  }
0xb: {  	[smem:$0x3FA9] =	sst s3  }
0xc: {  	[smem:$0x3FAA] =	sst s4  }
0xd: {  	[smem:$0x3FAB] =	sst s5  }
0xe: {  	[smem:$0x3FAC] =	sst s6  }
0xf: {  	[smem:$0x3FAD] =	sst s7  }
0x10: {  	[smem:$0x3FAE] =	sst s8  }
0x11: {  	[smem:$0x3FAF] =	sst s9;
	s0 =	simm.s32 @!p0 $0x0  }
0x12: {  	s1 =	sld [smem:$0x3F95];
	s0 =	simm.s32 @p0 $0x1  }
0x13: {  	[smem:$0x3FB0] =	sst s0;
	s0 =	simm.s32 @!p1 $0x0  }
0x14: {  	s2 =	sld [smem:$0x3F94];
	s0 =	simm.s32 @p1 $0x1  }
0x15: {  	[smem:$0x3FB1] =	sst s0;
	s0 =	simm.s32 @!p2 $0x0  }
0x16: {  	s3 =	sld [smem:$0x3FDB];
	s0 =	simm.s32 @p2 $0x1  }
0x17: {  	s4 =	simm.s32 $0x1BF5;
	[smem:$0x3FB3] =	sst s0  }
0x18: {  	s0 =	sld [smem:$0x3F96];
	_ =	swait.ge [sflag:s4], $0x0  }
0x19: {  	s7 =	sld [smem:$0x3F97]  }
0x1a: {  	s8 =	sadd.s32 $0xFFFFE003, lr  }
0x1b: {  	s9 =	sadd.s32 $0xFFFFFEF7, lr;
	s5 =	simm.s32 $0xFFFFFFFF;
	p2 =	slt.u32 s8, $0xFFFFF086  }
0x1c: {  	p1 =	slt.u32 s9, $0xF7A;
	s5 =	simm.s32 @!p2 $0x0  }
0x1d: {  	s5 =	simm.s32 @p1 $0x1;
	p0 =	seq.s32 s7, s2  }
0x1e: {  	s7 =	smul.u32 @!p0 $0xF7A, s2;
	p2 =	seq.s32 @!p0 s5, $0x0  }
0x1f: {  	s9 =	smul.u32 $0xF7A, s1;
	s8 =	simm.s32 @!p0 $0x1BF5;
	p2 =	por !p2, p0  }
0x20: {  	[sflag:s8] =	ssyncset.s32 @!p0 $0xFFFFF086;
	s6 =	sadd.s32 @!p0 s3, s7;
	s7 =	simm.s32 @!p0 $0x108  }
0x21: {  	s3 =	sadd.s32 s3, s9;
	s6 =	sadd.s32 @!p0 $0x88, s6;
	s7 =	simm.s32 @p2 $0x1082  }
0x22: {  	[simem:s7], [sflag:s8] =	dma.local @!p0 [hbm:s6], $0xF7A  }
0x23: {  	s9 =	sor.u32 $0xD0000000, s2;
	s6 =	simm.s32 $0x108;
	_ =	swait.ge @!p0 [sflag:s8], $0x0  }
0x24: {  	s3 =	sadd.s32 $0x88, s3;
	s6 =	simm.s32 @!p1 $0x1082;
	[sflag:s4] =	ssyncset.s32 $0xFFFFF086  }
0x25: {  	[simem:s6], [sflag:s4] =	dma.local [hbm:s3], $0xF7A  }
0x26: {  	[smem:$0x3F97] =	sst s1;
	(tag) =	ssettag s2;
	_ =	strace s9  }
0x27: {  	s1 =	sld [smem:$0x3FA7]  }
0x28: {  	s2 =	sld [smem:$0x3FA8]  }
0x29: {  	s4 =	sld [smem:$0x3FAA]  }
0x2a: {  	p0 =	seq.s32 s5, $0x0;
	s5 =	sld [smem:$0x3FAB]  }
0x2b: {  	s6 =	sld [smem:$0x3FAC]  }
0x2c: {  	s7 =	sld [smem:$0x3FAD]  }
0x2d: {  	s3 =	simm.s32 $0x108;
	s8 =	sld [smem:$0x3FAE]  }
0x2e: {  	s3 =	simm.s32 @!p0 $0x1082;
	s9 =	sld [smem:$0x3FAF]  }
0x2f: {  	lr =	sadd.s32 s0, s3;
	s0 =	sld [smem:$0x3FA6]  }
0x30: {  	s3 =	sld [smem:$0x3FA9]  }
0x31: {  	[smem:$0x3FB2] =	sst s10  }
0x32: {  	s10 =	sld [smem:$0x3FB0];
	_ =	sdelay $0x3  }
0x33: {  	p0 =	seq.s32 s10, $0x1;
	s10 =	sld [smem:$0x3FB2];
	_ =	sdelay $0x3  }
0x34: {  	[smem:$0x3FB2] =	sst s10  }
0x35: {  	s10 =	sld [smem:$0x3FB1];
	_ =	sdelay $0x3  }
0x36: {  	p1 =	seq.s32 s10, $0x1;
	s10 =	sld [smem:$0x3FB2];
	_ =	sdelay $0x3  }
0x37: {  	[smem:$0x3FB2] =	sst s10  }
0x38: {  	s10 =	sld [smem:$0x3FB3]  }
0x39: {  	_ = 	snop;
	(pc) =	sbr.ind lr, $3  }
0x3a: {  	_ = 	snop  }
0x3b: {  	_ = 	snop  }
0x3c: {  	p2 =	seq.s32 s10, $0x1;
	s10 =	sld [smem:$0x3FB2]  }
0x3d: {  	_ =	shalt  }
0x3e: {  	_ =	shalt  }
0x3f: {  	_ =	shalt  }
0x40: {  	_ =	shalt  }
0x41: {  	_ =	shalt  }
0x42: {  	_ =	shalt  }
0x43: {  	_ =	shalt  }
0x44: {  	_ =	shalt  }
0x45: {  	_ =	shalt  }
0x46: {  	_ =	shalt  }
0x47: {  	_ =	shalt  }
0x48: {  	_ =	shalt  }
0x49: {  	_ =	shalt  }
0x4a: {  	_ =	shalt  }
0x4b: {  	_ =	shalt  }
0x4c: {  	_ =	shalt  }
0x4d: {  	_ =	shalt  }
0x4e: {  	_ =	shalt  }
0x4f: {  	_ =	shalt  }
0x50: {  	_ =	shalt  }
0x51: {  	_ =	shalt  }
0x52: {  	_ =	shalt  }
0x53: {  	_ =	shalt  }
0x54: {  	_ =	shalt  }
0x55: {  	_ =	shalt  }
0x56: {  	_ =	shalt  }
0x57: {  	_ =	shalt  }
0x58: {  	_ =	shalt  }
0x59: {  	_ =	shalt  }
0x5a: {  	_ =	shalt  }
0x5b: {  	_ =	shalt  }
0x5c: {  	_ =	shalt  }
0x5d: {  	_ =	shalt  }
0x5e: {  	_ =	shalt  }
0x5f: {  	_ =	shalt  }
0x60: {  	_ =	shalt  }
0x61: {  	_ =	shalt  }
0x62: {  	_ =	shalt  }
0x63: {  	_ =	shalt  }
0x64: {  	_ =	shalt  }
0x65: {  	_ =	shalt  }
0x66: {  	_ =	shalt  }
0x67: {  	_ =	shalt  }
0x68: {  	_ =	shalt  }
0x69: {  	_ =	shalt  }
0x6a: {  	_ =	shalt  }
0x6b: {  	_ =	shalt  }
0x6c: {  	_ =	shalt  }
0x6d: {  	_ =	shalt  }
0x6e: {  	_ =	shalt  }
0x6f: {  	_ =	shalt  }
0x70: {  	_ =	shalt  }
0x71: {  	_ =	shalt  }
0x72: {  	_ =	shalt  }
0x73: {  	_ =	shalt  }
0x74: {  	_ =	shalt  }
0x75: {  	_ =	shalt  }
0x76: {  	_ =	shalt  }
0x77: {  	_ =	shalt  }
0x78: {  	_ =	shalt  }
0x79: {  	_ =	shalt  }
0x7a: {  	_ =	shalt  }
0x7b: {  	_ =	shalt  }
0x7c: {  	_ =	shalt  }
0x7d: {  	_ =	shalt  }
0x7e: {  	_ =	shalt  }
0x7f: {  	_ =	shalt  }
0x80: {  	_ =	shalt  }
0x81: {  	_ =	shalt  }
0x82: {  	_ =	shalt  }
0x83: {  	_ =	shalt  }
0x84: {  	_ =	shalt  }
0x85: {  	_ =	shalt  }
0x86: {  	_ =	shalt  }
0x87: {  	_ =	shalt  }
.Lfunc_end0:
.L_simem_size_0:
called_computation.3_lowered:
.L_overlay_start_0:
0x88: {  	s2 =	sld [smem:$0x3FD9]  }
0x89: {  	s3 =	sld [smem:$0x3FFE];
	_ =	sdelay $0x1  }
0x8a: {  	s1 =	srdreg.scid  }
0x8b: {  	s0 =	sand.u32 $0x1, s1  }
0x8c: {  	s17 =	sshll.u32 s0, $0xA;
	s2 =	sadd.s32 s3, s2  }
0x8d: {  	s2 =	sadd.s32 s2, s17  }
0x8e: {  	[smem:$0x3FBE] =	sst s2  }
0x8f: {  	_ = 	snop  }
0x90: {  	(tm) =	ssettm $0x1  }
0x91: {  	s18 =	sld [smem:$0x3FFB];
	_ =	sdelay $0x3  }
0x92: {  	_ =	strace s18  }
0x93: {  	s2 =	sld [smem:$0x3FFC];
	_ =	sdelay $0x3  }
0x94: {  	_ =	strace s2  }
0x95: {  	s2 =	sld [smem:$0x3FFD];
	_ =	sdelay $0x3  }
0x96: {  	_ =	strace s2  }
0x97: {  	_ =	strace $0x8FFFFFFF  }
0x98: {  	s19 =	sld [smem:$0x3FDB];
	_ =	sdelay $0x1  }
0x99: {  	s20 =	simm.s32 $_scs_section_size  }
0x9a: {  	s4 =	simm.s32 $_size__tile_overlayer_lowered;
	s5 =	simm.s32 $_tile_overlayer_lowered  }
0x9b: {  	s6 =	simm.s32 $0x1BFF;
	s21 =	sshll.u32 s5, $0x1;
	s3 =	sadd.s32 s20, s19  }
0x9c: {  	s22 =	simm.s32 $0x0;
	s4 =	sshll.u32 s4, $0x1;
	s5 =	sadd.s32 s21, s3  }
0x9d: {  	[timem:s22], [sflag:s6] =	dma.local [hbm:s5], s4  }
0x9e: {  	_ =	swait.ge [sflag:s6], s4  }
0x9f: {  	s4 =	ssub.s32 $0x0, s4;
	[sflag:s6] =	ssyncset.done $0x0  }
0xa0: {  	[sflag:s6] =	ssyncadd.s32 s4;
	_ =	sdelay $0x1  }
0xa1: {  	s23 =	simm.s32 $0x1B8B  }
0xa2: {  	_ =	swait.ge [sflag:s23], $0x1  }
0xa3: {  	[sflag:s23] =	ssyncset.done $0x0  }
0xa4: {  	[sflag:s23] =	ssyncadd.s32 $0xFFFFFFFF  }
0xa5: {  	s4 =	sld [smem:$0x0]  }
0xa6: {  	s5 =	sand.u32 $0xFFFFFFFE, s1  }
0xa7: {  	p0 =	sne.s32 s1, s5  }
0xa8: {  	s5 =	sshll.u32 @p0 s5, $0xE  }
0xa9: {  	s5 =	sadd.s32 @p0 $0x11B8D, s5;
	s6 =	sshll.u32 @p0 s4, $0x11  }
0xaa: {  	s5 =	sor.u32 @p0 s6, s5  }
0xab: {  	[sflag:s5] =	ssyncadd.remote.s32 @p0 $0x1;
	_ =	sdelay $0x1  }
0xac: {  	s5 =	simm.s32 @p0 $0x1B8D  }
0xad: {  	_ =	swait.eq @p0 [sflag:s5], $0x1  }
0xae: {  	[sflag:s5] =	ssyncadd.s32 @p0 $0xFFFFFFFF  }
0xaf: {  	s6 =	sshll.u32 @!p0 s1, $0xE  }
0xb0: {  	s6 =	sor.u32 @!p0 $0x4000, s6;
	s5 =	simm.s32 @!p0 $0x1B8D  }
0xb1: {  	s4 =	sshll.u32 @!p0 s4, $0x11;
	s6 =	sadd.s32 @!p0 $0x11B8D, s6;
	_ =	swait.eq @!p0 [sflag:s5], $0x1  }
0xb2: {  	s4 =	sor.u32 @!p0 s4, s6;
	[sflag:s5] =	ssyncadd.s32 @!p0 $0xFFFFFFFF  }
0xb3: {  	s25 =	simm.s32 $0x1B8E;
	s24 =	sld [smem:$0x3FFE];
	[sflag:s4] =	ssyncadd.remote.s32 @!p0 $0x1  }
0xb4: {  	s26 =	simm.s32 $execute0_lowered;
	[smem:$0x3FD2] =	sst s25  }
0xb5: {  	s5 =	sshll.u32 s26, $0x1;
	_ =	strace $0x8000009D;
	[dreg:$0x1] =	wrdreg $0xFFFFFFFF  }
0xb6: {  	s28 =	simm.s32 $_size_execute0_lowered;
	s3 =	sadd.s32 s3, s5;
	[dreg:$0x0] =	wrdreg $0x0  }
0xb7: {  	s5 =	sshll.u32 s28, $0x1;
	[dreg:$0x2] =	wrdreg s3  }
0xb8: {  	[dreg:$0x3] =	wrdreg s5  }
0xb9: {  	[dreg:$0x4] =	wrdreg $0xC0  }
0xba: {  	_ =	task [dreg:s22], $0x5FFFF  }
0xbb: {  	[dreg:$0x1] =	wrdreg $0xFFFFFFFF  }
0xbc: {  	[dreg:$0x0] =	wrdreg $0x60  }
0xbd: {  	[dreg:$0x2] =	wrdreg s24  }
0xbe: {  	[dreg:$0x3] =	wrdreg $0x140800  }
0xbf: {  	[dreg:$0x4] =	wrdreg $0xC  }
0xc0: {  	_ =	task.clear_ibuf [dreg:s22], $0x5FFFF;
	_ =	strace $0x9000009D  }
0xc1: {  	s29 =	simm.s32 $0xC;
	_ =	strace $0x800000B9  }
0xc2: {  	_ =	swait.ge [sflag:s29], $0x1  }
0xc3: {  	[sflag:s29] =	ssyncadd.s32 $0xFFFFFFFF  }
0xc4: {  	_ =	strace $0x900000B9  }
0xc5: {  	_ =	sfence  }
0xc6: {  	s30 =	sld [smem:$0x0];
	_ =	sdelay $0x2  }
0xc7: {  	s31 =	sshll.u32 s1, $0xD;
	s1 =	sshrl.u32 s1, $0x2  }
0xc8: {  	s4 =	sand.u32 $0x4000, s31;
	s1 =	sadd.s32 s1, s30  }
0xc9: {  	s0 =	sor.u32 s4, s0;
	s1 =	sshll.u32 s1, $0x11  }
0xca: {  	s0 =	sor.u32 s1, s0  }
0xcb: {  	s0 =	sadd.s32 $0x8F2B, s0  }
0xcc: {  	[sflag:s0] =	ssyncadd.remote.s32 $0x1  }
0xcd: {  	_ =	sfence.sel $0xFFFF  }
0xce: {  	[dreg:$0x0] =	wrdreg $0xFFFFFFFF;
	(pc) =	sbr.abs _section_cstart, $3  }
0xcf: {  	[dreg:$0x1] =	wrdreg $0xFFFFFFFF  }
0xd0: {  	_ =	task.clear_ibuf [dreg:s22], $0x2FFFF;
	_ =	strace $0x9FFFFFFF  }
0xd1: {  	(tm) =	ssettm $0x7FFFFFFF  }
tec
execute0_lowered:
.L_overlay_start_1:
0x0: {  	(tag) =	ssettag $0x1  }
0x1: {  	s4 =	rddreg [dreg:$0x0]  }
0x2: {  	s1 =	rddreg [dreg:$0x1]  }
0x3: {  	s0 =	rddreg [dreg:$0x2];
	s3 =	simm.s32 $0x0;
	s5 =	srdreg.scid  }
0x4: {  	s2 =	stileid.u32;
	s15 =	simm.s32 $0x10000;
	s20 =	simm.s32 $0x4  }
0x5: {  	s21 =	simm.s32 $0x0;
	[smem:$0x7FF] =	sst s3;
	s7 =	sand.u32 $0x1, s5  }
0x6: {  	s6 =	sshll.u32 s2, $0xF;
	s8 =	sshll.u32 s2, $0xB;
	s31 =	sshll.u32 s2, $0x4  }
0x7: {  	_ =	strace $0x8000009E;
	s5 =	sshll.u32 s7, $0x15;
	s9 =	ssub.s32 $0x2, s7  }
0x8: {  	s8 =	sadd.s32 s8, s4;
	s13 =	sor.u32 $0x80000, s31;
	s14 =	sshll.u32 s7, $0x2  }
0x9: {  	s5 =	sor.u32 s6, s5;
	s10 =	sshrl.u32 s9, $0x1;
	s6 =	sadd.s32 s6, s1  }
0xa: {  	v0 =	vlaneseq.u32;
	s16 =	sor.u32 $0x18, s14;
	s17 =	sor.u32 $0x19, s14;
	s18 =	sor.u32 $0x1A, s14  }
0xb: {  	s19 =	sor.u32 $0x1B, s14;
	v0 =	vor.u32 s13, v0;
	s13 =	simm.s32 $0x4000;
	s14 =	simm.s32 $0x1  }
0xc: {  	s5 =	sshrl.u32 s5, $0x3;
	s12 =	ssub.s32 s9, s10;
	s7 =	sadd.s32 $0x4000, s6  }
0xd: {  	v1 =	vmov s16;
	v2 =	vmov s17;
	v3 =	vmov s18;
	s16 =	simm.s32 $0x2;
	s17 =	simm.s32 $0x80;
	s18 =	simm.s32 $0x14000  }
0xe: {  	v4 =	vmov s19;
	s19 =	simm.s32 $0x3;
	s11 =	sadd.s32 s5, s4;
	s4 =	sadd.s32 $0xAA00, s8  }
0xf: {  	s5 =	sadd.s32 $0x2A00, s8;
	s8 =	sadd.s32 $0x192A00, s11;
	s9 =	sadd.s32 $0x1A2A00, s11  }
0x10: {  	v5 =	vimm.f32 $0.0e+00;
	v6 =	vimm.f32 $1.000000000e+00;
	s12 =	smax.u32 s12, $0x1;
	s10 =	sadd.s32 $0x1B2A00, s11;
	s11 =	sadd.s32 $0x1C2A00, s11  }
.LBB2_1:
0x11: {  	[tilespmem:s3], [sflag:$0x1] =	stream.linear.gather [hbm4b:s4+s3], $0x4000, $0x38;
	[tilespmem:$0x1C0A0] =	vst v63  }
0x12: {  	s22 =	simm.s32 $0x10040  }
0x13: {  	[tilespmem:s13], [sflag:$0x1] =	stream.linear.gather [hbm4b:s5+s3], $0x4000, $0x38;
	[tilespmem:$0x1C0A0] =	vst v63  }
0x14: {  	_ =	strace $0x8000009F;
	[tilespmem:s22+$0xFFFFFFC0] =	vst v5  }
0x15: {  	[tilespmem:s22+$0x30] =	vst v5  }
0x16: {  	[tilespmem:s22+$0x20] =	vst v5  }
0x17: {  	[tilespmem:s22+$0x10] =	vst v5  }
0x18: {  	[tilespmem:s22+$0x0] =	vst v5  }
0x19: {  	[tilespmem:s22+$0xFFFFFFF0] =	vst v5  }
0x1a: {  	s23 =	simm.s32 $0x0;
	[tilespmem:s22+$0xFFFFFFE0] =	vst v5  }
.LBB2_2:
0x1b: {  	s23 =	sadd.s32 $0x80, s23;
	[tilespmem:s22+$0xFFFFFFD0] =	vst v5;
	s22 =	sadd.s32 $0x80, s22  }
0x1c: {  	[tilespmem:s22+$0xFFFFFFC0] =	vst v5;
	p0 =	slt.u32 s23, $0x3F80  }
0x1d: {  	[tilespmem:s22+$0x30] =	vst v5  }
.Ltmp0:
0x1e: {  	[tilespmem:s22+$0x20] =	vst v5;
	(pc) =	sbr.rel @p0 .LBB2_2-.Ltmp0, $4  }
0x1f: {  	[tilespmem:s22+$0x10] =	vst v5  }
0x20: {  	[tilespmem:s22+$0x0] =	vst v5  }
0x21: {  	[tilespmem:s22+$0xFFFFFFF0] =	vst v5  }
0x22: {  	[tilespmem:s22+$0xFFFFFFE0] =	vst v5  }
0x23: {  	[tilespmem:s22+$0xFFFFFFD0] =	vst v5  }
0x24: {  	[tilespmem:$0x14000] =	vst v6  }
0x25: {  	[tilespmem:$0x14010] =	vst v6  }
0x26: {  	[tilespmem:$0x14020] =	vst v6  }
0x27: {  	[tilespmem:$0x14030] =	vst v6  }
0x28: {  	[tilespmem:$0x14040] =	vst v6  }
0x29: {  	[tilespmem:$0x14050] =	vst v6  }
0x2a: {  	[tilespmem:$0x14060] =	vst v6  }
0x2b: {  	[tilespmem:$0x14070] =	vst v6  }
0x2c: {  	_ =	strace $0x9000009F  }
0x2d: {  	_ =	swait.ge [sflag:s14], $0x4000  }
0x2e: {  	[sflag:s14] =	ssyncset.done $0x0  }
0x2f: {  	[sflag:s14] =	ssyncadd.s32 $0xFFFFC000  }
0x30: {  	_ =	swait.ge [sflag:s14], $0x4000  }
0x31: {  	[sflag:s14] =	ssyncset.done $0x0  }
0x32: {  	[sflag:s14] =	ssyncadd.s32 $0xFFFFC000  }
0x33: {  	s25 =	simm.s32 $0x40;
	_ =	strace $0x800000A0  }
0x34: {  	s22 =	simm.s32 $0x4040;
	v7 =	vld [tilespmem:s25+$0x30]  }
0x35: {  	v8 =	vld [tilespmem:s22+$0x30]  }
0x36: {  	v12 =	vld [tilespmem:s22+$0xFFFFFFC0]  }
0x37: {  	v9 =	vld [tilespmem:s25+$0xFFFFFFD0]  }
0x38: {  	v10 =	vld [tilespmem:s22+$0xFFFFFFD0]  }
0x39: {  	v11 =	vld [tilespmem:s25+$0xFFFFFFE0]  }
0x3a: {  	v13 =	vld [tilespmem:s22+$0xFFFFFFE0]  }
0x3b: {  	v14 =	vld [tilespmem:s25+$0xFFFFFFF0]  }
0x3c: {  	v15 =	vld [tilespmem:s22+$0xFFFFFFF0]  }
0x3d: {  	v16 =	vld [tilespmem:s25+$0x0]  }
0x3e: {  	v17 =	vld [tilespmem:s22+$0x0];
	v7 =	vshll.u32 v7, $0xA;
	v8 =	vand.u32 $0x3FF, v8  }
0x3f: {  	s23 =	simm.s32 $0xC040;
	v9 =	vshll.u32 v9, $0xA;
	v10 =	vand.u32 $0x3FF, v10;
	v7 =	vor.u32 v7, v8;
	v8 =	vld [tilespmem:s25+$0x10]  }
0x40: {  	[tilespmem:s23+$0x30] =	vst v7;
	v7 =	vor.u32 v9, v10;
	v10 =	vshll.u32 v11, $0xA;
	v11 =	vand.u32 $0x3FF, v13;
	v9 =	vld [tilespmem:s22+$0x10]  }
0x41: {  	v13 =	vand.u32 $0x3FF, v15;
	[tilespmem:s23+$0xFFFFFFD0] =	vst v7;
	v7 =	vor.u32 v10, v11;
	v11 =	vshll.u32 v14, $0xA;
	v10 =	vld [tilespmem:s25+$0x20]  }
0x42: {  	[tilespmem:s23+$0xFFFFFFE0] =	vst v7;
	v14 =	vor.u32 v11, v13;
	v11 =	vld [tilespmem:s22+$0x20]  }
0x43: {  	s24 =	simm.s32 $0x0;
	v7 =	vand.u32 $0x3FF, v12;
	v13 =	vshll.u32 v16, $0xA;
	v12 =	vld [tilespmem:s25+$0xFFFFFFC0];
	s25 =	simm.s32 $0xC0;
	[tilespmem:s23+$0xFFFFFFF0] =	vst v14;
	v14 =	vand.u32 $0x3FF, v17  }
.LBB2_4:
0x44: {  	v15 =	vld [tilespmem:s25+$0x30];
	v13 =	vor.u32 v13, v14;
	v8 =	vshll.u32 v8, $0xA;
	s22 =	sadd.s32 $0x80, s22  }
0x45: {  	s24 =	sadd.s32 $0x80, s24;
	v14 =	vld [tilespmem:s22+$0x30];
	[tilespmem:s23+$0x0] =	vst v13;
	v9 =	vand.u32 $0x3FF, v9  }
0x46: {  	p0 =	slt.u32 s24, $0x3F80;
	v13 =	vld [tilespmem:s22+$0xFFFFFFC0];
	v8 =	vor.u32 v8, v9;
	v9 =	vshll.u32 v10, $0xA  }
0x47: {  	v10 =	vld [tilespmem:s25+$0xFFFFFFD0];
	[tilespmem:s23+$0x10] =	vst v8;
	v8 =	vand.u32 $0x3FF, v11  }
0x48: {  	v11 =	vld [tilespmem:s22+$0xFFFFFFD0];
	v12 =	vshll.u32 v12, $0xA;
	v8 =	vor.u32 v9, v8  }
0x49: {  	v9 =	vld [tilespmem:s25+$0xFFFFFFE0];
	v7 =	vor.u32 v12, v7;
	[tilespmem:s23+$0x20] =	vst v8  }
0x4a: {  	v12 =	vshll.u32 v15, $0xA;
	v8 =	vld [tilespmem:s22+$0xFFFFFFE0];
	v14 =	vand.u32 $0x3FF, v14;
	[tilespmem:s23+$0xFFFFFFC0] =	vst v7  }
0x4b: {  	s23 =	sadd.s32 $0x80, s23;
	v7 =	vand.u32 $0x3FF, v13;
	v13 =	vld [tilespmem:s25+$0xFFFFFFF0];
	v12 =	vor.u32 v12, v14  }
0x4c: {  	v10 =	vshll.u32 v10, $0xA;
	v14 =	vld [tilespmem:s22+$0xFFFFFFF0];
	[tilespmem:s23+$0x30] =	vst v12  }
0x4d: {  	v11 =	vand.u32 $0x3FF, v11;
	v12 =	vld [tilespmem:s25+$0x0]  }
0x4e: {  	v10 =	vor.u32 v10, v11;
	v9 =	vshll.u32 v9, $0xA;
	v15 =	vld [tilespmem:s22+$0x0]  }
.Ltmp1:
0x4f: {  	[tilespmem:s23+$0xFFFFFFD0] =	vst v10;
	v10 =	vand.u32 $0x3FF, v8;
	v8 =	vld [tilespmem:s25+$0x10];
	(pc) =	sbr.rel @p0 .LBB2_4-.Ltmp1, $4  }
0x50: {  	v10 =	vor.u32 v9, v10;
	v11 =	vshll.u32 v13, $0xA;
	v9 =	vld [tilespmem:s22+$0x10]  }
0x51: {  	[tilespmem:s23+$0xFFFFFFE0] =	vst v10;
	v13 =	vand.u32 $0x3FF, v14;
	v10 =	vld [tilespmem:s25+$0x20]  }
0x52: {  	v14 =	vor.u32 v11, v13;
	v13 =	vshll.u32 v12, $0xA;
	v11 =	vld [tilespmem:s22+$0x20]  }
0x53: {  	v12 =	vld [tilespmem:s25+$0xFFFFFFC0];
	[tilespmem:s23+$0xFFFFFFF0] =	vst v14;
	v14 =	vand.u32 $0x3FF, v15;
	s25 =	sadd.s32 $0x80, s25  }
0x54: {  	_ =	sdelay $0x1  }
0x55: {  	v13 =	vor.u32 v13, v14;
	v8 =	vshll.u32 v8, $0xA;
	v9 =	vand.u32 $0x3FF, v9  }
0x56: {  	[tilespmem:s23+$0x0] =	vst v13;
	v8 =	vor.u32 v8, v9;
	v9 =	vshll.u32 v10, $0xA;
	v10 =	vand.u32 $0x3FF, v11  }
0x57: {  	[tilespmem:s23+$0x10] =	vst v8;
	v8 =	vshll.u32 v12, $0xA;
	v9 =	vor.u32 v9, v10  }
0x58: {  	v7 =	vor.u32 v8, v7;
	[tilespmem:s23+$0x20] =	vst v9  }
0x59: {  	[tilespmem:s23+$0xFFFFFFC0] =	vst v7  }
0x5a: {  	_ =	strace $0x900000A0  }
0x5b: {  	_ =	strace $0x800000A1  }
0x5c: {  	[spmem:s6] =	stream.linear.scatter [tilespmem:s15], [sflag:$0x2], $0x4000, $0x200038;
	[tilespmem:$0x1C0A0] =	vst v63  }
0x5d: {  	_ = 	snop  }
0x5e: {  	[spmem:s7] =	stream.linear.scatter [tilespmem:s15], [sflag:$0x2], $0x4000, $0x200038;
	[tilespmem:$0x1C0A0] =	vst v63  }
0x5f: {  	_ =	strace $0x900000A1  }
0x60: {  	s22 =	simm.s32 $0xC040;
	_ =	strace $0x800000A2  }
0x61: {  	v7 =	vld [tilespmem:s22+$0x30]  }
0x62: {  	v8 =	vld [tilespmem:s22+$0xFFFFFFD0]  }
0x63: {  	v10 =	vld [tilespmem:s22+$0xFFFFFFF0]  }
0x64: {  	v9 =	vld [tilespmem:s22+$0xFFFFFFE0]  }
0x65: {  	v12 =	vld [tilespmem:s22+$0x10]  }
0x66: {  	v11 =	vld [tilespmem:s22+$0x0]  }
0x67: {  	v15 =	vld [tilespmem:s22+$0x20];
	v13 =	vshrl.u32 v7, $0x13;
	v14 =	vshrl.u32 v8, $0x13  }
0x68: {  	s25 =	simm.s32 $0xC0C0;
	v7 =	vand.u32 $0x7FFFF, v7;
	v8 =	vand.u32 $0x7FFFF, v8;
	v16 =	vshrl.u32 v10, $0x13  }
0x69: {  	v17 =	vld [tilespmem:s25+$0xFFFFFFD0];
	v10 =	vand.u32 $0x7FFFF, v10;
	vm0 =	veq.s32 v13, v1;
	vm1 =	veq.s32 v14, v1  }
0x6a: {  	v13 =	vld [tilespmem:s22+$0xFFFFFFC0];
	v14 =	vshrl.u32 v9, $0x13;
	vm2 =	veq.s32 v16, v1;
	v16 =	vshrl.u32 v12, $0x13  }
0x6b: {  	v7 =	vsel vm0, v7, v0;
	vm0 =	veq.s32 v14, v1;
	v14 =	vshrl.u32 v11, $0x13  }
0x6c: {  	vm4 =	veq.s32 v16, v1;
	v16 =	vshrl.u32 v15, $0x13;
	vm3 =	veq.s32 v14, v1;
	v14 =	vld [tilespmem:s25+$0x30]  }
0x6d: {  	v9 =	vand.u32 $0x7FFFF, v9;
	v12 =	vand.u32 $0x7FFFF, v12;
	vm5 =	veq.s32 v16, v1;
	v16 =	vld [tilespmem:s25+$0xFFFFFFE0]  }
0x6e: {  	v11 =	vand.u32 $0x7FFFF, v11;
	v19 =	vsel vm2, v10, v0;
	v9 =	vsel vm0, v9, v0  }
0x6f: {  	s22 =	simm.s32 $0x8040;
	v21 =	vsel vm4, v12, v0;
	v12 =	vshrl.u32 v17, $0x13;
	v18 =	vshrl.u32 v13, $0x13  }
0x70: {  	v63 =	vld [tilespmem:s25+$0xFFFFFFF0];
	[tilespmem:s22+$0x30] =	vst v7;
	v20 =	vsel vm3, v11, v0;
	v13 =	vand.u32 $0x7FFFF, v13;
	vm6 =	veq.s32 v18, v1  }
0x71: {  	[tilespmem:s22+$0xFFFFFFE0] =	vst v9;
	v7 =	vsel vm6, v13, v0;
	v13 =	vsel vm1, v8, v0;
	v8 =	vld [tilespmem:s25+$0x0];
	v11 =	vshrl.u32 v14, $0x13  }
0x72: {  	v9 =	vshrl.u32 v16, $0x13;
	[tilespmem:s22+$0xFFFFFFC0] =	vst v7;
	v7 =	vld [tilespmem:s25+$0x10];
	vm1 =	veq.s32 v11, v1;
	v11 =	vand.u32 $0x7FFFF, v14  }
0x73: {  	[tilespmem:s22+$0xFFFFFFF0] =	vst v19;
	vm0 =	veq.s32 v12, v1;
	v12 =	vsel vm1, v11, v0;
	vm1 =	veq.s32 v9, v1;
	v9 =	vld [tilespmem:s25+$0x20]  }
0x74: {  	v15 =	vand.u32 $0x7FFFF, v15;
	[tilespmem:s22+$0x10] =	vst v21;
	v14 =	vld [tilespmem:s25+$0xFFFFFFC0]  }
0x75: {  	v10 =	vsel vm5, v15, v0;
	[tilespmem:s22+$0xFFFFFFD0] =	vst v13;
	v13 =	vshrl.u32 v63, $0x13;
	v11 =	vand.u32 $0x7FFFF, v17  }
0x76: {  	s23 =	simm.s32 $0x80C0;
	[tilespmem:s22+$0x0] =	vst v20;
	vm2 =	veq.s32 v13, v1;
	v13 =	vand.u32 $0x7FFFF, v63;
	v15 =	vshrl.u32 v8, $0x13  }
0x77: {  	s24 =	simm.s32 $0x80;
	s25 =	simm.s32 $0xC140;
	[tilespmem:s23+$0x30] =	vst v12;
	v12 =	vand.u32 $0x7FFFF, v16;
	vm3 =	veq.s32 v15, v1;
	v15 =	vshrl.u32 v7, $0x13  }
.LBB2_6:
0x78: {  	v16 =	vld [tilespmem:s25+$0x30];
	s24 =	sadd.s32 $0x80, s24;
	v17 =	vand.u32 $0x7FFFF, v8;
	vm4 =	veq.s32 v15, v1;
	v8 =	vshrl.u32 v9, $0x13;
	[tilespmem:s22+$0x20] =	vst v10;
	s22 =	smov.u32 s23  }
0x79: {  	v15 =	vld [tilespmem:s25+$0xFFFFFFD0];
	p0 =	slt.u32 s24, $0x3F80;
	v10 =	vshrl.u32 v14, $0x13;
	v14 =	vand.u32 $0x7FFFF, v14;
	vm5 =	veq.s32 v8, v1  }
0x7a: {  	v7 =	vand.u32 $0x7FFFF, v7;
	v9 =	vand.u32 $0x7FFFF, v9;
	v18 =	vld [tilespmem:s25+$0xFFFFFFE0];
	vm6 =	veq.s32 v10, v1  }
0x7b: {  	v11 =	vsel vm0, v11, v0;
	v12 =	vsel vm1, v12, v0;
	v19 =	vld [tilespmem:s25+$0xFFFFFFF0];
	v10 =	vsel vm6, v14, v0  }
0x7c: {  	v13 =	vsel vm2, v13, v0;
	v17 =	vsel vm3, v17, v0;
	v20 =	vsel vm4, v7, v0;
	v8 =	vld [tilespmem:s25+$0x0];
	[tilespmem:s23+$0xFFFFFFC0] =	vst v10  }
0x7d: {  	v10 =	vsel vm5, v9, v0;
	v7 =	vld [tilespmem:s25+$0x10];
	v14 =	vshrl.u32 v16, $0x13;
	[tilespmem:s23+$0xFFFFFFD0] =	vst v11  }
.Ltmp2:
0x7e: {  	v16 =	vand.u32 $0x7FFFF, v16;
	v11 =	vshrl.u32 v15, $0x13;
	v9 =	vld [tilespmem:s25+$0x20];
	vm1 =	veq.s32 v14, v1;
	[tilespmem:s23+$0xFFFFFFE0] =	vst v12;
	(pc) =	sbr.rel @p0 .LBB2_6-.Ltmp2, $4  }
0x7f: {  	s23 =	sadd.s32 $0x80, s23;
	v14 =	vld [tilespmem:s25+$0xFFFFFFC0];
	vm0 =	veq.s32 v11, v1;
	v12 =	vshrl.u32 v18, $0x13;
	v16 =	vsel vm1, v16, v0;
	[tilespmem:s22+$0xFFFFFFF0] =	vst v13  }
0x80: {  	v11 =	vand.u32 $0x7FFFF, v15;
	vm1 =	veq.s32 v12, v1;
	v13 =	vshrl.u32 v19, $0x13;
	[tilespmem:s23+$0x30] =	vst v16  }
0x81: {  	v12 =	vand.u32 $0x7FFFF, v18;
	vm2 =	veq.s32 v13, v1;
	v15 =	vshrl.u32 v8, $0x13;
	[tilespmem:s22+$0x0] =	vst v17  }
0x82: {  	s25 =	sadd.s32 $0x80, s25;
	v13 =	vand.u32 $0x7FFFF, v19;
	vm3 =	veq.s32 v15, v1;
	v15 =	vshrl.u32 v7, $0x13;
	[tilespmem:s22+$0x10] =	vst v20  }
0x83: {  	[tilespmem:s22+$0x20] =	vst v10;
	v11 =	vsel vm0, v11, v0  }
0x84: {  	v60 =	vsel vm1, v12, v0;
	v8 =	vand.u32 $0x7FFFF, v8;
	[tilespmem:s23+$0xFFFFFFD0] =	vst v11  }
0x85: {  	vm14 =	veq.s32 v15, v1;
	v61 =	vsel vm2, v13, v0;
	v62 =	vshrl.u32 v9, $0x13;
	[tilespmem:s23+$0xFFFFFFE0] =	vst v60  }
0x86: {  	v7 =	vand.u32 $0x7FFFF, v7;
	v63 =	vand.u32 $0x7FFFF, v9;
	v8 =	vsel vm3, v8, v0;
	[tilespmem:s23+$0xFFFFFFF0] =	vst v61  }
0x87: {  	v16 =	vshrl.u32 v14, $0x13;
	vm15 =	veq.s32 v62, v1;
	v7 =	vsel vm14, v7, v0;
	[tilespmem:s23+$0x0] =	vst v8  }
0x88: {  	v58 =	vand.u32 $0x7FFFF, v14;
	vm4 =	veq.s32 v16, v1;
	v8 =	vsel vm15, v63, v0;
	[tilespmem:s23+$0x10] =	vst v7  }
0x89: {  	v59 =	vsel vm4, v58, v0;
	[tilespmem:s23+$0x20] =	vst v8  }
0x8a: {  	[tilespmem:s23+$0xFFFFFFC0] =	vst v59  }
0x8b: {  	_ =	strace $0x900000A2  }
0x8c: {  	_ =	strace $0x800000A3  }
0x8d: {  	_ =	swait.ge [sflag:s16], $0x4000  }
0x8e: {  	[sflag:s16] =	ssyncset.done $0x0  }
0x8f: {  	[sflag:s16] =	ssyncadd.s32 $0xFFFFC000  }
0x90: {  	_ =	swait.ge [sflag:s16], $0x4000  }
0x91: {  	[sflag:s16] =	ssyncset.done $0x0  }
0x92: {  	[sflag:s16] =	ssyncadd.s32 $0xFFFFC000  }
0x93: {  	_ =	strace $0x900000A3  }
0x94: {  	[bflag:$0x0] =	sbarrier.arrive $0xFFFF  }
0x95: {  	s24 =	simm.s32 $0x8000;
	_ =	strace $0x800000A4  }
0x96: {  	[spmem:s1] =	stream.indirect.scatter [tilespmem:s18], [sflag:$0x3], $0x1, s24, s17, $0x2000b8;
	[tilespmem:$0x1C0A0] =	vst v63  }
0x97: {  	s25 =	simm.s32 $0x8080  }
0x98: {  	[spmem:s1] =	stream.indirect.scatter [tilespmem:s18], [sflag:$0x3], $0x1, s25, s17, $0x2000b8;
	[tilespmem:$0x1C0A0] =	vst v63  }
0x99: {  	s26 =	simm.s32 $0x8100  }
0x9a: {  	[spmem:s1] =	stream.indirect.scatter [tilespmem:s18], [sflag:$0x3], $0x1, s26, s17, $0x2000b8;
	[tilespmem:$0x1C0A0] =	vst v63  }
0x9b: {  	s28 =	simm.s32 $0x8180  }
0x9c: {  	[spmem:s1] =	stream.indirect.scatter [tilespmem:s18], [sflag:$0x3], $0x1, s28, s17, $0x2000b8;
	[tilespmem:$0x1C0A0] =	vst v63  }
0x9d: {  	s29 =	simm.s32 $0x8200  }
0x9e: {  	[spmem:s1] =	stream.indirect.scatter [tilespmem:s18], [sflag:$0x3], $0x1, s29, s17, $0x2000b8;
	[tilespmem:$0x1C0A0] =	vst v63  }
0x9f: {  	s30 =	simm.s32 $0x8280;
	s31 =	simm.s32 $0x8300  }
0xa0: {  	[spmem:s1] =	stream.indirect.scatter [tilespmem:s18], [sflag:$0x3], $0x1, s30, s17, $0x2000b8;
	[tilespmem:$0x1C0A0] =	vst v63  }
0xa1: {  	s22 =	simm.s32 $0x0;
	s23 =	simm.s32 $0x8780;
	s24 =	simm.s32 $0x8380  }
0xa2: {  	[spmem:s1] =	stream.indirect.scatter [tilespmem:s18], [sflag:$0x3], $0x1, s31, s17, $0x2000b8;
	[tilespmem:$0x1C0A0] =	vst v63  }
.LBB2_8:
0xa3: {  	[spmem:s1] =	stream.indirect.scatter [tilespmem:s18], [sflag:$0x3], $0x1, s24, s17, $0x2000b8;
	[tilespmem:$0x1C0A0] =	vst v63  }
0xa4: {  	s25 =	sadd.s32 $0xFFFFFC80, s23;
	s22 =	sadd.s32 $0x8, s22;
	s24 =	smov.u32 s23  }
0xa5: {  	[spmem:s1] =	stream.indirect.scatter [tilespmem:s18], [sflag:$0x3], $0x1, s25, s17, $0x2000b8;
	[tilespmem:$0x1C0A0] =	vst v63  }
0xa6: {  	p0 =	slt.u32 s22, $0x78;
	s25 =	sadd.s32 $0xFFFFFD00, s23  }
0xa7: {  	[spmem:s1] =	stream.indirect.scatter [tilespmem:s18], [sflag:$0x3], $0x1, s25, s17, $0x2000b8;
	[tilespmem:$0x1C0A0] =	vst v63  }
0xa8: {  	s25 =	sadd.s32 $0xFFFFFD80, s23  }
0xa9: {  	[spmem:s1] =	stream.indirect.scatter [tilespmem:s18], [sflag:$0x3], $0x1, s25, s17, $0x2000b8;
	[tilespmem:$0x1C0A0] =	vst v63  }
0xaa: {  	s25 =	sadd.s32 $0xFFFFFE00, s23  }
0xab: {  	[spmem:s1] =	stream.indirect.scatter [tilespmem:s18], [sflag:$0x3], $0x1, s25, s17, $0x2000b8;
	[tilespmem:$0x1C0A0] =	vst v63  }
0xac: {  	s25 =	sadd.s32 $0xFFFFFE80, s23  }
0xad: {  	[spmem:s1] =	stream.indirect.scatter [tilespmem:s18], [sflag:$0x3], $0x1, s25, s17, $0x2000b8;
	[tilespmem:$0x1C0A0] =	vst v63  }
.Ltmp3:
0xae: {  	s25 =	sadd.s32 $0xFFFFFF00, s23;
	(pc) =	sbr.rel @p0 .LBB2_8-.Ltmp3, $4  }
0xaf: {  	[spmem:s1] =	stream.indirect.scatter [tilespmem:s18], [sflag:$0x3], $0x1, s25, s17, $0x2000b8;
	[tilespmem:$0x1C0A0] =	vst v63  }
0xb0: {  	s25 =	sadd.s32 $0xFFFFFF80, s23  }
0xb1: {  	[spmem:s1] =	stream.indirect.scatter [tilespmem:s18], [sflag:$0x3], $0x1, s25, s17, $0x2000b8;
	[tilespmem:$0x1C0A0] =	vst v63  }
0xb2: {  	s23 =	sadd.s32 $0x400, s23  }
0xb3: {  	[spmem:s1] =	stream.indirect.scatter [tilespmem:s18], [sflag:$0x3], $0x1, s24, s17, $0x2000b8;
	[tilespmem:$0x1C0A0] =	vst v63  }
0xb4: {  	_ =	swait.ge [sflag:s19], $0x4000  }
0xb5: {  	[sflag:s19] =	ssyncset.done $0x0  }
0xb6: {  	[sflag:s19] =	ssyncadd.s32 $0xFFFFC000  }
0xb7: {  	_ =	strace $0x900000A4  }
0xb8: {  	s22 =	sshll.u32 s2, $0x6;
	[bflag:$0x0] =	sbarrier.arrive $0xFFFF  }
0xb9: {  	s23 =	sshrl.u32 s6, $0x3;
	s22 =	sor.u32 $0x1C04, s22;
	_ =	strace $0x800000A5  }
0xba: {  	[hbm:s8], [sflag:s22] =	dma.local [spmem:s23], $0x1000  }
0xbb: {  	_ =	strace $0x900000A5  }
0xbc: {  	_ =	strace $0x800000A6  }
0xbd: {  	_ =	swait.ge [sflag:s20], $0x1000  }
0xbe: {  	[sflag:s20] =	ssyncset.done $0x0  }
0xbf: {  	[sflag:s20] =	ssyncadd.s32 $0xFFFFF000  }
0xc0: {  	_ =	strace $0x900000A6  }
0xc1: {  	_ =	strace $0x800000A7  }
0xc2: {  	[spmem:s6] =	stream.linear.scatter [tilespmem:s15], [sflag:$0x2], $0x4000, $0x200038;
	[tilespmem:$0x1C0A0] =	vst v63  }
0xc3: {  	_ = 	snop  }
0xc4: {  	[spmem:s7] =	stream.linear.scatter [tilespmem:s15], [sflag:$0x2], $0x4000, $0x200038;
	[tilespmem:$0x1C0A0] =	vst v63  }
0xc5: {  	_ =	strace $0x900000A7  }
0xc6: {  	s31 =	simm.s32 $0xC040;
	_ =	strace $0x800000A8  }
0xc7: {  	v7 =	vld [tilespmem:s31+$0x30]  }
0xc8: {  	v8 =	vld [tilespmem:s31+$0xFFFFFFD0]  }
0xc9: {  	v10 =	vld [tilespmem:s31+$0xFFFFFFF0]  }
0xca: {  	v9 =	vld [tilespmem:s31+$0xFFFFFFE0]  }
0xcb: {  	v12 =	vld [tilespmem:s31+$0x10]  }
0xcc: {  	v11 =	vld [tilespmem:s31+$0x0]  }
0xcd: {  	v15 =	vld [tilespmem:s31+$0x20];
	v13 =	vshrl.u32 v7, $0x13;
	v14 =	vshrl.u32 v8, $0x13  }
0xce: {  	s28 =	simm.s32 $0xC0C0;
	v7 =	vand.u32 $0x7FFFF, v7;
	v8 =	vand.u32 $0x7FFFF, v8;
	v16 =	vshrl.u32 v10, $0x13  }
0xcf: {  	v17 =	vld [tilespmem:s28+$0xFFFFFFD0];
	v10 =	vand.u32 $0x7FFFF, v10;
	vm0 =	veq.s32 v13, v2;
	vm1 =	veq.s32 v14, v2  }
0xd0: {  	v13 =	vld [tilespmem:s31+$0xFFFFFFC0];
	v14 =	vshrl.u32 v9, $0x13;
	vm2 =	veq.s32 v16, v2;
	v16 =	vshrl.u32 v12, $0x13  }
0xd1: {  	v7 =	vsel vm0, v7, v0;
	vm0 =	veq.s32 v14, v2;
	v14 =	vshrl.u32 v11, $0x13  }
0xd2: {  	vm4 =	veq.s32 v16, v2;
	v16 =	vshrl.u32 v15, $0x13;
	vm3 =	veq.s32 v14, v2;
	v14 =	vld [tilespmem:s28+$0x30]  }
0xd3: {  	v9 =	vand.u32 $0x7FFFF, v9;
	v12 =	vand.u32 $0x7FFFF, v12;
	vm5 =	veq.s32 v16, v2;
	v16 =	vld [tilespmem:s28+$0xFFFFFFE0]  }
0xd4: {  	v11 =	vand.u32 $0x7FFFF, v11;
	v19 =	vsel vm2, v10, v0;
	v9 =	vsel vm0, v9, v0  }
0xd5: {  	s24 =	simm.s32 $0x8040;
	v21 =	vsel vm4, v12, v0;
	v12 =	vshrl.u32 v17, $0x13;
	v18 =	vshrl.u32 v13, $0x13  }
0xd6: {  	v63 =	vld [tilespmem:s28+$0xFFFFFFF0];
	[tilespmem:s24+$0x30] =	vst v7;
	v20 =	vsel vm3, v11, v0;
	v13 =	vand.u32 $0x7FFFF, v13;
	vm6 =	veq.s32 v18, v2  }
0xd7: {  	[tilespmem:s24+$0xFFFFFFE0] =	vst v9;
	v7 =	vsel vm6, v13, v0;
	v13 =	vsel vm1, v8, v0;
	v8 =	vld [tilespmem:s28+$0x0];
	v11 =	vshrl.u32 v14, $0x13  }
0xd8: {  	v9 =	vshrl.u32 v16, $0x13;
	[tilespmem:s24+$0xFFFFFFC0] =	vst v7;
	v7 =	vld [tilespmem:s28+$0x10];
	vm1 =	veq.s32 v11, v2;
	v11 =	vand.u32 $0x7FFFF, v14  }
0xd9: {  	[tilespmem:s24+$0xFFFFFFF0] =	vst v19;
	vm0 =	veq.s32 v12, v2;
	v12 =	vsel vm1, v11, v0;
	vm1 =	veq.s32 v9, v2;
	v9 =	vld [tilespmem:s28+$0x20]  }
0xda: {  	v15 =	vand.u32 $0x7FFFF, v15;
	[tilespmem:s24+$0x10] =	vst v21;
	v14 =	vld [tilespmem:s28+$0xFFFFFFC0]  }
0xdb: {  	v10 =	vsel vm5, v15, v0;
	[tilespmem:s24+$0xFFFFFFD0] =	vst v13;
	v13 =	vshrl.u32 v63, $0x13;
	v11 =	vand.u32 $0x7FFFF, v17  }
0xdc: {  	s25 =	simm.s32 $0x80C0;
	[tilespmem:s24+$0x0] =	vst v20;
	vm2 =	veq.s32 v13, v2;
	v13 =	vand.u32 $0x7FFFF, v63;
	v15 =	vshrl.u32 v8, $0x13  }
0xdd: {  	s26 =	simm.s32 $0x80;
	s28 =	simm.s32 $0xC140;
	[tilespmem:s25+$0x30] =	vst v12;
	v12 =	vand.u32 $0x7FFFF, v16;
	vm3 =	veq.s32 v15, v2;
	v15 =	vshrl.u32 v7, $0x13  }
.LBB2_10:
0xde: {  	v16 =	vld [tilespmem:s28+$0x30];
	s26 =	sadd.s32 $0x80, s26;
	v17 =	vand.u32 $0x7FFFF, v8;
	vm4 =	veq.s32 v15, v2;
	v8 =	vshrl.u32 v9, $0x13;
	[tilespmem:s24+$0x20] =	vst v10;
	s24 =	smov.u32 s25  }
0xdf: {  	v15 =	vld [tilespmem:s28+$0xFFFFFFD0];
	p0 =	slt.u32 s26, $0x3F80;
	v10 =	vshrl.u32 v14, $0x13;
	v14 =	vand.u32 $0x7FFFF, v14;
	vm5 =	veq.s32 v8, v2  }
0xe0: {  	v7 =	vand.u32 $0x7FFFF, v7;
	v9 =	vand.u32 $0x7FFFF, v9;
	v18 =	vld [tilespmem:s28+$0xFFFFFFE0];
	vm6 =	veq.s32 v10, v2  }
0xe1: {  	v11 =	vsel vm0, v11, v0;
	v12 =	vsel vm1, v12, v0;
	v19 =	vld [tilespmem:s28+$0xFFFFFFF0];
	v10 =	vsel vm6, v14, v0  }
0xe2: {  	v13 =	vsel vm2, v13, v0;
	v17 =	vsel vm3, v17, v0;
	v20 =	vsel vm4, v7, v0;
	v8 =	vld [tilespmem:s28+$0x0];
	[tilespmem:s25+$0xFFFFFFC0] =	vst v10  }
0xe3: {  	v10 =	vsel vm5, v9, v0;
	v7 =	vld [tilespmem:s28+$0x10];
	v14 =	vshrl.u32 v16, $0x13;
	[tilespmem:s25+$0xFFFFFFD0] =	vst v11  }
.Ltmp4:
0xe4: {  	v16 =	vand.u32 $0x7FFFF, v16;
	v11 =	vshrl.u32 v15, $0x13;
	v9 =	vld [tilespmem:s28+$0x20];
	vm1 =	veq.s32 v14, v2;
	[tilespmem:s25+$0xFFFFFFE0] =	vst v12;
	(pc) =	sbr.rel @p0 .LBB2_10-.Ltmp4, $4  }
0xe5: {  	s25 =	sadd.s32 $0x80, s25;
	v14 =	vld [tilespmem:s28+$0xFFFFFFC0];
	vm0 =	veq.s32 v11, v2;
	v12 =	vshrl.u32 v18, $0x13;
	v16 =	vsel vm1, v16, v0;
	[tilespmem:s24+$0xFFFFFFF0] =	vst v13  }
0xe6: {  	v11 =	vand.u32 $0x7FFFF, v15;
	vm1 =	veq.s32 v12, v2;
	v13 =	vshrl.u32 v19, $0x13;
	[tilespmem:s25+$0x30] =	vst v16  }
0xe7: {  	v12 =	vand.u32 $0x7FFFF, v18;
	vm2 =	veq.s32 v13, v2;
	v15 =	vshrl.u32 v8, $0x13;
	[tilespmem:s24+$0x0] =	vst v17  }
0xe8: {  	s28 =	sadd.s32 $0x80, s28;
	v13 =	vand.u32 $0x7FFFF, v19;
	vm3 =	veq.s32 v15, v2;
	v15 =	vshrl.u32 v7, $0x13;
	[tilespmem:s24+$0x10] =	vst v20  }
0xe9: {  	[tilespmem:s24+$0x20] =	vst v10;
	v11 =	vsel vm0, v11, v0  }
0xea: {  	v60 =	vsel vm1, v12, v0;
	v8 =	vand.u32 $0x7FFFF, v8;
	[tilespmem:s25+$0xFFFFFFD0] =	vst v11  }
0xeb: {  	vm14 =	veq.s32 v15, v2;
	v61 =	vsel vm2, v13, v0;
	v62 =	vshrl.u32 v9, $0x13;
	[tilespmem:s25+$0xFFFFFFE0] =	vst v60  }
0xec: {  	v7 =	vand.u32 $0x7FFFF, v7;
	v63 =	vand.u32 $0x7FFFF, v9;
	v8 =	vsel vm3, v8, v0;
	[tilespmem:s25+$0xFFFFFFF0] =	vst v61  }
0xed: {  	v16 =	vshrl.u32 v14, $0x13;
	vm15 =	veq.s32 v62, v2;
	v7 =	vsel vm14, v7, v0;
	[tilespmem:s25+$0x0] =	vst v8  }
0xee: {  	v58 =	vand.u32 $0x7FFFF, v14;
	vm4 =	veq.s32 v16, v2;
	v8 =	vsel vm15, v63, v0;
	[tilespmem:s25+$0x10] =	vst v7  }
0xef: {  	v59 =	vsel vm4, v58, v0;
	[tilespmem:s25+$0x20] =	vst v8  }
0xf0: {  	[tilespmem:s25+$0xFFFFFFC0] =	vst v59  }
0xf1: {  	_ =	strace $0x900000A8  }
0xf2: {  	_ =	strace $0x800000A9  }
0xf3: {  	_ =	swait.ge [sflag:s16], $0x4000  }
0xf4: {  	[sflag:s16] =	ssyncset.done $0x0  }
0xf5: {  	[sflag:s16] =	ssyncadd.s32 $0xFFFFC000  }
0xf6: {  	_ =	swait.ge [sflag:s16], $0x4000  }
0xf7: {  	[sflag:s16] =	ssyncset.done $0x0  }
0xf8: {  	[sflag:s16] =	ssyncadd.s32 $0xFFFFC000  }
0xf9: {  	_ =	strace $0x900000A9  }
0xfa: {  	[bflag:$0x0] =	sbarrier.arrive $0xFFFF  }
0xfb: {  	s31 =	simm.s32 $0x8000;
	_ =	strace $0x800000AA  }
0xfc: {  	[spmem:s1] =	stream.indirect.scatter [tilespmem:s18], [sflag:$0x3], $0x1, s31, s17, $0x2000b8;
	[tilespmem:$0x1C0A0] =	vst v63  }
0xfd: {  	s25 =	simm.s32 $0x8080  }
0xfe: {  	[spmem:s1] =	stream.indirect.scatter [tilespmem:s18], [sflag:$0x3], $0x1, s25, s17, $0x2000b8;
	[tilespmem:$0x1C0A0] =	vst v63  }
0xff: {  	s26 =	simm.s32 $0x8100  }
0x100: {  	[spmem:s1] =	stream.indirect.scatter [tilespmem:s18], [sflag:$0x3], $0x1, s26, s17, $0x2000b8;
	[tilespmem:$0x1C0A0] =	vst v63  }
0x101: {  	s28 =	simm.s32 $0x8180  }
0x102: {  	[spmem:s1] =	stream.indirect.scatter [tilespmem:s18], [sflag:$0x3], $0x1, s28, s17, $0x2000b8;
	[tilespmem:$0x1C0A0] =	vst v63  }
0x103: {  	s29 =	simm.s32 $0x8200  }
0x104: {  	[spmem:s1] =	stream.indirect.scatter [tilespmem:s18], [sflag:$0x3], $0x1, s29, s17, $0x2000b8;
	[tilespmem:$0x1C0A0] =	vst v63  }
0x105: {  	s30 =	simm.s32 $0x8280;
	s24 =	simm.s32 $0x0  }
0x106: {  	[spmem:s1] =	stream.indirect.scatter [tilespmem:s18], [sflag:$0x3], $0x1, s30, s17, $0x2000b8;
	[tilespmem:$0x1C0A0] =	vst v63  }
0x107: {  	s31 =	simm.s32 $0x8300;
	s25 =	simm.s32 $0x8780;
	s26 =	simm.s32 $0x8380  }
0x108: {  	[spmem:s1] =	stream.indirect.scatter [tilespmem:s18], [sflag:$0x3], $0x1, s31, s17, $0x2000b8;
	[tilespmem:$0x1C0A0] =	vst v63  }
.LBB2_12:
0x109: {  	[spmem:s1] =	stream.indirect.scatter [tilespmem:s18], [sflag:$0x3], $0x1, s26, s17, $0x2000b8;
	[tilespmem:$0x1C0A0] =	vst v63  }
0x10a: {  	s28 =	sadd.s32 $0xFFFFFC80, s25;
	s24 =	sadd.s32 $0x8, s24;
	s26 =	smov.u32 s25  }
0x10b: {  	[spmem:s1] =	stream.indirect.scatter [tilespmem:s18], [sflag:$0x3], $0x1, s28, s17, $0x2000b8;
	[tilespmem:$0x1C0A0] =	vst v63  }
0x10c: {  	p0 =	slt.u32 s24, $0x78;
	s28 =	sadd.s32 $0xFFFFFD00, s25  }
0x10d: {  	[spmem:s1] =	stream.indirect.scatter [tilespmem:s18], [sflag:$0x3], $0x1, s28, s17, $0x2000b8;
	[tilespmem:$0x1C0A0] =	vst v63  }
0x10e: {  	s28 =	sadd.s32 $0xFFFFFD80, s25  }
0x10f: {  	[spmem:s1] =	stream.indirect.scatter [tilespmem:s18], [sflag:$0x3], $0x1, s28, s17, $0x2000b8;
	[tilespmem:$0x1C0A0] =	vst v63  }
0x110: {  	s28 =	sadd.s32 $0xFFFFFE00, s25  }
0x111: {  	[spmem:s1] =	stream.indirect.scatter [tilespmem:s18], [sflag:$0x3], $0x1, s28, s17, $0x2000b8;
	[tilespmem:$0x1C0A0] =	vst v63  }
0x112: {  	s28 =	sadd.s32 $0xFFFFFE80, s25  }
0x113: {  	[spmem:s1] =	stream.indirect.scatter [tilespmem:s18], [sflag:$0x3], $0x1, s28, s17, $0x2000b8;
	[tilespmem:$0x1C0A0] =	vst v63  }
.Ltmp5:
0x114: {  	s28 =	sadd.s32 $0xFFFFFF00, s25;
	(pc) =	sbr.rel @p0 .LBB2_12-.Ltmp5, $4  }
0x115: {  	[spmem:s1] =	stream.indirect.scatter [tilespmem:s18], [sflag:$0x3], $0x1, s28, s17, $0x2000b8;
	[tilespmem:$0x1C0A0] =	vst v63  }
0x116: {  	s28 =	sadd.s32 $0xFFFFFF80, s25  }
0x117: {  	[spmem:s1] =	stream.indirect.scatter [tilespmem:s18], [sflag:$0x3], $0x1, s28, s17, $0x2000b8;
	[tilespmem:$0x1C0A0] =	vst v63  }
0x118: {  	s25 =	sadd.s32 $0x400, s25  }
0x119: {  	[spmem:s1] =	stream.indirect.scatter [tilespmem:s18], [sflag:$0x3], $0x1, s26, s17, $0x2000b8;
	[tilespmem:$0x1C0A0] =	vst v63  }
0x11a: {  	_ =	swait.ge [sflag:s19], $0x4000  }
0x11b: {  	[sflag:s19] =	ssyncset.done $0x0  }
0x11c: {  	[sflag:s19] =	ssyncadd.s32 $0xFFFFC000  }
0x11d: {  	_ =	strace $0x900000AA  }
0x11e: {  	[bflag:$0x0] =	sbarrier.arrive $0xFFFF  }
0x11f: {  	_ =	strace $0x800000AB  }
0x120: {  	[hbm:s9], [sflag:s22] =	dma.local [spmem:s23], $0x1000  }
0x121: {  	_ =	strace $0x900000AB  }
0x122: {  	_ =	strace $0x800000AC  }
0x123: {  	_ =	swait.ge [sflag:s20], $0x1000  }
0x124: {  	[sflag:s20] =	ssyncset.done $0x0  }
0x125: {  	[sflag:s20] =	ssyncadd.s32 $0xFFFFF000  }
0x126: {  	_ =	strace $0x900000AC  }
0x127: {  	_ =	strace $0x800000AD  }
0x128: {  	[spmem:s6] =	stream.linear.scatter [tilespmem:s15], [sflag:$0x2], $0x4000, $0x200038;
	[tilespmem:$0x1C0A0] =	vst v63  }
0x129: {  	_ = 	snop  }
0x12a: {  	[spmem:s7] =	stream.linear.scatter [tilespmem:s15], [sflag:$0x2], $0x4000, $0x200038;
	[tilespmem:$0x1C0A0] =	vst v63  }
0x12b: {  	_ =	strace $0x900000AD  }
0x12c: {  	s24 =	simm.s32 $0xC040;
	_ =	strace $0x800000AE  }
0x12d: {  	v7 =	vld [tilespmem:s24+$0x30]  }
0x12e: {  	v8 =	vld [tilespmem:s24+$0xFFFFFFD0]  }
0x12f: {  	v10 =	vld [tilespmem:s24+$0xFFFFFFF0]  }
0x130: {  	v9 =	vld [tilespmem:s24+$0xFFFFFFE0]  }
0x131: {  	v12 =	vld [tilespmem:s24+$0x10]  }
0x132: {  	v11 =	vld [tilespmem:s24+$0x0]  }
0x133: {  	v15 =	vld [tilespmem:s24+$0x20];
	v13 =	vshrl.u32 v7, $0x13;
	v14 =	vshrl.u32 v8, $0x13  }
0x134: {  	s28 =	simm.s32 $0xC0C0;
	v7 =	vand.u32 $0x7FFFF, v7;
	v8 =	vand.u32 $0x7FFFF, v8;
	v16 =	vshrl.u32 v10, $0x13  }
0x135: {  	v17 =	vld [tilespmem:s28+$0xFFFFFFD0];
	v10 =	vand.u32 $0x7FFFF, v10;
	vm0 =	veq.s32 v13, v3;
	vm1 =	veq.s32 v14, v3  }
0x136: {  	v13 =	vld [tilespmem:s24+$0xFFFFFFC0];
	v14 =	vshrl.u32 v9, $0x13;
	vm2 =	veq.s32 v16, v3;
	v16 =	vshrl.u32 v12, $0x13  }
0x137: {  	v7 =	vsel vm0, v7, v0;
	vm0 =	veq.s32 v14, v3;
	v14 =	vshrl.u32 v11, $0x13  }
0x138: {  	vm4 =	veq.s32 v16, v3;
	v16 =	vshrl.u32 v15, $0x13;
	vm3 =	veq.s32 v14, v3;
	v14 =	vld [tilespmem:s28+$0x30]  }
0x139: {  	v9 =	vand.u32 $0x7FFFF, v9;
	v12 =	vand.u32 $0x7FFFF, v12;
	vm5 =	veq.s32 v16, v3;
	v16 =	vld [tilespmem:s28+$0xFFFFFFE0]  }
0x13a: {  	v11 =	vand.u32 $0x7FFFF, v11;
	v19 =	vsel vm2, v10, v0;
	v9 =	vsel vm0, v9, v0  }
0x13b: {  	s24 =	simm.s32 $0x8040;
	v21 =	vsel vm4, v12, v0;
	v12 =	vshrl.u32 v17, $0x13;
	v18 =	vshrl.u32 v13, $0x13  }
0x13c: {  	v63 =	vld [tilespmem:s28+$0xFFFFFFF0];
	[tilespmem:s24+$0x30] =	vst v7;
	v20 =	vsel vm3, v11, v0;
	v13 =	vand.u32 $0x7FFFF, v13;
	vm6 =	veq.s32 v18, v3  }
0x13d: {  	[tilespmem:s24+$0xFFFFFFE0] =	vst v9;
	v7 =	vsel vm6, v13, v0;
	v13 =	vsel vm1, v8, v0;
	v8 =	vld [tilespmem:s28+$0x0];
	v11 =	vshrl.u32 v14, $0x13  }
0x13e: {  	v9 =	vshrl.u32 v16, $0x13;
	[tilespmem:s24+$0xFFFFFFC0] =	vst v7;
	v7 =	vld [tilespmem:s28+$0x10];
	vm1 =	veq.s32 v11, v3;
	v11 =	vand.u32 $0x7FFFF, v14  }
0x13f: {  	[tilespmem:s24+$0xFFFFFFF0] =	vst v19;
	vm0 =	veq.s32 v12, v3;
	v12 =	vsel vm1, v11, v0;
	vm1 =	veq.s32 v9, v3;
	v9 =	vld [tilespmem:s28+$0x20]  }
0x140: {  	v15 =	vand.u32 $0x7FFFF, v15;
	[tilespmem:s24+$0x10] =	vst v21;
	v14 =	vld [tilespmem:s28+$0xFFFFFFC0]  }
0x141: {  	v10 =	vsel vm5, v15, v0;
	[tilespmem:s24+$0xFFFFFFD0] =	vst v13;
	v13 =	vshrl.u32 v63, $0x13;
	v11 =	vand.u32 $0x7FFFF, v17  }
0x142: {  	s25 =	simm.s32 $0x80C0;
	[tilespmem:s24+$0x0] =	vst v20;
	vm2 =	veq.s32 v13, v3;
	v13 =	vand.u32 $0x7FFFF, v63;
	v15 =	vshrl.u32 v8, $0x13  }
0x143: {  	s26 =	simm.s32 $0x80;
	s28 =	simm.s32 $0xC140;
	[tilespmem:s25+$0x30] =	vst v12;
	v12 =	vand.u32 $0x7FFFF, v16;
	vm3 =	veq.s32 v15, v3;
	v15 =	vshrl.u32 v7, $0x13  }
.LBB2_14:
0x144: {  	v16 =	vld [tilespmem:s28+$0x30];
	s26 =	sadd.s32 $0x80, s26;
	v17 =	vand.u32 $0x7FFFF, v8;
	vm4 =	veq.s32 v15, v3;
	v8 =	vshrl.u32 v9, $0x13;
	[tilespmem:s24+$0x20] =	vst v10;
	s24 =	smov.u32 s25  }
0x145: {  	v15 =	vld [tilespmem:s28+$0xFFFFFFD0];
	p0 =	slt.u32 s26, $0x3F80;
	v10 =	vshrl.u32 v14, $0x13;
	v14 =	vand.u32 $0x7FFFF, v14;
	vm5 =	veq.s32 v8, v3  }
0x146: {  	v7 =	vand.u32 $0x7FFFF, v7;
	v9 =	vand.u32 $0x7FFFF, v9;
	v18 =	vld [tilespmem:s28+$0xFFFFFFE0];
	vm6 =	veq.s32 v10, v3  }
0x147: {  	v11 =	vsel vm0, v11, v0;
	v12 =	vsel vm1, v12, v0;
	v19 =	vld [tilespmem:s28+$0xFFFFFFF0];
	v10 =	vsel vm6, v14, v0  }
0x148: {  	v13 =	vsel vm2, v13, v0;
	v17 =	vsel vm3, v17, v0;
	v20 =	vsel vm4, v7, v0;
	v8 =	vld [tilespmem:s28+$0x0];
	[tilespmem:s25+$0xFFFFFFC0] =	vst v10  }
0x149: {  	v10 =	vsel vm5, v9, v0;
	v7 =	vld [tilespmem:s28+$0x10];
	v14 =	vshrl.u32 v16, $0x13;
	[tilespmem:s25+$0xFFFFFFD0] =	vst v11  }
.Ltmp6:
0x14a: {  	v16 =	vand.u32 $0x7FFFF, v16;
	v11 =	vshrl.u32 v15, $0x13;
	v9 =	vld [tilespmem:s28+$0x20];
	vm1 =	veq.s32 v14, v3;
	[tilespmem:s25+$0xFFFFFFE0] =	vst v12;
	(pc) =	sbr.rel @p0 .LBB2_14-.Ltmp6, $4  }
0x14b: {  	s25 =	sadd.s32 $0x80, s25;
	v14 =	vld [tilespmem:s28+$0xFFFFFFC0];
	vm0 =	veq.s32 v11, v3;
	v12 =	vshrl.u32 v18, $0x13;
	v16 =	vsel vm1, v16, v0;
	[tilespmem:s24+$0xFFFFFFF0] =	vst v13  }
0x14c: {  	v11 =	vand.u32 $0x7FFFF, v15;
	vm1 =	veq.s32 v12, v3;
	v13 =	vshrl.u32 v19, $0x13;
	[tilespmem:s25+$0x30] =	vst v16  }
0x14d: {  	v12 =	vand.u32 $0x7FFFF, v18;
	vm2 =	veq.s32 v13, v3;
	v15 =	vshrl.u32 v8, $0x13;
	[tilespmem:s24+$0x0] =	vst v17  }
0x14e: {  	s28 =	sadd.s32 $0x80, s28;
	v13 =	vand.u32 $0x7FFFF, v19;
	vm3 =	veq.s32 v15, v3;
	v15 =	vshrl.u32 v7, $0x13;
	[tilespmem:s24+$0x10] =	vst v20  }
0x14f: {  	[tilespmem:s24+$0x20] =	vst v10;
	v11 =	vsel vm0, v11, v0  }
0x150: {  	v60 =	vsel vm1, v12, v0;
	v8 =	vand.u32 $0x7FFFF, v8;
	[tilespmem:s25+$0xFFFFFFD0] =	vst v11  }
0x151: {  	vm14 =	veq.s32 v15, v3;
	v61 =	vsel vm2, v13, v0;
	v62 =	vshrl.u32 v9, $0x13;
	[tilespmem:s25+$0xFFFFFFE0] =	vst v60  }
0x152: {  	v7 =	vand.u32 $0x7FFFF, v7;
	v63 =	vand.u32 $0x7FFFF, v9;
	v8 =	vsel vm3, v8, v0;
	[tilespmem:s25+$0xFFFFFFF0] =	vst v61  }
0x153: {  	v16 =	vshrl.u32 v14, $0x13;
	vm15 =	veq.s32 v62, v3;
	v7 =	vsel vm14, v7, v0;
	[tilespmem:s25+$0x0] =	vst v8  }
0x154: {  	v58 =	vand.u32 $0x7FFFF, v14;
	vm4 =	veq.s32 v16, v3;
	v8 =	vsel vm15, v63, v0;
	[tilespmem:s25+$0x10] =	vst v7  }
0x155: {  	v59 =	vsel vm4, v58, v0;
	[tilespmem:s25+$0x20] =	vst v8  }
0x156: {  	[tilespmem:s25+$0xFFFFFFC0] =	vst v59  }
0x157: {  	_ =	strace $0x900000AE  }
0x158: {  	_ =	strace $0x800000AF  }
0x159: {  	_ =	swait.ge [sflag:s16], $0x4000  }
0x15a: {  	[sflag:s16] =	ssyncset.done $0x0  }
0x15b: {  	[sflag:s16] =	ssyncadd.s32 $0xFFFFC000  }
0x15c: {  	_ =	swait.ge [sflag:s16], $0x4000  }
0x15d: {  	[sflag:s16] =	ssyncset.done $0x0  }
0x15e: {  	[sflag:s16] =	ssyncadd.s32 $0xFFFFC000  }
0x15f: {  	_ =	strace $0x900000AF  }
0x160: {  	[bflag:$0x0] =	sbarrier.arrive $0xFFFF  }
0x161: {  	s31 =	simm.s32 $0x8000;
	_ =	strace $0x800000B0  }
0x162: {  	[spmem:s1] =	stream.indirect.scatter [tilespmem:s18], [sflag:$0x3], $0x1, s31, s17, $0x2000b8;
	[tilespmem:$0x1C0A0] =	vst v63  }
0x163: {  	s25 =	simm.s32 $0x8080  }
0x164: {  	[spmem:s1] =	stream.indirect.scatter [tilespmem:s18], [sflag:$0x3], $0x1, s25, s17, $0x2000b8;
	[tilespmem:$0x1C0A0] =	vst v63  }
0x165: {  	s26 =	simm.s32 $0x8100  }
0x166: {  	[spmem:s1] =	stream.indirect.scatter [tilespmem:s18], [sflag:$0x3], $0x1, s26, s17, $0x2000b8;
	[tilespmem:$0x1C0A0] =	vst v63  }
0x167: {  	s28 =	simm.s32 $0x8180  }
0x168: {  	[spmem:s1] =	stream.indirect.scatter [tilespmem:s18], [sflag:$0x3], $0x1, s28, s17, $0x2000b8;
	[tilespmem:$0x1C0A0] =	vst v63  }
0x169: {  	s29 =	simm.s32 $0x8200  }
0x16a: {  	[spmem:s1] =	stream.indirect.scatter [tilespmem:s18], [sflag:$0x3], $0x1, s29, s17, $0x2000b8;
	[tilespmem:$0x1C0A0] =	vst v63  }
0x16b: {  	s30 =	simm.s32 $0x8280;
	s24 =	simm.s32 $0x0  }
0x16c: {  	[spmem:s1] =	stream.indirect.scatter [tilespmem:s18], [sflag:$0x3], $0x1, s30, s17, $0x2000b8;
	[tilespmem:$0x1C0A0] =	vst v63  }
0x16d: {  	s31 =	simm.s32 $0x8300;
	s25 =	simm.s32 $0x8780;
	s26 =	simm.s32 $0x8380  }
0x16e: {  	[spmem:s1] =	stream.indirect.scatter [tilespmem:s18], [sflag:$0x3], $0x1, s31, s17, $0x2000b8;
	[tilespmem:$0x1C0A0] =	vst v63  }
.LBB2_16:
0x16f: {  	[spmem:s1] =	stream.indirect.scatter [tilespmem:s18], [sflag:$0x3], $0x1, s26, s17, $0x2000b8;
	[tilespmem:$0x1C0A0] =	vst v63  }
0x170: {  	s28 =	sadd.s32 $0xFFFFFC80, s25;
	s24 =	sadd.s32 $0x8, s24;
	s26 =	smov.u32 s25  }
0x171: {  	[spmem:s1] =	stream.indirect.scatter [tilespmem:s18], [sflag:$0x3], $0x1, s28, s17, $0x2000b8;
	[tilespmem:$0x1C0A0] =	vst v63  }
0x172: {  	p0 =	slt.u32 s24, $0x78;
	s28 =	sadd.s32 $0xFFFFFD00, s25  }
0x173: {  	[spmem:s1] =	stream.indirect.scatter [tilespmem:s18], [sflag:$0x3], $0x1, s28, s17, $0x2000b8;
	[tilespmem:$0x1C0A0] =	vst v63  }
0x174: {  	s28 =	sadd.s32 $0xFFFFFD80, s25  }
0x175: {  	[spmem:s1] =	stream.indirect.scatter [tilespmem:s18], [sflag:$0x3], $0x1, s28, s17, $0x2000b8;
	[tilespmem:$0x1C0A0] =	vst v63  }
0x176: {  	s28 =	sadd.s32 $0xFFFFFE00, s25  }
0x177: {  	[spmem:s1] =	stream.indirect.scatter [tilespmem:s18], [sflag:$0x3], $0x1, s28, s17, $0x2000b8;
	[tilespmem:$0x1C0A0] =	vst v63  }
0x178: {  	s28 =	sadd.s32 $0xFFFFFE80, s25  }
0x179: {  	[spmem:s1] =	stream.indirect.scatter [tilespmem:s18], [sflag:$0x3], $0x1, s28, s17, $0x2000b8;
	[tilespmem:$0x1C0A0] =	vst v63  }
.Ltmp7:
0x17a: {  	s28 =	sadd.s32 $0xFFFFFF00, s25;
	(pc) =	sbr.rel @p0 .LBB2_16-.Ltmp7, $4  }
0x17b: {  	[spmem:s1] =	stream.indirect.scatter [tilespmem:s18], [sflag:$0x3], $0x1, s28, s17, $0x2000b8;
	[tilespmem:$0x1C0A0] =	vst v63  }
0x17c: {  	s28 =	sadd.s32 $0xFFFFFF80, s25  }
0x17d: {  	[spmem:s1] =	stream.indirect.scatter [tilespmem:s18], [sflag:$0x3], $0x1, s28, s17, $0x2000b8;
	[tilespmem:$0x1C0A0] =	vst v63  }
0x17e: {  	s25 =	sadd.s32 $0x400, s25  }
0x17f: {  	[spmem:s1] =	stream.indirect.scatter [tilespmem:s18], [sflag:$0x3], $0x1, s26, s17, $0x2000b8;
	[tilespmem:$0x1C0A0] =	vst v63  }
0x180: {  	_ =	swait.ge [sflag:s19], $0x4000  }
0x181: {  	[sflag:s19] =	ssyncset.done $0x0  }
0x182: {  	[sflag:s19] =	ssyncadd.s32 $0xFFFFC000  }
0x183: {  	_ =	strace $0x900000B0  }
0x184: {  	[bflag:$0x0] =	sbarrier.arrive $0xFFFF  }
0x185: {  	_ =	strace $0x800000B1  }
0x186: {  	[hbm:s10], [sflag:s22] =	dma.local [spmem:s23], $0x1000  }
0x187: {  	_ =	strace $0x900000B1  }
0x188: {  	_ =	strace $0x800000B2  }
0x189: {  	_ =	swait.ge [sflag:s20], $0x1000  }
0x18a: {  	[sflag:s20] =	ssyncset.done $0x0  }
0x18b: {  	[sflag:s20] =	ssyncadd.s32 $0xFFFFF000  }
0x18c: {  	_ =	strace $0x900000B2  }
0x18d: {  	_ =	strace $0x800000B3  }
0x18e: {  	[spmem:s6] =	stream.linear.scatter [tilespmem:s15], [sflag:$0x2], $0x4000, $0x200038;
	[tilespmem:$0x1C0A0] =	vst v63  }
0x18f: {  	_ = 	snop  }
0x190: {  	[spmem:s7] =	stream.linear.scatter [tilespmem:s15], [sflag:$0x2], $0x4000, $0x200038;
	[tilespmem:$0x1C0A0] =	vst v63  }
0x191: {  	_ =	strace $0x900000B3  }
0x192: {  	s24 =	simm.s32 $0xC040;
	_ =	strace $0x800000B4  }
0x193: {  	v7 =	vld [tilespmem:s24+$0x30]  }
0x194: {  	v8 =	vld [tilespmem:s24+$0xFFFFFFD0]  }
0x195: {  	v10 =	vld [tilespmem:s24+$0xFFFFFFF0]  }
0x196: {  	v9 =	vld [tilespmem:s24+$0xFFFFFFE0]  }
0x197: {  	v12 =	vld [tilespmem:s24+$0x10]  }
0x198: {  	v11 =	vld [tilespmem:s24+$0x0]  }
0x199: {  	v15 =	vld [tilespmem:s24+$0x20];
	v13 =	vshrl.u32 v7, $0x13;
	v14 =	vshrl.u32 v8, $0x13  }
0x19a: {  	s28 =	simm.s32 $0xC0C0;
	v7 =	vand.u32 $0x7FFFF, v7;
	v8 =	vand.u32 $0x7FFFF, v8;
	v16 =	vshrl.u32 v10, $0x13  }
0x19b: {  	v17 =	vld [tilespmem:s28+$0xFFFFFFD0];
	v10 =	vand.u32 $0x7FFFF, v10;
	vm0 =	veq.s32 v13, v4;
	vm1 =	veq.s32 v14, v4  }
0x19c: {  	v13 =	vld [tilespmem:s24+$0xFFFFFFC0];
	v14 =	vshrl.u32 v9, $0x13;
	vm2 =	veq.s32 v16, v4;
	v16 =	vshrl.u32 v12, $0x13  }
0x19d: {  	v7 =	vsel vm0, v7, v0;
	vm0 =	veq.s32 v14, v4;
	v14 =	vshrl.u32 v11, $0x13  }
0x19e: {  	vm4 =	veq.s32 v16, v4;
	v16 =	vshrl.u32 v15, $0x13;
	vm3 =	veq.s32 v14, v4;
	v14 =	vld [tilespmem:s28+$0x30]  }
0x19f: {  	v9 =	vand.u32 $0x7FFFF, v9;
	v12 =	vand.u32 $0x7FFFF, v12;
	vm5 =	veq.s32 v16, v4;
	v16 =	vld [tilespmem:s28+$0xFFFFFFE0]  }
0x1a0: {  	v11 =	vand.u32 $0x7FFFF, v11;
	v19 =	vsel vm2, v10, v0;
	v9 =	vsel vm0, v9, v0  }
0x1a1: {  	s24 =	simm.s32 $0x8040;
	v21 =	vsel vm4, v12, v0;
	v12 =	vshrl.u32 v17, $0x13;
	v18 =	vshrl.u32 v13, $0x13  }
0x1a2: {  	v63 =	vld [tilespmem:s28+$0xFFFFFFF0];
	[tilespmem:s24+$0x30] =	vst v7;
	v20 =	vsel vm3, v11, v0;
	v13 =	vand.u32 $0x7FFFF, v13;
	vm6 =	veq.s32 v18, v4  }
0x1a3: {  	[tilespmem:s24+$0xFFFFFFE0] =	vst v9;
	v7 =	vsel vm6, v13, v0;
	v13 =	vsel vm1, v8, v0;
	v8 =	vld [tilespmem:s28+$0x0];
	v11 =	vshrl.u32 v14, $0x13  }
0x1a4: {  	v9 =	vshrl.u32 v16, $0x13;
	[tilespmem:s24+$0xFFFFFFC0] =	vst v7;
	v7 =	vld [tilespmem:s28+$0x10];
	vm1 =	veq.s32 v11, v4;
	v11 =	vand.u32 $0x7FFFF, v14  }
0x1a5: {  	[tilespmem:s24+$0xFFFFFFF0] =	vst v19;
	vm0 =	veq.s32 v12, v4;
	v12 =	vsel vm1, v11, v0;
	vm1 =	veq.s32 v9, v4;
	v9 =	vld [tilespmem:s28+$0x20]  }
0x1a6: {  	v15 =	vand.u32 $0x7FFFF, v15;
	[tilespmem:s24+$0x10] =	vst v21;
	v14 =	vld [tilespmem:s28+$0xFFFFFFC0]  }
0x1a7: {  	v10 =	vsel vm5, v15, v0;
	[tilespmem:s24+$0xFFFFFFD0] =	vst v13;
	v13 =	vshrl.u32 v63, $0x13;
	v11 =	vand.u32 $0x7FFFF, v17  }
0x1a8: {  	s25 =	simm.s32 $0x80C0;
	[tilespmem:s24+$0x0] =	vst v20;
	vm2 =	veq.s32 v13, v4;
	v13 =	vand.u32 $0x7FFFF, v63;
	v15 =	vshrl.u32 v8, $0x13  }
0x1a9: {  	s26 =	simm.s32 $0x80;
	s28 =	simm.s32 $0xC140;
	[tilespmem:s25+$0x30] =	vst v12;
	v12 =	vand.u32 $0x7FFFF, v16;
	vm3 =	veq.s32 v15, v4;
	v15 =	vshrl.u32 v7, $0x13  }
.LBB2_18:
0x1aa: {  	v16 =	vld [tilespmem:s28+$0x30];
	s26 =	sadd.s32 $0x80, s26;
	v17 =	vand.u32 $0x7FFFF, v8;
	vm4 =	veq.s32 v15, v4;
	v8 =	vshrl.u32 v9, $0x13;
	[tilespmem:s24+$0x20] =	vst v10;
	s24 =	smov.u32 s25  }
0x1ab: {  	v15 =	vld [tilespmem:s28+$0xFFFFFFD0];
	p0 =	slt.u32 s26, $0x3F80;
	v10 =	vshrl.u32 v14, $0x13;
	v14 =	vand.u32 $0x7FFFF, v14;
	vm5 =	veq.s32 v8, v4  }
0x1ac: {  	v7 =	vand.u32 $0x7FFFF, v7;
	v9 =	vand.u32 $0x7FFFF, v9;
	v18 =	vld [tilespmem:s28+$0xFFFFFFE0];
	vm6 =	veq.s32 v10, v4  }
0x1ad: {  	v11 =	vsel vm0, v11, v0;
	v12 =	vsel vm1, v12, v0;
	v19 =	vld [tilespmem:s28+$0xFFFFFFF0];
	v10 =	vsel vm6, v14, v0  }
0x1ae: {  	v13 =	vsel vm2, v13, v0;
	v17 =	vsel vm3, v17, v0;
	v20 =	vsel vm4, v7, v0;
	v8 =	vld [tilespmem:s28+$0x0];
	[tilespmem:s25+$0xFFFFFFC0] =	vst v10  }
0x1af: {  	v10 =	vsel vm5, v9, v0;
	v7 =	vld [tilespmem:s28+$0x10];
	v14 =	vshrl.u32 v16, $0x13;
	[tilespmem:s25+$0xFFFFFFD0] =	vst v11  }
.Ltmp8:
0x1b0: {  	v16 =	vand.u32 $0x7FFFF, v16;
	v11 =	vshrl.u32 v15, $0x13;
	v9 =	vld [tilespmem:s28+$0x20];
	vm1 =	veq.s32 v14, v4;
	[tilespmem:s25+$0xFFFFFFE0] =	vst v12;
	(pc) =	sbr.rel @p0 .LBB2_18-.Ltmp8, $4  }
0x1b1: {  	s25 =	sadd.s32 $0x80, s25;
	v14 =	vld [tilespmem:s28+$0xFFFFFFC0];
	vm0 =	veq.s32 v11, v4;
	v12 =	vshrl.u32 v18, $0x13;
	v16 =	vsel vm1, v16, v0;
	[tilespmem:s24+$0xFFFFFFF0] =	vst v13  }
0x1b2: {  	v11 =	vand.u32 $0x7FFFF, v15;
	vm1 =	veq.s32 v12, v4;
	v13 =	vshrl.u32 v19, $0x13;
	[tilespmem:s25+$0x30] =	vst v16  }
0x1b3: {  	v12 =	vand.u32 $0x7FFFF, v18;
	vm2 =	veq.s32 v13, v4;
	v15 =	vshrl.u32 v8, $0x13;
	[tilespmem:s24+$0x0] =	vst v17  }
0x1b4: {  	s28 =	sadd.s32 $0x80, s28;
	v13 =	vand.u32 $0x7FFFF, v19;
	vm3 =	veq.s32 v15, v4;
	v15 =	vshrl.u32 v7, $0x13;
	[tilespmem:s24+$0x10] =	vst v20  }
0x1b5: {  	[tilespmem:s24+$0x20] =	vst v10;
	v11 =	vsel vm0, v11, v0  }
0x1b6: {  	v60 =	vsel vm1, v12, v0;
	v8 =	vand.u32 $0x7FFFF, v8;
	[tilespmem:s25+$0xFFFFFFD0] =	vst v11  }
0x1b7: {  	vm14 =	veq.s32 v15, v4;
	v61 =	vsel vm2, v13, v0;
	v62 =	vshrl.u32 v9, $0x13;
	[tilespmem:s25+$0xFFFFFFE0] =	vst v60  }
0x1b8: {  	v7 =	vand.u32 $0x7FFFF, v7;
	v63 =	vand.u32 $0x7FFFF, v9;
	v8 =	vsel vm3, v8, v0;
	[tilespmem:s25+$0xFFFFFFF0] =	vst v61  }
0x1b9: {  	v16 =	vshrl.u32 v14, $0x13;
	vm15 =	veq.s32 v62, v4;
	v7 =	vsel vm14, v7, v0;
	[tilespmem:s25+$0x0] =	vst v8  }
0x1ba: {  	v58 =	vand.u32 $0x7FFFF, v14;
	vm4 =	veq.s32 v16, v4;
	v8 =	vsel vm15, v63, v0;
	[tilespmem:s25+$0x10] =	vst v7  }
0x1bb: {  	v59 =	vsel vm4, v58, v0;
	[tilespmem:s25+$0x20] =	vst v8  }
0x1bc: {  	[tilespmem:s25+$0xFFFFFFC0] =	vst v59  }
0x1bd: {  	_ =	strace $0x900000B4  }
0x1be: {  	_ =	strace $0x800000B5  }
0x1bf: {  	_ =	swait.ge [sflag:s16], $0x4000  }
0x1c0: {  	[sflag:s16] =	ssyncset.done $0x0  }
0x1c1: {  	[sflag:s16] =	ssyncadd.s32 $0xFFFFC000  }
0x1c2: {  	_ =	swait.ge [sflag:s16], $0x4000  }
0x1c3: {  	[sflag:s16] =	ssyncset.done $0x0  }
0x1c4: {  	[sflag:s16] =	ssyncadd.s32 $0xFFFFC000  }
0x1c5: {  	_ =	strace $0x900000B5  }
0x1c6: {  	[bflag:$0x0] =	sbarrier.arrive $0xFFFF  }
0x1c7: {  	s31 =	simm.s32 $0x8000;
	_ =	strace $0x800000B6  }
0x1c8: {  	[spmem:s1] =	stream.indirect.scatter [tilespmem:s18], [sflag:$0x3], $0x1, s31, s17, $0x2000b8;
	[tilespmem:$0x1C0A0] =	vst v63  }
0x1c9: {  	s25 =	simm.s32 $0x8080  }
0x1ca: {  	[spmem:s1] =	stream.indirect.scatter [tilespmem:s18], [sflag:$0x3], $0x1, s25, s17, $0x2000b8;
	[tilespmem:$0x1C0A0] =	vst v63  }
0x1cb: {  	s26 =	simm.s32 $0x8100  }
0x1cc: {  	[spmem:s1] =	stream.indirect.scatter [tilespmem:s18], [sflag:$0x3], $0x1, s26, s17, $0x2000b8;
	[tilespmem:$0x1C0A0] =	vst v63  }
0x1cd: {  	s28 =	simm.s32 $0x8180  }
0x1ce: {  	[spmem:s1] =	stream.indirect.scatter [tilespmem:s18], [sflag:$0x3], $0x1, s28, s17, $0x2000b8;
	[tilespmem:$0x1C0A0] =	vst v63  }
0x1cf: {  	s29 =	simm.s32 $0x8200  }
0x1d0: {  	[spmem:s1] =	stream.indirect.scatter [tilespmem:s18], [sflag:$0x3], $0x1, s29, s17, $0x2000b8;
	[tilespmem:$0x1C0A0] =	vst v63  }
0x1d1: {  	s30 =	simm.s32 $0x8280;
	s24 =	simm.s32 $0x0  }
0x1d2: {  	[spmem:s1] =	stream.indirect.scatter [tilespmem:s18], [sflag:$0x3], $0x1, s30, s17, $0x2000b8;
	[tilespmem:$0x1C0A0] =	vst v63  }
0x1d3: {  	s31 =	simm.s32 $0x8300;
	s25 =	simm.s32 $0x8780;
	s26 =	simm.s32 $0x8380  }
0x1d4: {  	[spmem:s1] =	stream.indirect.scatter [tilespmem:s18], [sflag:$0x3], $0x1, s31, s17, $0x2000b8;
	[tilespmem:$0x1C0A0] =	vst v63  }
.LBB2_20:
0x1d5: {  	[spmem:s1] =	stream.indirect.scatter [tilespmem:s18], [sflag:$0x3], $0x1, s26, s17, $0x2000b8;
	[tilespmem:$0x1C0A0] =	vst v63  }
0x1d6: {  	s28 =	sadd.s32 $0xFFFFFC80, s25;
	s24 =	sadd.s32 $0x8, s24;
	s26 =	smov.u32 s25  }
0x1d7: {  	[spmem:s1] =	stream.indirect.scatter [tilespmem:s18], [sflag:$0x3], $0x1, s28, s17, $0x2000b8;
	[tilespmem:$0x1C0A0] =	vst v63  }
0x1d8: {  	p0 =	slt.u32 s24, $0x78;
	s28 =	sadd.s32 $0xFFFFFD00, s25  }
0x1d9: {  	[spmem:s1] =	stream.indirect.scatter [tilespmem:s18], [sflag:$0x3], $0x1, s28, s17, $0x2000b8;
	[tilespmem:$0x1C0A0] =	vst v63  }
0x1da: {  	s28 =	sadd.s32 $0xFFFFFD80, s25  }
0x1db: {  	[spmem:s1] =	stream.indirect.scatter [tilespmem:s18], [sflag:$0x3], $0x1, s28, s17, $0x2000b8;
	[tilespmem:$0x1C0A0] =	vst v63  }
0x1dc: {  	s28 =	sadd.s32 $0xFFFFFE00, s25  }
0x1dd: {  	[spmem:s1] =	stream.indirect.scatter [tilespmem:s18], [sflag:$0x3], $0x1, s28, s17, $0x2000b8;
	[tilespmem:$0x1C0A0] =	vst v63  }
0x1de: {  	s28 =	sadd.s32 $0xFFFFFE80, s25  }
0x1df: {  	[spmem:s1] =	stream.indirect.scatter [tilespmem:s18], [sflag:$0x3], $0x1, s28, s17, $0x2000b8;
	[tilespmem:$0x1C0A0] =	vst v63  }
.Ltmp9:
0x1e0: {  	s28 =	sadd.s32 $0xFFFFFF00, s25;
	(pc) =	sbr.rel @p0 .LBB2_20-.Ltmp9, $4  }
0x1e1: {  	[spmem:s1] =	stream.indirect.scatter [tilespmem:s18], [sflag:$0x3], $0x1, s28, s17, $0x2000b8;
	[tilespmem:$0x1C0A0] =	vst v63  }
0x1e2: {  	s28 =	sadd.s32 $0xFFFFFF80, s25  }
0x1e3: {  	[spmem:s1] =	stream.indirect.scatter [tilespmem:s18], [sflag:$0x3], $0x1, s28, s17, $0x2000b8;
	[tilespmem:$0x1C0A0] =	vst v63  }
0x1e4: {  	s25 =	sadd.s32 $0x400, s25  }
0x1e5: {  	[spmem:s1] =	stream.indirect.scatter [tilespmem:s18], [sflag:$0x3], $0x1, s26, s17, $0x2000b8;
	[tilespmem:$0x1C0A0] =	vst v63  }
0x1e6: {  	_ =	swait.ge [sflag:s19], $0x4000  }
0x1e7: {  	[sflag:s19] =	ssyncset.done $0x0  }
0x1e8: {  	[sflag:s19] =	ssyncadd.s32 $0xFFFFC000  }
0x1e9: {  	_ =	strace $0x900000B6  }
0x1ea: {  	[bflag:$0x0] =	sbarrier.arrive $0xFFFF  }
0x1eb: {  	s21 =	sadd.s32 $0x1, s21;
	_ =	strace $0x800000B7  }
0x1ec: {  	[hbm:s11], [sflag:s22] =	dma.local [spmem:s23], $0x1000  }
0x1ed: {  	p0 =	sne.s32 s21, s12;
	_ =	strace $0x900000B7  }
.Ltmp10:
0x1ee: {  	_ =	strace $0x800000B8;
	(pc) =	sbr.rel @p0 .LBB2_1-.Ltmp10, $4  }
0x1ef: {  	_ =	swait.ge [sflag:s20], $0x1000  }
0x1f0: {  	[sflag:s20] =	ssyncset.done $0x0  }
0x1f1: {  	[sflag:s20] =	ssyncadd.s32 $0xFFFFF000  }
0x1f2: {  	_ =	strace $0x900000B8  }
0x1f3: {  	_ =	sfence.sel $0x180000  }
0x1f4: {  	[bflag:$0x0] =	sbarrier.arrive $0xFFFF  }
0x1f5: {  	p0 =	sne.s32 s2, $0x0;
	_ =	strace $0x9000009E  }
0x1f6: {  	s0 =	sadd.s32 @!p0 $0x100000, s0;
	[bflag:$0x2] =	sbarrier.arrive $0xFFFF  }
0x1f7: {  	[sflag:s0] =	ssyncadd.tile.s32 @!p0 $0x1;
	_ =	shalt  }
.Lfunc_end2:
_tile_overlayer_lowered:
.L_overlay_start_2:
0x1f8: {  	(tag) =	ssettag $0x2  }
0x1f9: {  	s0 =	rddreg [dreg:$0x0];
	s2 =	stileid.u32  }
0x1fa: {  	s1 =	rddreg [dreg:$0x1];
	p0 =	sne.s32 s2, $0x0  }
0x1fb: {  	s3 =	rddreg [dreg:$0x2];
	[bflag:$0x3] =	sbarrier.arrive $0xFFFF;
	s2 =	simm.s32 @!p0 $0x1C05  }
0x1fc: {  	[timem:s3], [sflag:s2] =	dma.local @!p0 [hbm:s0], s1  }
0x1fd: {  	s0 =	simm.s32 @!p0 $0x5  }
0x1fe: {  	_ =	swait.ge @!p0 [sflag:s0], s1  }
0x1ff: {  	s1 =	ssub.s32 @!p0 $0x0, s1;
	[sflag:s0] =	ssyncset.done @!p0 $0x0  }
0x200: {  	[sflag:s0] =	ssyncadd.s32 @!p0 s1  }
0x201: {  	[bflag:$0x3] =	sbarrier.arrive $0xFFFF  }
0x202: {  	_ =	shalt  }

</sc_bundles>
